<compile_context>
chip_gen: v7x
topology: tpu7x:2x2x1
jax: 0.10.2.dev20260603
libtpu: 0.0.44.dev20260713+nightly
codegen_flags: <defaults>
</compile_context>

<pallas_src>
import functools

import jax
import jax.numpy as jnp
from jax import lax
from jax.experimental import pallas as pl
from jax.experimental.pallas import tpu as pltpu
from jax.experimental.pallas import tpu_sc as plsc

V = 100000
B = 64
SEG = 6272
VPAD = 16 * SEG
NV = SEG // 16
LSEG = V - 15 * SEG
LNV = LSEG // 16
KBASE = 0x3F800000
MAXK = 0x3FFFFFFF
ND = 1024
NH = 8
BIG = 1 << 30
TOPP = 0.9


def _iota():
    return lax.iota(jnp.int32, 16)


def _sc_kernel(p, w):
    mesh = plsc.VectorSubcoreMesh(core_axis_name="c", subcore_axis_name="s")

    @functools.partial(
        pl.kernel,
        mesh=mesh,
        out_type=jax.ShapeDtypeStruct((B * V,), jnp.float32),
        scratch_types=[
            pltpu.VMEM((SEG,), jnp.int32),
            pltpu.VMEM((SEG,), jnp.float32),
            pltpu.VMEM((SEG,), jnp.float32),
            pltpu.VMEM((SEG,), jnp.int32),
            pltpu.VMEM((16 * ND,), jnp.int32),
            pltpu.VMEM((ND,), jnp.int32),
            pltpu.VMEM((16 * ND,), jnp.int32),
            pltpu.VMEM((SEG,), jnp.float32),
            pltpu.VMEM((16,), jnp.float32),
            pltpu.VMEM((16,), jnp.int32),
            pltpu.VMEM_SHARED((VPAD,), jnp.int32),
            pltpu.VMEM_SHARED((VPAD,), jnp.int32),
            pltpu.VMEM_SHARED((16 * ND,), jnp.int32),
            pltpu.VMEM_SHARED((256,), jnp.float32),
            pltpu.VMEM_SHARED((256,), jnp.int32),
            pltpu.SemaphoreType.DMA,
        ],
        compiler_params=pltpu.CompilerParams(needs_layout_passes=False),
    )
    def kern(p_hbm, w_hbm, out_hbm, kbuf, fbuf, wbuf, posbuf, hists, ctr,
             gridv, fillbuf, patchv, patchi, bufA, bufB, histgrid, redf,
             redi, sem):
        t = lax.axis_index("s")
        cid = lax.axis_index("c")

        def fill_step(j, _):
            fillbuf[pl.ds(j * 16, 16)] = jnp.full((16,), 1e-5, jnp.float32)
            return 0

        lax.fori_loop(0, NV, fill_step, 0)

        def radix_pass(row, sh, src, dst):
            def zstep(j, _):
                hists[pl.ds(j * 16, 16)] = jnp.zeros((16,), jnp.int32)
                return 0

            lax.fori_loop(0, 16 * ND // 16, zstep, 0)

            if src is None:
                off = row * V + t * SEG

                @pl.when(t < 15)
                def _():
                    pltpu.sync_copy(p_hbm.at[pl.ds(off, SEG)], fbuf)

                @pl.when(t == 15)
                def _():
                    pltpu.sync_copy(p_hbm.at[pl.ds(off, LSEG)],
                                    fbuf.at[pl.ds(0, LSEG)])

                rv = jnp.where(t == 15, LNV, NV)
            else:
                pltpu.sync_copy(src.at[pl.ds(t * SEG, SEG)], kbuf)
                rv = None

            def hstep(jj, _):
                for u in range(NH):
                    j = jj * NH + u
                    if src is None:
                        pv = fbuf[pl.ds(j * 16, 16)]
                        kv = KBASE - plsc.bitcast(pv, jnp.int32)
                        kv = jnp.where(j < rv, kv, jnp.int32(MAXK))
                        kbuf[pl.ds(j * 16, 16)] = kv
                    else:
                        kv = kbuf[pl.ds(j * 16, 16)]
                    d = ((kv >> sh) & (ND - 1)) + _iota() * ND
                    h = plsc.load_gather(hists, [d])
                    plsc.store_scatter(hists, [d], h + 1)
                return 0

            lax.fori_loop(0, NV // NH, hstep, 0)

            def mstep(j, _):
                acc = hists[pl.ds(j * 16, 16)]
                for u in range(1, 16):
                    acc = acc + hists[pl.ds(u * ND + j * 16, 16)]
                ctr[pl.ds(j * 16, 16)] = acc
                return 0

            lax.fori_loop(0, ND // 16, mstep, 0)
            pltpu.sync_copy(ctr, histgrid.at[pl.ds(t * ND, ND)])
            plsc.subcore_barrier()

            pltpu.sync_copy(histgrid, gridv)

            def sstep(dv, run):
                tot = jnp.zeros((16,), jnp.int32)
                mine = jnp.zeros((16,), jnp.int32)
                for tt in range(16):
                    g = gridv[pl.ds(tt * ND + dv * 16, 16)]
                    tot = tot + g
                    mine = mine + jnp.where(tt < t, g, jnp.int32(0))
                excl = run + (plsc.cumsum(tot) - tot)
                ctr[pl.ds(dv * 16, 16)] = excl + mine
                return run + jnp.sum(tot)

            lax.fori_loop(0, ND // 16, sstep, jnp.int32(0))

            def rstep(jj, _):
                for u in range(NH):
                    j = jj * NH + u
                    kv = kbuf[pl.ds(j * 16, 16)]
                    d = (kv >> sh) & (ND - 1)
                    occ, last = plsc.scan_count(d)
                    c0 = plsc.load_gather(ctr, [d])
                    posbuf[pl.ds(j * 16, 16)] = c0 + occ - 1
                    plsc.store_scatter(ctr, [d], c0 + occ, mask=last)
                return 0

            lax.fori_loop(0, NV // NH, rstep, 0)
            cp = pltpu.make_async_copy(kbuf, dst.at[posbuf], sem)
            cp.start()
            cp.wait()
            plsc.subcore_barrier()

        def do_row(rl, _):
            row = cid * 32 + rl
            radix_pass(row, 0, None, bufA)
            radix_pass(row, 10, bufA, bufB)
            radix_pass(row, 20, bufB, bufA)

            pltpu.sync_copy(bufA.at[pl.ds(t * SEG, SEG)], kbuf)

            def s0step(jj, acc):
                for u in range(NH):
                    j = jj * NH + u
                    kv = kbuf[pl.ds(j * 16, 16)]
                    pv = plsc.bitcast(KBASE - kv, jnp.float32)
                    acc = acc + jnp.where(pv > 0.0, pv, jnp.float32(0.0))
                return acc

            acc = lax.fori_loop(0, NV // NH, s0step,
                                jnp.zeros((16,), jnp.float32))
            patchv[...] = jnp.full((16,), 1.0, jnp.float32) * jnp.sum(acc)
            pltpu.sync_copy(patchv, redf.at[pl.ds(t * 16, 16)])
            plsc.subcore_barrier()

            pltpu.sync_copy(redf, wbuf.at[pl.ds(0, 256)])
            segs = plsc.load_gather(wbuf, [_iota() * 16])
            base = jnp.sum(jnp.where(_iota() < t, segs, jnp.float32(0.0)))

            @pl.when(base < TOPP)
            def _():
                woff = row * V + t * SEG

                @pl.when(t < 15)
                def _():
                    pltpu.sync_copy(w_hbm.at[pl.ds(woff, SEG)], wbuf)

                @pl.when(t == 15)
                def _():
                    pltpu.sync_copy(w_hbm.at[pl.ds(woff, LSEG)],
                                    wbuf.at[pl.ds(0, LSEG)])

            UW = 4

            def s1cond(c):
                j, run, bv, bi, bpv = c
                return (j < NV // UW) & (run < TOPP)

            def s1body(c):
                j, run, bv, bi, bpv = c
                for u in range(UW):
                    jv = j * UW + u
                    kv = kbuf[pl.ds(jv * 16, 16)]
                    pv = plsc.bitcast(KBASE - kv, jnp.float32)
                    wv = wbuf[pl.ds(jv * 16, 16)]
                    cs = plsc.cumsum(pv)
                    ecum = run + (cs - pv)
                    keep = (ecum < TOPP) & (pv > 0.0)
                    tv = jnp.where(keep, pv * wv, jnp.float32(-1.0))
                    grank = t * SEG + jv * 16 + _iota()
                    better = tv > bv
                    bv = jnp.where(better, tv, bv)
                    bi = jnp.where(better, grank, bi)
                    bpv = jnp.where(better, pv, bpv)
                    pvp = jnp.where(pv > 0.0, pv, jnp.float32(0.0))
                    run = run + jnp.sum(pvp)
                return (j + 1, run, bv, bi, bpv)

            _, _, bv, bi, bpv = lax.while_loop(
                s1cond, s1body,
                (jnp.int32(0), base,
                 jnp.full((16,), -2.0, jnp.float32),
                 jnp.full((16,), BIG, jnp.int32),
                 jnp.zeros((16,), jnp.float32)))

            m = jnp.max(bv)
            crank = jnp.min(jnp.where(bv == m, bi, jnp.int32(BIG)))
            cprob = jnp.max(jnp.where(bi == crank, bpv, jnp.float32(-1.0)))
            patchv[...] = jnp.where(
                _iota() == 0, m, jnp.where(_iota() == 1, cprob,
                                           jnp.float32(0.0)))
            pltpu.sync_copy(patchv, redf.at[pl.ds(t * 16, 16)])
            patchi[...] = jnp.full((16,), 1, jnp.int32) * crank
            pltpu.sync_copy(patchi, redi.at[pl.ds(t * 16, 16)])
            plsc.subcore_barrier()

            pltpu.sync_copy(redf, wbuf.at[pl.ds(0, 256)])
            pltpu.sync_copy(redi, gridv.at[pl.ds(0, 256)])
            mv = plsc.load_gather(wbuf, [_iota() * 16])
            pvv = plsc.load_gather(wbuf, [_iota() * 16 + 1])
            rnkv = plsc.load_gather(gridv, [_iota() * 16])
            mm = jnp.max(mv)
            istar = jnp.min(jnp.where(mv == mm, rnkv, jnp.int32(BIG)))
            vstar = jnp.max(jnp.where(rnkv == istar, pvv, jnp.float32(-1.0)))

            poff = row * V + t * SEG

            @pl.when(t < 15)
            def _():
                pltpu.sync_copy(p_hbm.at[pl.ds(poff, SEG)], fbuf)

            @pl.when(t == 15)
            def _():
                pltpu.sync_copy(p_hbm.at[pl.ds(poff, LSEG)],
                                fbuf.at[pl.ds(0, LSEG)])

            def s3step(jj, c):
                cgt, ceq, fj = c
                for u in range(NH):
                    j = jj * NH + u
                    pv = fbuf[pl.ds(j * 16, 16)]
                    gj = t * SEG + j * 16 + _iota()
                    valid = gj < V
                    gt = ((pv > vstar) & valid).astype(jnp.int32)
                    eq = (pv == vstar) & valid
                    cand = jnp.min(jnp.where(eq, gj, jnp.int32(BIG)))
                    cgt = cgt + jnp.sum(gt)
                    ceq = ceq + jnp.sum(eq.astype(jnp.int32))
                    fj = jnp.minimum(fj, cand)
                return (cgt, ceq, fj)

            cgt, ceq, fj = lax.fori_loop(
                0, NV // NH, s3step,
                (jnp.int32(0), jnp.int32(0), jnp.int32(BIG)))
            patchi[...] = jnp.where(
                _iota() == 0, cgt, jnp.where(_iota() == 1, ceq,
                                             jnp.where(_iota() == 2, fj,
                                                       jnp.int32(0))))
            pltpu.sync_copy(patchi, redi.at[pl.ds(t * 16, 16)])
            plsc.subcore_barrier()

            pltpu.sync_copy(redi, gridv.at[pl.ds(0, 256)])
            cgv = plsc.load_gather(gridv, [_iota() * 16])
            cev = plsc.load_gather(gridv, [_iota() * 16 + 1])
            fjv = plsc.load_gather(gridv, [_iota() * 16 + 2])
            cgt_tot = jnp.sum(cgv)
            cet_tot = jnp.sum(cev)
            mbase = jnp.sum(jnp.where(_iota() < t, cev, jnp.int32(0)))
            kth = istar - cgt_tot
            own = (mbase <= kth) & (kth < mbase + ceq)
            trip2 = jnp.where((cet_tot > 1) & own, NV, jnp.int32(0))

            def s4step(j, c):
                mc, js = c
                pv = fbuf[pl.ds(j * 16, 16)]
                gj = t * SEG + j * 16 + _iota()
                eq = (pv == vstar) & (gj < V)
                eqi = eq.astype(jnp.int32)
                glob = mc + plsc.cumsum(eqi)
                hit = eq & (glob == kth + 1)
                cand = jnp.min(jnp.where(hit, gj, jnp.int32(BIG)))
                return (mc + jnp.sum(eqi), jnp.minimum(js, cand))

            _, js = lax.fori_loop(0, trip2, s4step, (mbase, jnp.int32(BIG)))
            jstar = jnp.where(cet_tot == 1, jnp.min(fjv), js)

            @pl.when(t < 15)
            def _():
                pltpu.sync_copy(fillbuf, out_hbm.at[pl.ds(poff, SEG)])

            @pl.when(t == 15)
            def _():
                pltpu.sync_copy(fillbuf.at[pl.ds(0, LSEG)],
                                out_hbm.at[pl.ds(poff, LSEG)])

            seg_end = jnp.minimum(t * SEG + SEG, V)
            do_patch = (jstar < BIG) & (t * SEG <= jstar) & (jstar < seg_end)

            @pl.when(do_patch)
            def _():
                vb = (jstar // 16) * 16
                patchv[...] = jnp.where(_iota() == jstar - vb,
                                        jnp.float32(1e5), jnp.float32(1e-5))
                pltpu.sync_copy(patchv, out_hbm.at[pl.ds(row * V + vb, 16)])

            return 0

        lax.fori_loop(0, 32, do_row, 0)

    return kern(p, w)


def kernel(input_ids, scores, green):
    del input_ids
    logits = scores + 2.0 * green
    p = jax.nn.softmax(logits, axis=-1)
    keys = jax.random.split(jax.random.key(42), B)
    g = jax.vmap(lambda k_: jax.random.gumbel(k_, (V,), jnp.float32))(keys)
    w = jnp.exp(g)
    out = _sc_kernel(p.reshape(-1), w.reshape(-1))
    return out.reshape(B, V)

# --- scband reference (transcript-rebuilt; emitter-appended) ---
"""Pipeline reference for scband-unigram-processor-70291434766372 (READ-ONLY COPY).

The authoritative reference and input builder live on the scoring server;
editing this copy changes nothing except your own understanding.
"""

import jax, jax.numpy as jnp
import numpy as np

VOCAB = 100000
BATCH = 64


def setup_inputs(seed: int = 0) -> dict:
    key = jax.random.key(seed)
    k1, k2 = jax.random.split(key)
    input_ids = jax.random.randint(k1, (BATCH, 1), 0, VOCAB, dtype=jnp.int32)
    scores = jax.random.normal(k2, (BATCH, VOCAB), dtype=jnp.float32)
    # buffer from __init__: generate_green(vocab_size=100000, seed=0)
    rng = np.random.default_rng(0)
    green = jnp.asarray(rng.integers(low=0, high=2, size=VOCAB), dtype=jnp.float32)
    return {"input_ids": input_ids, "scores": scores, "green": green}


def _select_next_token(logits, green, key, top_p=0.9, bias_factor=2.0):
    logits = logits + bias_factor * green
    probs = jax.nn.softmax(logits, axis=-1)
    # torch.sort(probs, descending=True)
    sorted_indices = jnp.argsort(-probs)
    sorted_probs = probs[sorted_indices]
    cumulative_probs = jnp.cumsum(sorted_probs)
    cutoff_index = jnp.searchsorted(cumulative_probs, top_p, side='left')
    pos = jnp.arange(sorted_probs.shape[0])
    sorted_probs = jnp.where(pos > cutoff_index, 0.0, sorted_probs)
    sorted_probs = sorted_probs / sorted_probs.sum()
    sorted_probs = jnp.where(jnp.isfinite(sorted_probs), sorted_probs, 0.0)
    # torch.multinomial(sorted_probs, 1)
    logp = jnp.where(sorted_probs > 0, jnp.log(jnp.maximum(sorted_probs, 1e-38)), -jnp.inf)
    idx = jax.random.categorical(key, logp)
    return sorted_indices[idx]


def reference(input_ids, scores, green):
    batch_size = input_ids.shape[0]
    keys = jax.random.split(jax.random.key(42), batch_size)
    next_tokens = jax.vmap(lambda s, k: _select_next_token(s, green, k))(scores, keys)
    out = jnp.full_like(scores, 1e-05)
    out = out.at[jnp.arange(batch_size), next_tokens].set(100000.0)
    return out

if __name__ == "__main__":
    import jax
    _d = setup_inputs()
    print(jax.jit(kernel)(*tuple(_d.values())))

</pallas_src>

<mosaic_0001>
#map = affine_map<(d0, d1) -> (0)>
module attributes {stable_mosaic.version = 14 : i64} {
  func.func @kern(%arg0: i32, %arg1: i32, %arg2: memref<6400000xf32, #tpu.memory_space<hbm>>, %arg3: memref<6400000xf32, #tpu.memory_space<hbm>>, %arg4: memref<6400000xf32, #tpu.memory_space<hbm>>, %arg5: memref<6272xi32, #tpu.memory_space<vmem>>, %arg6: memref<6272xf32, #tpu.memory_space<vmem>>, %arg7: memref<6272xf32, #tpu.memory_space<vmem>>, %arg8: memref<6272xi32, #tpu.memory_space<vmem>>, %arg9: memref<16384xi32, #tpu.memory_space<vmem>>, %arg10: memref<1024xi32, #tpu.memory_space<vmem>>, %arg11: memref<16384xi32, #tpu.memory_space<vmem>>, %arg12: memref<6272xf32, #tpu.memory_space<vmem>>, %arg13: memref<16xf32, #tpu.memory_space<vmem>>, %arg14: memref<16xi32, #tpu.memory_space<vmem>>, %arg15: memref<100352xi32, #tpu.memory_space<vmem_shared>>, %arg16: memref<100352xi32, #tpu.memory_space<vmem_shared>>, %arg17: memref<16384xi32, #tpu.memory_space<vmem_shared>>, %arg18: memref<256xf32, #tpu.memory_space<vmem_shared>>, %arg19: memref<256xi32, #tpu.memory_space<vmem_shared>>, %arg20: memref<!tpu.dma_semaphore, #tpu.memory_space<semaphore_mem>>) attributes {dimension_semantics = [#tpu.dimension_semantics<core_parallel>, #tpu.dimension_semantics<subcore_parallel>], iteration_bounds = array<i64: 2, 16>, scalar_prefetch = 0 : i64, scratch_operands = 16 : i64, tpu.core_type = #tpu.core_type<sc_vector_subcore>, window_params = [{transform_indices = #map}, {transform_indices = #map}, {transform_indices = #map}]} {
    %scan3A = arith.constant 0 : i32
    %scan3A_0 = arith.constant 0 : i32
    %scan3A_1 = arith.constant 392 : i32
    %scan3A_2 = arith.addi %scan3A_0, %scan3A_1 : i32
    %scan3A_3 = arith.constant 1 : i32
    %scan3A_4 = scf.for %scan3A_13 = %scan3A_0 to %scan3A_2 step %scan3A_3 iter_args(%scan3A_14 = %scan3A) -> (i32)  : i32 {
      %broadcast_in_dim3A = arith.constant 9.99999974E-6 : f32
      %broadcast_in_dim3A_15 = vector.broadcast %broadcast_in_dim3A : f32 to vector<16xf32>
      %mul3A = arith.constant 16 : i32
      %mul3A_16 = arith.muli %scan3A_13, %mul3A : i32
      %swap3A = arith.index_cast %mul3A_16 : i32 to index
      %swap3A_17 = tpu.vector_load %arg12[%swap3A] {strides = array<i32>} : memref<6272xf32, #tpu.memory_space<vmem>>, vector<16xf32>,
      tpu.vector_store %arg12[%swap3A], %broadcast_in_dim3A_15 {strides = array<i32>} : memref<6272xf32, #tpu.memory_space<vmem>>, vector<16xf32>,
      %scan3A_18 = arith.constant 0 : i32
      scf.yield %scan3A_18 : i32
    }
    %scan3A_5 = arith.constant 392 : i32
    %scan3A_6 = arith.constant 0 : i32
    %scan3A_7 = arith.constant 0 : i32
    %scan3A_8 = arith.constant 32 : i32
    %scan3A_9 = arith.addi %scan3A_7, %scan3A_8 : i32
    %scan3A_10 = arith.constant 1 : i32
    %scan3A_11 = scf.for %scan3A_13 = %scan3A_7 to %scan3A_9 step %scan3A_10 iter_args(%scan3A_14 = %scan3A_6) -> (i32)  : i32 {
      %mul3A = arith.constant 32 : i32
      %mul3A_15 = arith.muli %arg0, %mul3A : i32
      %add3A = arith.addi %mul3A_15, %scan3A_13 : i32
      %scan3A_16 = arith.constant 0 : i32
      %scan3A_17 = arith.constant 0 : i32
      %scan3A_18 = arith.constant 1024 : i32
      %scan3A_19 = arith.addi %scan3A_17, %scan3A_18 : i32
      %scan3A_20 = arith.constant 1 : i32
      %scan3A_21 = scf.for %scan3A_445 = %scan3A_17 to %scan3A_19 step %scan3A_20 iter_args(%scan3A_446 = %scan3A_16) -> (i32)  : i32 {
        %broadcast_in_dim3A_447 = arith.constant 0 : i32
        %broadcast_in_dim3A_448 = vector.broadcast %broadcast_in_dim3A_447 : i32 to vector<16xi32>
        %mul3A_449 = arith.constant 16 : i32
        %mul3A_450 = arith.muli %scan3A_445, %mul3A_449 : i32
        %swap3A_451 = arith.index_cast %mul3A_450 : i32 to index
        %swap3A_452 = tpu.vector_load %arg9[%swap3A_451] {strides = array<i32>} : memref<16384xi32, #tpu.memory_space<vmem>>, vector<16xi32>,
        tpu.vector_store %arg9[%swap3A_451], %broadcast_in_dim3A_448 {strides = array<i32>} : memref<16384xi32, #tpu.memory_space<vmem>>, vector<16xi32>,
        %scan3A_453 = arith.constant 0 : i32
        scf.yield %scan3A_453 : i32
      }
      %scan3A_22 = arith.constant 1024 : i32
      %mul3A_23 = arith.constant 100000 : i32
      %mul3A_24 = arith.muli %add3A, %mul3A_23 : i32
      %mul3A_25 = arith.constant 6272 : i32
      %mul3A_26 = arith.muli %arg1, %mul3A_25 : i32
      %add3A_27 = arith.addi %mul3A_24, %mul3A_26 : i32
      %lt3A = arith.constant 15 : i32
      %lt3A_28 = arith.cmpi slt, %arg1, %lt3A : i32
      %convert_element_type3A = arith.extui %lt3A_28 : i1 to i32
      %cond3A = arith.constant 0 : i32
      %cond3A_29 = arith.cmpi ne, %convert_element_type3A, %cond3A : i32
      scf.if %cond3A_29 {
        "tpu.region"() ({
          %run_scoped3A = tpu.sem_alloc : memref<!tpu.dma_semaphore, #tpu.memory_space<semaphore_mem>>
          %dma_start3A_445 = tpu.memref_slice %arg2[%add3A_27] : memref<6400000xf32, #tpu.memory_space<hbm>> -> memref<6272xf32, #tpu.memory_space<hbm>>
          %dma_start3A_446 = tpu.memref_slice %arg2[%add3A_27] : memref<6400000xf32, #tpu.memory_space<hbm>> -> memref<6272xf32, #tpu.memory_space<hbm>>
          tpu.enqueue_dma source(%dma_start3A_446 : memref<6272xf32, #tpu.memory_space<hbm>>) target(%arg6 : memref<6272xf32, #tpu.memory_space<vmem>>) target_semaphore(%run_scoped3A : memref<!tpu.dma_semaphore, #tpu.memory_space<semaphore_mem>>)
          %dma_wait3A_447 = tpu.memref_slice %arg2[%add3A_27] : memref<6400000xf32, #tpu.memory_space<hbm>> -> memref<6272xf32, #tpu.memory_space<hbm>>
          %dma_wait3A_448 = tpu.memref_slice %arg2[%add3A_27] : memref<6400000xf32, #tpu.memory_space<hbm>> -> memref<6272xf32, #tpu.memory_space<hbm>>
          tpu.wait_dma2 semaphore(%run_scoped3A : memref<!tpu.dma_semaphore, #tpu.memory_space<semaphore_mem>>) src(%dma_wait3A_448 : memref<6272xf32, #tpu.memory_space<hbm>>) dst(%arg6 : memref<6272xf32, #tpu.memory_space<vmem>>)
          tpu.yield
        }) : () -> ()
      } else {
      }
      %eq3A = arith.constant 15 : i32
      %eq3A_30 = arith.cmpi eq, %arg1, %eq3A : i32
      %convert_element_type3A_31 = arith.extui %eq3A_30 : i1 to i32
      %cond3A_32 = arith.constant 0 : i32
      %cond3A_33 = arith.cmpi ne, %convert_element_type3A_31, %cond3A_32 : i32
      scf.if %cond3A_33 {
        "tpu.region"() ({
          %run_scoped3A = tpu.sem_alloc : memref<!tpu.dma_semaphore, #tpu.memory_space<semaphore_mem>>
          %dma_start3A_445 = arith.constant 0 : i32
          %dma_start3A_446 = tpu.memref_slice %arg6[%dma_start3A_445] : memref<6272xf32, #tpu.memory_space<vmem>> -> memref<5920xf32, #tpu.memory_space<vmem>>
          %dma_start3A_447 = tpu.memref_slice %arg2[%add3A_27] : memref<6400000xf32, #tpu.memory_space<hbm>> -> memref<5920xf32, #tpu.memory_space<hbm>>
          %dma_start3A_448 = arith.constant 0 : i32
          %dma_start3A_449 = tpu.memref_slice %arg6[%dma_start3A_448] : memref<6272xf32, #tpu.memory_space<vmem>> -> memref<5920xf32, #tpu.memory_space<vmem>>
          %dma_start3A_450 = tpu.memref_slice %arg2[%add3A_27] : memref<6400000xf32, #tpu.memory_space<hbm>> -> memref<5920xf32, #tpu.memory_space<hbm>>
          tpu.enqueue_dma source(%dma_start3A_450 : memref<5920xf32, #tpu.memory_space<hbm>>) target(%dma_start3A_449 : memref<5920xf32, #tpu.memory_space<vmem>>) target_semaphore(%run_scoped3A : memref<!tpu.dma_semaphore, #tpu.memory_space<semaphore_mem>>)
          %dma_wait3A_451 = arith.constant 0 : i32
          %dma_wait3A_452 = tpu.memref_slice %arg6[%dma_wait3A_451] : memref<6272xf32, #tpu.memory_space<vmem>> -> memref<5920xf32, #tpu.memory_space<vmem>>
          %dma_wait3A_453 = tpu.memref_slice %arg2[%add3A_27] : memref<6400000xf32, #tpu.memory_space<hbm>> -> memref<5920xf32, #tpu.memory_space<hbm>>
          %dma_wait3A_454 = arith.constant 0 : i32
          %dma_wait3A_455 = tpu.memref_slice %arg6[%dma_wait3A_454] : memref<6272xf32, #tpu.memory_space<vmem>> -> memref<5920xf32, #tpu.memory_space<vmem>>
          %dma_wait3A_456 = tpu.memref_slice %arg2[%add3A_27] : memref<6400000xf32, #tpu.memory_space<hbm>> -> memref<5920xf32, #tpu.memory_space<hbm>>
          tpu.wait_dma2 semaphore(%run_scoped3A : memref<!tpu.dma_semaphore, #tpu.memory_space<semaphore_mem>>) src(%dma_wait3A_456 : memref<5920xf32, #tpu.memory_space<hbm>>) dst(%dma_wait3A_455 : memref<5920xf32, #tpu.memory_space<vmem>>)
          tpu.yield
        }) : () -> ()
      } else {
      }
      %eq3A_34 = arith.constant 15 : i32
      %eq3A_35 = arith.cmpi eq, %arg1, %eq3A_34 : i32
      %jit3A = arith.constant 370 : i32
      %jit3A_36 = arith.constant 392 : i32
      %select_n3A = arith.select %eq3A_35, %jit3A, %jit3A_36 : i32
      %scan3A_37 = arith.constant 0 : i32
      %scan3A_38 = arith.constant 0 : i32
      %scan3A_39 = arith.constant 49 : i32
      %scan3A_40 = arith.addi %scan3A_38, %scan3A_39 : i32
      %scan3A_41 = arith.constant 1 : i32
      %scan3A_42 = scf.for %scan3A_445 = %scan3A_38 to %scan3A_40 step %scan3A_41 iter_args(%scan3A_446 = %scan3A_37) -> (i32)  : i32 {
        %mul3A_447 = arith.constant 8 : i32
        %mul3A_448 = arith.muli %scan3A_445, %mul3A_447 : i32
        %add3A_449 = arith.constant 0 : i32
        %add3A_450 = arith.addi %mul3A_448, %add3A_449 : i32
        %mul3A_451 = arith.constant 16 : i32
        %mul3A_452 = arith.muli %add3A_450, %mul3A_451 : i32
        %get3A = arith.index_cast %mul3A_452 : i32 to index
        %get3A_453 = tpu.vector_load %arg6[%get3A] {strides = array<i32>} : memref<6272xf32, #tpu.memory_space<vmem>>, vector<16xf32>,
        %bitcast3A = vector.bitcast %get3A_453 : vector<16xf32> to vector<16xi32>
        %sub3A_454 = arith.constant 1065353216 : i32
        %sub3A_455 = vector.broadcast %sub3A_454 : i32 to vector<16xi32>
        %sub3A_456 = arith.subi %sub3A_455, %bitcast3A : vector<16xi32>
        %lt3A_457 = arith.cmpi slt, %add3A_450, %select_n3A : i32
        %jit3A_458 = arith.constant 1073741823 : i32
        %broadcast_in_dim3A_459 = vector.broadcast %jit3A_458 : i32 to vector<16xi32>
        %select_n3A_460 = arith.select %lt3A_457, %sub3A_456, %broadcast_in_dim3A_459 : vector<16xi32>
        %mul3A_461 = arith.constant 16 : i32
        %mul3A_462 = arith.muli %add3A_450, %mul3A_461 : i32
        %swap3A_463 = arith.index_cast %mul3A_462 : i32 to index
        %swap3A_464 = tpu.vector_load %arg5[%swap3A_463] {strides = array<i32>} : memref<6272xi32, #tpu.memory_space<vmem>>, vector<16xi32>,
        tpu.vector_store %arg5[%swap3A_463], %select_n3A_460 {strides = array<i32>} : memref<6272xi32, #tpu.memory_space<vmem>>, vector<16xi32>,
        %shift_right_arithmetic3A = arith.constant 0 : i32
        %shift_right_arithmetic3A_465 = vector.broadcast %shift_right_arithmetic3A : i32 to vector<16xi32>
        %shift_right_arithmetic3A_466 = arith.shrsi %select_n3A_460, %shift_right_arithmetic3A_465 : vector<16xi32>
        %and3A_467 = arith.constant 1023 : i32
        %and3A_468 = vector.broadcast %and3A_467 : i32 to vector<16xi32>
        %and3A_469 = arith.andi %shift_right_arithmetic3A_466, %and3A_468 : vector<16xi32>
        %iota3A_470 = tpu.iota {dimensions = array<i32: 0>} : vector<16xi32>
        %mul3A_471 = arith.constant 1024 : i32
        %mul3A_472 = vector.broadcast %mul3A_471 : i32 to vector<16xi32>
        %mul3A_473 = arith.muli %iota3A_470, %mul3A_472 : vector<16xi32>
        %add3A_474 = arith.addi %and3A_469, %mul3A_473 : vector<16xi32>
        %gather3A_475 = tpu.vector_load_idx %arg9[%add3A_474] : memref<16384xi32, #tpu.memory_space<vmem>>[vector<16xi32>], vector<16xi32>,
        %add3A_476 = arith.constant 1 : i32
        %add3A_477 = vector.broadcast %add3A_476 : i32 to vector<16xi32>
        %add3A_478 = arith.addi %gather3A_475, %add3A_477 : vector<16xi32>
        tpu.vector_store_idx %arg9[%add3A_474], %add3A_478 : memref<16384xi32, #tpu.memory_space<vmem>>[vector<16xi32>], vector<16xi32>,
        %mul3A_479 = arith.constant 8 : i32
        %mul3A_480 = arith.muli %scan3A_445, %mul3A_479 : i32
        %add3A_481 = arith.constant 1 : i32
        %add3A_482 = arith.addi %mul3A_480, %add3A_481 : i32
        %mul3A_483 = arith.constant 16 : i32
        %mul3A_484 = arith.muli %add3A_482, %mul3A_483 : i32
        %get3A_485 = arith.index_cast %mul3A_484 : i32 to index
        %get3A_486 = tpu.vector_load %arg6[%get3A_485] {strides = array<i32>} : memref<6272xf32, #tpu.memory_space<vmem>>, vector<16xf32>,
        %bitcast3A_487 = vector.bitcast %get3A_486 : vector<16xf32> to vector<16xi32>
        %sub3A_488 = arith.constant 1065353216 : i32
        %sub3A_489 = vector.broadcast %sub3A_488 : i32 to vector<16xi32>
        %sub3A_490 = arith.subi %sub3A_489, %bitcast3A_487 : vector<16xi32>
        %lt3A_491 = arith.cmpi slt, %add3A_482, %select_n3A : i32
        %jit3A_492 = arith.constant 1073741823 : i32
        %broadcast_in_dim3A_493 = vector.broadcast %jit3A_492 : i32 to vector<16xi32>
        %select_n3A_494 = arith.select %lt3A_491, %sub3A_490, %broadcast_in_dim3A_493 : vector<16xi32>
        %mul3A_495 = arith.constant 16 : i32
        %mul3A_496 = arith.muli %add3A_482, %mul3A_495 : i32
        %swap3A_497 = arith.index_cast %mul3A_496 : i32 to index
        %swap3A_498 = tpu.vector_load %arg5[%swap3A_497] {strides = array<i32>} : memref<6272xi32, #tpu.memory_space<vmem>>, vector<16xi32>,
        tpu.vector_store %arg5[%swap3A_497], %select_n3A_494 {strides = array<i32>} : memref<6272xi32, #tpu.memory_space<vmem>>, vector<16xi32>,
        %shift_right_arithmetic3A_499 = arith.constant 0 : i32
        %shift_right_arithmetic3A_500 = vector.broadcast %shift_right_arithmetic3A_499 : i32 to vector<16xi32>
        %shift_right_arithmetic3A_501 = arith.shrsi %select_n3A_494, %shift_right_arithmetic3A_500 : vector<16xi32>
        %and3A_502 = arith.constant 1023 : i32
        %and3A_503 = vector.broadcast %and3A_502 : i32 to vector<16xi32>
        %and3A_504 = arith.andi %shift_right_arithmetic3A_501, %and3A_503 : vector<16xi32>
        %iota3A_505 = tpu.iota {dimensions = array<i32: 0>} : vector<16xi32>
        %mul3A_506 = arith.constant 1024 : i32
        %mul3A_507 = vector.broadcast %mul3A_506 : i32 to vector<16xi32>
        %mul3A_508 = arith.muli %iota3A_505, %mul3A_507 : vector<16xi32>
        %add3A_509 = arith.addi %and3A_504, %mul3A_508 : vector<16xi32>
        %gather3A_510 = tpu.vector_load_idx %arg9[%add3A_509] : memref<16384xi32, #tpu.memory_space<vmem>>[vector<16xi32>], vector<16xi32>,
        %add3A_511 = arith.constant 1 : i32
        %add3A_512 = vector.broadcast %add3A_511 : i32 to vector<16xi32>
        %add3A_513 = arith.addi %gather3A_510, %add3A_512 : vector<16xi32>
        tpu.vector_store_idx %arg9[%add3A_509], %add3A_513 : memref<16384xi32, #tpu.memory_space<vmem>>[vector<16xi32>], vector<16xi32>,
        %mul3A_514 = arith.constant 8 : i32
        %mul3A_515 = arith.muli %scan3A_445, %mul3A_514 : i32
        %add3A_516 = arith.constant 2 : i32
        %add3A_517 = arith.addi %mul3A_515, %add3A_516 : i32
        %mul3A_518 = arith.constant 16 : i32
        %mul3A_519 = arith.muli %add3A_517, %mul3A_518 : i32
        %get3A_520 = arith.index_cast %mul3A_519 : i32 to index
        %get3A_521 = tpu.vector_load %arg6[%get3A_520] {strides = array<i32>} : memref<6272xf32, #tpu.memory_space<vmem>>, vector<16xf32>,
        %bitcast3A_522 = vector.bitcast %get3A_521 : vector<16xf32> to vector<16xi32>
        %sub3A_523 = arith.constant 1065353216 : i32
        %sub3A_524 = vector.broadcast %sub3A_523 : i32 to vector<16xi32>
        %sub3A_525 = arith.subi %sub3A_524, %bitcast3A_522 : vector<16xi32>
        %lt3A_526 = arith.cmpi slt, %add3A_517, %select_n3A : i32
        %jit3A_527 = arith.constant 1073741823 : i32
        %broadcast_in_dim3A_528 = vector.broadcast %jit3A_527 : i32 to vector<16xi32>
        %select_n3A_529 = arith.select %lt3A_526, %sub3A_525, %broadcast_in_dim3A_528 : vector<16xi32>
        %mul3A_530 = arith.constant 16 : i32
        %mul3A_531 = arith.muli %add3A_517, %mul3A_530 : i32
        %swap3A_532 = arith.index_cast %mul3A_531 : i32 to index
        %swap3A_533 = tpu.vector_load %arg5[%swap3A_532] {strides = array<i32>} : memref<6272xi32, #tpu.memory_space<vmem>>, vector<16xi32>,
        tpu.vector_store %arg5[%swap3A_532], %select_n3A_529 {strides = array<i32>} : memref<6272xi32, #tpu.memory_space<vmem>>, vector<16xi32>,
        %shift_right_arithmetic3A_534 = arith.constant 0 : i32
        %shift_right_arithmetic3A_535 = vector.broadcast %shift_right_arithmetic3A_534 : i32 to vector<16xi32>
        %shift_right_arithmetic3A_536 = arith.shrsi %select_n3A_529, %shift_right_arithmetic3A_535 : vector<16xi32>
        %and3A_537 = arith.constant 1023 : i32
        %and3A_538 = vector.broadcast %and3A_537 : i32 to vector<16xi32>
        %and3A_539 = arith.andi %shift_right_arithmetic3A_536, %and3A_538 : vector<16xi32>
        %iota3A_540 = tpu.iota {dimensions = array<i32: 0>} : vector<16xi32>
        %mul3A_541 = arith.constant 1024 : i32
        %mul3A_542 = vector.broadcast %mul3A_541 : i32 to vector<16xi32>
        %mul3A_543 = arith.muli %iota3A_540, %mul3A_542 : vector<16xi32>
        %add3A_544 = arith.addi %and3A_539, %mul3A_543 : vector<16xi32>
        %gather3A_545 = tpu.vector_load_idx %arg9[%add3A_544] : memref<16384xi32, #tpu.memory_space<vmem>>[vector<16xi32>], vector<16xi32>,
        %add3A_546 = arith.constant 1 : i32
        %add3A_547 = vector.broadcast %add3A_546 : i32 to vector<16xi32>
        %add3A_548 = arith.addi %gather3A_545, %add3A_547 : vector<16xi32>
        tpu.vector_store_idx %arg9[%add3A_544], %add3A_548 : memref<16384xi32, #tpu.memory_space<vmem>>[vector<16xi32>], vector<16xi32>,
        %mul3A_549 = arith.constant 8 : i32
        %mul3A_550 = arith.muli %scan3A_445, %mul3A_549 : i32
        %add3A_551 = arith.constant 3 : i32
        %add3A_552 = arith.addi %mul3A_550, %add3A_551 : i32
        %mul3A_553 = arith.constant 16 : i32
        %mul3A_554 = arith.muli %add3A_552, %mul3A_553 : i32
        %get3A_555 = arith.index_cast %mul3A_554 : i32 to index
        %get3A_556 = tpu.vector_load %arg6[%get3A_555] {strides = array<i32>} : memref<6272xf32, #tpu.memory_space<vmem>>, vector<16xf32>,
        %bitcast3A_557 = vector.bitcast %get3A_556 : vector<16xf32> to vector<16xi32>
        %sub3A_558 = arith.constant 1065353216 : i32
        %sub3A_559 = vector.broadcast %sub3A_558 : i32 to vector<16xi32>
        %sub3A_560 = arith.subi %sub3A_559, %bitcast3A_557 : vector<16xi32>
        %lt3A_561 = arith.cmpi slt, %add3A_552, %select_n3A : i32
        %jit3A_562 = arith.constant 1073741823 : i32
        %broadcast_in_dim3A_563 = vector.broadcast %jit3A_562 : i32 to vector<16xi32>
        %select_n3A_564 = arith.select %lt3A_561, %sub3A_560, %broadcast_in_dim3A_563 : vector<16xi32>
        %mul3A_565 = arith.constant 16 : i32
        %mul3A_566 = arith.muli %add3A_552, %mul3A_565 : i32
        %swap3A_567 = arith.index_cast %mul3A_566 : i32 to index
        %swap3A_568 = tpu.vector_load %arg5[%swap3A_567] {strides = array<i32>} : memref<6272xi32, #tpu.memory_space<vmem>>, vector<16xi32>,
        tpu.vector_store %arg5[%swap3A_567], %select_n3A_564 {strides = array<i32>} : memref<6272xi32, #tpu.memory_space<vmem>>, vector<16xi32>,
        %shift_right_arithmetic3A_569 = arith.constant 0 : i32
        %shift_right_arithmetic3A_570 = vector.broadcast %shift_right_arithmetic3A_569 : i32 to vector<16xi32>
        %shift_right_arithmetic3A_571 = arith.shrsi %select_n3A_564, %shift_right_arithmetic3A_570 : vector<16xi32>
        %and3A_572 = arith.constant 1023 : i32
        %and3A_573 = vector.broadcast %and3A_572 : i32 to vector<16xi32>
        %and3A_574 = arith.andi %shift_right_arithmetic3A_571, %and3A_573 : vector<16xi32>
        %iota3A_575 = tpu.iota {dimensions = array<i32: 0>} : vector<16xi32>
        %mul3A_576 = arith.constant 1024 : i32
        %mul3A_577 = vector.broadcast %mul3A_576 : i32 to vector<16xi32>
        %mul3A_578 = arith.muli %iota3A_575, %mul3A_577 : vector<16xi32>
        %add3A_579 = arith.addi %and3A_574, %mul3A_578 : vector<16xi32>
        %gather3A_580 = tpu.vector_load_idx %arg9[%add3A_579] : memref<16384xi32, #tpu.memory_space<vmem>>[vector<16xi32>], vector<16xi32>,
        %add3A_581 = arith.constant 1 : i32
        %add3A_582 = vector.broadcast %add3A_581 : i32 to vector<16xi32>
        %add3A_583 = arith.addi %gather3A_580, %add3A_582 : vector<16xi32>
        tpu.vector_store_idx %arg9[%add3A_579], %add3A_583 : memref<16384xi32, #tpu.memory_space<vmem>>[vector<16xi32>], vector<16xi32>,
        %mul3A_584 = arith.constant 8 : i32
        %mul3A_585 = arith.muli %scan3A_445, %mul3A_584 : i32
        %add3A_586 = arith.constant 4 : i32
        %add3A_587 = arith.addi %mul3A_585, %add3A_586 : i32
        %mul3A_588 = arith.constant 16 : i32
        %mul3A_589 = arith.muli %add3A_587, %mul3A_588 : i32
        %get3A_590 = arith.index_cast %mul3A_589 : i32 to index
        %get3A_591 = tpu.vector_load %arg6[%get3A_590] {strides = array<i32>} : memref<6272xf32, #tpu.memory_space<vmem>>, vector<16xf32>,
        %bitcast3A_592 = vector.bitcast %get3A_591 : vector<16xf32> to vector<16xi32>
        %sub3A_593 = arith.constant 1065353216 : i32
        %sub3A_594 = vector.broadcast %sub3A_593 : i32 to vector<16xi32>
        %sub3A_595 = arith.subi %sub3A_594, %bitcast3A_592 : vector<16xi32>
        %lt3A_596 = arith.cmpi slt, %add3A_587, %select_n3A : i32
        %jit3A_597 = arith.constant 1073741823 : i32
        %broadcast_in_dim3A_598 = vector.broadcast %jit3A_597 : i32 to vector<16xi32>
        %select_n3A_599 = arith.select %lt3A_596, %sub3A_595, %broadcast_in_dim3A_598 : vector<16xi32>
        %mul3A_600 = arith.constant 16 : i32
        %mul3A_601 = arith.muli %add3A_587, %mul3A_600 : i32
        %swap3A_602 = arith.index_cast %mul3A_601 : i32 to index
        %swap3A_603 = tpu.vector_load %arg5[%swap3A_602] {strides = array<i32>} : memref<6272xi32, #tpu.memory_space<vmem>>, vector<16xi32>,
        tpu.vector_store %arg5[%swap3A_602], %select_n3A_599 {strides = array<i32>} : memref<6272xi32, #tpu.memory_space<vmem>>, vector<16xi32>,
        %shift_right_arithmetic3A_604 = arith.constant 0 : i32
        %shift_right_arithmetic3A_605 = vector.broadcast %shift_right_arithmetic3A_604 : i32 to vector<16xi32>
        %shift_right_arithmetic3A_606 = arith.shrsi %select_n3A_599, %shift_right_arithmetic3A_605 : vector<16xi32>
        %and3A_607 = arith.constant 1023 : i32
        %and3A_608 = vector.broadcast %and3A_607 : i32 to vector<16xi32>
        %and3A_609 = arith.andi %shift_right_arithmetic3A_606, %and3A_608 : vector<16xi32>
        %iota3A_610 = tpu.iota {dimensions = array<i32: 0>} : vector<16xi32>
        %mul3A_611 = arith.constant 1024 : i32
        %mul3A_612 = vector.broadcast %mul3A_611 : i32 to vector<16xi32>
        %mul3A_613 = arith.muli %iota3A_610, %mul3A_612 : vector<16xi32>
        %add3A_614 = arith.addi %and3A_609, %mul3A_613 : vector<16xi32>
        %gather3A_615 = tpu.vector_load_idx %arg9[%add3A_614] : memref<16384xi32, #tpu.memory_space<vmem>>[vector<16xi32>], vector<16xi32>,
        %add3A_616 = arith.constant 1 : i32
        %add3A_617 = vector.broadcast %add3A_616 : i32 to vector<16xi32>
        %add3A_618 = arith.addi %gather3A_615, %add3A_617 : vector<16xi32>
        tpu.vector_store_idx %arg9[%add3A_614], %add3A_618 : memref<16384xi32, #tpu.memory_space<vmem>>[vector<16xi32>], vector<16xi32>,
        %mul3A_619 = arith.constant 8 : i32
        %mul3A_620 = arith.muli %scan3A_445, %mul3A_619 : i32
        %add3A_621 = arith.constant 5 : i32
        %add3A_622 = arith.addi %mul3A_620, %add3A_621 : i32
        %mul3A_623 = arith.constant 16 : i32
        %mul3A_624 = arith.muli %add3A_622, %mul3A_623 : i32
        %get3A_625 = arith.index_cast %mul3A_624 : i32 to index
        %get3A_626 = tpu.vector_load %arg6[%get3A_625] {strides = array<i32>} : memref<6272xf32, #tpu.memory_space<vmem>>, vector<16xf32>,
        %bitcast3A_627 = vector.bitcast %get3A_626 : vector<16xf32> to vector<16xi32>
        %sub3A_628 = arith.constant 1065353216 : i32
        %sub3A_629 = vector.broadcast %sub3A_628 : i32 to vector<16xi32>
        %sub3A_630 = arith.subi %sub3A_629, %bitcast3A_627 : vector<16xi32>
        %lt3A_631 = arith.cmpi slt, %add3A_622, %select_n3A : i32
        %jit3A_632 = arith.constant 1073741823 : i32
        %broadcast_in_dim3A_633 = vector.broadcast %jit3A_632 : i32 to vector<16xi32>
        %select_n3A_634 = arith.select %lt3A_631, %sub3A_630, %broadcast_in_dim3A_633 : vector<16xi32>
        %mul3A_635 = arith.constant 16 : i32
        %mul3A_636 = arith.muli %add3A_622, %mul3A_635 : i32
        %swap3A_637 = arith.index_cast %mul3A_636 : i32 to index
        %swap3A_638 = tpu.vector_load %arg5[%swap3A_637] {strides = array<i32>} : memref<6272xi32, #tpu.memory_space<vmem>>, vector<16xi32>,
        tpu.vector_store %arg5[%swap3A_637], %select_n3A_634 {strides = array<i32>} : memref<6272xi32, #tpu.memory_space<vmem>>, vector<16xi32>,
        %shift_right_arithmetic3A_639 = arith.constant 0 : i32
        %shift_right_arithmetic3A_640 = vector.broadcast %shift_right_arithmetic3A_639 : i32 to vector<16xi32>
        %shift_right_arithmetic3A_641 = arith.shrsi %select_n3A_634, %shift_right_arithmetic3A_640 : vector<16xi32>
        %and3A_642 = arith.constant 1023 : i32
        %and3A_643 = vector.broadcast %and3A_642 : i32 to vector<16xi32>
        %and3A_644 = arith.andi %shift_right_arithmetic3A_641, %and3A_643 : vector<16xi32>
        %iota3A_645 = tpu.iota {dimensions = array<i32: 0>} : vector<16xi32>
        %mul3A_646 = arith.constant 1024 : i32
        %mul3A_647 = vector.broadcast %mul3A_646 : i32 to vector<16xi32>
        %mul3A_648 = arith.muli %iota3A_645, %mul3A_647 : vector<16xi32>
        %add3A_649 = arith.addi %and3A_644, %mul3A_648 : vector<16xi32>
        %gather3A_650 = tpu.vector_load_idx %arg9[%add3A_649] : memref<16384xi32, #tpu.memory_space<vmem>>[vector<16xi32>], vector<16xi32>,
        %add3A_651 = arith.constant 1 : i32
        %add3A_652 = vector.broadcast %add3A_651 : i32 to vector<16xi32>
        %add3A_653 = arith.addi %gather3A_650, %add3A_652 : vector<16xi32>
        tpu.vector_store_idx %arg9[%add3A_649], %add3A_653 : memref<16384xi32, #tpu.memory_space<vmem>>[vector<16xi32>], vector<16xi32>,
        %mul3A_654 = arith.constant 8 : i32
        %mul3A_655 = arith.muli %scan3A_445, %mul3A_654 : i32
        %add3A_656 = arith.constant 6 : i32
        %add3A_657 = arith.addi %mul3A_655, %add3A_656 : i32
        %mul3A_658 = arith.constant 16 : i32
        %mul3A_659 = arith.muli %add3A_657, %mul3A_658 : i32
        %get3A_660 = arith.index_cast %mul3A_659 : i32 to index
        %get3A_661 = tpu.vector_load %arg6[%get3A_660] {strides = array<i32>} : memref<6272xf32, #tpu.memory_space<vmem>>, vector<16xf32>,
        %bitcast3A_662 = vector.bitcast %get3A_661 : vector<16xf32> to vector<16xi32>
        %sub3A_663 = arith.constant 1065353216 : i32
        %sub3A_664 = vector.broadcast %sub3A_663 : i32 to vector<16xi32>
        %sub3A_665 = arith.subi %sub3A_664, %bitcast3A_662 : vector<16xi32>
        %lt3A_666 = arith.cmpi slt, %add3A_657, %select_n3A : i32
        %jit3A_667 = arith.constant 1073741823 : i32
        %broadcast_in_dim3A_668 = vector.broadcast %jit3A_667 : i32 to vector<16xi32>
        %select_n3A_669 = arith.select %lt3A_666, %sub3A_665, %broadcast_in_dim3A_668 : vector<16xi32>
        %mul3A_670 = arith.constant 16 : i32
        %mul3A_671 = arith.muli %add3A_657, %mul3A_670 : i32
        %swap3A_672 = arith.index_cast %mul3A_671 : i32 to index
        %swap3A_673 = tpu.vector_load %arg5[%swap3A_672] {strides = array<i32>} : memref<6272xi32, #tpu.memory_space<vmem>>, vector<16xi32>,
        tpu.vector_store %arg5[%swap3A_672], %select_n3A_669 {strides = array<i32>} : memref<6272xi32, #tpu.memory_space<vmem>>, vector<16xi32>,
        %shift_right_arithmetic3A_674 = arith.constant 0 : i32
        %shift_right_arithmetic3A_675 = vector.broadcast %shift_right_arithmetic3A_674 : i32 to vector<16xi32>
        %shift_right_arithmetic3A_676 = arith.shrsi %select_n3A_669, %shift_right_arithmetic3A_675 : vector<16xi32>
        %and3A_677 = arith.constant 1023 : i32
        %and3A_678 = vector.broadcast %and3A_677 : i32 to vector<16xi32>
        %and3A_679 = arith.andi %shift_right_arithmetic3A_676, %and3A_678 : vector<16xi32>
        %iota3A_680 = tpu.iota {dimensions = array<i32: 0>} : vector<16xi32>
        %mul3A_681 = arith.constant 1024 : i32
        %mul3A_682 = vector.broadcast %mul3A_681 : i32 to vector<16xi32>
        %mul3A_683 = arith.muli %iota3A_680, %mul3A_682 : vector<16xi32>
        %add3A_684 = arith.addi %and3A_679, %mul3A_683 : vector<16xi32>
        %gather3A_685 = tpu.vector_load_idx %arg9[%add3A_684] : memref<16384xi32, #tpu.memory_space<vmem>>[vector<16xi32>], vector<16xi32>,
        %add3A_686 = arith.constant 1 : i32
        %add3A_687 = vector.broadcast %add3A_686 : i32 to vector<16xi32>
        %add3A_688 = arith.addi %gather3A_685, %add3A_687 : vector<16xi32>
        tpu.vector_store_idx %arg9[%add3A_684], %add3A_688 : memref<16384xi32, #tpu.memory_space<vmem>>[vector<16xi32>], vector<16xi32>,
        %mul3A_689 = arith.constant 8 : i32
        %mul3A_690 = arith.muli %scan3A_445, %mul3A_689 : i32
        %add3A_691 = arith.constant 7 : i32
        %add3A_692 = arith.addi %mul3A_690, %add3A_691 : i32
        %mul3A_693 = arith.constant 16 : i32
        %mul3A_694 = arith.muli %add3A_692, %mul3A_693 : i32
        %get3A_695 = arith.index_cast %mul3A_694 : i32 to index
        %get3A_696 = tpu.vector_load %arg6[%get3A_695] {strides = array<i32>} : memref<6272xf32, #tpu.memory_space<vmem>>, vector<16xf32>,
        %bitcast3A_697 = vector.bitcast %get3A_696 : vector<16xf32> to vector<16xi32>
        %sub3A_698 = arith.constant 1065353216 : i32
        %sub3A_699 = vector.broadcast %sub3A_698 : i32 to vector<16xi32>
        %sub3A_700 = arith.subi %sub3A_699, %bitcast3A_697 : vector<16xi32>
        %lt3A_701 = arith.cmpi slt, %add3A_692, %select_n3A : i32
        %jit3A_702 = arith.constant 1073741823 : i32
        %broadcast_in_dim3A_703 = vector.broadcast %jit3A_702 : i32 to vector<16xi32>
        %select_n3A_704 = arith.select %lt3A_701, %sub3A_700, %broadcast_in_dim3A_703 : vector<16xi32>
        %mul3A_705 = arith.constant 16 : i32
        %mul3A_706 = arith.muli %add3A_692, %mul3A_705 : i32
        %swap3A_707 = arith.index_cast %mul3A_706 : i32 to index
        %swap3A_708 = tpu.vector_load %arg5[%swap3A_707] {strides = array<i32>} : memref<6272xi32, #tpu.memory_space<vmem>>, vector<16xi32>,
        tpu.vector_store %arg5[%swap3A_707], %select_n3A_704 {strides = array<i32>} : memref<6272xi32, #tpu.memory_space<vmem>>, vector<16xi32>,
        %shift_right_arithmetic3A_709 = arith.constant 0 : i32
        %shift_right_arithmetic3A_710 = vector.broadcast %shift_right_arithmetic3A_709 : i32 to vector<16xi32>
        %shift_right_arithmetic3A_711 = arith.shrsi %select_n3A_704, %shift_right_arithmetic3A_710 : vector<16xi32>
        %and3A_712 = arith.constant 1023 : i32
        %and3A_713 = vector.broadcast %and3A_712 : i32 to vector<16xi32>
        %and3A_714 = arith.andi %shift_right_arithmetic3A_711, %and3A_713 : vector<16xi32>
        %iota3A_715 = tpu.iota {dimensions = array<i32: 0>} : vector<16xi32>
        %mul3A_716 = arith.constant 1024 : i32
        %mul3A_717 = vector.broadcast %mul3A_716 : i32 to vector<16xi32>
        %mul3A_718 = arith.muli %iota3A_715, %mul3A_717 : vector<16xi32>
        %add3A_719 = arith.addi %and3A_714, %mul3A_718 : vector<16xi32>
        %gather3A_720 = tpu.vector_load_idx %arg9[%add3A_719] : memref<16384xi32, #tpu.memory_space<vmem>>[vector<16xi32>], vector<16xi32>,
        %add3A_721 = arith.constant 1 : i32
        %add3A_722 = vector.broadcast %add3A_721 : i32 to vector<16xi32>
        %add3A_723 = arith.addi %gather3A_720, %add3A_722 : vector<16xi32>
        tpu.vector_store_idx %arg9[%add3A_719], %add3A_723 : memref<16384xi32, #tpu.memory_space<vmem>>[vector<16xi32>], vector<16xi32>,
        %scan3A_724 = arith.constant 0 : i32
        scf.yield %scan3A_724 : i32
      }
      %scan3A_43 = arith.constant 49 : i32
      %scan3A_44 = arith.constant 0 : i32
      %scan3A_45 = arith.constant 0 : i32
      %scan3A_46 = arith.constant 64 : i32
      %scan3A_47 = arith.addi %scan3A_45, %scan3A_46 : i32
      %scan3A_48 = arith.constant 1 : i32
      %scan3A_49 = scf.for %scan3A_445 = %scan3A_45 to %scan3A_47 step %scan3A_48 iter_args(%scan3A_446 = %scan3A_44) -> (i32)  : i32 {
        %mul3A_447 = arith.constant 16 : i32
        %mul3A_448 = arith.muli %scan3A_445, %mul3A_447 : i32
        %get3A = arith.index_cast %mul3A_448 : i32 to index
        %get3A_449 = tpu.vector_load %arg9[%get3A] {strides = array<i32>} : memref<16384xi32, #tpu.memory_space<vmem>>, vector<16xi32>,
        %mul3A_450 = arith.constant 16 : i32
        %mul3A_451 = arith.muli %scan3A_445, %mul3A_450 : i32
        %add3A_452 = arith.constant 1024 : i32
        %add3A_453 = arith.addi %add3A_452, %mul3A_451 : i32
        %get3A_454 = arith.index_cast %add3A_453 : i32 to index
        %get3A_455 = tpu.vector_load %arg9[%get3A_454] {strides = array<i32>} : memref<16384xi32, #tpu.memory_space<vmem>>, vector<16xi32>,
        %add3A_456 = arith.addi %get3A_449, %get3A_455 : vector<16xi32>
        %mul3A_457 = arith.constant 16 : i32
        %mul3A_458 = arith.muli %scan3A_445, %mul3A_457 : i32
        %add3A_459 = arith.constant 2048 : i32
        %add3A_460 = arith.addi %add3A_459, %mul3A_458 : i32
        %get3A_461 = arith.index_cast %add3A_460 : i32 to index
        %get3A_462 = tpu.vector_load %arg9[%get3A_461] {strides = array<i32>} : memref<16384xi32, #tpu.memory_space<vmem>>, vector<16xi32>,
        %add3A_463 = arith.addi %add3A_456, %get3A_462 : vector<16xi32>
        %mul3A_464 = arith.constant 16 : i32
        %mul3A_465 = arith.muli %scan3A_445, %mul3A_464 : i32
        %add3A_466 = arith.constant 3072 : i32
        %add3A_467 = arith.addi %add3A_466, %mul3A_465 : i32
        %get3A_468 = arith.index_cast %add3A_467 : i32 to index
        %get3A_469 = tpu.vector_load %arg9[%get3A_468] {strides = array<i32>} : memref<16384xi32, #tpu.memory_space<vmem>>, vector<16xi32>,
        %add3A_470 = arith.addi %add3A_463, %get3A_469 : vector<16xi32>
        %mul3A_471 = arith.constant 16 : i32
        %mul3A_472 = arith.muli %scan3A_445, %mul3A_471 : i32
        %add3A_473 = arith.constant 4096 : i32
        %add3A_474 = arith.addi %add3A_473, %mul3A_472 : i32
        %get3A_475 = arith.index_cast %add3A_474 : i32 to index
        %get3A_476 = tpu.vector_load %arg9[%get3A_475] {strides = array<i32>} : memref<16384xi32, #tpu.memory_space<vmem>>, vector<16xi32>,
        %add3A_477 = arith.addi %add3A_470, %get3A_476 : vector<16xi32>
        %mul3A_478 = arith.constant 16 : i32
        %mul3A_479 = arith.muli %scan3A_445, %mul3A_478 : i32
        %add3A_480 = arith.constant 5120 : i32
        %add3A_481 = arith.addi %add3A_480, %mul3A_479 : i32
        %get3A_482 = arith.index_cast %add3A_481 : i32 to index
        %get3A_483 = tpu.vector_load %arg9[%get3A_482] {strides = array<i32>} : memref<16384xi32, #tpu.memory_space<vmem>>, vector<16xi32>,
        %add3A_484 = arith.addi %add3A_477, %get3A_483 : vector<16xi32>
        %mul3A_485 = arith.constant 16 : i32
        %mul3A_486 = arith.muli %scan3A_445, %mul3A_485 : i32
        %add3A_487 = arith.constant 6144 : i32
        %add3A_488 = arith.addi %add3A_487, %mul3A_486 : i32
        %get3A_489 = arith.index_cast %add3A_488 : i32 to index
        %get3A_490 = tpu.vector_load %arg9[%get3A_489] {strides = array<i32>} : memref<16384xi32, #tpu.memory_space<vmem>>, vector<16xi32>,
        %add3A_491 = arith.addi %add3A_484, %get3A_490 : vector<16xi32>
        %mul3A_492 = arith.constant 16 : i32
        %mul3A_493 = arith.muli %scan3A_445, %mul3A_492 : i32
        %add3A_494 = arith.constant 7168 : i32
        %add3A_495 = arith.addi %add3A_494, %mul3A_493 : i32
        %get3A_496 = arith.index_cast %add3A_495 : i32 to index
        %get3A_497 = tpu.vector_load %arg9[%get3A_496] {strides = array<i32>} : memref<16384xi32, #tpu.memory_space<vmem>>, vector<16xi32>,
        %add3A_498 = arith.addi %add3A_491, %get3A_497 : vector<16xi32>
        %mul3A_499 = arith.constant 16 : i32
        %mul3A_500 = arith.muli %scan3A_445, %mul3A_499 : i32
        %add3A_501 = arith.constant 8192 : i32
        %add3A_502 = arith.addi %add3A_501, %mul3A_500 : i32
        %get3A_503 = arith.index_cast %add3A_502 : i32 to index
        %get3A_504 = tpu.vector_load %arg9[%get3A_503] {strides = array<i32>} : memref<16384xi32, #tpu.memory_space<vmem>>, vector<16xi32>,
        %add3A_505 = arith.addi %add3A_498, %get3A_504 : vector<16xi32>
        %mul3A_506 = arith.constant 16 : i32
        %mul3A_507 = arith.muli %scan3A_445, %mul3A_506 : i32
        %add3A_508 = arith.constant 9216 : i32
        %add3A_509 = arith.addi %add3A_508, %mul3A_507 : i32
        %get3A_510 = arith.index_cast %add3A_509 : i32 to index
        %get3A_511 = tpu.vector_load %arg9[%get3A_510] {strides = array<i32>} : memref<16384xi32, #tpu.memory_space<vmem>>, vector<16xi32>,
        %add3A_512 = arith.addi %add3A_505, %get3A_511 : vector<16xi32>
        %mul3A_513 = arith.constant 16 : i32
        %mul3A_514 = arith.muli %scan3A_445, %mul3A_513 : i32
        %add3A_515 = arith.constant 10240 : i32
        %add3A_516 = arith.addi %add3A_515, %mul3A_514 : i32
        %get3A_517 = arith.index_cast %add3A_516 : i32 to index
        %get3A_518 = tpu.vector_load %arg9[%get3A_517] {strides = array<i32>} : memref<16384xi32, #tpu.memory_space<vmem>>, vector<16xi32>,
        %add3A_519 = arith.addi %add3A_512, %get3A_518 : vector<16xi32>
        %mul3A_520 = arith.constant 16 : i32
        %mul3A_521 = arith.muli %scan3A_445, %mul3A_520 : i32
        %add3A_522 = arith.constant 11264 : i32
        %add3A_523 = arith.addi %add3A_522, %mul3A_521 : i32
        %get3A_524 = arith.index_cast %add3A_523 : i32 to index
        %get3A_525 = tpu.vector_load %arg9[%get3A_524] {strides = array<i32>} : memref<16384xi32, #tpu.memory_space<vmem>>, vector<16xi32>,
        %add3A_526 = arith.addi %add3A_519, %get3A_525 : vector<16xi32>
        %mul3A_527 = arith.constant 16 : i32
        %mul3A_528 = arith.muli %scan3A_445, %mul3A_527 : i32
        %add3A_529 = arith.constant 12288 : i32
        %add3A_530 = arith.addi %add3A_529, %mul3A_528 : i32
        %get3A_531 = arith.index_cast %add3A_530 : i32 to index
        %get3A_532 = tpu.vector_load %arg9[%get3A_531] {strides = array<i32>} : memref<16384xi32, #tpu.memory_space<vmem>>, vector<16xi32>,
        %add3A_533 = arith.addi %add3A_526, %get3A_532 : vector<16xi32>
        %mul3A_534 = arith.constant 16 : i32
        %mul3A_535 = arith.muli %scan3A_445, %mul3A_534 : i32
        %add3A_536 = arith.constant 13312 : i32
        %add3A_537 = arith.addi %add3A_536, %mul3A_535 : i32
        %get3A_538 = arith.index_cast %add3A_537 : i32 to index
        %get3A_539 = tpu.vector_load %arg9[%get3A_538] {strides = array<i32>} : memref<16384xi32, #tpu.memory_space<vmem>>, vector<16xi32>,
        %add3A_540 = arith.addi %add3A_533, %get3A_539 : vector<16xi32>
        %mul3A_541 = arith.constant 16 : i32
        %mul3A_542 = arith.muli %scan3A_445, %mul3A_541 : i32
        %add3A_543 = arith.constant 14336 : i32
        %add3A_544 = arith.addi %add3A_543, %mul3A_542 : i32
        %get3A_545 = arith.index_cast %add3A_544 : i32 to index
        %get3A_546 = tpu.vector_load %arg9[%get3A_545] {strides = array<i32>} : memref<16384xi32, #tpu.memory_space<vmem>>, vector<16xi32>,
        %add3A_547 = arith.addi %add3A_540, %get3A_546 : vector<16xi32>
        %mul3A_548 = arith.constant 16 : i32
        %mul3A_549 = arith.muli %scan3A_445, %mul3A_548 : i32
        %add3A_550 = arith.constant 15360 : i32
        %add3A_551 = arith.addi %add3A_550, %mul3A_549 : i32
        %get3A_552 = arith.index_cast %add3A_551 : i32 to index
        %get3A_553 = tpu.vector_load %arg9[%get3A_552] {strides = array<i32>} : memref<16384xi32, #tpu.memory_space<vmem>>, vector<16xi32>,
        %add3A_554 = arith.addi %add3A_547, %get3A_553 : vector<16xi32>
        %mul3A_555 = arith.constant 16 : i32
        %mul3A_556 = arith.muli %scan3A_445, %mul3A_555 : i32
        %swap3A_557 = arith.index_cast %mul3A_556 : i32 to index
        %swap3A_558 = tpu.vector_load %arg10[%swap3A_557] {strides = array<i32>} : memref<1024xi32, #tpu.memory_space<vmem>>, vector<16xi32>,
        tpu.vector_store %arg10[%swap3A_557], %add3A_554 {strides = array<i32>} : memref<1024xi32, #tpu.memory_space<vmem>>, vector<16xi32>,
        %scan3A_559 = arith.constant 0 : i32
        scf.yield %scan3A_559 : i32
      }
      %scan3A_50 = arith.constant 64 : i32
      %mul3A_51 = arith.constant 1024 : i32
      %mul3A_52 = arith.muli %arg1, %mul3A_51 : i32
      "tpu.region"() ({
        %run_scoped3A = tpu.sem_alloc : memref<!tpu.dma_semaphore, #tpu.memory_space<semaphore_mem>>
        %dma_start3A_445 = tpu.memref_slice %arg17[%mul3A_52] : memref<16384xi32, #tpu.memory_space<vmem_shared>> -> memref<1024xi32, #tpu.memory_space<vmem_shared>>
        %dma_start3A_446 = tpu.memref_slice %arg17[%mul3A_52] : memref<16384xi32, #tpu.memory_space<vmem_shared>> -> memref<1024xi32, #tpu.memory_space<vmem_shared>>
        tpu.enqueue_dma source(%arg10 : memref<1024xi32, #tpu.memory_space<vmem>>) target(%dma_start3A_446 : memref<1024xi32, #tpu.memory_space<vmem_shared>>) target_semaphore(%run_scoped3A : memref<!tpu.dma_semaphore, #tpu.memory_space<semaphore_mem>>)
        %dma_wait3A_447 = tpu.memref_slice %arg17[%mul3A_52] : memref<16384xi32, #tpu.memory_space<vmem_shared>> -> memref<1024xi32, #tpu.memory_space<vmem_shared>>
        %dma_wait3A_448 = tpu.memref_slice %arg17[%mul3A_52] : memref<16384xi32, #tpu.memory_space<vmem_shared>> -> memref<1024xi32, #tpu.memory_space<vmem_shared>>
        tpu.wait_dma2 semaphore(%run_scoped3A : memref<!tpu.dma_semaphore, #tpu.memory_space<semaphore_mem>>) src(%arg10 : memref<1024xi32, #tpu.memory_space<vmem>>) dst(%dma_wait3A_448 : memref<1024xi32, #tpu.memory_space<vmem_shared>>)
        tpu.yield
      }) : () -> ()
      %barrier3A = arith.constant 0 : index
      tpu.barrier barrier_id(%barrier3A)
      "tpu.region"() ({
        %run_scoped3A = tpu.sem_alloc : memref<!tpu.dma_semaphore, #tpu.memory_space<semaphore_mem>>
        tpu.enqueue_dma source(%arg17 : memref<16384xi32, #tpu.memory_space<vmem_shared>>) target(%arg11 : memref<16384xi32, #tpu.memory_space<vmem>>) target_semaphore(%run_scoped3A : memref<!tpu.dma_semaphore, #tpu.memory_space<semaphore_mem>>)
        tpu.wait_dma2 semaphore(%run_scoped3A : memref<!tpu.dma_semaphore, #tpu.memory_space<semaphore_mem>>) src(%arg17 : memref<16384xi32, #tpu.memory_space<vmem_shared>>) dst(%arg11 : memref<16384xi32, #tpu.memory_space<vmem>>)
        tpu.yield
      }) : () -> ()
      %scan3A_53 = arith.constant 0 : i32
      %scan3A_54 = arith.constant 0 : i32
      %scan3A_55 = arith.constant 64 : i32
      %scan3A_56 = arith.addi %scan3A_54, %scan3A_55 : i32
      %scan3A_57 = arith.constant 1 : i32
      %scan3A_58 = scf.for %scan3A_445 = %scan3A_54 to %scan3A_56 step %scan3A_57 iter_args(%scan3A_446 = %scan3A_53) -> (i32)  : i32 {
        %broadcast_in_dim3A_447 = arith.constant 0 : i32
        %broadcast_in_dim3A_448 = vector.broadcast %broadcast_in_dim3A_447 : i32 to vector<16xi32>
        %broadcast_in_dim3A_449 = arith.constant 0 : i32
        %broadcast_in_dim3A_450 = vector.broadcast %broadcast_in_dim3A_449 : i32 to vector<16xi32>
        %mul3A_451 = arith.constant 16 : i32
        %mul3A_452 = arith.muli %scan3A_445, %mul3A_451 : i32
        %add3A_453 = arith.constant 0 : i32
        %add3A_454 = arith.addi %add3A_453, %mul3A_452 : i32
        %get3A = arith.index_cast %add3A_454 : i32 to index
        %get3A_455 = tpu.vector_load %arg11[%get3A] {strides = array<i32>} : memref<16384xi32, #tpu.memory_space<vmem>>, vector<16xi32>,
        %add3A_456 = arith.addi %broadcast_in_dim3A_448, %get3A_455 : vector<16xi32>
        %gt3A_457 = arith.constant 0 : i32
        %gt3A_458 = arith.cmpi sgt, %arg1, %gt3A_457 : i32
        %jit3A_459 = arith.constant 0 : i32
        %broadcast_in_dim3A_460 = vector.broadcast %jit3A_459 : i32 to vector<16xi32>
        %select_n3A_461 = arith.select %gt3A_458, %get3A_455, %broadcast_in_dim3A_460 : vector<16xi32>
        %add3A_462 = arith.addi %broadcast_in_dim3A_450, %select_n3A_461 : vector<16xi32>
        %mul3A_463 = arith.constant 16 : i32
        %mul3A_464 = arith.muli %scan3A_445, %mul3A_463 : i32
        %add3A_465 = arith.constant 1024 : i32
        %add3A_466 = arith.addi %add3A_465, %mul3A_464 : i32
        %get3A_467 = arith.index_cast %add3A_466 : i32 to index
        %get3A_468 = tpu.vector_load %arg11[%get3A_467] {strides = array<i32>} : memref<16384xi32, #tpu.memory_space<vmem>>, vector<16xi32>,
        %add3A_469 = arith.addi %add3A_456, %get3A_468 : vector<16xi32>
        %gt3A_470 = arith.constant 1 : i32
        %gt3A_471 = arith.cmpi sgt, %arg1, %gt3A_470 : i32
        %jit3A_472 = arith.constant 0 : i32
        %broadcast_in_dim3A_473 = vector.broadcast %jit3A_472 : i32 to vector<16xi32>
        %select_n3A_474 = arith.select %gt3A_471, %get3A_468, %broadcast_in_dim3A_473 : vector<16xi32>
        %add3A_475 = arith.addi %add3A_462, %select_n3A_474 : vector<16xi32>
        %mul3A_476 = arith.constant 16 : i32
        %mul3A_477 = arith.muli %scan3A_445, %mul3A_476 : i32
        %add3A_478 = arith.constant 2048 : i32
        %add3A_479 = arith.addi %add3A_478, %mul3A_477 : i32
        %get3A_480 = arith.index_cast %add3A_479 : i32 to index
        %get3A_481 = tpu.vector_load %arg11[%get3A_480] {strides = array<i32>} : memref<16384xi32, #tpu.memory_space<vmem>>, vector<16xi32>,
        %add3A_482 = arith.addi %add3A_469, %get3A_481 : vector<16xi32>
        %gt3A_483 = arith.constant 2 : i32
        %gt3A_484 = arith.cmpi sgt, %arg1, %gt3A_483 : i32
        %jit3A_485 = arith.constant 0 : i32
        %broadcast_in_dim3A_486 = vector.broadcast %jit3A_485 : i32 to vector<16xi32>
        %select_n3A_487 = arith.select %gt3A_484, %get3A_481, %broadcast_in_dim3A_486 : vector<16xi32>
        %add3A_488 = arith.addi %add3A_475, %select_n3A_487 : vector<16xi32>
        %mul3A_489 = arith.constant 16 : i32
        %mul3A_490 = arith.muli %scan3A_445, %mul3A_489 : i32
        %add3A_491 = arith.constant 3072 : i32
        %add3A_492 = arith.addi %add3A_491, %mul3A_490 : i32
        %get3A_493 = arith.index_cast %add3A_492 : i32 to index
        %get3A_494 = tpu.vector_load %arg11[%get3A_493] {strides = array<i32>} : memref<16384xi32, #tpu.memory_space<vmem>>, vector<16xi32>,
        %add3A_495 = arith.addi %add3A_482, %get3A_494 : vector<16xi32>
        %gt3A_496 = arith.constant 3 : i32
        %gt3A_497 = arith.cmpi sgt, %arg1, %gt3A_496 : i32
        %jit3A_498 = arith.constant 0 : i32
        %broadcast_in_dim3A_499 = vector.broadcast %jit3A_498 : i32 to vector<16xi32>
        %select_n3A_500 = arith.select %gt3A_497, %get3A_494, %broadcast_in_dim3A_499 : vector<16xi32>
        %add3A_501 = arith.addi %add3A_488, %select_n3A_500 : vector<16xi32>
        %mul3A_502 = arith.constant 16 : i32
        %mul3A_503 = arith.muli %scan3A_445, %mul3A_502 : i32
        %add3A_504 = arith.constant 4096 : i32
        %add3A_505 = arith.addi %add3A_504, %mul3A_503 : i32
        %get3A_506 = arith.index_cast %add3A_505 : i32 to index
        %get3A_507 = tpu.vector_load %arg11[%get3A_506] {strides = array<i32>} : memref<16384xi32, #tpu.memory_space<vmem>>, vector<16xi32>,
        %add3A_508 = arith.addi %add3A_495, %get3A_507 : vector<16xi32>
        %gt3A_509 = arith.constant 4 : i32
        %gt3A_510 = arith.cmpi sgt, %arg1, %gt3A_509 : i32
        %jit3A_511 = arith.constant 0 : i32
        %broadcast_in_dim3A_512 = vector.broadcast %jit3A_511 : i32 to vector<16xi32>
        %select_n3A_513 = arith.select %gt3A_510, %get3A_507, %broadcast_in_dim3A_512 : vector<16xi32>
        %add3A_514 = arith.addi %add3A_501, %select_n3A_513 : vector<16xi32>
        %mul3A_515 = arith.constant 16 : i32
        %mul3A_516 = arith.muli %scan3A_445, %mul3A_515 : i32
        %add3A_517 = arith.constant 5120 : i32
        %add3A_518 = arith.addi %add3A_517, %mul3A_516 : i32
        %get3A_519 = arith.index_cast %add3A_518 : i32 to index
        %get3A_520 = tpu.vector_load %arg11[%get3A_519] {strides = array<i32>} : memref<16384xi32, #tpu.memory_space<vmem>>, vector<16xi32>,
        %add3A_521 = arith.addi %add3A_508, %get3A_520 : vector<16xi32>
        %gt3A_522 = arith.constant 5 : i32
        %gt3A_523 = arith.cmpi sgt, %arg1, %gt3A_522 : i32
        %jit3A_524 = arith.constant 0 : i32
        %broadcast_in_dim3A_525 = vector.broadcast %jit3A_524 : i32 to vector<16xi32>
        %select_n3A_526 = arith.select %gt3A_523, %get3A_520, %broadcast_in_dim3A_525 : vector<16xi32>
        %add3A_527 = arith.addi %add3A_514, %select_n3A_526 : vector<16xi32>
        %mul3A_528 = arith.constant 16 : i32
        %mul3A_529 = arith.muli %scan3A_445, %mul3A_528 : i32
        %add3A_530 = arith.constant 6144 : i32
        %add3A_531 = arith.addi %add3A_530, %mul3A_529 : i32
        %get3A_532 = arith.index_cast %add3A_531 : i32 to index
        %get3A_533 = tpu.vector_load %arg11[%get3A_532] {strides = array<i32>} : memref<16384xi32, #tpu.memory_space<vmem>>, vector<16xi32>,
        %add3A_534 = arith.addi %add3A_521, %get3A_533 : vector<16xi32>
        %gt3A_535 = arith.constant 6 : i32
        %gt3A_536 = arith.cmpi sgt, %arg1, %gt3A_535 : i32
        %jit3A_537 = arith.constant 0 : i32
        %broadcast_in_dim3A_538 = vector.broadcast %jit3A_537 : i32 to vector<16xi32>
        %select_n3A_539 = arith.select %gt3A_536, %get3A_533, %broadcast_in_dim3A_538 : vector<16xi32>
        %add3A_540 = arith.addi %add3A_527, %select_n3A_539 : vector<16xi32>
        %mul3A_541 = arith.constant 16 : i32
        %mul3A_542 = arith.muli %scan3A_445, %mul3A_541 : i32
        %add3A_543 = arith.constant 7168 : i32
        %add3A_544 = arith.addi %add3A_543, %mul3A_542 : i32
        %get3A_545 = arith.index_cast %add3A_544 : i32 to index
        %get3A_546 = tpu.vector_load %arg11[%get3A_545] {strides = array<i32>} : memref<16384xi32, #tpu.memory_space<vmem>>, vector<16xi32>,
        %add3A_547 = arith.addi %add3A_534, %get3A_546 : vector<16xi32>
        %gt3A_548 = arith.constant 7 : i32
        %gt3A_549 = arith.cmpi sgt, %arg1, %gt3A_548 : i32
        %jit3A_550 = arith.constant 0 : i32
        %broadcast_in_dim3A_551 = vector.broadcast %jit3A_550 : i32 to vector<16xi32>
        %select_n3A_552 = arith.select %gt3A_549, %get3A_546, %broadcast_in_dim3A_551 : vector<16xi32>
        %add3A_553 = arith.addi %add3A_540, %select_n3A_552 : vector<16xi32>
        %mul3A_554 = arith.constant 16 : i32
        %mul3A_555 = arith.muli %scan3A_445, %mul3A_554 : i32
        %add3A_556 = arith.constant 8192 : i32
        %add3A_557 = arith.addi %add3A_556, %mul3A_555 : i32
        %get3A_558 = arith.index_cast %add3A_557 : i32 to index
        %get3A_559 = tpu.vector_load %arg11[%get3A_558] {strides = array<i32>} : memref<16384xi32, #tpu.memory_space<vmem>>, vector<16xi32>,
        %add3A_560 = arith.addi %add3A_547, %get3A_559 : vector<16xi32>
        %gt3A_561 = arith.constant 8 : i32
        %gt3A_562 = arith.cmpi sgt, %arg1, %gt3A_561 : i32
        %jit3A_563 = arith.constant 0 : i32
        %broadcast_in_dim3A_564 = vector.broadcast %jit3A_563 : i32 to vector<16xi32>
        %select_n3A_565 = arith.select %gt3A_562, %get3A_559, %broadcast_in_dim3A_564 : vector<16xi32>
        %add3A_566 = arith.addi %add3A_553, %select_n3A_565 : vector<16xi32>
        %mul3A_567 = arith.constant 16 : i32
        %mul3A_568 = arith.muli %scan3A_445, %mul3A_567 : i32
        %add3A_569 = arith.constant 9216 : i32
        %add3A_570 = arith.addi %add3A_569, %mul3A_568 : i32
        %get3A_571 = arith.index_cast %add3A_570 : i32 to index
        %get3A_572 = tpu.vector_load %arg11[%get3A_571] {strides = array<i32>} : memref<16384xi32, #tpu.memory_space<vmem>>, vector<16xi32>,
        %add3A_573 = arith.addi %add3A_560, %get3A_572 : vector<16xi32>
        %gt3A_574 = arith.constant 9 : i32
        %gt3A_575 = arith.cmpi sgt, %arg1, %gt3A_574 : i32
        %jit3A_576 = arith.constant 0 : i32
        %broadcast_in_dim3A_577 = vector.broadcast %jit3A_576 : i32 to vector<16xi32>
        %select_n3A_578 = arith.select %gt3A_575, %get3A_572, %broadcast_in_dim3A_577 : vector<16xi32>
        %add3A_579 = arith.addi %add3A_566, %select_n3A_578 : vector<16xi32>
        %mul3A_580 = arith.constant 16 : i32
        %mul3A_581 = arith.muli %scan3A_445, %mul3A_580 : i32
        %add3A_582 = arith.constant 10240 : i32
        %add3A_583 = arith.addi %add3A_582, %mul3A_581 : i32
        %get3A_584 = arith.index_cast %add3A_583 : i32 to index
        %get3A_585 = tpu.vector_load %arg11[%get3A_584] {strides = array<i32>} : memref<16384xi32, #tpu.memory_space<vmem>>, vector<16xi32>,
        %add3A_586 = arith.addi %add3A_573, %get3A_585 : vector<16xi32>
        %gt3A_587 = arith.constant 10 : i32
        %gt3A_588 = arith.cmpi sgt, %arg1, %gt3A_587 : i32
        %jit3A_589 = arith.constant 0 : i32
        %broadcast_in_dim3A_590 = vector.broadcast %jit3A_589 : i32 to vector<16xi32>
        %select_n3A_591 = arith.select %gt3A_588, %get3A_585, %broadcast_in_dim3A_590 : vector<16xi32>
        %add3A_592 = arith.addi %add3A_579, %select_n3A_591 : vector<16xi32>
        %mul3A_593 = arith.constant 16 : i32
        %mul3A_594 = arith.muli %scan3A_445, %mul3A_593 : i32
        %add3A_595 = arith.constant 11264 : i32
        %add3A_596 = arith.addi %add3A_595, %mul3A_594 : i32
        %get3A_597 = arith.index_cast %add3A_596 : i32 to index
        %get3A_598 = tpu.vector_load %arg11[%get3A_597] {strides = array<i32>} : memref<16384xi32, #tpu.memory_space<vmem>>, vector<16xi32>,
        %add3A_599 = arith.addi %add3A_586, %get3A_598 : vector<16xi32>
        %gt3A_600 = arith.constant 11 : i32
        %gt3A_601 = arith.cmpi sgt, %arg1, %gt3A_600 : i32
        %jit3A_602 = arith.constant 0 : i32
        %broadcast_in_dim3A_603 = vector.broadcast %jit3A_602 : i32 to vector<16xi32>
        %select_n3A_604 = arith.select %gt3A_601, %get3A_598, %broadcast_in_dim3A_603 : vector<16xi32>
        %add3A_605 = arith.addi %add3A_592, %select_n3A_604 : vector<16xi32>
        %mul3A_606 = arith.constant 16 : i32
        %mul3A_607 = arith.muli %scan3A_445, %mul3A_606 : i32
        %add3A_608 = arith.constant 12288 : i32
        %add3A_609 = arith.addi %add3A_608, %mul3A_607 : i32
        %get3A_610 = arith.index_cast %add3A_609 : i32 to index
        %get3A_611 = tpu.vector_load %arg11[%get3A_610] {strides = array<i32>} : memref<16384xi32, #tpu.memory_space<vmem>>, vector<16xi32>,
        %add3A_612 = arith.addi %add3A_599, %get3A_611 : vector<16xi32>
        %gt3A_613 = arith.constant 12 : i32
        %gt3A_614 = arith.cmpi sgt, %arg1, %gt3A_613 : i32
        %jit3A_615 = arith.constant 0 : i32
        %broadcast_in_dim3A_616 = vector.broadcast %jit3A_615 : i32 to vector<16xi32>
        %select_n3A_617 = arith.select %gt3A_614, %get3A_611, %broadcast_in_dim3A_616 : vector<16xi32>
        %add3A_618 = arith.addi %add3A_605, %select_n3A_617 : vector<16xi32>
        %mul3A_619 = arith.constant 16 : i32
        %mul3A_620 = arith.muli %scan3A_445, %mul3A_619 : i32
        %add3A_621 = arith.constant 13312 : i32
        %add3A_622 = arith.addi %add3A_621, %mul3A_620 : i32
        %get3A_623 = arith.index_cast %add3A_622 : i32 to index
        %get3A_624 = tpu.vector_load %arg11[%get3A_623] {strides = array<i32>} : memref<16384xi32, #tpu.memory_space<vmem>>, vector<16xi32>,
        %add3A_625 = arith.addi %add3A_612, %get3A_624 : vector<16xi32>
        %gt3A_626 = arith.constant 13 : i32
        %gt3A_627 = arith.cmpi sgt, %arg1, %gt3A_626 : i32
        %jit3A_628 = arith.constant 0 : i32
        %broadcast_in_dim3A_629 = vector.broadcast %jit3A_628 : i32 to vector<16xi32>
        %select_n3A_630 = arith.select %gt3A_627, %get3A_624, %broadcast_in_dim3A_629 : vector<16xi32>
        %add3A_631 = arith.addi %add3A_618, %select_n3A_630 : vector<16xi32>
        %mul3A_632 = arith.constant 16 : i32
        %mul3A_633 = arith.muli %scan3A_445, %mul3A_632 : i32
        %add3A_634 = arith.constant 14336 : i32
        %add3A_635 = arith.addi %add3A_634, %mul3A_633 : i32
        %get3A_636 = arith.index_cast %add3A_635 : i32 to index
        %get3A_637 = tpu.vector_load %arg11[%get3A_636] {strides = array<i32>} : memref<16384xi32, #tpu.memory_space<vmem>>, vector<16xi32>,
        %add3A_638 = arith.addi %add3A_625, %get3A_637 : vector<16xi32>
        %gt3A_639 = arith.constant 14 : i32
        %gt3A_640 = arith.cmpi sgt, %arg1, %gt3A_639 : i32
        %jit3A_641 = arith.constant 0 : i32
        %broadcast_in_dim3A_642 = vector.broadcast %jit3A_641 : i32 to vector<16xi32>
        %select_n3A_643 = arith.select %gt3A_640, %get3A_637, %broadcast_in_dim3A_642 : vector<16xi32>
        %add3A_644 = arith.addi %add3A_631, %select_n3A_643 : vector<16xi32>
        %mul3A_645 = arith.constant 16 : i32
        %mul3A_646 = arith.muli %scan3A_445, %mul3A_645 : i32
        %add3A_647 = arith.constant 15360 : i32
        %add3A_648 = arith.addi %add3A_647, %mul3A_646 : i32
        %get3A_649 = arith.index_cast %add3A_648 : i32 to index
        %get3A_650 = tpu.vector_load %arg11[%get3A_649] {strides = array<i32>} : memref<16384xi32, #tpu.memory_space<vmem>>, vector<16xi32>,
        %add3A_651 = arith.addi %add3A_638, %get3A_650 : vector<16xi32>
        %gt3A_652 = arith.constant 15 : i32
        %gt3A_653 = arith.cmpi sgt, %arg1, %gt3A_652 : i32
        %jit3A_654 = arith.constant 0 : i32
        %broadcast_in_dim3A_655 = vector.broadcast %jit3A_654 : i32 to vector<16xi32>
        %select_n3A_656 = arith.select %gt3A_653, %get3A_650, %broadcast_in_dim3A_655 : vector<16xi32>
        %add3A_657 = arith.addi %add3A_644, %select_n3A_656 : vector<16xi32>
        %broadcast_in_dim3A_658 = arith.constant true
        %broadcast_in_dim3A_659 = vector.broadcast %broadcast_in_dim3A_658 : i1 to vector<16xi1>
        %masked_cumsum3A = tpu.scan <sum>, %add3A_651 masked %broadcast_in_dim3A_659 : vector<16xi32>, vector<16xi1> -> vector<16xi32>
        %sub3A_660 = arith.subi %masked_cumsum3A, %add3A_651 : vector<16xi32>
        %add3A_661 = vector.broadcast %scan3A_446 : i32 to vector<16xi32>
        %add3A_662 = arith.addi %add3A_661, %sub3A_660 : vector<16xi32>
        %add3A_663 = arith.addi %add3A_662, %add3A_657 : vector<16xi32>
        %mul3A_664 = arith.constant 16 : i32
        %mul3A_665 = arith.muli %scan3A_445, %mul3A_664 : i32
        %swap3A_666 = arith.index_cast %mul3A_665 : i32 to index
        %swap3A_667 = tpu.vector_load %arg10[%swap3A_666] {strides = array<i32>} : memref<1024xi32, #tpu.memory_space<vmem>>, vector<16xi32>,
        tpu.vector_store %arg10[%swap3A_666], %add3A_663 {strides = array<i32>} : memref<1024xi32, #tpu.memory_space<vmem>>, vector<16xi32>,
        %reduce_sum3A_668 = arith.constant true
        %reduce_sum3A_669 = vector.broadcast %reduce_sum3A_668 : i1 to vector<16xi1>
        %reduce_sum3A_670 = tpu.scan <sum>, %add3A_651 masked %reduce_sum3A_669 : vector<16xi32>, vector<16xi1> -> vector<16xi32>
        %reduce_sum3A_671 = vector.extract %reduce_sum3A_670[15] : i32 from vector<16xi32>
        %add3A_672 = arith.addi %scan3A_446, %reduce_sum3A_671 : i32
        scf.yield %add3A_672 : i32
      }
      %scan3A_59 = arith.constant 64 : i32
      %scan3A_60 = arith.constant 0 : i32
      %scan3A_61 = arith.constant 0 : i32
      %scan3A_62 = arith.constant 49 : i32
      %scan3A_63 = arith.addi %scan3A_61, %scan3A_62 : i32
      %scan3A_64 = arith.constant 1 : i32
      %scan3A_65 = scf.for %scan3A_445 = %scan3A_61 to %scan3A_63 step %scan3A_64 iter_args(%scan3A_446 = %scan3A_60) -> (i32)  : i32 {
        %mul3A_447 = arith.constant 8 : i32
        %mul3A_448 = arith.muli %scan3A_445, %mul3A_447 : i32
        %add3A_449 = arith.constant 0 : i32
        %add3A_450 = arith.addi %mul3A_448, %add3A_449 : i32
        %mul3A_451 = arith.constant 16 : i32
        %mul3A_452 = arith.muli %add3A_450, %mul3A_451 : i32
        %get3A = arith.index_cast %mul3A_452 : i32 to index
        %get3A_453 = tpu.vector_load %arg5[%get3A] {strides = array<i32>} : memref<6272xi32, #tpu.memory_space<vmem>>, vector<16xi32>,
        %shift_right_arithmetic3A = arith.constant 0 : i32
        %shift_right_arithmetic3A_454 = vector.broadcast %shift_right_arithmetic3A : i32 to vector<16xi32>
        %shift_right_arithmetic3A_455 = arith.shrsi %get3A_453, %shift_right_arithmetic3A_454 : vector<16xi32>
        %and3A_456 = arith.constant 1023 : i32
        %and3A_457 = vector.broadcast %and3A_456 : i32 to vector<16xi32>
        %and3A_458 = arith.andi %shift_right_arithmetic3A_455, %and3A_457 : vector<16xi32>
        %broadcast_in_dim3A_459 = arith.constant true
        %broadcast_in_dim3A_460 = vector.broadcast %broadcast_in_dim3A_459 : i1 to vector<16xi1>
        %unique3A, %unique3A_461 = tpu.scan_count mask(%broadcast_in_dim3A_460 : vector<16xi1>) value(%and3A_458 : vector<16xi32>) : vector<16xi1>, vector<16xi32>
        %gather3A_462 = tpu.vector_load_idx %arg10[%and3A_458] : memref<1024xi32, #tpu.memory_space<vmem>>[vector<16xi32>], vector<16xi32>,
        %add3A_463 = arith.addi %gather3A_462, %unique3A_461 : vector<16xi32>
        %sub3A_464 = arith.constant 1 : i32
        %sub3A_465 = vector.broadcast %sub3A_464 : i32 to vector<16xi32>
        %sub3A_466 = arith.subi %add3A_463, %sub3A_465 : vector<16xi32>
        %mul3A_467 = arith.constant 16 : i32
        %mul3A_468 = arith.muli %add3A_450, %mul3A_467 : i32
        %swap3A_469 = arith.index_cast %mul3A_468 : i32 to index
        %swap3A_470 = tpu.vector_load %arg8[%swap3A_469] {strides = array<i32>} : memref<6272xi32, #tpu.memory_space<vmem>>, vector<16xi32>,
        tpu.vector_store %arg8[%swap3A_469], %sub3A_466 {strides = array<i32>} : memref<6272xi32, #tpu.memory_space<vmem>>, vector<16xi32>,
        %add3A_471 = arith.addi %gather3A_462, %unique3A_461 : vector<16xi32>
        tpu.vector_store_idx %arg10[%and3A_458], %add3A_471 masked %unique3A : memref<1024xi32, #tpu.memory_space<vmem>>[vector<16xi32>], vector<16xi32>, vector<16xi1>
        %mul3A_472 = arith.constant 8 : i32
        %mul3A_473 = arith.muli %scan3A_445, %mul3A_472 : i32
        %add3A_474 = arith.constant 1 : i32
        %add3A_475 = arith.addi %mul3A_473, %add3A_474 : i32
        %mul3A_476 = arith.constant 16 : i32
        %mul3A_477 = arith.muli %add3A_475, %mul3A_476 : i32
        %get3A_478 = arith.index_cast %mul3A_477 : i32 to index
        %get3A_479 = tpu.vector_load %arg5[%get3A_478] {strides = array<i32>} : memref<6272xi32, #tpu.memory_space<vmem>>, vector<16xi32>,
        %shift_right_arithmetic3A_480 = arith.constant 0 : i32
        %shift_right_arithmetic3A_481 = vector.broadcast %shift_right_arithmetic3A_480 : i32 to vector<16xi32>
        %shift_right_arithmetic3A_482 = arith.shrsi %get3A_479, %shift_right_arithmetic3A_481 : vector<16xi32>
        %and3A_483 = arith.constant 1023 : i32
        %and3A_484 = vector.broadcast %and3A_483 : i32 to vector<16xi32>
        %and3A_485 = arith.andi %shift_right_arithmetic3A_482, %and3A_484 : vector<16xi32>
        %broadcast_in_dim3A_486 = arith.constant true
        %broadcast_in_dim3A_487 = vector.broadcast %broadcast_in_dim3A_486 : i1 to vector<16xi1>
        %unique3A_488, %unique3A_489 = tpu.scan_count mask(%broadcast_in_dim3A_487 : vector<16xi1>) value(%and3A_485 : vector<16xi32>) : vector<16xi1>, vector<16xi32>
        %gather3A_490 = tpu.vector_load_idx %arg10[%and3A_485] : memref<1024xi32, #tpu.memory_space<vmem>>[vector<16xi32>], vector<16xi32>,
        %add3A_491 = arith.addi %gather3A_490, %unique3A_489 : vector<16xi32>
        %sub3A_492 = arith.constant 1 : i32
        %sub3A_493 = vector.broadcast %sub3A_492 : i32 to vector<16xi32>
        %sub3A_494 = arith.subi %add3A_491, %sub3A_493 : vector<16xi32>
        %mul3A_495 = arith.constant 16 : i32
        %mul3A_496 = arith.muli %add3A_475, %mul3A_495 : i32
        %swap3A_497 = arith.index_cast %mul3A_496 : i32 to index
        %swap3A_498 = tpu.vector_load %arg8[%swap3A_497] {strides = array<i32>} : memref<6272xi32, #tpu.memory_space<vmem>>, vector<16xi32>,
        tpu.vector_store %arg8[%swap3A_497], %sub3A_494 {strides = array<i32>} : memref<6272xi32, #tpu.memory_space<vmem>>, vector<16xi32>,
        %add3A_499 = arith.addi %gather3A_490, %unique3A_489 : vector<16xi32>
        tpu.vector_store_idx %arg10[%and3A_485], %add3A_499 masked %unique3A_488 : memref<1024xi32, #tpu.memory_space<vmem>>[vector<16xi32>], vector<16xi32>, vector<16xi1>
        %mul3A_500 = arith.constant 8 : i32
        %mul3A_501 = arith.muli %scan3A_445, %mul3A_500 : i32
        %add3A_502 = arith.constant 2 : i32
        %add3A_503 = arith.addi %mul3A_501, %add3A_502 : i32
        %mul3A_504 = arith.constant 16 : i32
        %mul3A_505 = arith.muli %add3A_503, %mul3A_504 : i32
        %get3A_506 = arith.index_cast %mul3A_505 : i32 to index
        %get3A_507 = tpu.vector_load %arg5[%get3A_506] {strides = array<i32>} : memref<6272xi32, #tpu.memory_space<vmem>>, vector<16xi32>,
        %shift_right_arithmetic3A_508 = arith.constant 0 : i32
        %shift_right_arithmetic3A_509 = vector.broadcast %shift_right_arithmetic3A_508 : i32 to vector<16xi32>
        %shift_right_arithmetic3A_510 = arith.shrsi %get3A_507, %shift_right_arithmetic3A_509 : vector<16xi32>
        %and3A_511 = arith.constant 1023 : i32
        %and3A_512 = vector.broadcast %and3A_511 : i32 to vector<16xi32>
        %and3A_513 = arith.andi %shift_right_arithmetic3A_510, %and3A_512 : vector<16xi32>
        %broadcast_in_dim3A_514 = arith.constant true
        %broadcast_in_dim3A_515 = vector.broadcast %broadcast_in_dim3A_514 : i1 to vector<16xi1>
        %unique3A_516, %unique3A_517 = tpu.scan_count mask(%broadcast_in_dim3A_515 : vector<16xi1>) value(%and3A_513 : vector<16xi32>) : vector<16xi1>, vector<16xi32>
        %gather3A_518 = tpu.vector_load_idx %arg10[%and3A_513] : memref<1024xi32, #tpu.memory_space<vmem>>[vector<16xi32>], vector<16xi32>,
        %add3A_519 = arith.addi %gather3A_518, %unique3A_517 : vector<16xi32>
        %sub3A_520 = arith.constant 1 : i32
        %sub3A_521 = vector.broadcast %sub3A_520 : i32 to vector<16xi32>
        %sub3A_522 = arith.subi %add3A_519, %sub3A_521 : vector<16xi32>
        %mul3A_523 = arith.constant 16 : i32
        %mul3A_524 = arith.muli %add3A_503, %mul3A_523 : i32
        %swap3A_525 = arith.index_cast %mul3A_524 : i32 to index
        %swap3A_526 = tpu.vector_load %arg8[%swap3A_525] {strides = array<i32>} : memref<6272xi32, #tpu.memory_space<vmem>>, vector<16xi32>,
        tpu.vector_store %arg8[%swap3A_525], %sub3A_522 {strides = array<i32>} : memref<6272xi32, #tpu.memory_space<vmem>>, vector<16xi32>,
        %add3A_527 = arith.addi %gather3A_518, %unique3A_517 : vector<16xi32>
        tpu.vector_store_idx %arg10[%and3A_513], %add3A_527 masked %unique3A_516 : memref<1024xi32, #tpu.memory_space<vmem>>[vector<16xi32>], vector<16xi32>, vector<16xi1>
        %mul3A_528 = arith.constant 8 : i32
        %mul3A_529 = arith.muli %scan3A_445, %mul3A_528 : i32
        %add3A_530 = arith.constant 3 : i32
        %add3A_531 = arith.addi %mul3A_529, %add3A_530 : i32
        %mul3A_532 = arith.constant 16 : i32
        %mul3A_533 = arith.muli %add3A_531, %mul3A_532 : i32
        %get3A_534 = arith.index_cast %mul3A_533 : i32 to index
        %get3A_535 = tpu.vector_load %arg5[%get3A_534] {strides = array<i32>} : memref<6272xi32, #tpu.memory_space<vmem>>, vector<16xi32>,
        %shift_right_arithmetic3A_536 = arith.constant 0 : i32
        %shift_right_arithmetic3A_537 = vector.broadcast %shift_right_arithmetic3A_536 : i32 to vector<16xi32>
        %shift_right_arithmetic3A_538 = arith.shrsi %get3A_535, %shift_right_arithmetic3A_537 : vector<16xi32>
        %and3A_539 = arith.constant 1023 : i32
        %and3A_540 = vector.broadcast %and3A_539 : i32 to vector<16xi32>
        %and3A_541 = arith.andi %shift_right_arithmetic3A_538, %and3A_540 : vector<16xi32>
        %broadcast_in_dim3A_542 = arith.constant true
        %broadcast_in_dim3A_543 = vector.broadcast %broadcast_in_dim3A_542 : i1 to vector<16xi1>
        %unique3A_544, %unique3A_545 = tpu.scan_count mask(%broadcast_in_dim3A_543 : vector<16xi1>) value(%and3A_541 : vector<16xi32>) : vector<16xi1>, vector<16xi32>
        %gather3A_546 = tpu.vector_load_idx %arg10[%and3A_541] : memref<1024xi32, #tpu.memory_space<vmem>>[vector<16xi32>], vector<16xi32>,
        %add3A_547 = arith.addi %gather3A_546, %unique3A_545 : vector<16xi32>
        %sub3A_548 = arith.constant 1 : i32
        %sub3A_549 = vector.broadcast %sub3A_548 : i32 to vector<16xi32>
        %sub3A_550 = arith.subi %add3A_547, %sub3A_549 : vector<16xi32>
        %mul3A_551 = arith.constant 16 : i32
        %mul3A_552 = arith.muli %add3A_531, %mul3A_551 : i32
        %swap3A_553 = arith.index_cast %mul3A_552 : i32 to index
        %swap3A_554 = tpu.vector_load %arg8[%swap3A_553] {strides = array<i32>} : memref<6272xi32, #tpu.memory_space<vmem>>, vector<16xi32>,
        tpu.vector_store %arg8[%swap3A_553], %sub3A_550 {strides = array<i32>} : memref<6272xi32, #tpu.memory_space<vmem>>, vector<16xi32>,
        %add3A_555 = arith.addi %gather3A_546, %unique3A_545 : vector<16xi32>
        tpu.vector_store_idx %arg10[%and3A_541], %add3A_555 masked %unique3A_544 : memref<1024xi32, #tpu.memory_space<vmem>>[vector<16xi32>], vector<16xi32>, vector<16xi1>
        %mul3A_556 = arith.constant 8 : i32
        %mul3A_557 = arith.muli %scan3A_445, %mul3A_556 : i32
        %add3A_558 = arith.constant 4 : i32
        %add3A_559 = arith.addi %mul3A_557, %add3A_558 : i32
        %mul3A_560 = arith.constant 16 : i32
        %mul3A_561 = arith.muli %add3A_559, %mul3A_560 : i32
        %get3A_562 = arith.index_cast %mul3A_561 : i32 to index
        %get3A_563 = tpu.vector_load %arg5[%get3A_562] {strides = array<i32>} : memref<6272xi32, #tpu.memory_space<vmem>>, vector<16xi32>,
        %shift_right_arithmetic3A_564 = arith.constant 0 : i32
        %shift_right_arithmetic3A_565 = vector.broadcast %shift_right_arithmetic3A_564 : i32 to vector<16xi32>
        %shift_right_arithmetic3A_566 = arith.shrsi %get3A_563, %shift_right_arithmetic3A_565 : vector<16xi32>
        %and3A_567 = arith.constant 1023 : i32
        %and3A_568 = vector.broadcast %and3A_567 : i32 to vector<16xi32>
        %and3A_569 = arith.andi %shift_right_arithmetic3A_566, %and3A_568 : vector<16xi32>
        %broadcast_in_dim3A_570 = arith.constant true
        %broadcast_in_dim3A_571 = vector.broadcast %broadcast_in_dim3A_570 : i1 to vector<16xi1>
        %unique3A_572, %unique3A_573 = tpu.scan_count mask(%broadcast_in_dim3A_571 : vector<16xi1>) value(%and3A_569 : vector<16xi32>) : vector<16xi1>, vector<16xi32>
        %gather3A_574 = tpu.vector_load_idx %arg10[%and3A_569] : memref<1024xi32, #tpu.memory_space<vmem>>[vector<16xi32>], vector<16xi32>,
        %add3A_575 = arith.addi %gather3A_574, %unique3A_573 : vector<16xi32>
        %sub3A_576 = arith.constant 1 : i32
        %sub3A_577 = vector.broadcast %sub3A_576 : i32 to vector<16xi32>
        %sub3A_578 = arith.subi %add3A_575, %sub3A_577 : vector<16xi32>
        %mul3A_579 = arith.constant 16 : i32
        %mul3A_580 = arith.muli %add3A_559, %mul3A_579 : i32
        %swap3A_581 = arith.index_cast %mul3A_580 : i32 to index
        %swap3A_582 = tpu.vector_load %arg8[%swap3A_581] {strides = array<i32>} : memref<6272xi32, #tpu.memory_space<vmem>>, vector<16xi32>,
        tpu.vector_store %arg8[%swap3A_581], %sub3A_578 {strides = array<i32>} : memref<6272xi32, #tpu.memory_space<vmem>>, vector<16xi32>,
        %add3A_583 = arith.addi %gather3A_574, %unique3A_573 : vector<16xi32>
        tpu.vector_store_idx %arg10[%and3A_569], %add3A_583 masked %unique3A_572 : memref<1024xi32, #tpu.memory_space<vmem>>[vector<16xi32>], vector<16xi32>, vector<16xi1>
        %mul3A_584 = arith.constant 8 : i32
        %mul3A_585 = arith.muli %scan3A_445, %mul3A_584 : i32
        %add3A_586 = arith.constant 5 : i32
        %add3A_587 = arith.addi %mul3A_585, %add3A_586 : i32
        %mul3A_588 = arith.constant 16 : i32
        %mul3A_589 = arith.muli %add3A_587, %mul3A_588 : i32
        %get3A_590 = arith.index_cast %mul3A_589 : i32 to index
        %get3A_591 = tpu.vector_load %arg5[%get3A_590] {strides = array<i32>} : memref<6272xi32, #tpu.memory_space<vmem>>, vector<16xi32>,
        %shift_right_arithmetic3A_592 = arith.constant 0 : i32
        %shift_right_arithmetic3A_593 = vector.broadcast %shift_right_arithmetic3A_592 : i32 to vector<16xi32>
        %shift_right_arithmetic3A_594 = arith.shrsi %get3A_591, %shift_right_arithmetic3A_593 : vector<16xi32>
        %and3A_595 = arith.constant 1023 : i32
        %and3A_596 = vector.broadcast %and3A_595 : i32 to vector<16xi32>
        %and3A_597 = arith.andi %shift_right_arithmetic3A_594, %and3A_596 : vector<16xi32>
        %broadcast_in_dim3A_598 = arith.constant true
        %broadcast_in_dim3A_599 = vector.broadcast %broadcast_in_dim3A_598 : i1 to vector<16xi1>
        %unique3A_600, %unique3A_601 = tpu.scan_count mask(%broadcast_in_dim3A_599 : vector<16xi1>) value(%and3A_597 : vector<16xi32>) : vector<16xi1>, vector<16xi32>
        %gather3A_602 = tpu.vector_load_idx %arg10[%and3A_597] : memref<1024xi32, #tpu.memory_space<vmem>>[vector<16xi32>], vector<16xi32>,
        %add3A_603 = arith.addi %gather3A_602, %unique3A_601 : vector<16xi32>
        %sub3A_604 = arith.constant 1 : i32
        %sub3A_605 = vector.broadcast %sub3A_604 : i32 to vector<16xi32>
        %sub3A_606 = arith.subi %add3A_603, %sub3A_605 : vector<16xi32>
        %mul3A_607 = arith.constant 16 : i32
        %mul3A_608 = arith.muli %add3A_587, %mul3A_607 : i32
        %swap3A_609 = arith.index_cast %mul3A_608 : i32 to index
        %swap3A_610 = tpu.vector_load %arg8[%swap3A_609] {strides = array<i32>} : memref<6272xi32, #tpu.memory_space<vmem>>, vector<16xi32>,
        tpu.vector_store %arg8[%swap3A_609], %sub3A_606 {strides = array<i32>} : memref<6272xi32, #tpu.memory_space<vmem>>, vector<16xi32>,
        %add3A_611 = arith.addi %gather3A_602, %unique3A_601 : vector<16xi32>
        tpu.vector_store_idx %arg10[%and3A_597], %add3A_611 masked %unique3A_600 : memref<1024xi32, #tpu.memory_space<vmem>>[vector<16xi32>], vector<16xi32>, vector<16xi1>
        %mul3A_612 = arith.constant 8 : i32
        %mul3A_613 = arith.muli %scan3A_445, %mul3A_612 : i32
        %add3A_614 = arith.constant 6 : i32
        %add3A_615 = arith.addi %mul3A_613, %add3A_614 : i32
        %mul3A_616 = arith.constant 16 : i32
        %mul3A_617 = arith.muli %add3A_615, %mul3A_616 : i32
        %get3A_618 = arith.index_cast %mul3A_617 : i32 to index
        %get3A_619 = tpu.vector_load %arg5[%get3A_618] {strides = array<i32>} : memref<6272xi32, #tpu.memory_space<vmem>>, vector<16xi32>,
        %shift_right_arithmetic3A_620 = arith.constant 0 : i32
        %shift_right_arithmetic3A_621 = vector.broadcast %shift_right_arithmetic3A_620 : i32 to vector<16xi32>
        %shift_right_arithmetic3A_622 = arith.shrsi %get3A_619, %shift_right_arithmetic3A_621 : vector<16xi32>
        %and3A_623 = arith.constant 1023 : i32
        %and3A_624 = vector.broadcast %and3A_623 : i32 to vector<16xi32>
        %and3A_625 = arith.andi %shift_right_arithmetic3A_622, %and3A_624 : vector<16xi32>
        %broadcast_in_dim3A_626 = arith.constant true
        %broadcast_in_dim3A_627 = vector.broadcast %broadcast_in_dim3A_626 : i1 to vector<16xi1>
        %unique3A_628, %unique3A_629 = tpu.scan_count mask(%broadcast_in_dim3A_627 : vector<16xi1>) value(%and3A_625 : vector<16xi32>) : vector<16xi1>, vector<16xi32>
        %gather3A_630 = tpu.vector_load_idx %arg10[%and3A_625] : memref<1024xi32, #tpu.memory_space<vmem>>[vector<16xi32>], vector<16xi32>,
        %add3A_631 = arith.addi %gather3A_630, %unique3A_629 : vector<16xi32>
        %sub3A_632 = arith.constant 1 : i32
        %sub3A_633 = vector.broadcast %sub3A_632 : i32 to vector<16xi32>
        %sub3A_634 = arith.subi %add3A_631, %sub3A_633 : vector<16xi32>
        %mul3A_635 = arith.constant 16 : i32
        %mul3A_636 = arith.muli %add3A_615, %mul3A_635 : i32
        %swap3A_637 = arith.index_cast %mul3A_636 : i32 to index
        %swap3A_638 = tpu.vector_load %arg8[%swap3A_637] {strides = array<i32>} : memref<6272xi32, #tpu.memory_space<vmem>>, vector<16xi32>,
        tpu.vector_store %arg8[%swap3A_637], %sub3A_634 {strides = array<i32>} : memref<6272xi32, #tpu.memory_space<vmem>>, vector<16xi32>,
        %add3A_639 = arith.addi %gather3A_630, %unique3A_629 : vector<16xi32>
        tpu.vector_store_idx %arg10[%and3A_625], %add3A_639 masked %unique3A_628 : memref<1024xi32, #tpu.memory_space<vmem>>[vector<16xi32>], vector<16xi32>, vector<16xi1>
        %mul3A_640 = arith.constant 8 : i32
        %mul3A_641 = arith.muli %scan3A_445, %mul3A_640 : i32
        %add3A_642 = arith.constant 7 : i32
        %add3A_643 = arith.addi %mul3A_641, %add3A_642 : i32
        %mul3A_644 = arith.constant 16 : i32
        %mul3A_645 = arith.muli %add3A_643, %mul3A_644 : i32
        %get3A_646 = arith.index_cast %mul3A_645 : i32 to index
        %get3A_647 = tpu.vector_load %arg5[%get3A_646] {strides = array<i32>} : memref<6272xi32, #tpu.memory_space<vmem>>, vector<16xi32>,
        %shift_right_arithmetic3A_648 = arith.constant 0 : i32
        %shift_right_arithmetic3A_649 = vector.broadcast %shift_right_arithmetic3A_648 : i32 to vector<16xi32>
        %shift_right_arithmetic3A_650 = arith.shrsi %get3A_647, %shift_right_arithmetic3A_649 : vector<16xi32>
        %and3A_651 = arith.constant 1023 : i32
        %and3A_652 = vector.broadcast %and3A_651 : i32 to vector<16xi32>
        %and3A_653 = arith.andi %shift_right_arithmetic3A_650, %and3A_652 : vector<16xi32>
        %broadcast_in_dim3A_654 = arith.constant true
        %broadcast_in_dim3A_655 = vector.broadcast %broadcast_in_dim3A_654 : i1 to vector<16xi1>
        %unique3A_656, %unique3A_657 = tpu.scan_count mask(%broadcast_in_dim3A_655 : vector<16xi1>) value(%and3A_653 : vector<16xi32>) : vector<16xi1>, vector<16xi32>
        %gather3A_658 = tpu.vector_load_idx %arg10[%and3A_653] : memref<1024xi32, #tpu.memory_space<vmem>>[vector<16xi32>], vector<16xi32>,
        %add3A_659 = arith.addi %gather3A_658, %unique3A_657 : vector<16xi32>
        %sub3A_660 = arith.constant 1 : i32
        %sub3A_661 = vector.broadcast %sub3A_660 : i32 to vector<16xi32>
        %sub3A_662 = arith.subi %add3A_659, %sub3A_661 : vector<16xi32>
        %mul3A_663 = arith.constant 16 : i32
        %mul3A_664 = arith.muli %add3A_643, %mul3A_663 : i32
        %swap3A_665 = arith.index_cast %mul3A_664 : i32 to index
        %swap3A_666 = tpu.vector_load %arg8[%swap3A_665] {strides = array<i32>} : memref<6272xi32, #tpu.memory_space<vmem>>, vector<16xi32>,
        tpu.vector_store %arg8[%swap3A_665], %sub3A_662 {strides = array<i32>} : memref<6272xi32, #tpu.memory_space<vmem>>, vector<16xi32>,
        %add3A_667 = arith.addi %gather3A_658, %unique3A_657 : vector<16xi32>
        tpu.vector_store_idx %arg10[%and3A_653], %add3A_667 masked %unique3A_656 : memref<1024xi32, #tpu.memory_space<vmem>>[vector<16xi32>], vector<16xi32>, vector<16xi1>
        %scan3A_668 = arith.constant 0 : i32
        scf.yield %scan3A_668 : i32
      }
      %scan3A_66 = arith.constant 49 : i32
      %dma_start3A = arith.constant 0 : i32
      %dma_start3A_67 = tpu.memref_slice %arg15[%dma_start3A] : memref<100352xi32, #tpu.memory_space<vmem_shared>> -> memref<100352xi32, #tpu.memory_space<vmem_shared>>
      tpu.enqueue_indirect_dma source(%arg5 : memref<6272xi32, #tpu.memory_space<vmem>>) target(%dma_start3A_67 : memref<100352xi32, #tpu.memory_space<vmem_shared>>) offsets(%arg8 : memref<6272xi32, #tpu.memory_space<vmem>>) semaphore(%arg20 : memref<!tpu.dma_semaphore, #tpu.memory_space<semaphore_mem>>)
      %dma_wait3A = arith.constant 0 : i32
      %dma_wait3A_68 = tpu.memref_slice %arg15[%dma_wait3A] : memref<100352xi32, #tpu.memory_space<vmem_shared>> -> memref<100352xi32, #tpu.memory_space<vmem_shared>>
      tpu.wait_indirect_dma semaphore(%arg20 : memref<!tpu.dma_semaphore, #tpu.memory_space<semaphore_mem>>) src(%arg5 : memref<6272xi32, #tpu.memory_space<vmem>>) dst(%dma_wait3A_68 : memref<100352xi32, #tpu.memory_space<vmem_shared>>)
      %barrier3A_69 = arith.constant 0 : index
      tpu.barrier barrier_id(%barrier3A_69)
      %scan3A_70 = arith.constant 0 : i32
      %scan3A_71 = arith.constant 0 : i32
      %scan3A_72 = arith.constant 1024 : i32
      %scan3A_73 = arith.addi %scan3A_71, %scan3A_72 : i32
      %scan3A_74 = arith.constant 1 : i32
      %scan3A_75 = scf.for %scan3A_445 = %scan3A_71 to %scan3A_73 step %scan3A_74 iter_args(%scan3A_446 = %scan3A_70) -> (i32)  : i32 {
        %broadcast_in_dim3A_447 = arith.constant 0 : i32
        %broadcast_in_dim3A_448 = vector.broadcast %broadcast_in_dim3A_447 : i32 to vector<16xi32>
        %mul3A_449 = arith.constant 16 : i32
        %mul3A_450 = arith.muli %scan3A_445, %mul3A_449 : i32
        %swap3A_451 = arith.index_cast %mul3A_450 : i32 to index
        %swap3A_452 = tpu.vector_load %arg9[%swap3A_451] {strides = array<i32>} : memref<16384xi32, #tpu.memory_space<vmem>>, vector<16xi32>,
        tpu.vector_store %arg9[%swap3A_451], %broadcast_in_dim3A_448 {strides = array<i32>} : memref<16384xi32, #tpu.memory_space<vmem>>, vector<16xi32>,
        %scan3A_453 = arith.constant 0 : i32
        scf.yield %scan3A_453 : i32
      }
      %scan3A_76 = arith.constant 1024 : i32
      %mul3A_77 = arith.constant 6272 : i32
      %mul3A_78 = arith.muli %arg1, %mul3A_77 : i32
      "tpu.region"() ({
        %run_scoped3A = tpu.sem_alloc : memref<!tpu.dma_semaphore, #tpu.memory_space<semaphore_mem>>
        %dma_start3A_445 = tpu.memref_slice %arg15[%mul3A_78] : memref<100352xi32, #tpu.memory_space<vmem_shared>> -> memref<6272xi32, #tpu.memory_space<vmem_shared>>
        %dma_start3A_446 = tpu.memref_slice %arg15[%mul3A_78] : memref<100352xi32, #tpu.memory_space<vmem_shared>> -> memref<6272xi32, #tpu.memory_space<vmem_shared>>
        tpu.enqueue_dma source(%dma_start3A_446 : memref<6272xi32, #tpu.memory_space<vmem_shared>>) target(%arg5 : memref<6272xi32, #tpu.memory_space<vmem>>) target_semaphore(%run_scoped3A : memref<!tpu.dma_semaphore, #tpu.memory_space<semaphore_mem>>)
        %dma_wait3A_447 = tpu.memref_slice %arg15[%mul3A_78] : memref<100352xi32, #tpu.memory_space<vmem_shared>> -> memref<6272xi32, #tpu.memory_space<vmem_shared>>
        %dma_wait3A_448 = tpu.memref_slice %arg15[%mul3A_78] : memref<100352xi32, #tpu.memory_space<vmem_shared>> -> memref<6272xi32, #tpu.memory_space<vmem_shared>>
        tpu.wait_dma2 semaphore(%run_scoped3A : memref<!tpu.dma_semaphore, #tpu.memory_space<semaphore_mem>>) src(%dma_wait3A_448 : memref<6272xi32, #tpu.memory_space<vmem_shared>>) dst(%arg5 : memref<6272xi32, #tpu.memory_space<vmem>>)
        tpu.yield
      }) : () -> ()
      %scan3A_79 = arith.constant 0 : i32
      %scan3A_80 = arith.constant 0 : i32
      %scan3A_81 = arith.constant 49 : i32
      %scan3A_82 = arith.addi %scan3A_80, %scan3A_81 : i32
      %scan3A_83 = arith.constant 1 : i32
      %scan3A_84 = scf.for %scan3A_445 = %scan3A_80 to %scan3A_82 step %scan3A_83 iter_args(%scan3A_446 = %scan3A_79) -> (i32)  : i32 {
        %mul3A_447 = arith.constant 8 : i32
        %mul3A_448 = arith.muli %scan3A_445, %mul3A_447 : i32
        %add3A_449 = arith.constant 0 : i32
        %add3A_450 = arith.addi %mul3A_448, %add3A_449 : i32
        %mul3A_451 = arith.constant 16 : i32
        %mul3A_452 = arith.muli %add3A_450, %mul3A_451 : i32
        %get3A = arith.index_cast %mul3A_452 : i32 to index
        %get3A_453 = tpu.vector_load %arg5[%get3A] {strides = array<i32>} : memref<6272xi32, #tpu.memory_space<vmem>>, vector<16xi32>,
        %shift_right_arithmetic3A = arith.constant 10 : i32
        %shift_right_arithmetic3A_454 = vector.broadcast %shift_right_arithmetic3A : i32 to vector<16xi32>
        %shift_right_arithmetic3A_455 = arith.shrsi %get3A_453, %shift_right_arithmetic3A_454 : vector<16xi32>
        %and3A_456 = arith.constant 1023 : i32
        %and3A_457 = vector.broadcast %and3A_456 : i32 to vector<16xi32>
        %and3A_458 = arith.andi %shift_right_arithmetic3A_455, %and3A_457 : vector<16xi32>
        %iota3A_459 = tpu.iota {dimensions = array<i32: 0>} : vector<16xi32>
        %mul3A_460 = arith.constant 1024 : i32
        %mul3A_461 = vector.broadcast %mul3A_460 : i32 to vector<16xi32>
        %mul3A_462 = arith.muli %iota3A_459, %mul3A_461 : vector<16xi32>
        %add3A_463 = arith.addi %and3A_458, %mul3A_462 : vector<16xi32>
        %gather3A_464 = tpu.vector_load_idx %arg9[%add3A_463] : memref<16384xi32, #tpu.memory_space<vmem>>[vector<16xi32>], vector<16xi32>,
        %add3A_465 = arith.constant 1 : i32
        %add3A_466 = vector.broadcast %add3A_465 : i32 to vector<16xi32>
        %add3A_467 = arith.addi %gather3A_464, %add3A_466 : vector<16xi32>
        tpu.vector_store_idx %arg9[%add3A_463], %add3A_467 : memref<16384xi32, #tpu.memory_space<vmem>>[vector<16xi32>], vector<16xi32>,
        %mul3A_468 = arith.constant 8 : i32
        %mul3A_469 = arith.muli %scan3A_445, %mul3A_468 : i32
        %add3A_470 = arith.constant 1 : i32
        %add3A_471 = arith.addi %mul3A_469, %add3A_470 : i32
        %mul3A_472 = arith.constant 16 : i32
        %mul3A_473 = arith.muli %add3A_471, %mul3A_472 : i32
        %get3A_474 = arith.index_cast %mul3A_473 : i32 to index
        %get3A_475 = tpu.vector_load %arg5[%get3A_474] {strides = array<i32>} : memref<6272xi32, #tpu.memory_space<vmem>>, vector<16xi32>,
        %shift_right_arithmetic3A_476 = arith.constant 10 : i32
        %shift_right_arithmetic3A_477 = vector.broadcast %shift_right_arithmetic3A_476 : i32 to vector<16xi32>
        %shift_right_arithmetic3A_478 = arith.shrsi %get3A_475, %shift_right_arithmetic3A_477 : vector<16xi32>
        %and3A_479 = arith.constant 1023 : i32
        %and3A_480 = vector.broadcast %and3A_479 : i32 to vector<16xi32>
        %and3A_481 = arith.andi %shift_right_arithmetic3A_478, %and3A_480 : vector<16xi32>
        %iota3A_482 = tpu.iota {dimensions = array<i32: 0>} : vector<16xi32>
        %mul3A_483 = arith.constant 1024 : i32
        %mul3A_484 = vector.broadcast %mul3A_483 : i32 to vector<16xi32>
        %mul3A_485 = arith.muli %iota3A_482, %mul3A_484 : vector<16xi32>
        %add3A_486 = arith.addi %and3A_481, %mul3A_485 : vector<16xi32>
        %gather3A_487 = tpu.vector_load_idx %arg9[%add3A_486] : memref<16384xi32, #tpu.memory_space<vmem>>[vector<16xi32>], vector<16xi32>,
        %add3A_488 = arith.constant 1 : i32
        %add3A_489 = vector.broadcast %add3A_488 : i32 to vector<16xi32>
        %add3A_490 = arith.addi %gather3A_487, %add3A_489 : vector<16xi32>
        tpu.vector_store_idx %arg9[%add3A_486], %add3A_490 : memref<16384xi32, #tpu.memory_space<vmem>>[vector<16xi32>], vector<16xi32>,
        %mul3A_491 = arith.constant 8 : i32
        %mul3A_492 = arith.muli %scan3A_445, %mul3A_491 : i32
        %add3A_493 = arith.constant 2 : i32
        %add3A_494 = arith.addi %mul3A_492, %add3A_493 : i32
        %mul3A_495 = arith.constant 16 : i32
        %mul3A_496 = arith.muli %add3A_494, %mul3A_495 : i32
        %get3A_497 = arith.index_cast %mul3A_496 : i32 to index
        %get3A_498 = tpu.vector_load %arg5[%get3A_497] {strides = array<i32>} : memref<6272xi32, #tpu.memory_space<vmem>>, vector<16xi32>,
        %shift_right_arithmetic3A_499 = arith.constant 10 : i32
        %shift_right_arithmetic3A_500 = vector.broadcast %shift_right_arithmetic3A_499 : i32 to vector<16xi32>
        %shift_right_arithmetic3A_501 = arith.shrsi %get3A_498, %shift_right_arithmetic3A_500 : vector<16xi32>
        %and3A_502 = arith.constant 1023 : i32
        %and3A_503 = vector.broadcast %and3A_502 : i32 to vector<16xi32>
        %and3A_504 = arith.andi %shift_right_arithmetic3A_501, %and3A_503 : vector<16xi32>
        %iota3A_505 = tpu.iota {dimensions = array<i32: 0>} : vector<16xi32>
        %mul3A_506 = arith.constant 1024 : i32
        %mul3A_507 = vector.broadcast %mul3A_506 : i32 to vector<16xi32>
        %mul3A_508 = arith.muli %iota3A_505, %mul3A_507 : vector<16xi32>
        %add3A_509 = arith.addi %and3A_504, %mul3A_508 : vector<16xi32>
        %gather3A_510 = tpu.vector_load_idx %arg9[%add3A_509] : memref<16384xi32, #tpu.memory_space<vmem>>[vector<16xi32>], vector<16xi32>,
        %add3A_511 = arith.constant 1 : i32
        %add3A_512 = vector.broadcast %add3A_511 : i32 to vector<16xi32>
        %add3A_513 = arith.addi %gather3A_510, %add3A_512 : vector<16xi32>
        tpu.vector_store_idx %arg9[%add3A_509], %add3A_513 : memref<16384xi32, #tpu.memory_space<vmem>>[vector<16xi32>], vector<16xi32>,
        %mul3A_514 = arith.constant 8 : i32
        %mul3A_515 = arith.muli %scan3A_445, %mul3A_514 : i32
        %add3A_516 = arith.constant 3 : i32
        %add3A_517 = arith.addi %mul3A_515, %add3A_516 : i32
        %mul3A_518 = arith.constant 16 : i32
        %mul3A_519 = arith.muli %add3A_517, %mul3A_518 : i32
        %get3A_520 = arith.index_cast %mul3A_519 : i32 to index
        %get3A_521 = tpu.vector_load %arg5[%get3A_520] {strides = array<i32>} : memref<6272xi32, #tpu.memory_space<vmem>>, vector<16xi32>,
        %shift_right_arithmetic3A_522 = arith.constant 10 : i32
        %shift_right_arithmetic3A_523 = vector.broadcast %shift_right_arithmetic3A_522 : i32 to vector<16xi32>
        %shift_right_arithmetic3A_524 = arith.shrsi %get3A_521, %shift_right_arithmetic3A_523 : vector<16xi32>
        %and3A_525 = arith.constant 1023 : i32
        %and3A_526 = vector.broadcast %and3A_525 : i32 to vector<16xi32>
        %and3A_527 = arith.andi %shift_right_arithmetic3A_524, %and3A_526 : vector<16xi32>
        %iota3A_528 = tpu.iota {dimensions = array<i32: 0>} : vector<16xi32>
        %mul3A_529 = arith.constant 1024 : i32
        %mul3A_530 = vector.broadcast %mul3A_529 : i32 to vector<16xi32>
        %mul3A_531 = arith.muli %iota3A_528, %mul3A_530 : vector<16xi32>
        %add3A_532 = arith.addi %and3A_527, %mul3A_531 : vector<16xi32>
        %gather3A_533 = tpu.vector_load_idx %arg9[%add3A_532] : memref<16384xi32, #tpu.memory_space<vmem>>[vector<16xi32>], vector<16xi32>,
        %add3A_534 = arith.constant 1 : i32
        %add3A_535 = vector.broadcast %add3A_534 : i32 to vector<16xi32>
        %add3A_536 = arith.addi %gather3A_533, %add3A_535 : vector<16xi32>
        tpu.vector_store_idx %arg9[%add3A_532], %add3A_536 : memref<16384xi32, #tpu.memory_space<vmem>>[vector<16xi32>], vector<16xi32>,
        %mul3A_537 = arith.constant 8 : i32
        %mul3A_538 = arith.muli %scan3A_445, %mul3A_537 : i32
        %add3A_539 = arith.constant 4 : i32
        %add3A_540 = arith.addi %mul3A_538, %add3A_539 : i32
        %mul3A_541 = arith.constant 16 : i32
        %mul3A_542 = arith.muli %add3A_540, %mul3A_541 : i32
        %get3A_543 = arith.index_cast %mul3A_542 : i32 to index
        %get3A_544 = tpu.vector_load %arg5[%get3A_543] {strides = array<i32>} : memref<6272xi32, #tpu.memory_space<vmem>>, vector<16xi32>,
        %shift_right_arithmetic3A_545 = arith.constant 10 : i32
        %shift_right_arithmetic3A_546 = vector.broadcast %shift_right_arithmetic3A_545 : i32 to vector<16xi32>
        %shift_right_arithmetic3A_547 = arith.shrsi %get3A_544, %shift_right_arithmetic3A_546 : vector<16xi32>
        %and3A_548 = arith.constant 1023 : i32
        %and3A_549 = vector.broadcast %and3A_548 : i32 to vector<16xi32>
        %and3A_550 = arith.andi %shift_right_arithmetic3A_547, %and3A_549 : vector<16xi32>
        %iota3A_551 = tpu.iota {dimensions = array<i32: 0>} : vector<16xi32>
        %mul3A_552 = arith.constant 1024 : i32
        %mul3A_553 = vector.broadcast %mul3A_552 : i32 to vector<16xi32>
        %mul3A_554 = arith.muli %iota3A_551, %mul3A_553 : vector<16xi32>
        %add3A_555 = arith.addi %and3A_550, %mul3A_554 : vector<16xi32>
        %gather3A_556 = tpu.vector_load_idx %arg9[%add3A_555] : memref<16384xi32, #tpu.memory_space<vmem>>[vector<16xi32>], vector<16xi32>,
        %add3A_557 = arith.constant 1 : i32
        %add3A_558 = vector.broadcast %add3A_557 : i32 to vector<16xi32>
        %add3A_559 = arith.addi %gather3A_556, %add3A_558 : vector<16xi32>
        tpu.vector_store_idx %arg9[%add3A_555], %add3A_559 : memref<16384xi32, #tpu.memory_space<vmem>>[vector<16xi32>], vector<16xi32>,
        %mul3A_560 = arith.constant 8 : i32
        %mul3A_561 = arith.muli %scan3A_445, %mul3A_560 : i32
        %add3A_562 = arith.constant 5 : i32
        %add3A_563 = arith.addi %mul3A_561, %add3A_562 : i32
        %mul3A_564 = arith.constant 16 : i32
        %mul3A_565 = arith.muli %add3A_563, %mul3A_564 : i32
        %get3A_566 = arith.index_cast %mul3A_565 : i32 to index
        %get3A_567 = tpu.vector_load %arg5[%get3A_566] {strides = array<i32>} : memref<6272xi32, #tpu.memory_space<vmem>>, vector<16xi32>,
        %shift_right_arithmetic3A_568 = arith.constant 10 : i32
        %shift_right_arithmetic3A_569 = vector.broadcast %shift_right_arithmetic3A_568 : i32 to vector<16xi32>
        %shift_right_arithmetic3A_570 = arith.shrsi %get3A_567, %shift_right_arithmetic3A_569 : vector<16xi32>
        %and3A_571 = arith.constant 1023 : i32
        %and3A_572 = vector.broadcast %and3A_571 : i32 to vector<16xi32>
        %and3A_573 = arith.andi %shift_right_arithmetic3A_570, %and3A_572 : vector<16xi32>
        %iota3A_574 = tpu.iota {dimensions = array<i32: 0>} : vector<16xi32>
        %mul3A_575 = arith.constant 1024 : i32
        %mul3A_576 = vector.broadcast %mul3A_575 : i32 to vector<16xi32>
        %mul3A_577 = arith.muli %iota3A_574, %mul3A_576 : vector<16xi32>
        %add3A_578 = arith.addi %and3A_573, %mul3A_577 : vector<16xi32>
        %gather3A_579 = tpu.vector_load_idx %arg9[%add3A_578] : memref<16384xi32, #tpu.memory_space<vmem>>[vector<16xi32>], vector<16xi32>,
        %add3A_580 = arith.constant 1 : i32
        %add3A_581 = vector.broadcast %add3A_580 : i32 to vector<16xi32>
        %add3A_582 = arith.addi %gather3A_579, %add3A_581 : vector<16xi32>
        tpu.vector_store_idx %arg9[%add3A_578], %add3A_582 : memref<16384xi32, #tpu.memory_space<vmem>>[vector<16xi32>], vector<16xi32>,
        %mul3A_583 = arith.constant 8 : i32
        %mul3A_584 = arith.muli %scan3A_445, %mul3A_583 : i32
        %add3A_585 = arith.constant 6 : i32
        %add3A_586 = arith.addi %mul3A_584, %add3A_585 : i32
        %mul3A_587 = arith.constant 16 : i32
        %mul3A_588 = arith.muli %add3A_586, %mul3A_587 : i32
        %get3A_589 = arith.index_cast %mul3A_588 : i32 to index
        %get3A_590 = tpu.vector_load %arg5[%get3A_589] {strides = array<i32>} : memref<6272xi32, #tpu.memory_space<vmem>>, vector<16xi32>,
        %shift_right_arithmetic3A_591 = arith.constant 10 : i32
        %shift_right_arithmetic3A_592 = vector.broadcast %shift_right_arithmetic3A_591 : i32 to vector<16xi32>
        %shift_right_arithmetic3A_593 = arith.shrsi %get3A_590, %shift_right_arithmetic3A_592 : vector<16xi32>
        %and3A_594 = arith.constant 1023 : i32
        %and3A_595 = vector.broadcast %and3A_594 : i32 to vector<16xi32>
        %and3A_596 = arith.andi %shift_right_arithmetic3A_593, %and3A_595 : vector<16xi32>
        %iota3A_597 = tpu.iota {dimensions = array<i32: 0>} : vector<16xi32>
        %mul3A_598 = arith.constant 1024 : i32
        %mul3A_599 = vector.broadcast %mul3A_598 : i32 to vector<16xi32>
        %mul3A_600 = arith.muli %iota3A_597, %mul3A_599 : vector<16xi32>
        %add3A_601 = arith.addi %and3A_596, %mul3A_600 : vector<16xi32>
        %gather3A_602 = tpu.vector_load_idx %arg9[%add3A_601] : memref<16384xi32, #tpu.memory_space<vmem>>[vector<16xi32>], vector<16xi32>,
        %add3A_603 = arith.constant 1 : i32
        %add3A_604 = vector.broadcast %add3A_603 : i32 to vector<16xi32>
        %add3A_605 = arith.addi %gather3A_602, %add3A_604 : vector<16xi32>
        tpu.vector_store_idx %arg9[%add3A_601], %add3A_605 : memref<16384xi32, #tpu.memory_space<vmem>>[vector<16xi32>], vector<16xi32>,
        %mul3A_606 = arith.constant 8 : i32
        %mul3A_607 = arith.muli %scan3A_445, %mul3A_606 : i32
        %add3A_608 = arith.constant 7 : i32
        %add3A_609 = arith.addi %mul3A_607, %add3A_608 : i32
        %mul3A_610 = arith.constant 16 : i32
        %mul3A_611 = arith.muli %add3A_609, %mul3A_610 : i32
        %get3A_612 = arith.index_cast %mul3A_611 : i32 to index
        %get3A_613 = tpu.vector_load %arg5[%get3A_612] {strides = array<i32>} : memref<6272xi32, #tpu.memory_space<vmem>>, vector<16xi32>,
        %shift_right_arithmetic3A_614 = arith.constant 10 : i32
        %shift_right_arithmetic3A_615 = vector.broadcast %shift_right_arithmetic3A_614 : i32 to vector<16xi32>
        %shift_right_arithmetic3A_616 = arith.shrsi %get3A_613, %shift_right_arithmetic3A_615 : vector<16xi32>
        %and3A_617 = arith.constant 1023 : i32
        %and3A_618 = vector.broadcast %and3A_617 : i32 to vector<16xi32>
        %and3A_619 = arith.andi %shift_right_arithmetic3A_616, %and3A_618 : vector<16xi32>
        %iota3A_620 = tpu.iota {dimensions = array<i32: 0>} : vector<16xi32>
        %mul3A_621 = arith.constant 1024 : i32
        %mul3A_622 = vector.broadcast %mul3A_621 : i32 to vector<16xi32>
        %mul3A_623 = arith.muli %iota3A_620, %mul3A_622 : vector<16xi32>
        %add3A_624 = arith.addi %and3A_619, %mul3A_623 : vector<16xi32>
        %gather3A_625 = tpu.vector_load_idx %arg9[%add3A_624] : memref<16384xi32, #tpu.memory_space<vmem>>[vector<16xi32>], vector<16xi32>,
        %add3A_626 = arith.constant 1 : i32
        %add3A_627 = vector.broadcast %add3A_626 : i32 to vector<16xi32>
        %add3A_628 = arith.addi %gather3A_625, %add3A_627 : vector<16xi32>
        tpu.vector_store_idx %arg9[%add3A_624], %add3A_628 : memref<16384xi32, #tpu.memory_space<vmem>>[vector<16xi32>], vector<16xi32>,
        %scan3A_629 = arith.constant 0 : i32
        scf.yield %scan3A_629 : i32
      }
      %scan3A_85 = arith.constant 49 : i32
      %scan3A_86 = arith.constant 0 : i32
      %scan3A_87 = arith.constant 0 : i32
      %scan3A_88 = arith.constant 64 : i32
      %scan3A_89 = arith.addi %scan3A_87, %scan3A_88 : i32
      %scan3A_90 = arith.constant 1 : i32
      %scan3A_91 = scf.for %scan3A_445 = %scan3A_87 to %scan3A_89 step %scan3A_90 iter_args(%scan3A_446 = %scan3A_86) -> (i32)  : i32 {
        %mul3A_447 = arith.constant 16 : i32
        %mul3A_448 = arith.muli %scan3A_445, %mul3A_447 : i32
        %get3A = arith.index_cast %mul3A_448 : i32 to index
        %get3A_449 = tpu.vector_load %arg9[%get3A] {strides = array<i32>} : memref<16384xi32, #tpu.memory_space<vmem>>, vector<16xi32>,
        %mul3A_450 = arith.constant 16 : i32
        %mul3A_451 = arith.muli %scan3A_445, %mul3A_450 : i32
        %add3A_452 = arith.constant 1024 : i32
        %add3A_453 = arith.addi %add3A_452, %mul3A_451 : i32
        %get3A_454 = arith.index_cast %add3A_453 : i32 to index
        %get3A_455 = tpu.vector_load %arg9[%get3A_454] {strides = array<i32>} : memref<16384xi32, #tpu.memory_space<vmem>>, vector<16xi32>,
        %add3A_456 = arith.addi %get3A_449, %get3A_455 : vector<16xi32>
        %mul3A_457 = arith.constant 16 : i32
        %mul3A_458 = arith.muli %scan3A_445, %mul3A_457 : i32
        %add3A_459 = arith.constant 2048 : i32
        %add3A_460 = arith.addi %add3A_459, %mul3A_458 : i32
        %get3A_461 = arith.index_cast %add3A_460 : i32 to index
        %get3A_462 = tpu.vector_load %arg9[%get3A_461] {strides = array<i32>} : memref<16384xi32, #tpu.memory_space<vmem>>, vector<16xi32>,
        %add3A_463 = arith.addi %add3A_456, %get3A_462 : vector<16xi32>
        %mul3A_464 = arith.constant 16 : i32
        %mul3A_465 = arith.muli %scan3A_445, %mul3A_464 : i32
        %add3A_466 = arith.constant 3072 : i32
        %add3A_467 = arith.addi %add3A_466, %mul3A_465 : i32
        %get3A_468 = arith.index_cast %add3A_467 : i32 to index
        %get3A_469 = tpu.vector_load %arg9[%get3A_468] {strides = array<i32>} : memref<16384xi32, #tpu.memory_space<vmem>>, vector<16xi32>,
        %add3A_470 = arith.addi %add3A_463, %get3A_469 : vector<16xi32>
        %mul3A_471 = arith.constant 16 : i32
        %mul3A_472 = arith.muli %scan3A_445, %mul3A_471 : i32
        %add3A_473 = arith.constant 4096 : i32
        %add3A_474 = arith.addi %add3A_473, %mul3A_472 : i32
        %get3A_475 = arith.index_cast %add3A_474 : i32 to index
        %get3A_476 = tpu.vector_load %arg9[%get3A_475] {strides = array<i32>} : memref<16384xi32, #tpu.memory_space<vmem>>, vector<16xi32>,
        %add3A_477 = arith.addi %add3A_470, %get3A_476 : vector<16xi32>
        %mul3A_478 = arith.constant 16 : i32
        %mul3A_479 = arith.muli %scan3A_445, %mul3A_478 : i32
        %add3A_480 = arith.constant 5120 : i32
        %add3A_481 = arith.addi %add3A_480, %mul3A_479 : i32
        %get3A_482 = arith.index_cast %add3A_481 : i32 to index
        %get3A_483 = tpu.vector_load %arg9[%get3A_482] {strides = array<i32>} : memref<16384xi32, #tpu.memory_space<vmem>>, vector<16xi32>,
        %add3A_484 = arith.addi %add3A_477, %get3A_483 : vector<16xi32>
        %mul3A_485 = arith.constant 16 : i32
        %mul3A_486 = arith.muli %scan3A_445, %mul3A_485 : i32
        %add3A_487 = arith.constant 6144 : i32
        %add3A_488 = arith.addi %add3A_487, %mul3A_486 : i32
        %get3A_489 = arith.index_cast %add3A_488 : i32 to index
        %get3A_490 = tpu.vector_load %arg9[%get3A_489] {strides = array<i32>} : memref<16384xi32, #tpu.memory_space<vmem>>, vector<16xi32>,
        %add3A_491 = arith.addi %add3A_484, %get3A_490 : vector<16xi32>
        %mul3A_492 = arith.constant 16 : i32
        %mul3A_493 = arith.muli %scan3A_445, %mul3A_492 : i32
        %add3A_494 = arith.constant 7168 : i32
        %add3A_495 = arith.addi %add3A_494, %mul3A_493 : i32
        %get3A_496 = arith.index_cast %add3A_495 : i32 to index
        %get3A_497 = tpu.vector_load %arg9[%get3A_496] {strides = array<i32>} : memref<16384xi32, #tpu.memory_space<vmem>>, vector<16xi32>,
        %add3A_498 = arith.addi %add3A_491, %get3A_497 : vector<16xi32>
        %mul3A_499 = arith.constant 16 : i32
        %mul3A_500 = arith.muli %scan3A_445, %mul3A_499 : i32
        %add3A_501 = arith.constant 8192 : i32
        %add3A_502 = arith.addi %add3A_501, %mul3A_500 : i32
        %get3A_503 = arith.index_cast %add3A_502 : i32 to index
        %get3A_504 = tpu.vector_load %arg9[%get3A_503] {strides = array<i32>} : memref<16384xi32, #tpu.memory_space<vmem>>, vector<16xi32>,
        %add3A_505 = arith.addi %add3A_498, %get3A_504 : vector<16xi32>
        %mul3A_506 = arith.constant 16 : i32
        %mul3A_507 = arith.muli %scan3A_445, %mul3A_506 : i32
        %add3A_508 = arith.constant 9216 : i32
        %add3A_509 = arith.addi %add3A_508, %mul3A_507 : i32
        %get3A_510 = arith.index_cast %add3A_509 : i32 to index
        %get3A_511 = tpu.vector_load %arg9[%get3A_510] {strides = array<i32>} : memref<16384xi32, #tpu.memory_space<vmem>>, vector<16xi32>,
        %add3A_512 = arith.addi %add3A_505, %get3A_511 : vector<16xi32>
        %mul3A_513 = arith.constant 16 : i32
        %mul3A_514 = arith.muli %scan3A_445, %mul3A_513 : i32
        %add3A_515 = arith.constant 10240 : i32
        %add3A_516 = arith.addi %add3A_515, %mul3A_514 : i32
        %get3A_517 = arith.index_cast %add3A_516 : i32 to index
        %get3A_518 = tpu.vector_load %arg9[%get3A_517] {strides = array<i32>} : memref<16384xi32, #tpu.memory_space<vmem>>, vector<16xi32>,
        %add3A_519 = arith.addi %add3A_512, %get3A_518 : vector<16xi32>
        %mul3A_520 = arith.constant 16 : i32
        %mul3A_521 = arith.muli %scan3A_445, %mul3A_520 : i32
        %add3A_522 = arith.constant 11264 : i32
        %add3A_523 = arith.addi %add3A_522, %mul3A_521 : i32
        %get3A_524 = arith.index_cast %add3A_523 : i32 to index
        %get3A_525 = tpu.vector_load %arg9[%get3A_524] {strides = array<i32>} : memref<16384xi32, #tpu.memory_space<vmem>>, vector<16xi32>,
        %add3A_526 = arith.addi %add3A_519, %get3A_525 : vector<16xi32>
        %mul3A_527 = arith.constant 16 : i32
        %mul3A_528 = arith.muli %scan3A_445, %mul3A_527 : i32
        %add3A_529 = arith.constant 12288 : i32
        %add3A_530 = arith.addi %add3A_529, %mul3A_528 : i32
        %get3A_531 = arith.index_cast %add3A_530 : i32 to index
        %get3A_532 = tpu.vector_load %arg9[%get3A_531] {strides = array<i32>} : memref<16384xi32, #tpu.memory_space<vmem>>, vector<16xi32>,
        %add3A_533 = arith.addi %add3A_526, %get3A_532 : vector<16xi32>
        %mul3A_534 = arith.constant 16 : i32
        %mul3A_535 = arith.muli %scan3A_445, %mul3A_534 : i32
        %add3A_536 = arith.constant 13312 : i32
        %add3A_537 = arith.addi %add3A_536, %mul3A_535 : i32
        %get3A_538 = arith.index_cast %add3A_537 : i32 to index
        %get3A_539 = tpu.vector_load %arg9[%get3A_538] {strides = array<i32>} : memref<16384xi32, #tpu.memory_space<vmem>>, vector<16xi32>,
        %add3A_540 = arith.addi %add3A_533, %get3A_539 : vector<16xi32>
        %mul3A_541 = arith.constant 16 : i32
        %mul3A_542 = arith.muli %scan3A_445, %mul3A_541 : i32
        %add3A_543 = arith.constant 14336 : i32
        %add3A_544 = arith.addi %add3A_543, %mul3A_542 : i32
        %get3A_545 = arith.index_cast %add3A_544 : i32 to index
        %get3A_546 = tpu.vector_load %arg9[%get3A_545] {strides = array<i32>} : memref<16384xi32, #tpu.memory_space<vmem>>, vector<16xi32>,
        %add3A_547 = arith.addi %add3A_540, %get3A_546 : vector<16xi32>
        %mul3A_548 = arith.constant 16 : i32
        %mul3A_549 = arith.muli %scan3A_445, %mul3A_548 : i32
        %add3A_550 = arith.constant 15360 : i32
        %add3A_551 = arith.addi %add3A_550, %mul3A_549 : i32
        %get3A_552 = arith.index_cast %add3A_551 : i32 to index
        %get3A_553 = tpu.vector_load %arg9[%get3A_552] {strides = array<i32>} : memref<16384xi32, #tpu.memory_space<vmem>>, vector<16xi32>,
        %add3A_554 = arith.addi %add3A_547, %get3A_553 : vector<16xi32>
        %mul3A_555 = arith.constant 16 : i32
        %mul3A_556 = arith.muli %scan3A_445, %mul3A_555 : i32
        %swap3A_557 = arith.index_cast %mul3A_556 : i32 to index
        %swap3A_558 = tpu.vector_load %arg10[%swap3A_557] {strides = array<i32>} : memref<1024xi32, #tpu.memory_space<vmem>>, vector<16xi32>,
        tpu.vector_store %arg10[%swap3A_557], %add3A_554 {strides = array<i32>} : memref<1024xi32, #tpu.memory_space<vmem>>, vector<16xi32>,
        %scan3A_559 = arith.constant 0 : i32
        scf.yield %scan3A_559 : i32
      }
      %scan3A_92 = arith.constant 64 : i32
      %mul3A_93 = arith.constant 1024 : i32
      %mul3A_94 = arith.muli %arg1, %mul3A_93 : i32
      "tpu.region"() ({
        %run_scoped3A = tpu.sem_alloc : memref<!tpu.dma_semaphore, #tpu.memory_space<semaphore_mem>>
        %dma_start3A_445 = tpu.memref_slice %arg17[%mul3A_94] : memref<16384xi32, #tpu.memory_space<vmem_shared>> -> memref<1024xi32, #tpu.memory_space<vmem_shared>>
        %dma_start3A_446 = tpu.memref_slice %arg17[%mul3A_94] : memref<16384xi32, #tpu.memory_space<vmem_shared>> -> memref<1024xi32, #tpu.memory_space<vmem_shared>>
        tpu.enqueue_dma source(%arg10 : memref<1024xi32, #tpu.memory_space<vmem>>) target(%dma_start3A_446 : memref<1024xi32, #tpu.memory_space<vmem_shared>>) target_semaphore(%run_scoped3A : memref<!tpu.dma_semaphore, #tpu.memory_space<semaphore_mem>>)
        %dma_wait3A_447 = tpu.memref_slice %arg17[%mul3A_94] : memref<16384xi32, #tpu.memory_space<vmem_shared>> -> memref<1024xi32, #tpu.memory_space<vmem_shared>>
        %dma_wait3A_448 = tpu.memref_slice %arg17[%mul3A_94] : memref<16384xi32, #tpu.memory_space<vmem_shared>> -> memref<1024xi32, #tpu.memory_space<vmem_shared>>
        tpu.wait_dma2 semaphore(%run_scoped3A : memref<!tpu.dma_semaphore, #tpu.memory_space<semaphore_mem>>) src(%arg10 : memref<1024xi32, #tpu.memory_space<vmem>>) dst(%dma_wait3A_448 : memref<1024xi32, #tpu.memory_space<vmem_shared>>)
        tpu.yield
      }) : () -> ()
      %barrier3A_95 = arith.constant 0 : index
      tpu.barrier barrier_id(%barrier3A_95)
      "tpu.region"() ({
        %run_scoped3A = tpu.sem_alloc : memref<!tpu.dma_semaphore, #tpu.memory_space<semaphore_mem>>
        tpu.enqueue_dma source(%arg17 : memref<16384xi32, #tpu.memory_space<vmem_shared>>) target(%arg11 : memref<16384xi32, #tpu.memory_space<vmem>>) target_semaphore(%run_scoped3A : memref<!tpu.dma_semaphore, #tpu.memory_space<semaphore_mem>>)
        tpu.wait_dma2 semaphore(%run_scoped3A : memref<!tpu.dma_semaphore, #tpu.memory_space<semaphore_mem>>) src(%arg17 : memref<16384xi32, #tpu.memory_space<vmem_shared>>) dst(%arg11 : memref<16384xi32, #tpu.memory_space<vmem>>)
        tpu.yield
      }) : () -> ()
      %scan3A_96 = arith.constant 0 : i32
      %scan3A_97 = arith.constant 0 : i32
      %scan3A_98 = arith.constant 64 : i32
      %scan3A_99 = arith.addi %scan3A_97, %scan3A_98 : i32
      %scan3A_100 = arith.constant 1 : i32
      %scan3A_101 = scf.for %scan3A_445 = %scan3A_97 to %scan3A_99 step %scan3A_100 iter_args(%scan3A_446 = %scan3A_96) -> (i32)  : i32 {
        %broadcast_in_dim3A_447 = arith.constant 0 : i32
        %broadcast_in_dim3A_448 = vector.broadcast %broadcast_in_dim3A_447 : i32 to vector<16xi32>
        %broadcast_in_dim3A_449 = arith.constant 0 : i32
        %broadcast_in_dim3A_450 = vector.broadcast %broadcast_in_dim3A_449 : i32 to vector<16xi32>
        %mul3A_451 = arith.constant 16 : i32
        %mul3A_452 = arith.muli %scan3A_445, %mul3A_451 : i32
        %add3A_453 = arith.constant 0 : i32
        %add3A_454 = arith.addi %add3A_453, %mul3A_452 : i32
        %get3A = arith.index_cast %add3A_454 : i32 to index
        %get3A_455 = tpu.vector_load %arg11[%get3A] {strides = array<i32>} : memref<16384xi32, #tpu.memory_space<vmem>>, vector<16xi32>,
        %add3A_456 = arith.addi %broadcast_in_dim3A_448, %get3A_455 : vector<16xi32>
        %gt3A_457 = arith.constant 0 : i32
        %gt3A_458 = arith.cmpi sgt, %arg1, %gt3A_457 : i32
        %jit3A_459 = arith.constant 0 : i32
        %broadcast_in_dim3A_460 = vector.broadcast %jit3A_459 : i32 to vector<16xi32>
        %select_n3A_461 = arith.select %gt3A_458, %get3A_455, %broadcast_in_dim3A_460 : vector<16xi32>
        %add3A_462 = arith.addi %broadcast_in_dim3A_450, %select_n3A_461 : vector<16xi32>
        %mul3A_463 = arith.constant 16 : i32
        %mul3A_464 = arith.muli %scan3A_445, %mul3A_463 : i32
        %add3A_465 = arith.constant 1024 : i32
        %add3A_466 = arith.addi %add3A_465, %mul3A_464 : i32
        %get3A_467 = arith.index_cast %add3A_466 : i32 to index
        %get3A_468 = tpu.vector_load %arg11[%get3A_467] {strides = array<i32>} : memref<16384xi32, #tpu.memory_space<vmem>>, vector<16xi32>,
        %add3A_469 = arith.addi %add3A_456, %get3A_468 : vector<16xi32>
        %gt3A_470 = arith.constant 1 : i32
        %gt3A_471 = arith.cmpi sgt, %arg1, %gt3A_470 : i32
        %jit3A_472 = arith.constant 0 : i32
        %broadcast_in_dim3A_473 = vector.broadcast %jit3A_472 : i32 to vector<16xi32>
        %select_n3A_474 = arith.select %gt3A_471, %get3A_468, %broadcast_in_dim3A_473 : vector<16xi32>
        %add3A_475 = arith.addi %add3A_462, %select_n3A_474 : vector<16xi32>
        %mul3A_476 = arith.constant 16 : i32
        %mul3A_477 = arith.muli %scan3A_445, %mul3A_476 : i32
        %add3A_478 = arith.constant 2048 : i32
        %add3A_479 = arith.addi %add3A_478, %mul3A_477 : i32
        %get3A_480 = arith.index_cast %add3A_479 : i32 to index
        %get3A_481 = tpu.vector_load %arg11[%get3A_480] {strides = array<i32>} : memref<16384xi32, #tpu.memory_space<vmem>>, vector<16xi32>,
        %add3A_482 = arith.addi %add3A_469, %get3A_481 : vector<16xi32>
        %gt3A_483 = arith.constant 2 : i32
        %gt3A_484 = arith.cmpi sgt, %arg1, %gt3A_483 : i32
        %jit3A_485 = arith.constant 0 : i32
        %broadcast_in_dim3A_486 = vector.broadcast %jit3A_485 : i32 to vector<16xi32>
        %select_n3A_487 = arith.select %gt3A_484, %get3A_481, %broadcast_in_dim3A_486 : vector<16xi32>
        %add3A_488 = arith.addi %add3A_475, %select_n3A_487 : vector<16xi32>
        %mul3A_489 = arith.constant 16 : i32
        %mul3A_490 = arith.muli %scan3A_445, %mul3A_489 : i32
        %add3A_491 = arith.constant 3072 : i32
        %add3A_492 = arith.addi %add3A_491, %mul3A_490 : i32
        %get3A_493 = arith.index_cast %add3A_492 : i32 to index
        %get3A_494 = tpu.vector_load %arg11[%get3A_493] {strides = array<i32>} : memref<16384xi32, #tpu.memory_space<vmem>>, vector<16xi32>,
        %add3A_495 = arith.addi %add3A_482, %get3A_494 : vector<16xi32>
        %gt3A_496 = arith.constant 3 : i32
        %gt3A_497 = arith.cmpi sgt, %arg1, %gt3A_496 : i32
        %jit3A_498 = arith.constant 0 : i32
        %broadcast_in_dim3A_499 = vector.broadcast %jit3A_498 : i32 to vector<16xi32>
        %select_n3A_500 = arith.select %gt3A_497, %get3A_494, %broadcast_in_dim3A_499 : vector<16xi32>
        %add3A_501 = arith.addi %add3A_488, %select_n3A_500 : vector<16xi32>
        %mul3A_502 = arith.constant 16 : i32
        %mul3A_503 = arith.muli %scan3A_445, %mul3A_502 : i32
        %add3A_504 = arith.constant 4096 : i32
        %add3A_505 = arith.addi %add3A_504, %mul3A_503 : i32
        %get3A_506 = arith.index_cast %add3A_505 : i32 to index
        %get3A_507 = tpu.vector_load %arg11[%get3A_506] {strides = array<i32>} : memref<16384xi32, #tpu.memory_space<vmem>>, vector<16xi32>,
        %add3A_508 = arith.addi %add3A_495, %get3A_507 : vector<16xi32>
        %gt3A_509 = arith.constant 4 : i32
        %gt3A_510 = arith.cmpi sgt, %arg1, %gt3A_509 : i32
        %jit3A_511 = arith.constant 0 : i32
        %broadcast_in_dim3A_512 = vector.broadcast %jit3A_511 : i32 to vector<16xi32>
        %select_n3A_513 = arith.select %gt3A_510, %get3A_507, %broadcast_in_dim3A_512 : vector<16xi32>
        %add3A_514 = arith.addi %add3A_501, %select_n3A_513 : vector<16xi32>
        %mul3A_515 = arith.constant 16 : i32
        %mul3A_516 = arith.muli %scan3A_445, %mul3A_515 : i32
        %add3A_517 = arith.constant 5120 : i32
        %add3A_518 = arith.addi %add3A_517, %mul3A_516 : i32
        %get3A_519 = arith.index_cast %add3A_518 : i32 to index
        %get3A_520 = tpu.vector_load %arg11[%get3A_519] {strides = array<i32>} : memref<16384xi32, #tpu.memory_space<vmem>>, vector<16xi32>,
        %add3A_521 = arith.addi %add3A_508, %get3A_520 : vector<16xi32>
        %gt3A_522 = arith.constant 5 : i32
        %gt3A_523 = arith.cmpi sgt, %arg1, %gt3A_522 : i32
        %jit3A_524 = arith.constant 0 : i32
        %broadcast_in_dim3A_525 = vector.broadcast %jit3A_524 : i32 to vector<16xi32>
        %select_n3A_526 = arith.select %gt3A_523, %get3A_520, %broadcast_in_dim3A_525 : vector<16xi32>
        %add3A_527 = arith.addi %add3A_514, %select_n3A_526 : vector<16xi32>
        %mul3A_528 = arith.constant 16 : i32
        %mul3A_529 = arith.muli %scan3A_445, %mul3A_528 : i32
        %add3A_530 = arith.constant 6144 : i32
        %add3A_531 = arith.addi %add3A_530, %mul3A_529 : i32
        %get3A_532 = arith.index_cast %add3A_531 : i32 to index
        %get3A_533 = tpu.vector_load %arg11[%get3A_532] {strides = array<i32>} : memref<16384xi32, #tpu.memory_space<vmem>>, vector<16xi32>,
        %add3A_534 = arith.addi %add3A_521, %get3A_533 : vector<16xi32>
        %gt3A_535 = arith.constant 6 : i32
        %gt3A_536 = arith.cmpi sgt, %arg1, %gt3A_535 : i32
        %jit3A_537 = arith.constant 0 : i32
        %broadcast_in_dim3A_538 = vector.broadcast %jit3A_537 : i32 to vector<16xi32>
        %select_n3A_539 = arith.select %gt3A_536, %get3A_533, %broadcast_in_dim3A_538 : vector<16xi32>
        %add3A_540 = arith.addi %add3A_527, %select_n3A_539 : vector<16xi32>
        %mul3A_541 = arith.constant 16 : i32
        %mul3A_542 = arith.muli %scan3A_445, %mul3A_541 : i32
        %add3A_543 = arith.constant 7168 : i32
        %add3A_544 = arith.addi %add3A_543, %mul3A_542 : i32
        %get3A_545 = arith.index_cast %add3A_544 : i32 to index
        %get3A_546 = tpu.vector_load %arg11[%get3A_545] {strides = array<i32>} : memref<16384xi32, #tpu.memory_space<vmem>>, vector<16xi32>,
        %add3A_547 = arith.addi %add3A_534, %get3A_546 : vector<16xi32>
        %gt3A_548 = arith.constant 7 : i32
        %gt3A_549 = arith.cmpi sgt, %arg1, %gt3A_548 : i32
        %jit3A_550 = arith.constant 0 : i32
        %broadcast_in_dim3A_551 = vector.broadcast %jit3A_550 : i32 to vector<16xi32>
        %select_n3A_552 = arith.select %gt3A_549, %get3A_546, %broadcast_in_dim3A_551 : vector<16xi32>
        %add3A_553 = arith.addi %add3A_540, %select_n3A_552 : vector<16xi32>
        %mul3A_554 = arith.constant 16 : i32
        %mul3A_555 = arith.muli %scan3A_445, %mul3A_554 : i32
        %add3A_556 = arith.constant 8192 : i32
        %add3A_557 = arith.addi %add3A_556, %mul3A_555 : i32
        %get3A_558 = arith.index_cast %add3A_557 : i32 to index
        %get3A_559 = tpu.vector_load %arg11[%get3A_558] {strides = array<i32>} : memref<16384xi32, #tpu.memory_space<vmem>>, vector<16xi32>,
        %add3A_560 = arith.addi %add3A_547, %get3A_559 : vector<16xi32>
        %gt3A_561 = arith.constant 8 : i32
        %gt3A_562 = arith.cmpi sgt, %arg1, %gt3A_561 : i32
        %jit3A_563 = arith.constant 0 : i32
        %broadcast_in_dim3A_564 = vector.broadcast %jit3A_563 : i32 to vector<16xi32>
        %select_n3A_565 = arith.select %gt3A_562, %get3A_559, %broadcast_in_dim3A_564 : vector<16xi32>
        %add3A_566 = arith.addi %add3A_553, %select_n3A_565 : vector<16xi32>
        %mul3A_567 = arith.constant 16 : i32
        %mul3A_568 = arith.muli %scan3A_445, %mul3A_567 : i32
        %add3A_569 = arith.constant 9216 : i32
        %add3A_570 = arith.addi %add3A_569, %mul3A_568 : i32
        %get3A_571 = arith.index_cast %add3A_570 : i32 to index
        %get3A_572 = tpu.vector_load %arg11[%get3A_571] {strides = array<i32>} : memref<16384xi32, #tpu.memory_space<vmem>>, vector<16xi32>,
        %add3A_573 = arith.addi %add3A_560, %get3A_572 : vector<16xi32>
        %gt3A_574 = arith.constant 9 : i32
        %gt3A_575 = arith.cmpi sgt, %arg1, %gt3A_574 : i32
        %jit3A_576 = arith.constant 0 : i32
        %broadcast_in_dim3A_577 = vector.broadcast %jit3A_576 : i32 to vector<16xi32>
        %select_n3A_578 = arith.select %gt3A_575, %get3A_572, %broadcast_in_dim3A_577 : vector<16xi32>
        %add3A_579 = arith.addi %add3A_566, %select_n3A_578 : vector<16xi32>
        %mul3A_580 = arith.constant 16 : i32
        %mul3A_581 = arith.muli %scan3A_445, %mul3A_580 : i32
        %add3A_582 = arith.constant 10240 : i32
        %add3A_583 = arith.addi %add3A_582, %mul3A_581 : i32
        %get3A_584 = arith.index_cast %add3A_583 : i32 to index
        %get3A_585 = tpu.vector_load %arg11[%get3A_584] {strides = array<i32>} : memref<16384xi32, #tpu.memory_space<vmem>>, vector<16xi32>,
        %add3A_586 = arith.addi %add3A_573, %get3A_585 : vector<16xi32>
        %gt3A_587 = arith.constant 10 : i32
        %gt3A_588 = arith.cmpi sgt, %arg1, %gt3A_587 : i32
        %jit3A_589 = arith.constant 0 : i32
        %broadcast_in_dim3A_590 = vector.broadcast %jit3A_589 : i32 to vector<16xi32>
        %select_n3A_591 = arith.select %gt3A_588, %get3A_585, %broadcast_in_dim3A_590 : vector<16xi32>
        %add3A_592 = arith.addi %add3A_579, %select_n3A_591 : vector<16xi32>
        %mul3A_593 = arith.constant 16 : i32
        %mul3A_594 = arith.muli %scan3A_445, %mul3A_593 : i32
        %add3A_595 = arith.constant 11264 : i32
        %add3A_596 = arith.addi %add3A_595, %mul3A_594 : i32
        %get3A_597 = arith.index_cast %add3A_596 : i32 to index
        %get3A_598 = tpu.vector_load %arg11[%get3A_597] {strides = array<i32>} : memref<16384xi32, #tpu.memory_space<vmem>>, vector<16xi32>,
        %add3A_599 = arith.addi %add3A_586, %get3A_598 : vector<16xi32>
        %gt3A_600 = arith.constant 11 : i32
        %gt3A_601 = arith.cmpi sgt, %arg1, %gt3A_600 : i32
        %jit3A_602 = arith.constant 0 : i32
        %broadcast_in_dim3A_603 = vector.broadcast %jit3A_602 : i32 to vector<16xi32>
        %select_n3A_604 = arith.select %gt3A_601, %get3A_598, %broadcast_in_dim3A_603 : vector<16xi32>
        %add3A_605 = arith.addi %add3A_592, %select_n3A_604 : vector<16xi32>
        %mul3A_606 = arith.constant 16 : i32
        %mul3A_607 = arith.muli %scan3A_445, %mul3A_606 : i32
        %add3A_608 = arith.constant 12288 : i32
        %add3A_609 = arith.addi %add3A_608, %mul3A_607 : i32
        %get3A_610 = arith.index_cast %add3A_609 : i32 to index
        %get3A_611 = tpu.vector_load %arg11[%get3A_610] {strides = array<i32>} : memref<16384xi32, #tpu.memory_space<vmem>>, vector<16xi32>,
        %add3A_612 = arith.addi %add3A_599, %get3A_611 : vector<16xi32>
        %gt3A_613 = arith.constant 12 : i32
        %gt3A_614 = arith.cmpi sgt, %arg1, %gt3A_613 : i32
        %jit3A_615 = arith.constant 0 : i32
        %broadcast_in_dim3A_616 = vector.broadcast %jit3A_615 : i32 to vector<16xi32>
        %select_n3A_617 = arith.select %gt3A_614, %get3A_611, %broadcast_in_dim3A_616 : vector<16xi32>
        %add3A_618 = arith.addi %add3A_605, %select_n3A_617 : vector<16xi32>
        %mul3A_619 = arith.constant 16 : i32
        %mul3A_620 = arith.muli %scan3A_445, %mul3A_619 : i32
        %add3A_621 = arith.constant 13312 : i32
        %add3A_622 = arith.addi %add3A_621, %mul3A_620 : i32
        %get3A_623 = arith.index_cast %add3A_622 : i32 to index
        %get3A_624 = tpu.vector_load %arg11[%get3A_623] {strides = array<i32>} : memref<16384xi32, #tpu.memory_space<vmem>>, vector<16xi32>,
        %add3A_625 = arith.addi %add3A_612, %get3A_624 : vector<16xi32>
        %gt3A_626 = arith.constant 13 : i32
        %gt3A_627 = arith.cmpi sgt, %arg1, %gt3A_626 : i32
        %jit3A_628 = arith.constant 0 : i32
        %broadcast_in_dim3A_629 = vector.broadcast %jit3A_628 : i32 to vector<16xi32>
        %select_n3A_630 = arith.select %gt3A_627, %get3A_624, %broadcast_in_dim3A_629 : vector<16xi32>
        %add3A_631 = arith.addi %add3A_618, %select_n3A_630 : vector<16xi32>
        %mul3A_632 = arith.constant 16 : i32
        %mul3A_633 = arith.muli %scan3A_445, %mul3A_632 : i32
        %add3A_634 = arith.constant 14336 : i32
        %add3A_635 = arith.addi %add3A_634, %mul3A_633 : i32
        %get3A_636 = arith.index_cast %add3A_635 : i32 to index
        %get3A_637 = tpu.vector_load %arg11[%get3A_636] {strides = array<i32>} : memref<16384xi32, #tpu.memory_space<vmem>>, vector<16xi32>,
        %add3A_638 = arith.addi %add3A_625, %get3A_637 : vector<16xi32>
        %gt3A_639 = arith.constant 14 : i32
        %gt3A_640 = arith.cmpi sgt, %arg1, %gt3A_639 : i32
        %jit3A_641 = arith.constant 0 : i32
        %broadcast_in_dim3A_642 = vector.broadcast %jit3A_641 : i32 to vector<16xi32>
        %select_n3A_643 = arith.select %gt3A_640, %get3A_637, %broadcast_in_dim3A_642 : vector<16xi32>
        %add3A_644 = arith.addi %add3A_631, %select_n3A_643 : vector<16xi32>
        %mul3A_645 = arith.constant 16 : i32
        %mul3A_646 = arith.muli %scan3A_445, %mul3A_645 : i32
        %add3A_647 = arith.constant 15360 : i32
        %add3A_648 = arith.addi %add3A_647, %mul3A_646 : i32
        %get3A_649 = arith.index_cast %add3A_648 : i32 to index
        %get3A_650 = tpu.vector_load %arg11[%get3A_649] {strides = array<i32>} : memref<16384xi32, #tpu.memory_space<vmem>>, vector<16xi32>,
        %add3A_651 = arith.addi %add3A_638, %get3A_650 : vector<16xi32>
        %gt3A_652 = arith.constant 15 : i32
        %gt3A_653 = arith.cmpi sgt, %arg1, %gt3A_652 : i32
        %jit3A_654 = arith.constant 0 : i32
        %broadcast_in_dim3A_655 = vector.broadcast %jit3A_654 : i32 to vector<16xi32>
        %select_n3A_656 = arith.select %gt3A_653, %get3A_650, %broadcast_in_dim3A_655 : vector<16xi32>
        %add3A_657 = arith.addi %add3A_644, %select_n3A_656 : vector<16xi32>
        %broadcast_in_dim3A_658 = arith.constant true
        %broadcast_in_dim3A_659 = vector.broadcast %broadcast_in_dim3A_658 : i1 to vector<16xi1>
        %masked_cumsum3A = tpu.scan <sum>, %add3A_651 masked %broadcast_in_dim3A_659 : vector<16xi32>, vector<16xi1> -> vector<16xi32>
        %sub3A_660 = arith.subi %masked_cumsum3A, %add3A_651 : vector<16xi32>
        %add3A_661 = vector.broadcast %scan3A_446 : i32 to vector<16xi32>
        %add3A_662 = arith.addi %add3A_661, %sub3A_660 : vector<16xi32>
        %add3A_663 = arith.addi %add3A_662, %add3A_657 : vector<16xi32>
        %mul3A_664 = arith.constant 16 : i32
        %mul3A_665 = arith.muli %scan3A_445, %mul3A_664 : i32
        %swap3A_666 = arith.index_cast %mul3A_665 : i32 to index
        %swap3A_667 = tpu.vector_load %arg10[%swap3A_666] {strides = array<i32>} : memref<1024xi32, #tpu.memory_space<vmem>>, vector<16xi32>,
        tpu.vector_store %arg10[%swap3A_666], %add3A_663 {strides = array<i32>} : memref<1024xi32, #tpu.memory_space<vmem>>, vector<16xi32>,
        %reduce_sum3A_668 = arith.constant true
        %reduce_sum3A_669 = vector.broadcast %reduce_sum3A_668 : i1 to vector<16xi1>
        %reduce_sum3A_670 = tpu.scan <sum>, %add3A_651 masked %reduce_sum3A_669 : vector<16xi32>, vector<16xi1> -> vector<16xi32>
        %reduce_sum3A_671 = vector.extract %reduce_sum3A_670[15] : i32 from vector<16xi32>
        %add3A_672 = arith.addi %scan3A_446, %reduce_sum3A_671 : i32
        scf.yield %add3A_672 : i32
      }
      %scan3A_102 = arith.constant 64 : i32
      %scan3A_103 = arith.constant 0 : i32
      %scan3A_104 = arith.constant 0 : i32
      %scan3A_105 = arith.constant 49 : i32
      %scan3A_106 = arith.addi %scan3A_104, %scan3A_105 : i32
      %scan3A_107 = arith.constant 1 : i32
      %scan3A_108 = scf.for %scan3A_445 = %scan3A_104 to %scan3A_106 step %scan3A_107 iter_args(%scan3A_446 = %scan3A_103) -> (i32)  : i32 {
        %mul3A_447 = arith.constant 8 : i32
        %mul3A_448 = arith.muli %scan3A_445, %mul3A_447 : i32
        %add3A_449 = arith.constant 0 : i32
        %add3A_450 = arith.addi %mul3A_448, %add3A_449 : i32
        %mul3A_451 = arith.constant 16 : i32
        %mul3A_452 = arith.muli %add3A_450, %mul3A_451 : i32
        %get3A = arith.index_cast %mul3A_452 : i32 to index
        %get3A_453 = tpu.vector_load %arg5[%get3A] {strides = array<i32>} : memref<6272xi32, #tpu.memory_space<vmem>>, vector<16xi32>,
        %shift_right_arithmetic3A = arith.constant 10 : i32
        %shift_right_arithmetic3A_454 = vector.broadcast %shift_right_arithmetic3A : i32 to vector<16xi32>
        %shift_right_arithmetic3A_455 = arith.shrsi %get3A_453, %shift_right_arithmetic3A_454 : vector<16xi32>
        %and3A_456 = arith.constant 1023 : i32
        %and3A_457 = vector.broadcast %and3A_456 : i32 to vector<16xi32>
        %and3A_458 = arith.andi %shift_right_arithmetic3A_455, %and3A_457 : vector<16xi32>
        %broadcast_in_dim3A_459 = arith.constant true
        %broadcast_in_dim3A_460 = vector.broadcast %broadcast_in_dim3A_459 : i1 to vector<16xi1>
        %unique3A, %unique3A_461 = tpu.scan_count mask(%broadcast_in_dim3A_460 : vector<16xi1>) value(%and3A_458 : vector<16xi32>) : vector<16xi1>, vector<16xi32>
        %gather3A_462 = tpu.vector_load_idx %arg10[%and3A_458] : memref<1024xi32, #tpu.memory_space<vmem>>[vector<16xi32>], vector<16xi32>,
        %add3A_463 = arith.addi %gather3A_462, %unique3A_461 : vector<16xi32>
        %sub3A_464 = arith.constant 1 : i32
        %sub3A_465 = vector.broadcast %sub3A_464 : i32 to vector<16xi32>
        %sub3A_466 = arith.subi %add3A_463, %sub3A_465 : vector<16xi32>
        %mul3A_467 = arith.constant 16 : i32
        %mul3A_468 = arith.muli %add3A_450, %mul3A_467 : i32
        %swap3A_469 = arith.index_cast %mul3A_468 : i32 to index
        %swap3A_470 = tpu.vector_load %arg8[%swap3A_469] {strides = array<i32>} : memref<6272xi32, #tpu.memory_space<vmem>>, vector<16xi32>,
        tpu.vector_store %arg8[%swap3A_469], %sub3A_466 {strides = array<i32>} : memref<6272xi32, #tpu.memory_space<vmem>>, vector<16xi32>,
        %add3A_471 = arith.addi %gather3A_462, %unique3A_461 : vector<16xi32>
        tpu.vector_store_idx %arg10[%and3A_458], %add3A_471 masked %unique3A : memref<1024xi32, #tpu.memory_space<vmem>>[vector<16xi32>], vector<16xi32>, vector<16xi1>
        %mul3A_472 = arith.constant 8 : i32
        %mul3A_473 = arith.muli %scan3A_445, %mul3A_472 : i32
        %add3A_474 = arith.constant 1 : i32
        %add3A_475 = arith.addi %mul3A_473, %add3A_474 : i32
        %mul3A_476 = arith.constant 16 : i32
        %mul3A_477 = arith.muli %add3A_475, %mul3A_476 : i32
        %get3A_478 = arith.index_cast %mul3A_477 : i32 to index
        %get3A_479 = tpu.vector_load %arg5[%get3A_478] {strides = array<i32>} : memref<6272xi32, #tpu.memory_space<vmem>>, vector<16xi32>,
        %shift_right_arithmetic3A_480 = arith.constant 10 : i32
        %shift_right_arithmetic3A_481 = vector.broadcast %shift_right_arithmetic3A_480 : i32 to vector<16xi32>
        %shift_right_arithmetic3A_482 = arith.shrsi %get3A_479, %shift_right_arithmetic3A_481 : vector<16xi32>
        %and3A_483 = arith.constant 1023 : i32
        %and3A_484 = vector.broadcast %and3A_483 : i32 to vector<16xi32>
        %and3A_485 = arith.andi %shift_right_arithmetic3A_482, %and3A_484 : vector<16xi32>
        %broadcast_in_dim3A_486 = arith.constant true
        %broadcast_in_dim3A_487 = vector.broadcast %broadcast_in_dim3A_486 : i1 to vector<16xi1>
        %unique3A_488, %unique3A_489 = tpu.scan_count mask(%broadcast_in_dim3A_487 : vector<16xi1>) value(%and3A_485 : vector<16xi32>) : vector<16xi1>, vector<16xi32>
        %gather3A_490 = tpu.vector_load_idx %arg10[%and3A_485] : memref<1024xi32, #tpu.memory_space<vmem>>[vector<16xi32>], vector<16xi32>,
        %add3A_491 = arith.addi %gather3A_490, %unique3A_489 : vector<16xi32>
        %sub3A_492 = arith.constant 1 : i32
        %sub3A_493 = vector.broadcast %sub3A_492 : i32 to vector<16xi32>
        %sub3A_494 = arith.subi %add3A_491, %sub3A_493 : vector<16xi32>
        %mul3A_495 = arith.constant 16 : i32
        %mul3A_496 = arith.muli %add3A_475, %mul3A_495 : i32
        %swap3A_497 = arith.index_cast %mul3A_496 : i32 to index
        %swap3A_498 = tpu.vector_load %arg8[%swap3A_497] {strides = array<i32>} : memref<6272xi32, #tpu.memory_space<vmem>>, vector<16xi32>,
        tpu.vector_store %arg8[%swap3A_497], %sub3A_494 {strides = array<i32>} : memref<6272xi32, #tpu.memory_space<vmem>>, vector<16xi32>,
        %add3A_499 = arith.addi %gather3A_490, %unique3A_489 : vector<16xi32>
        tpu.vector_store_idx %arg10[%and3A_485], %add3A_499 masked %unique3A_488 : memref<1024xi32, #tpu.memory_space<vmem>>[vector<16xi32>], vector<16xi32>, vector<16xi1>
        %mul3A_500 = arith.constant 8 : i32
        %mul3A_501 = arith.muli %scan3A_445, %mul3A_500 : i32
        %add3A_502 = arith.constant 2 : i32
        %add3A_503 = arith.addi %mul3A_501, %add3A_502 : i32
        %mul3A_504 = arith.constant 16 : i32
        %mul3A_505 = arith.muli %add3A_503, %mul3A_504 : i32
        %get3A_506 = arith.index_cast %mul3A_505 : i32 to index
        %get3A_507 = tpu.vector_load %arg5[%get3A_506] {strides = array<i32>} : memref<6272xi32, #tpu.memory_space<vmem>>, vector<16xi32>,
        %shift_right_arithmetic3A_508 = arith.constant 10 : i32
        %shift_right_arithmetic3A_509 = vector.broadcast %shift_right_arithmetic3A_508 : i32 to vector<16xi32>
        %shift_right_arithmetic3A_510 = arith.shrsi %get3A_507, %shift_right_arithmetic3A_509 : vector<16xi32>
        %and3A_511 = arith.constant 1023 : i32
        %and3A_512 = vector.broadcast %and3A_511 : i32 to vector<16xi32>
        %and3A_513 = arith.andi %shift_right_arithmetic3A_510, %and3A_512 : vector<16xi32>
        %broadcast_in_dim3A_514 = arith.constant true
        %broadcast_in_dim3A_515 = vector.broadcast %broadcast_in_dim3A_514 : i1 to vector<16xi1>
        %unique3A_516, %unique3A_517 = tpu.scan_count mask(%broadcast_in_dim3A_515 : vector<16xi1>) value(%and3A_513 : vector<16xi32>) : vector<16xi1>, vector<16xi32>
        %gather3A_518 = tpu.vector_load_idx %arg10[%and3A_513] : memref<1024xi32, #tpu.memory_space<vmem>>[vector<16xi32>], vector<16xi32>,
        %add3A_519 = arith.addi %gather3A_518, %unique3A_517 : vector<16xi32>
        %sub3A_520 = arith.constant 1 : i32
        %sub3A_521 = vector.broadcast %sub3A_520 : i32 to vector<16xi32>
        %sub3A_522 = arith.subi %add3A_519, %sub3A_521 : vector<16xi32>
        %mul3A_523 = arith.constant 16 : i32
        %mul3A_524 = arith.muli %add3A_503, %mul3A_523 : i32
        %swap3A_525 = arith.index_cast %mul3A_524 : i32 to index
        %swap3A_526 = tpu.vector_load %arg8[%swap3A_525] {strides = array<i32>} : memref<6272xi32, #tpu.memory_space<vmem>>, vector<16xi32>,
        tpu.vector_store %arg8[%swap3A_525], %sub3A_522 {strides = array<i32>} : memref<6272xi32, #tpu.memory_space<vmem>>, vector<16xi32>,
        %add3A_527 = arith.addi %gather3A_518, %unique3A_517 : vector<16xi32>
        tpu.vector_store_idx %arg10[%and3A_513], %add3A_527 masked %unique3A_516 : memref<1024xi32, #tpu.memory_space<vmem>>[vector<16xi32>], vector<16xi32>, vector<16xi1>
        %mul3A_528 = arith.constant 8 : i32
        %mul3A_529 = arith.muli %scan3A_445, %mul3A_528 : i32
        %add3A_530 = arith.constant 3 : i32
        %add3A_531 = arith.addi %mul3A_529, %add3A_530 : i32
        %mul3A_532 = arith.constant 16 : i32
        %mul3A_533 = arith.muli %add3A_531, %mul3A_532 : i32
        %get3A_534 = arith.index_cast %mul3A_533 : i32 to index
        %get3A_535 = tpu.vector_load %arg5[%get3A_534] {strides = array<i32>} : memref<6272xi32, #tpu.memory_space<vmem>>, vector<16xi32>,
        %shift_right_arithmetic3A_536 = arith.constant 10 : i32
        %shift_right_arithmetic3A_537 = vector.broadcast %shift_right_arithmetic3A_536 : i32 to vector<16xi32>
        %shift_right_arithmetic3A_538 = arith.shrsi %get3A_535, %shift_right_arithmetic3A_537 : vector<16xi32>
        %and3A_539 = arith.constant 1023 : i32
        %and3A_540 = vector.broadcast %and3A_539 : i32 to vector<16xi32>
        %and3A_541 = arith.andi %shift_right_arithmetic3A_538, %and3A_540 : vector<16xi32>
        %broadcast_in_dim3A_542 = arith.constant true
        %broadcast_in_dim3A_543 = vector.broadcast %broadcast_in_dim3A_542 : i1 to vector<16xi1>
        %unique3A_544, %unique3A_545 = tpu.scan_count mask(%broadcast_in_dim3A_543 : vector<16xi1>) value(%and3A_541 : vector<16xi32>) : vector<16xi1>, vector<16xi32>
        %gather3A_546 = tpu.vector_load_idx %arg10[%and3A_541] : memref<1024xi32, #tpu.memory_space<vmem>>[vector<16xi32>], vector<16xi32>,
        %add3A_547 = arith.addi %gather3A_546, %unique3A_545 : vector<16xi32>
        %sub3A_548 = arith.constant 1 : i32
        %sub3A_549 = vector.broadcast %sub3A_548 : i32 to vector<16xi32>
        %sub3A_550 = arith.subi %add3A_547, %sub3A_549 : vector<16xi32>
        %mul3A_551 = arith.constant 16 : i32
        %mul3A_552 = arith.muli %add3A_531, %mul3A_551 : i32
        %swap3A_553 = arith.index_cast %mul3A_552 : i32 to index
        %swap3A_554 = tpu.vector_load %arg8[%swap3A_553] {strides = array<i32>} : memref<6272xi32, #tpu.memory_space<vmem>>, vector<16xi32>,
        tpu.vector_store %arg8[%swap3A_553], %sub3A_550 {strides = array<i32>} : memref<6272xi32, #tpu.memory_space<vmem>>, vector<16xi32>,
        %add3A_555 = arith.addi %gather3A_546, %unique3A_545 : vector<16xi32>
        tpu.vector_store_idx %arg10[%and3A_541], %add3A_555 masked %unique3A_544 : memref<1024xi32, #tpu.memory_space<vmem>>[vector<16xi32>], vector<16xi32>, vector<16xi1>
        %mul3A_556 = arith.constant 8 : i32
        %mul3A_557 = arith.muli %scan3A_445, %mul3A_556 : i32
        %add3A_558 = arith.constant 4 : i32
        %add3A_559 = arith.addi %mul3A_557, %add3A_558 : i32
        %mul3A_560 = arith.constant 16 : i32
        %mul3A_561 = arith.muli %add3A_559, %mul3A_560 : i32
        %get3A_562 = arith.index_cast %mul3A_561 : i32 to index
        %get3A_563 = tpu.vector_load %arg5[%get3A_562] {strides = array<i32>} : memref<6272xi32, #tpu.memory_space<vmem>>, vector<16xi32>,
        %shift_right_arithmetic3A_564 = arith.constant 10 : i32
        %shift_right_arithmetic3A_565 = vector.broadcast %shift_right_arithmetic3A_564 : i32 to vector<16xi32>
        %shift_right_arithmetic3A_566 = arith.shrsi %get3A_563, %shift_right_arithmetic3A_565 : vector<16xi32>
        %and3A_567 = arith.constant 1023 : i32
        %and3A_568 = vector.broadcast %and3A_567 : i32 to vector<16xi32>
        %and3A_569 = arith.andi %shift_right_arithmetic3A_566, %and3A_568 : vector<16xi32>
        %broadcast_in_dim3A_570 = arith.constant true
        %broadcast_in_dim3A_571 = vector.broadcast %broadcast_in_dim3A_570 : i1 to vector<16xi1>
        %unique3A_572, %unique3A_573 = tpu.scan_count mask(%broadcast_in_dim3A_571 : vector<16xi1>) value(%and3A_569 : vector<16xi32>) : vector<16xi1>, vector<16xi32>
        %gather3A_574 = tpu.vector_load_idx %arg10[%and3A_569] : memref<1024xi32, #tpu.memory_space<vmem>>[vector<16xi32>], vector<16xi32>,
        %add3A_575 = arith.addi %gather3A_574, %unique3A_573 : vector<16xi32>
        %sub3A_576 = arith.constant 1 : i32
        %sub3A_577 = vector.broadcast %sub3A_576 : i32 to vector<16xi32>
        %sub3A_578 = arith.subi %add3A_575, %sub3A_577 : vector<16xi32>
        %mul3A_579 = arith.constant 16 : i32
        %mul3A_580 = arith.muli %add3A_559, %mul3A_579 : i32
        %swap3A_581 = arith.index_cast %mul3A_580 : i32 to index
        %swap3A_582 = tpu.vector_load %arg8[%swap3A_581] {strides = array<i32>} : memref<6272xi32, #tpu.memory_space<vmem>>, vector<16xi32>,
        tpu.vector_store %arg8[%swap3A_581], %sub3A_578 {strides = array<i32>} : memref<6272xi32, #tpu.memory_space<vmem>>, vector<16xi32>,
        %add3A_583 = arith.addi %gather3A_574, %unique3A_573 : vector<16xi32>
        tpu.vector_store_idx %arg10[%and3A_569], %add3A_583 masked %unique3A_572 : memref<1024xi32, #tpu.memory_space<vmem>>[vector<16xi32>], vector<16xi32>, vector<16xi1>
        %mul3A_584 = arith.constant 8 : i32
        %mul3A_585 = arith.muli %scan3A_445, %mul3A_584 : i32
        %add3A_586 = arith.constant 5 : i32
        %add3A_587 = arith.addi %mul3A_585, %add3A_586 : i32
        %mul3A_588 = arith.constant 16 : i32
        %mul3A_589 = arith.muli %add3A_587, %mul3A_588 : i32
        %get3A_590 = arith.index_cast %mul3A_589 : i32 to index
        %get3A_591 = tpu.vector_load %arg5[%get3A_590] {strides = array<i32>} : memref<6272xi32, #tpu.memory_space<vmem>>, vector<16xi32>,
        %shift_right_arithmetic3A_592 = arith.constant 10 : i32
        %shift_right_arithmetic3A_593 = vector.broadcast %shift_right_arithmetic3A_592 : i32 to vector<16xi32>
        %shift_right_arithmetic3A_594 = arith.shrsi %get3A_591, %shift_right_arithmetic3A_593 : vector<16xi32>
        %and3A_595 = arith.constant 1023 : i32
        %and3A_596 = vector.broadcast %and3A_595 : i32 to vector<16xi32>
        %and3A_597 = arith.andi %shift_right_arithmetic3A_594, %and3A_596 : vector<16xi32>
        %broadcast_in_dim3A_598 = arith.constant true
        %broadcast_in_dim3A_599 = vector.broadcast %broadcast_in_dim3A_598 : i1 to vector<16xi1>
        %unique3A_600, %unique3A_601 = tpu.scan_count mask(%broadcast_in_dim3A_599 : vector<16xi1>) value(%and3A_597 : vector<16xi32>) : vector<16xi1>, vector<16xi32>
        %gather3A_602 = tpu.vector_load_idx %arg10[%and3A_597] : memref<1024xi32, #tpu.memory_space<vmem>>[vector<16xi32>], vector<16xi32>,
        %add3A_603 = arith.addi %gather3A_602, %unique3A_601 : vector<16xi32>
        %sub3A_604 = arith.constant 1 : i32
        %sub3A_605 = vector.broadcast %sub3A_604 : i32 to vector<16xi32>
        %sub3A_606 = arith.subi %add3A_603, %sub3A_605 : vector<16xi32>
        %mul3A_607 = arith.constant 16 : i32
        %mul3A_608 = arith.muli %add3A_587, %mul3A_607 : i32
        %swap3A_609 = arith.index_cast %mul3A_608 : i32 to index
        %swap3A_610 = tpu.vector_load %arg8[%swap3A_609] {strides = array<i32>} : memref<6272xi32, #tpu.memory_space<vmem>>, vector<16xi32>,
        tpu.vector_store %arg8[%swap3A_609], %sub3A_606 {strides = array<i32>} : memref<6272xi32, #tpu.memory_space<vmem>>, vector<16xi32>,
        %add3A_611 = arith.addi %gather3A_602, %unique3A_601 : vector<16xi32>
        tpu.vector_store_idx %arg10[%and3A_597], %add3A_611 masked %unique3A_600 : memref<1024xi32, #tpu.memory_space<vmem>>[vector<16xi32>], vector<16xi32>, vector<16xi1>
        %mul3A_612 = arith.constant 8 : i32
        %mul3A_613 = arith.muli %scan3A_445, %mul3A_612 : i32
        %add3A_614 = arith.constant 6 : i32
        %add3A_615 = arith.addi %mul3A_613, %add3A_614 : i32
        %mul3A_616 = arith.constant 16 : i32
        %mul3A_617 = arith.muli %add3A_615, %mul3A_616 : i32
        %get3A_618 = arith.index_cast %mul3A_617 : i32 to index
        %get3A_619 = tpu.vector_load %arg5[%get3A_618] {strides = array<i32>} : memref<6272xi32, #tpu.memory_space<vmem>>, vector<16xi32>,
        %shift_right_arithmetic3A_620 = arith.constant 10 : i32
        %shift_right_arithmetic3A_621 = vector.broadcast %shift_right_arithmetic3A_620 : i32 to vector<16xi32>
        %shift_right_arithmetic3A_622 = arith.shrsi %get3A_619, %shift_right_arithmetic3A_621 : vector<16xi32>
        %and3A_623 = arith.constant 1023 : i32
        %and3A_624 = vector.broadcast %and3A_623 : i32 to vector<16xi32>
        %and3A_625 = arith.andi %shift_right_arithmetic3A_622, %and3A_624 : vector<16xi32>
        %broadcast_in_dim3A_626 = arith.constant true
        %broadcast_in_dim3A_627 = vector.broadcast %broadcast_in_dim3A_626 : i1 to vector<16xi1>
        %unique3A_628, %unique3A_629 = tpu.scan_count mask(%broadcast_in_dim3A_627 : vector<16xi1>) value(%and3A_625 : vector<16xi32>) : vector<16xi1>, vector<16xi32>
        %gather3A_630 = tpu.vector_load_idx %arg10[%and3A_625] : memref<1024xi32, #tpu.memory_space<vmem>>[vector<16xi32>], vector<16xi32>,
        %add3A_631 = arith.addi %gather3A_630, %unique3A_629 : vector<16xi32>
        %sub3A_632 = arith.constant 1 : i32
        %sub3A_633 = vector.broadcast %sub3A_632 : i32 to vector<16xi32>
        %sub3A_634 = arith.subi %add3A_631, %sub3A_633 : vector<16xi32>
        %mul3A_635 = arith.constant 16 : i32
        %mul3A_636 = arith.muli %add3A_615, %mul3A_635 : i32
        %swap3A_637 = arith.index_cast %mul3A_636 : i32 to index
        %swap3A_638 = tpu.vector_load %arg8[%swap3A_637] {strides = array<i32>} : memref<6272xi32, #tpu.memory_space<vmem>>, vector<16xi32>,
        tpu.vector_store %arg8[%swap3A_637], %sub3A_634 {strides = array<i32>} : memref<6272xi32, #tpu.memory_space<vmem>>, vector<16xi32>,
        %add3A_639 = arith.addi %gather3A_630, %unique3A_629 : vector<16xi32>
        tpu.vector_store_idx %arg10[%and3A_625], %add3A_639 masked %unique3A_628 : memref<1024xi32, #tpu.memory_space<vmem>>[vector<16xi32>], vector<16xi32>, vector<16xi1>
        %mul3A_640 = arith.constant 8 : i32
        %mul3A_641 = arith.muli %scan3A_445, %mul3A_640 : i32
        %add3A_642 = arith.constant 7 : i32
        %add3A_643 = arith.addi %mul3A_641, %add3A_642 : i32
        %mul3A_644 = arith.constant 16 : i32
        %mul3A_645 = arith.muli %add3A_643, %mul3A_644 : i32
        %get3A_646 = arith.index_cast %mul3A_645 : i32 to index
        %get3A_647 = tpu.vector_load %arg5[%get3A_646] {strides = array<i32>} : memref<6272xi32, #tpu.memory_space<vmem>>, vector<16xi32>,
        %shift_right_arithmetic3A_648 = arith.constant 10 : i32
        %shift_right_arithmetic3A_649 = vector.broadcast %shift_right_arithmetic3A_648 : i32 to vector<16xi32>
        %shift_right_arithmetic3A_650 = arith.shrsi %get3A_647, %shift_right_arithmetic3A_649 : vector<16xi32>
        %and3A_651 = arith.constant 1023 : i32
        %and3A_652 = vector.broadcast %and3A_651 : i32 to vector<16xi32>
        %and3A_653 = arith.andi %shift_right_arithmetic3A_650, %and3A_652 : vector<16xi32>
        %broadcast_in_dim3A_654 = arith.constant true
        %broadcast_in_dim3A_655 = vector.broadcast %broadcast_in_dim3A_654 : i1 to vector<16xi1>
        %unique3A_656, %unique3A_657 = tpu.scan_count mask(%broadcast_in_dim3A_655 : vector<16xi1>) value(%and3A_653 : vector<16xi32>) : vector<16xi1>, vector<16xi32>
        %gather3A_658 = tpu.vector_load_idx %arg10[%and3A_653] : memref<1024xi32, #tpu.memory_space<vmem>>[vector<16xi32>], vector<16xi32>,
        %add3A_659 = arith.addi %gather3A_658, %unique3A_657 : vector<16xi32>
        %sub3A_660 = arith.constant 1 : i32
        %sub3A_661 = vector.broadcast %sub3A_660 : i32 to vector<16xi32>
        %sub3A_662 = arith.subi %add3A_659, %sub3A_661 : vector<16xi32>
        %mul3A_663 = arith.constant 16 : i32
        %mul3A_664 = arith.muli %add3A_643, %mul3A_663 : i32
        %swap3A_665 = arith.index_cast %mul3A_664 : i32 to index
        %swap3A_666 = tpu.vector_load %arg8[%swap3A_665] {strides = array<i32>} : memref<6272xi32, #tpu.memory_space<vmem>>, vector<16xi32>,
        tpu.vector_store %arg8[%swap3A_665], %sub3A_662 {strides = array<i32>} : memref<6272xi32, #tpu.memory_space<vmem>>, vector<16xi32>,
        %add3A_667 = arith.addi %gather3A_658, %unique3A_657 : vector<16xi32>
        tpu.vector_store_idx %arg10[%and3A_653], %add3A_667 masked %unique3A_656 : memref<1024xi32, #tpu.memory_space<vmem>>[vector<16xi32>], vector<16xi32>, vector<16xi1>
        %scan3A_668 = arith.constant 0 : i32
        scf.yield %scan3A_668 : i32
      }
      %scan3A_109 = arith.constant 49 : i32
      %dma_start3A_110 = arith.constant 0 : i32
      %dma_start3A_111 = tpu.memref_slice %arg16[%dma_start3A_110] : memref<100352xi32, #tpu.memory_space<vmem_shared>> -> memref<100352xi32, #tpu.memory_space<vmem_shared>>
      tpu.enqueue_indirect_dma source(%arg5 : memref<6272xi32, #tpu.memory_space<vmem>>) target(%dma_start3A_111 : memref<100352xi32, #tpu.memory_space<vmem_shared>>) offsets(%arg8 : memref<6272xi32, #tpu.memory_space<vmem>>) semaphore(%arg20 : memref<!tpu.dma_semaphore, #tpu.memory_space<semaphore_mem>>)
      %dma_wait3A_112 = arith.constant 0 : i32
      %dma_wait3A_113 = tpu.memref_slice %arg16[%dma_wait3A_112] : memref<100352xi32, #tpu.memory_space<vmem_shared>> -> memref<100352xi32, #tpu.memory_space<vmem_shared>>
      tpu.wait_indirect_dma semaphore(%arg20 : memref<!tpu.dma_semaphore, #tpu.memory_space<semaphore_mem>>) src(%arg5 : memref<6272xi32, #tpu.memory_space<vmem>>) dst(%dma_wait3A_113 : memref<100352xi32, #tpu.memory_space<vmem_shared>>)
      %barrier3A_114 = arith.constant 0 : index
      tpu.barrier barrier_id(%barrier3A_114)
      %scan3A_115 = arith.constant 0 : i32
      %scan3A_116 = arith.constant 0 : i32
      %scan3A_117 = arith.constant 1024 : i32
      %scan3A_118 = arith.addi %scan3A_116, %scan3A_117 : i32
      %scan3A_119 = arith.constant 1 : i32
      %scan3A_120 = scf.for %scan3A_445 = %scan3A_116 to %scan3A_118 step %scan3A_119 iter_args(%scan3A_446 = %scan3A_115) -> (i32)  : i32 {
        %broadcast_in_dim3A_447 = arith.constant 0 : i32
        %broadcast_in_dim3A_448 = vector.broadcast %broadcast_in_dim3A_447 : i32 to vector<16xi32>
        %mul3A_449 = arith.constant 16 : i32
        %mul3A_450 = arith.muli %scan3A_445, %mul3A_449 : i32
        %swap3A_451 = arith.index_cast %mul3A_450 : i32 to index
        %swap3A_452 = tpu.vector_load %arg9[%swap3A_451] {strides = array<i32>} : memref<16384xi32, #tpu.memory_space<vmem>>, vector<16xi32>,
        tpu.vector_store %arg9[%swap3A_451], %broadcast_in_dim3A_448 {strides = array<i32>} : memref<16384xi32, #tpu.memory_space<vmem>>, vector<16xi32>,
        %scan3A_453 = arith.constant 0 : i32
        scf.yield %scan3A_453 : i32
      }
      %scan3A_121 = arith.constant 1024 : i32
      %mul3A_122 = arith.constant 6272 : i32
      %mul3A_123 = arith.muli %arg1, %mul3A_122 : i32
      "tpu.region"() ({
        %run_scoped3A = tpu.sem_alloc : memref<!tpu.dma_semaphore, #tpu.memory_space<semaphore_mem>>
        %dma_start3A_445 = tpu.memref_slice %arg16[%mul3A_123] : memref<100352xi32, #tpu.memory_space<vmem_shared>> -> memref<6272xi32, #tpu.memory_space<vmem_shared>>
        %dma_start3A_446 = tpu.memref_slice %arg16[%mul3A_123] : memref<100352xi32, #tpu.memory_space<vmem_shared>> -> memref<6272xi32, #tpu.memory_space<vmem_shared>>
        tpu.enqueue_dma source(%dma_start3A_446 : memref<6272xi32, #tpu.memory_space<vmem_shared>>) target(%arg5 : memref<6272xi32, #tpu.memory_space<vmem>>) target_semaphore(%run_scoped3A : memref<!tpu.dma_semaphore, #tpu.memory_space<semaphore_mem>>)
        %dma_wait3A_447 = tpu.memref_slice %arg16[%mul3A_123] : memref<100352xi32, #tpu.memory_space<vmem_shared>> -> memref<6272xi32, #tpu.memory_space<vmem_shared>>
        %dma_wait3A_448 = tpu.memref_slice %arg16[%mul3A_123] : memref<100352xi32, #tpu.memory_space<vmem_shared>> -> memref<6272xi32, #tpu.memory_space<vmem_shared>>
        tpu.wait_dma2 semaphore(%run_scoped3A : memref<!tpu.dma_semaphore, #tpu.memory_space<semaphore_mem>>) src(%dma_wait3A_448 : memref<6272xi32, #tpu.memory_space<vmem_shared>>) dst(%arg5 : memref<6272xi32, #tpu.memory_space<vmem>>)
        tpu.yield
      }) : () -> ()
      %scan3A_124 = arith.constant 0 : i32
      %scan3A_125 = arith.constant 0 : i32
      %scan3A_126 = arith.constant 49 : i32
      %scan3A_127 = arith.addi %scan3A_125, %scan3A_126 : i32
      %scan3A_128 = arith.constant 1 : i32
      %scan3A_129 = scf.for %scan3A_445 = %scan3A_125 to %scan3A_127 step %scan3A_128 iter_args(%scan3A_446 = %scan3A_124) -> (i32)  : i32 {
        %mul3A_447 = arith.constant 8 : i32
        %mul3A_448 = arith.muli %scan3A_445, %mul3A_447 : i32
        %add3A_449 = arith.constant 0 : i32
        %add3A_450 = arith.addi %mul3A_448, %add3A_449 : i32
        %mul3A_451 = arith.constant 16 : i32
        %mul3A_452 = arith.muli %add3A_450, %mul3A_451 : i32
        %get3A = arith.index_cast %mul3A_452 : i32 to index
        %get3A_453 = tpu.vector_load %arg5[%get3A] {strides = array<i32>} : memref<6272xi32, #tpu.memory_space<vmem>>, vector<16xi32>,
        %shift_right_arithmetic3A = arith.constant 20 : i32
        %shift_right_arithmetic3A_454 = vector.broadcast %shift_right_arithmetic3A : i32 to vector<16xi32>
        %shift_right_arithmetic3A_455 = arith.shrsi %get3A_453, %shift_right_arithmetic3A_454 : vector<16xi32>
        %and3A_456 = arith.constant 1023 : i32
        %and3A_457 = vector.broadcast %and3A_456 : i32 to vector<16xi32>
        %and3A_458 = arith.andi %shift_right_arithmetic3A_455, %and3A_457 : vector<16xi32>
        %iota3A_459 = tpu.iota {dimensions = array<i32: 0>} : vector<16xi32>
        %mul3A_460 = arith.constant 1024 : i32
        %mul3A_461 = vector.broadcast %mul3A_460 : i32 to vector<16xi32>
        %mul3A_462 = arith.muli %iota3A_459, %mul3A_461 : vector<16xi32>
        %add3A_463 = arith.addi %and3A_458, %mul3A_462 : vector<16xi32>
        %gather3A_464 = tpu.vector_load_idx %arg9[%add3A_463] : memref<16384xi32, #tpu.memory_space<vmem>>[vector<16xi32>], vector<16xi32>,
        %add3A_465 = arith.constant 1 : i32
        %add3A_466 = vector.broadcast %add3A_465 : i32 to vector<16xi32>
        %add3A_467 = arith.addi %gather3A_464, %add3A_466 : vector<16xi32>
        tpu.vector_store_idx %arg9[%add3A_463], %add3A_467 : memref<16384xi32, #tpu.memory_space<vmem>>[vector<16xi32>], vector<16xi32>,
        %mul3A_468 = arith.constant 8 : i32
        %mul3A_469 = arith.muli %scan3A_445, %mul3A_468 : i32
        %add3A_470 = arith.constant 1 : i32
        %add3A_471 = arith.addi %mul3A_469, %add3A_470 : i32
        %mul3A_472 = arith.constant 16 : i32
        %mul3A_473 = arith.muli %add3A_471, %mul3A_472 : i32
        %get3A_474 = arith.index_cast %mul3A_473 : i32 to index
        %get3A_475 = tpu.vector_load %arg5[%get3A_474] {strides = array<i32>} : memref<6272xi32, #tpu.memory_space<vmem>>, vector<16xi32>,
        %shift_right_arithmetic3A_476 = arith.constant 20 : i32
        %shift_right_arithmetic3A_477 = vector.broadcast %shift_right_arithmetic3A_476 : i32 to vector<16xi32>
        %shift_right_arithmetic3A_478 = arith.shrsi %get3A_475, %shift_right_arithmetic3A_477 : vector<16xi32>
        %and3A_479 = arith.constant 1023 : i32
        %and3A_480 = vector.broadcast %and3A_479 : i32 to vector<16xi32>
        %and3A_481 = arith.andi %shift_right_arithmetic3A_478, %and3A_480 : vector<16xi32>
        %iota3A_482 = tpu.iota {dimensions = array<i32: 0>} : vector<16xi32>
        %mul3A_483 = arith.constant 1024 : i32
        %mul3A_484 = vector.broadcast %mul3A_483 : i32 to vector<16xi32>
        %mul3A_485 = arith.muli %iota3A_482, %mul3A_484 : vector<16xi32>
        %add3A_486 = arith.addi %and3A_481, %mul3A_485 : vector<16xi32>
        %gather3A_487 = tpu.vector_load_idx %arg9[%add3A_486] : memref<16384xi32, #tpu.memory_space<vmem>>[vector<16xi32>], vector<16xi32>,
        %add3A_488 = arith.constant 1 : i32
        %add3A_489 = vector.broadcast %add3A_488 : i32 to vector<16xi32>
        %add3A_490 = arith.addi %gather3A_487, %add3A_489 : vector<16xi32>
        tpu.vector_store_idx %arg9[%add3A_486], %add3A_490 : memref<16384xi32, #tpu.memory_space<vmem>>[vector<16xi32>], vector<16xi32>,
        %mul3A_491 = arith.constant 8 : i32
        %mul3A_492 = arith.muli %scan3A_445, %mul3A_491 : i32
        %add3A_493 = arith.constant 2 : i32
        %add3A_494 = arith.addi %mul3A_492, %add3A_493 : i32
        %mul3A_495 = arith.constant 16 : i32
        %mul3A_496 = arith.muli %add3A_494, %mul3A_495 : i32
        %get3A_497 = arith.index_cast %mul3A_496 : i32 to index
        %get3A_498 = tpu.vector_load %arg5[%get3A_497] {strides = array<i32>} : memref<6272xi32, #tpu.memory_space<vmem>>, vector<16xi32>,
        %shift_right_arithmetic3A_499 = arith.constant 20 : i32
        %shift_right_arithmetic3A_500 = vector.broadcast %shift_right_arithmetic3A_499 : i32 to vector<16xi32>
        %shift_right_arithmetic3A_501 = arith.shrsi %get3A_498, %shift_right_arithmetic3A_500 : vector<16xi32>
        %and3A_502 = arith.constant 1023 : i32
        %and3A_503 = vector.broadcast %and3A_502 : i32 to vector<16xi32>
        %and3A_504 = arith.andi %shift_right_arithmetic3A_501, %and3A_503 : vector<16xi32>
        %iota3A_505 = tpu.iota {dimensions = array<i32: 0>} : vector<16xi32>
        %mul3A_506 = arith.constant 1024 : i32
        %mul3A_507 = vector.broadcast %mul3A_506 : i32 to vector<16xi32>
        %mul3A_508 = arith.muli %iota3A_505, %mul3A_507 : vector<16xi32>
        %add3A_509 = arith.addi %and3A_504, %mul3A_508 : vector<16xi32>
        %gather3A_510 = tpu.vector_load_idx %arg9[%add3A_509] : memref<16384xi32, #tpu.memory_space<vmem>>[vector<16xi32>], vector<16xi32>,
        %add3A_511 = arith.constant 1 : i32
        %add3A_512 = vector.broadcast %add3A_511 : i32 to vector<16xi32>
        %add3A_513 = arith.addi %gather3A_510, %add3A_512 : vector<16xi32>
        tpu.vector_store_idx %arg9[%add3A_509], %add3A_513 : memref<16384xi32, #tpu.memory_space<vmem>>[vector<16xi32>], vector<16xi32>,
        %mul3A_514 = arith.constant 8 : i32
        %mul3A_515 = arith.muli %scan3A_445, %mul3A_514 : i32
        %add3A_516 = arith.constant 3 : i32
        %add3A_517 = arith.addi %mul3A_515, %add3A_516 : i32
        %mul3A_518 = arith.constant 16 : i32
        %mul3A_519 = arith.muli %add3A_517, %mul3A_518 : i32
        %get3A_520 = arith.index_cast %mul3A_519 : i32 to index
        %get3A_521 = tpu.vector_load %arg5[%get3A_520] {strides = array<i32>} : memref<6272xi32, #tpu.memory_space<vmem>>, vector<16xi32>,
        %shift_right_arithmetic3A_522 = arith.constant 20 : i32
        %shift_right_arithmetic3A_523 = vector.broadcast %shift_right_arithmetic3A_522 : i32 to vector<16xi32>
        %shift_right_arithmetic3A_524 = arith.shrsi %get3A_521, %shift_right_arithmetic3A_523 : vector<16xi32>
        %and3A_525 = arith.constant 1023 : i32
        %and3A_526 = vector.broadcast %and3A_525 : i32 to vector<16xi32>
        %and3A_527 = arith.andi %shift_right_arithmetic3A_524, %and3A_526 : vector<16xi32>
        %iota3A_528 = tpu.iota {dimensions = array<i32: 0>} : vector<16xi32>
        %mul3A_529 = arith.constant 1024 : i32
        %mul3A_530 = vector.broadcast %mul3A_529 : i32 to vector<16xi32>
        %mul3A_531 = arith.muli %iota3A_528, %mul3A_530 : vector<16xi32>
        %add3A_532 = arith.addi %and3A_527, %mul3A_531 : vector<16xi32>
        %gather3A_533 = tpu.vector_load_idx %arg9[%add3A_532] : memref<16384xi32, #tpu.memory_space<vmem>>[vector<16xi32>], vector<16xi32>,
        %add3A_534 = arith.constant 1 : i32
        %add3A_535 = vector.broadcast %add3A_534 : i32 to vector<16xi32>
        %add3A_536 = arith.addi %gather3A_533, %add3A_535 : vector<16xi32>
        tpu.vector_store_idx %arg9[%add3A_532], %add3A_536 : memref<16384xi32, #tpu.memory_space<vmem>>[vector<16xi32>], vector<16xi32>,
        %mul3A_537 = arith.constant 8 : i32
        %mul3A_538 = arith.muli %scan3A_445, %mul3A_537 : i32
        %add3A_539 = arith.constant 4 : i32
        %add3A_540 = arith.addi %mul3A_538, %add3A_539 : i32
        %mul3A_541 = arith.constant 16 : i32
        %mul3A_542 = arith.muli %add3A_540, %mul3A_541 : i32
        %get3A_543 = arith.index_cast %mul3A_542 : i32 to index
        %get3A_544 = tpu.vector_load %arg5[%get3A_543] {strides = array<i32>} : memref<6272xi32, #tpu.memory_space<vmem>>, vector<16xi32>,
        %shift_right_arithmetic3A_545 = arith.constant 20 : i32
        %shift_right_arithmetic3A_546 = vector.broadcast %shift_right_arithmetic3A_545 : i32 to vector<16xi32>
        %shift_right_arithmetic3A_547 = arith.shrsi %get3A_544, %shift_right_arithmetic3A_546 : vector<16xi32>
        %and3A_548 = arith.constant 1023 : i32
        %and3A_549 = vector.broadcast %and3A_548 : i32 to vector<16xi32>
        %and3A_550 = arith.andi %shift_right_arithmetic3A_547, %and3A_549 : vector<16xi32>
        %iota3A_551 = tpu.iota {dimensions = array<i32: 0>} : vector<16xi32>
        %mul3A_552 = arith.constant 1024 : i32
        %mul3A_553 = vector.broadcast %mul3A_552 : i32 to vector<16xi32>
        %mul3A_554 = arith.muli %iota3A_551, %mul3A_553 : vector<16xi32>
        %add3A_555 = arith.addi %and3A_550, %mul3A_554 : vector<16xi32>
        %gather3A_556 = tpu.vector_load_idx %arg9[%add3A_555] : memref<16384xi32, #tpu.memory_space<vmem>>[vector<16xi32>], vector<16xi32>,
        %add3A_557 = arith.constant 1 : i32
        %add3A_558 = vector.broadcast %add3A_557 : i32 to vector<16xi32>
        %add3A_559 = arith.addi %gather3A_556, %add3A_558 : vector<16xi32>
        tpu.vector_store_idx %arg9[%add3A_555], %add3A_559 : memref<16384xi32, #tpu.memory_space<vmem>>[vector<16xi32>], vector<16xi32>,
        %mul3A_560 = arith.constant 8 : i32
        %mul3A_561 = arith.muli %scan3A_445, %mul3A_560 : i32
        %add3A_562 = arith.constant 5 : i32
        %add3A_563 = arith.addi %mul3A_561, %add3A_562 : i32
        %mul3A_564 = arith.constant 16 : i32
        %mul3A_565 = arith.muli %add3A_563, %mul3A_564 : i32
        %get3A_566 = arith.index_cast %mul3A_565 : i32 to index
        %get3A_567 = tpu.vector_load %arg5[%get3A_566] {strides = array<i32>} : memref<6272xi32, #tpu.memory_space<vmem>>, vector<16xi32>,
        %shift_right_arithmetic3A_568 = arith.constant 20 : i32
        %shift_right_arithmetic3A_569 = vector.broadcast %shift_right_arithmetic3A_568 : i32 to vector<16xi32>
        %shift_right_arithmetic3A_570 = arith.shrsi %get3A_567, %shift_right_arithmetic3A_569 : vector<16xi32>
        %and3A_571 = arith.constant 1023 : i32
        %and3A_572 = vector.broadcast %and3A_571 : i32 to vector<16xi32>
        %and3A_573 = arith.andi %shift_right_arithmetic3A_570, %and3A_572 : vector<16xi32>
        %iota3A_574 = tpu.iota {dimensions = array<i32: 0>} : vector<16xi32>
        %mul3A_575 = arith.constant 1024 : i32
        %mul3A_576 = vector.broadcast %mul3A_575 : i32 to vector<16xi32>
        %mul3A_577 = arith.muli %iota3A_574, %mul3A_576 : vector<16xi32>
        %add3A_578 = arith.addi %and3A_573, %mul3A_577 : vector<16xi32>
        %gather3A_579 = tpu.vector_load_idx %arg9[%add3A_578] : memref<16384xi32, #tpu.memory_space<vmem>>[vector<16xi32>], vector<16xi32>,
        %add3A_580 = arith.constant 1 : i32
        %add3A_581 = vector.broadcast %add3A_580 : i32 to vector<16xi32>
        %add3A_582 = arith.addi %gather3A_579, %add3A_581 : vector<16xi32>
        tpu.vector_store_idx %arg9[%add3A_578], %add3A_582 : memref<16384xi32, #tpu.memory_space<vmem>>[vector<16xi32>], vector<16xi32>,
        %mul3A_583 = arith.constant 8 : i32
        %mul3A_584 = arith.muli %scan3A_445, %mul3A_583 : i32
        %add3A_585 = arith.constant 6 : i32
        %add3A_586 = arith.addi %mul3A_584, %add3A_585 : i32
        %mul3A_587 = arith.constant 16 : i32
        %mul3A_588 = arith.muli %add3A_586, %mul3A_587 : i32
        %get3A_589 = arith.index_cast %mul3A_588 : i32 to index
        %get3A_590 = tpu.vector_load %arg5[%get3A_589] {strides = array<i32>} : memref<6272xi32, #tpu.memory_space<vmem>>, vector<16xi32>,
        %shift_right_arithmetic3A_591 = arith.constant 20 : i32
        %shift_right_arithmetic3A_592 = vector.broadcast %shift_right_arithmetic3A_591 : i32 to vector<16xi32>
        %shift_right_arithmetic3A_593 = arith.shrsi %get3A_590, %shift_right_arithmetic3A_592 : vector<16xi32>
        %and3A_594 = arith.constant 1023 : i32
        %and3A_595 = vector.broadcast %and3A_594 : i32 to vector<16xi32>
        %and3A_596 = arith.andi %shift_right_arithmetic3A_593, %and3A_595 : vector<16xi32>
        %iota3A_597 = tpu.iota {dimensions = array<i32: 0>} : vector<16xi32>
        %mul3A_598 = arith.constant 1024 : i32
        %mul3A_599 = vector.broadcast %mul3A_598 : i32 to vector<16xi32>
        %mul3A_600 = arith.muli %iota3A_597, %mul3A_599 : vector<16xi32>
        %add3A_601 = arith.addi %and3A_596, %mul3A_600 : vector<16xi32>
        %gather3A_602 = tpu.vector_load_idx %arg9[%add3A_601] : memref<16384xi32, #tpu.memory_space<vmem>>[vector<16xi32>], vector<16xi32>,
        %add3A_603 = arith.constant 1 : i32
        %add3A_604 = vector.broadcast %add3A_603 : i32 to vector<16xi32>
        %add3A_605 = arith.addi %gather3A_602, %add3A_604 : vector<16xi32>
        tpu.vector_store_idx %arg9[%add3A_601], %add3A_605 : memref<16384xi32, #tpu.memory_space<vmem>>[vector<16xi32>], vector<16xi32>,
        %mul3A_606 = arith.constant 8 : i32
        %mul3A_607 = arith.muli %scan3A_445, %mul3A_606 : i32
        %add3A_608 = arith.constant 7 : i32
        %add3A_609 = arith.addi %mul3A_607, %add3A_608 : i32
        %mul3A_610 = arith.constant 16 : i32
        %mul3A_611 = arith.muli %add3A_609, %mul3A_610 : i32
        %get3A_612 = arith.index_cast %mul3A_611 : i32 to index
        %get3A_613 = tpu.vector_load %arg5[%get3A_612] {strides = array<i32>} : memref<6272xi32, #tpu.memory_space<vmem>>, vector<16xi32>,
        %shift_right_arithmetic3A_614 = arith.constant 20 : i32
        %shift_right_arithmetic3A_615 = vector.broadcast %shift_right_arithmetic3A_614 : i32 to vector<16xi32>
        %shift_right_arithmetic3A_616 = arith.shrsi %get3A_613, %shift_right_arithmetic3A_615 : vector<16xi32>
        %and3A_617 = arith.constant 1023 : i32
        %and3A_618 = vector.broadcast %and3A_617 : i32 to vector<16xi32>
        %and3A_619 = arith.andi %shift_right_arithmetic3A_616, %and3A_618 : vector<16xi32>
        %iota3A_620 = tpu.iota {dimensions = array<i32: 0>} : vector<16xi32>
        %mul3A_621 = arith.constant 1024 : i32
        %mul3A_622 = vector.broadcast %mul3A_621 : i32 to vector<16xi32>
        %mul3A_623 = arith.muli %iota3A_620, %mul3A_622 : vector<16xi32>
        %add3A_624 = arith.addi %and3A_619, %mul3A_623 : vector<16xi32>
        %gather3A_625 = tpu.vector_load_idx %arg9[%add3A_624] : memref<16384xi32, #tpu.memory_space<vmem>>[vector<16xi32>], vector<16xi32>,
        %add3A_626 = arith.constant 1 : i32
        %add3A_627 = vector.broadcast %add3A_626 : i32 to vector<16xi32>
        %add3A_628 = arith.addi %gather3A_625, %add3A_627 : vector<16xi32>
        tpu.vector_store_idx %arg9[%add3A_624], %add3A_628 : memref<16384xi32, #tpu.memory_space<vmem>>[vector<16xi32>], vector<16xi32>,
        %scan3A_629 = arith.constant 0 : i32
        scf.yield %scan3A_629 : i32
      }
      %scan3A_130 = arith.constant 49 : i32
      %scan3A_131 = arith.constant 0 : i32
      %scan3A_132 = arith.constant 0 : i32
      %scan3A_133 = arith.constant 64 : i32
      %scan3A_134 = arith.addi %scan3A_132, %scan3A_133 : i32
      %scan3A_135 = arith.constant 1 : i32
      %scan3A_136 = scf.for %scan3A_445 = %scan3A_132 to %scan3A_134 step %scan3A_135 iter_args(%scan3A_446 = %scan3A_131) -> (i32)  : i32 {
        %mul3A_447 = arith.constant 16 : i32
        %mul3A_448 = arith.muli %scan3A_445, %mul3A_447 : i32
        %get3A = arith.index_cast %mul3A_448 : i32 to index
        %get3A_449 = tpu.vector_load %arg9[%get3A] {strides = array<i32>} : memref<16384xi32, #tpu.memory_space<vmem>>, vector<16xi32>,
        %mul3A_450 = arith.constant 16 : i32
        %mul3A_451 = arith.muli %scan3A_445, %mul3A_450 : i32
        %add3A_452 = arith.constant 1024 : i32
        %add3A_453 = arith.addi %add3A_452, %mul3A_451 : i32
        %get3A_454 = arith.index_cast %add3A_453 : i32 to index
        %get3A_455 = tpu.vector_load %arg9[%get3A_454] {strides = array<i32>} : memref<16384xi32, #tpu.memory_space<vmem>>, vector<16xi32>,
        %add3A_456 = arith.addi %get3A_449, %get3A_455 : vector<16xi32>
        %mul3A_457 = arith.constant 16 : i32
        %mul3A_458 = arith.muli %scan3A_445, %mul3A_457 : i32
        %add3A_459 = arith.constant 2048 : i32
        %add3A_460 = arith.addi %add3A_459, %mul3A_458 : i32
        %get3A_461 = arith.index_cast %add3A_460 : i32 to index
        %get3A_462 = tpu.vector_load %arg9[%get3A_461] {strides = array<i32>} : memref<16384xi32, #tpu.memory_space<vmem>>, vector<16xi32>,
        %add3A_463 = arith.addi %add3A_456, %get3A_462 : vector<16xi32>
        %mul3A_464 = arith.constant 16 : i32
        %mul3A_465 = arith.muli %scan3A_445, %mul3A_464 : i32
        %add3A_466 = arith.constant 3072 : i32
        %add3A_467 = arith.addi %add3A_466, %mul3A_465 : i32
        %get3A_468 = arith.index_cast %add3A_467 : i32 to index
        %get3A_469 = tpu.vector_load %arg9[%get3A_468] {strides = array<i32>} : memref<16384xi32, #tpu.memory_space<vmem>>, vector<16xi32>,
        %add3A_470 = arith.addi %add3A_463, %get3A_469 : vector<16xi32>
        %mul3A_471 = arith.constant 16 : i32
        %mul3A_472 = arith.muli %scan3A_445, %mul3A_471 : i32
        %add3A_473 = arith.constant 4096 : i32
        %add3A_474 = arith.addi %add3A_473, %mul3A_472 : i32
        %get3A_475 = arith.index_cast %add3A_474 : i32 to index
        %get3A_476 = tpu.vector_load %arg9[%get3A_475] {strides = array<i32>} : memref<16384xi32, #tpu.memory_space<vmem>>, vector<16xi32>,
        %add3A_477 = arith.addi %add3A_470, %get3A_476 : vector<16xi32>
        %mul3A_478 = arith.constant 16 : i32
        %mul3A_479 = arith.muli %scan3A_445, %mul3A_478 : i32
        %add3A_480 = arith.constant 5120 : i32
        %add3A_481 = arith.addi %add3A_480, %mul3A_479 : i32
        %get3A_482 = arith.index_cast %add3A_481 : i32 to index
        %get3A_483 = tpu.vector_load %arg9[%get3A_482] {strides = array<i32>} : memref<16384xi32, #tpu.memory_space<vmem>>, vector<16xi32>,
        %add3A_484 = arith.addi %add3A_477, %get3A_483 : vector<16xi32>
        %mul3A_485 = arith.constant 16 : i32
        %mul3A_486 = arith.muli %scan3A_445, %mul3A_485 : i32
        %add3A_487 = arith.constant 6144 : i32
        %add3A_488 = arith.addi %add3A_487, %mul3A_486 : i32
        %get3A_489 = arith.index_cast %add3A_488 : i32 to index
        %get3A_490 = tpu.vector_load %arg9[%get3A_489] {strides = array<i32>} : memref<16384xi32, #tpu.memory_space<vmem>>, vector<16xi32>,
        %add3A_491 = arith.addi %add3A_484, %get3A_490 : vector<16xi32>
        %mul3A_492 = arith.constant 16 : i32
        %mul3A_493 = arith.muli %scan3A_445, %mul3A_492 : i32
        %add3A_494 = arith.constant 7168 : i32
        %add3A_495 = arith.addi %add3A_494, %mul3A_493 : i32
        %get3A_496 = arith.index_cast %add3A_495 : i32 to index
        %get3A_497 = tpu.vector_load %arg9[%get3A_496] {strides = array<i32>} : memref<16384xi32, #tpu.memory_space<vmem>>, vector<16xi32>,
        %add3A_498 = arith.addi %add3A_491, %get3A_497 : vector<16xi32>
        %mul3A_499 = arith.constant 16 : i32
        %mul3A_500 = arith.muli %scan3A_445, %mul3A_499 : i32
        %add3A_501 = arith.constant 8192 : i32
        %add3A_502 = arith.addi %add3A_501, %mul3A_500 : i32
        %get3A_503 = arith.index_cast %add3A_502 : i32 to index
        %get3A_504 = tpu.vector_load %arg9[%get3A_503] {strides = array<i32>} : memref<16384xi32, #tpu.memory_space<vmem>>, vector<16xi32>,
        %add3A_505 = arith.addi %add3A_498, %get3A_504 : vector<16xi32>
        %mul3A_506 = arith.constant 16 : i32
        %mul3A_507 = arith.muli %scan3A_445, %mul3A_506 : i32
        %add3A_508 = arith.constant 9216 : i32
        %add3A_509 = arith.addi %add3A_508, %mul3A_507 : i32
        %get3A_510 = arith.index_cast %add3A_509 : i32 to index
        %get3A_511 = tpu.vector_load %arg9[%get3A_510] {strides = array<i32>} : memref<16384xi32, #tpu.memory_space<vmem>>, vector<16xi32>,
        %add3A_512 = arith.addi %add3A_505, %get3A_511 : vector<16xi32>
        %mul3A_513 = arith.constant 16 : i32
        %mul3A_514 = arith.muli %scan3A_445, %mul3A_513 : i32
        %add3A_515 = arith.constant 10240 : i32
        %add3A_516 = arith.addi %add3A_515, %mul3A_514 : i32
        %get3A_517 = arith.index_cast %add3A_516 : i32 to index
        %get3A_518 = tpu.vector_load %arg9[%get3A_517] {strides = array<i32>} : memref<16384xi32, #tpu.memory_space<vmem>>, vector<16xi32>,
        %add3A_519 = arith.addi %add3A_512, %get3A_518 : vector<16xi32>
        %mul3A_520 = arith.constant 16 : i32
        %mul3A_521 = arith.muli %scan3A_445, %mul3A_520 : i32
        %add3A_522 = arith.constant 11264 : i32
        %add3A_523 = arith.addi %add3A_522, %mul3A_521 : i32
        %get3A_524 = arith.index_cast %add3A_523 : i32 to index
        %get3A_525 = tpu.vector_load %arg9[%get3A_524] {strides = array<i32>} : memref<16384xi32, #tpu.memory_space<vmem>>, vector<16xi32>,
        %add3A_526 = arith.addi %add3A_519, %get3A_525 : vector<16xi32>
        %mul3A_527 = arith.constant 16 : i32
        %mul3A_528 = arith.muli %scan3A_445, %mul3A_527 : i32
        %add3A_529 = arith.constant 12288 : i32
        %add3A_530 = arith.addi %add3A_529, %mul3A_528 : i32
        %get3A_531 = arith.index_cast %add3A_530 : i32 to index
        %get3A_532 = tpu.vector_load %arg9[%get3A_531] {strides = array<i32>} : memref<16384xi32, #tpu.memory_space<vmem>>, vector<16xi32>,
        %add3A_533 = arith.addi %add3A_526, %get3A_532 : vector<16xi32>
        %mul3A_534 = arith.constant 16 : i32
        %mul3A_535 = arith.muli %scan3A_445, %mul3A_534 : i32
        %add3A_536 = arith.constant 13312 : i32
        %add3A_537 = arith.addi %add3A_536, %mul3A_535 : i32
        %get3A_538 = arith.index_cast %add3A_537 : i32 to index
        %get3A_539 = tpu.vector_load %arg9[%get3A_538] {strides = array<i32>} : memref<16384xi32, #tpu.memory_space<vmem>>, vector<16xi32>,
        %add3A_540 = arith.addi %add3A_533, %get3A_539 : vector<16xi32>
        %mul3A_541 = arith.constant 16 : i32
        %mul3A_542 = arith.muli %scan3A_445, %mul3A_541 : i32
        %add3A_543 = arith.constant 14336 : i32
        %add3A_544 = arith.addi %add3A_543, %mul3A_542 : i32
        %get3A_545 = arith.index_cast %add3A_544 : i32 to index
        %get3A_546 = tpu.vector_load %arg9[%get3A_545] {strides = array<i32>} : memref<16384xi32, #tpu.memory_space<vmem>>, vector<16xi32>,
        %add3A_547 = arith.addi %add3A_540, %get3A_546 : vector<16xi32>
        %mul3A_548 = arith.constant 16 : i32
        %mul3A_549 = arith.muli %scan3A_445, %mul3A_548 : i32
        %add3A_550 = arith.constant 15360 : i32
        %add3A_551 = arith.addi %add3A_550, %mul3A_549 : i32
        %get3A_552 = arith.index_cast %add3A_551 : i32 to index
        %get3A_553 = tpu.vector_load %arg9[%get3A_552] {strides = array<i32>} : memref<16384xi32, #tpu.memory_space<vmem>>, vector<16xi32>,
        %add3A_554 = arith.addi %add3A_547, %get3A_553 : vector<16xi32>
        %mul3A_555 = arith.constant 16 : i32
        %mul3A_556 = arith.muli %scan3A_445, %mul3A_555 : i32
        %swap3A_557 = arith.index_cast %mul3A_556 : i32 to index
        %swap3A_558 = tpu.vector_load %arg10[%swap3A_557] {strides = array<i32>} : memref<1024xi32, #tpu.memory_space<vmem>>, vector<16xi32>,
        tpu.vector_store %arg10[%swap3A_557], %add3A_554 {strides = array<i32>} : memref<1024xi32, #tpu.memory_space<vmem>>, vector<16xi32>,
        %scan3A_559 = arith.constant 0 : i32
        scf.yield %scan3A_559 : i32
      }
      %scan3A_137 = arith.constant 64 : i32
      %mul3A_138 = arith.constant 1024 : i32
      %mul3A_139 = arith.muli %arg1, %mul3A_138 : i32
      "tpu.region"() ({
        %run_scoped3A = tpu.sem_alloc : memref<!tpu.dma_semaphore, #tpu.memory_space<semaphore_mem>>
        %dma_start3A_445 = tpu.memref_slice %arg17[%mul3A_139] : memref<16384xi32, #tpu.memory_space<vmem_shared>> -> memref<1024xi32, #tpu.memory_space<vmem_shared>>
        %dma_start3A_446 = tpu.memref_slice %arg17[%mul3A_139] : memref<16384xi32, #tpu.memory_space<vmem_shared>> -> memref<1024xi32, #tpu.memory_space<vmem_shared>>
        tpu.enqueue_dma source(%arg10 : memref<1024xi32, #tpu.memory_space<vmem>>) target(%dma_start3A_446 : memref<1024xi32, #tpu.memory_space<vmem_shared>>) target_semaphore(%run_scoped3A : memref<!tpu.dma_semaphore, #tpu.memory_space<semaphore_mem>>)
        %dma_wait3A_447 = tpu.memref_slice %arg17[%mul3A_139] : memref<16384xi32, #tpu.memory_space<vmem_shared>> -> memref<1024xi32, #tpu.memory_space<vmem_shared>>
        %dma_wait3A_448 = tpu.memref_slice %arg17[%mul3A_139] : memref<16384xi32, #tpu.memory_space<vmem_shared>> -> memref<1024xi32, #tpu.memory_space<vmem_shared>>
        tpu.wait_dma2 semaphore(%run_scoped3A : memref<!tpu.dma_semaphore, #tpu.memory_space<semaphore_mem>>) src(%arg10 : memref<1024xi32, #tpu.memory_space<vmem>>) dst(%dma_wait3A_448 : memref<1024xi32, #tpu.memory_space<vmem_shared>>)
        tpu.yield
      }) : () -> ()
      %barrier3A_140 = arith.constant 0 : index
      tpu.barrier barrier_id(%barrier3A_140)
      "tpu.region"() ({
        %run_scoped3A = tpu.sem_alloc : memref<!tpu.dma_semaphore, #tpu.memory_space<semaphore_mem>>
        tpu.enqueue_dma source(%arg17 : memref<16384xi32, #tpu.memory_space<vmem_shared>>) target(%arg11 : memref<16384xi32, #tpu.memory_space<vmem>>) target_semaphore(%run_scoped3A : memref<!tpu.dma_semaphore, #tpu.memory_space<semaphore_mem>>)
        tpu.wait_dma2 semaphore(%run_scoped3A : memref<!tpu.dma_semaphore, #tpu.memory_space<semaphore_mem>>) src(%arg17 : memref<16384xi32, #tpu.memory_space<vmem_shared>>) dst(%arg11 : memref<16384xi32, #tpu.memory_space<vmem>>)
        tpu.yield
      }) : () -> ()
      %scan3A_141 = arith.constant 0 : i32
      %scan3A_142 = arith.constant 0 : i32
      %scan3A_143 = arith.constant 64 : i32
      %scan3A_144 = arith.addi %scan3A_142, %scan3A_143 : i32
      %scan3A_145 = arith.constant 1 : i32
      %scan3A_146 = scf.for %scan3A_445 = %scan3A_142 to %scan3A_144 step %scan3A_145 iter_args(%scan3A_446 = %scan3A_141) -> (i32)  : i32 {
        %broadcast_in_dim3A_447 = arith.constant 0 : i32
        %broadcast_in_dim3A_448 = vector.broadcast %broadcast_in_dim3A_447 : i32 to vector<16xi32>
        %broadcast_in_dim3A_449 = arith.constant 0 : i32
        %broadcast_in_dim3A_450 = vector.broadcast %broadcast_in_dim3A_449 : i32 to vector<16xi32>
        %mul3A_451 = arith.constant 16 : i32
        %mul3A_452 = arith.muli %scan3A_445, %mul3A_451 : i32
        %add3A_453 = arith.constant 0 : i32
        %add3A_454 = arith.addi %add3A_453, %mul3A_452 : i32
        %get3A = arith.index_cast %add3A_454 : i32 to index
        %get3A_455 = tpu.vector_load %arg11[%get3A] {strides = array<i32>} : memref<16384xi32, #tpu.memory_space<vmem>>, vector<16xi32>,
        %add3A_456 = arith.addi %broadcast_in_dim3A_448, %get3A_455 : vector<16xi32>
        %gt3A_457 = arith.constant 0 : i32
        %gt3A_458 = arith.cmpi sgt, %arg1, %gt3A_457 : i32
        %jit3A_459 = arith.constant 0 : i32
        %broadcast_in_dim3A_460 = vector.broadcast %jit3A_459 : i32 to vector<16xi32>
        %select_n3A_461 = arith.select %gt3A_458, %get3A_455, %broadcast_in_dim3A_460 : vector<16xi32>
        %add3A_462 = arith.addi %broadcast_in_dim3A_450, %select_n3A_461 : vector<16xi32>
        %mul3A_463 = arith.constant 16 : i32
        %mul3A_464 = arith.muli %scan3A_445, %mul3A_463 : i32
        %add3A_465 = arith.constant 1024 : i32
        %add3A_466 = arith.addi %add3A_465, %mul3A_464 : i32
        %get3A_467 = arith.index_cast %add3A_466 : i32 to index
        %get3A_468 = tpu.vector_load %arg11[%get3A_467] {strides = array<i32>} : memref<16384xi32, #tpu.memory_space<vmem>>, vector<16xi32>,
        %add3A_469 = arith.addi %add3A_456, %get3A_468 : vector<16xi32>
        %gt3A_470 = arith.constant 1 : i32
        %gt3A_471 = arith.cmpi sgt, %arg1, %gt3A_470 : i32
        %jit3A_472 = arith.constant 0 : i32
        %broadcast_in_dim3A_473 = vector.broadcast %jit3A_472 : i32 to vector<16xi32>
        %select_n3A_474 = arith.select %gt3A_471, %get3A_468, %broadcast_in_dim3A_473 : vector<16xi32>
        %add3A_475 = arith.addi %add3A_462, %select_n3A_474 : vector<16xi32>
        %mul3A_476 = arith.constant 16 : i32
        %mul3A_477 = arith.muli %scan3A_445, %mul3A_476 : i32
        %add3A_478 = arith.constant 2048 : i32
        %add3A_479 = arith.addi %add3A_478, %mul3A_477 : i32
        %get3A_480 = arith.index_cast %add3A_479 : i32 to index
        %get3A_481 = tpu.vector_load %arg11[%get3A_480] {strides = array<i32>} : memref<16384xi32, #tpu.memory_space<vmem>>, vector<16xi32>,
        %add3A_482 = arith.addi %add3A_469, %get3A_481 : vector<16xi32>
        %gt3A_483 = arith.constant 2 : i32
        %gt3A_484 = arith.cmpi sgt, %arg1, %gt3A_483 : i32
        %jit3A_485 = arith.constant 0 : i32
        %broadcast_in_dim3A_486 = vector.broadcast %jit3A_485 : i32 to vector<16xi32>
        %select_n3A_487 = arith.select %gt3A_484, %get3A_481, %broadcast_in_dim3A_486 : vector<16xi32>
        %add3A_488 = arith.addi %add3A_475, %select_n3A_487 : vector<16xi32>
        %mul3A_489 = arith.constant 16 : i32
        %mul3A_490 = arith.muli %scan3A_445, %mul3A_489 : i32
        %add3A_491 = arith.constant 3072 : i32
        %add3A_492 = arith.addi %add3A_491, %mul3A_490 : i32
        %get3A_493 = arith.index_cast %add3A_492 : i32 to index
        %get3A_494 = tpu.vector_load %arg11[%get3A_493] {strides = array<i32>} : memref<16384xi32, #tpu.memory_space<vmem>>, vector<16xi32>,
        %add3A_495 = arith.addi %add3A_482, %get3A_494 : vector<16xi32>
        %gt3A_496 = arith.constant 3 : i32
        %gt3A_497 = arith.cmpi sgt, %arg1, %gt3A_496 : i32
        %jit3A_498 = arith.constant 0 : i32
        %broadcast_in_dim3A_499 = vector.broadcast %jit3A_498 : i32 to vector<16xi32>
        %select_n3A_500 = arith.select %gt3A_497, %get3A_494, %broadcast_in_dim3A_499 : vector<16xi32>
        %add3A_501 = arith.addi %add3A_488, %select_n3A_500 : vector<16xi32>
        %mul3A_502 = arith.constant 16 : i32
        %mul3A_503 = arith.muli %scan3A_445, %mul3A_502 : i32
        %add3A_504 = arith.constant 4096 : i32
        %add3A_505 = arith.addi %add3A_504, %mul3A_503 : i32
        %get3A_506 = arith.index_cast %add3A_505 : i32 to index
        %get3A_507 = tpu.vector_load %arg11[%get3A_506] {strides = array<i32>} : memref<16384xi32, #tpu.memory_space<vmem>>, vector<16xi32>,
        %add3A_508 = arith.addi %add3A_495, %get3A_507 : vector<16xi32>
        %gt3A_509 = arith.constant 4 : i32
        %gt3A_510 = arith.cmpi sgt, %arg1, %gt3A_509 : i32
        %jit3A_511 = arith.constant 0 : i32
        %broadcast_in_dim3A_512 = vector.broadcast %jit3A_511 : i32 to vector<16xi32>
        %select_n3A_513 = arith.select %gt3A_510, %get3A_507, %broadcast_in_dim3A_512 : vector<16xi32>
        %add3A_514 = arith.addi %add3A_501, %select_n3A_513 : vector<16xi32>
        %mul3A_515 = arith.constant 16 : i32
        %mul3A_516 = arith.muli %scan3A_445, %mul3A_515 : i32
        %add3A_517 = arith.constant 5120 : i32
        %add3A_518 = arith.addi %add3A_517, %mul3A_516 : i32
        %get3A_519 = arith.index_cast %add3A_518 : i32 to index
        %get3A_520 = tpu.vector_load %arg11[%get3A_519] {strides = array<i32>} : memref<16384xi32, #tpu.memory_space<vmem>>, vector<16xi32>,
        %add3A_521 = arith.addi %add3A_508, %get3A_520 : vector<16xi32>
        %gt3A_522 = arith.constant 5 : i32
        %gt3A_523 = arith.cmpi sgt, %arg1, %gt3A_522 : i32
        %jit3A_524 = arith.constant 0 : i32
        %broadcast_in_dim3A_525 = vector.broadcast %jit3A_524 : i32 to vector<16xi32>
        %select_n3A_526 = arith.select %gt3A_523, %get3A_520, %broadcast_in_dim3A_525 : vector<16xi32>
        %add3A_527 = arith.addi %add3A_514, %select_n3A_526 : vector<16xi32>
        %mul3A_528 = arith.constant 16 : i32
        %mul3A_529 = arith.muli %scan3A_445, %mul3A_528 : i32
        %add3A_530 = arith.constant 6144 : i32
        %add3A_531 = arith.addi %add3A_530, %mul3A_529 : i32
        %get3A_532 = arith.index_cast %add3A_531 : i32 to index
        %get3A_533 = tpu.vector_load %arg11[%get3A_532] {strides = array<i32>} : memref<16384xi32, #tpu.memory_space<vmem>>, vector<16xi32>,
        %add3A_534 = arith.addi %add3A_521, %get3A_533 : vector<16xi32>
        %gt3A_535 = arith.constant 6 : i32
        %gt3A_536 = arith.cmpi sgt, %arg1, %gt3A_535 : i32
        %jit3A_537 = arith.constant 0 : i32
        %broadcast_in_dim3A_538 = vector.broadcast %jit3A_537 : i32 to vector<16xi32>
        %select_n3A_539 = arith.select %gt3A_536, %get3A_533, %broadcast_in_dim3A_538 : vector<16xi32>
        %add3A_540 = arith.addi %add3A_527, %select_n3A_539 : vector<16xi32>
        %mul3A_541 = arith.constant 16 : i32
        %mul3A_542 = arith.muli %scan3A_445, %mul3A_541 : i32
        %add3A_543 = arith.constant 7168 : i32
        %add3A_544 = arith.addi %add3A_543, %mul3A_542 : i32
        %get3A_545 = arith.index_cast %add3A_544 : i32 to index
        %get3A_546 = tpu.vector_load %arg11[%get3A_545] {strides = array<i32>} : memref<16384xi32, #tpu.memory_space<vmem>>, vector<16xi32>,
        %add3A_547 = arith.addi %add3A_534, %get3A_546 : vector<16xi32>
        %gt3A_548 = arith.constant 7 : i32
        %gt3A_549 = arith.cmpi sgt, %arg1, %gt3A_548 : i32
        %jit3A_550 = arith.constant 0 : i32
        %broadcast_in_dim3A_551 = vector.broadcast %jit3A_550 : i32 to vector<16xi32>
        %select_n3A_552 = arith.select %gt3A_549, %get3A_546, %broadcast_in_dim3A_551 : vector<16xi32>
        %add3A_553 = arith.addi %add3A_540, %select_n3A_552 : vector<16xi32>
        %mul3A_554 = arith.constant 16 : i32
        %mul3A_555 = arith.muli %scan3A_445, %mul3A_554 : i32
        %add3A_556 = arith.constant 8192 : i32
        %add3A_557 = arith.addi %add3A_556, %mul3A_555 : i32
        %get3A_558 = arith.index_cast %add3A_557 : i32 to index
        %get3A_559 = tpu.vector_load %arg11[%get3A_558] {strides = array<i32>} : memref<16384xi32, #tpu.memory_space<vmem>>, vector<16xi32>,
        %add3A_560 = arith.addi %add3A_547, %get3A_559 : vector<16xi32>
        %gt3A_561 = arith.constant 8 : i32
        %gt3A_562 = arith.cmpi sgt, %arg1, %gt3A_561 : i32
        %jit3A_563 = arith.constant 0 : i32
        %broadcast_in_dim3A_564 = vector.broadcast %jit3A_563 : i32 to vector<16xi32>
        %select_n3A_565 = arith.select %gt3A_562, %get3A_559, %broadcast_in_dim3A_564 : vector<16xi32>
        %add3A_566 = arith.addi %add3A_553, %select_n3A_565 : vector<16xi32>
        %mul3A_567 = arith.constant 16 : i32
        %mul3A_568 = arith.muli %scan3A_445, %mul3A_567 : i32
        %add3A_569 = arith.constant 9216 : i32
        %add3A_570 = arith.addi %add3A_569, %mul3A_568 : i32
        %get3A_571 = arith.index_cast %add3A_570 : i32 to index
        %get3A_572 = tpu.vector_load %arg11[%get3A_571] {strides = array<i32>} : memref<16384xi32, #tpu.memory_space<vmem>>, vector<16xi32>,
        %add3A_573 = arith.addi %add3A_560, %get3A_572 : vector<16xi32>
        %gt3A_574 = arith.constant 9 : i32
        %gt3A_575 = arith.cmpi sgt, %arg1, %gt3A_574 : i32
        %jit3A_576 = arith.constant 0 : i32
        %broadcast_in_dim3A_577 = vector.broadcast %jit3A_576 : i32 to vector<16xi32>
        %select_n3A_578 = arith.select %gt3A_575, %get3A_572, %broadcast_in_dim3A_577 : vector<16xi32>
        %add3A_579 = arith.addi %add3A_566, %select_n3A_578 : vector<16xi32>
        %mul3A_580 = arith.constant 16 : i32
        %mul3A_581 = arith.muli %scan3A_445, %mul3A_580 : i32
        %add3A_582 = arith.constant 10240 : i32
        %add3A_583 = arith.addi %add3A_582, %mul3A_581 : i32
        %get3A_584 = arith.index_cast %add3A_583 : i32 to index
        %get3A_585 = tpu.vector_load %arg11[%get3A_584] {strides = array<i32>} : memref<16384xi32, #tpu.memory_space<vmem>>, vector<16xi32>,
        %add3A_586 = arith.addi %add3A_573, %get3A_585 : vector<16xi32>
        %gt3A_587 = arith.constant 10 : i32
        %gt3A_588 = arith.cmpi sgt, %arg1, %gt3A_587 : i32
        %jit3A_589 = arith.constant 0 : i32
        %broadcast_in_dim3A_590 = vector.broadcast %jit3A_589 : i32 to vector<16xi32>
        %select_n3A_591 = arith.select %gt3A_588, %get3A_585, %broadcast_in_dim3A_590 : vector<16xi32>
        %add3A_592 = arith.addi %add3A_579, %select_n3A_591 : vector<16xi32>
        %mul3A_593 = arith.constant 16 : i32
        %mul3A_594 = arith.muli %scan3A_445, %mul3A_593 : i32
        %add3A_595 = arith.constant 11264 : i32
        %add3A_596 = arith.addi %add3A_595, %mul3A_594 : i32
        %get3A_597 = arith.index_cast %add3A_596 : i32 to index
        %get3A_598 = tpu.vector_load %arg11[%get3A_597] {strides = array<i32>} : memref<16384xi32, #tpu.memory_space<vmem>>, vector<16xi32>,
        %add3A_599 = arith.addi %add3A_586, %get3A_598 : vector<16xi32>
        %gt3A_600 = arith.constant 11 : i32
        %gt3A_601 = arith.cmpi sgt, %arg1, %gt3A_600 : i32
        %jit3A_602 = arith.constant 0 : i32
        %broadcast_in_dim3A_603 = vector.broadcast %jit3A_602 : i32 to vector<16xi32>
        %select_n3A_604 = arith.select %gt3A_601, %get3A_598, %broadcast_in_dim3A_603 : vector<16xi32>
        %add3A_605 = arith.addi %add3A_592, %select_n3A_604 : vector<16xi32>
        %mul3A_606 = arith.constant 16 : i32
        %mul3A_607 = arith.muli %scan3A_445, %mul3A_606 : i32
        %add3A_608 = arith.constant 12288 : i32
        %add3A_609 = arith.addi %add3A_608, %mul3A_607 : i32
        %get3A_610 = arith.index_cast %add3A_609 : i32 to index
        %get3A_611 = tpu.vector_load %arg11[%get3A_610] {strides = array<i32>} : memref<16384xi32, #tpu.memory_space<vmem>>, vector<16xi32>,
        %add3A_612 = arith.addi %add3A_599, %get3A_611 : vector<16xi32>
        %gt3A_613 = arith.constant 12 : i32
        %gt3A_614 = arith.cmpi sgt, %arg1, %gt3A_613 : i32
        %jit3A_615 = arith.constant 0 : i32
        %broadcast_in_dim3A_616 = vector.broadcast %jit3A_615 : i32 to vector<16xi32>
        %select_n3A_617 = arith.select %gt3A_614, %get3A_611, %broadcast_in_dim3A_616 : vector<16xi32>
        %add3A_618 = arith.addi %add3A_605, %select_n3A_617 : vector<16xi32>
        %mul3A_619 = arith.constant 16 : i32
        %mul3A_620 = arith.muli %scan3A_445, %mul3A_619 : i32
        %add3A_621 = arith.constant 13312 : i32
        %add3A_622 = arith.addi %add3A_621, %mul3A_620 : i32
        %get3A_623 = arith.index_cast %add3A_622 : i32 to index
        %get3A_624 = tpu.vector_load %arg11[%get3A_623] {strides = array<i32>} : memref<16384xi32, #tpu.memory_space<vmem>>, vector<16xi32>,
        %add3A_625 = arith.addi %add3A_612, %get3A_624 : vector<16xi32>
        %gt3A_626 = arith.constant 13 : i32
        %gt3A_627 = arith.cmpi sgt, %arg1, %gt3A_626 : i32
        %jit3A_628 = arith.constant 0 : i32
        %broadcast_in_dim3A_629 = vector.broadcast %jit3A_628 : i32 to vector<16xi32>
        %select_n3A_630 = arith.select %gt3A_627, %get3A_624, %broadcast_in_dim3A_629 : vector<16xi32>
        %add3A_631 = arith.addi %add3A_618, %select_n3A_630 : vector<16xi32>
        %mul3A_632 = arith.constant 16 : i32
        %mul3A_633 = arith.muli %scan3A_445, %mul3A_632 : i32
        %add3A_634 = arith.constant 14336 : i32
        %add3A_635 = arith.addi %add3A_634, %mul3A_633 : i32
        %get3A_636 = arith.index_cast %add3A_635 : i32 to index
        %get3A_637 = tpu.vector_load %arg11[%get3A_636] {strides = array<i32>} : memref<16384xi32, #tpu.memory_space<vmem>>, vector<16xi32>,
        %add3A_638 = arith.addi %add3A_625, %get3A_637 : vector<16xi32>
        %gt3A_639 = arith.constant 14 : i32
        %gt3A_640 = arith.cmpi sgt, %arg1, %gt3A_639 : i32
        %jit3A_641 = arith.constant 0 : i32
        %broadcast_in_dim3A_642 = vector.broadcast %jit3A_641 : i32 to vector<16xi32>
        %select_n3A_643 = arith.select %gt3A_640, %get3A_637, %broadcast_in_dim3A_642 : vector<16xi32>
        %add3A_644 = arith.addi %add3A_631, %select_n3A_643 : vector<16xi32>
        %mul3A_645 = arith.constant 16 : i32
        %mul3A_646 = arith.muli %scan3A_445, %mul3A_645 : i32
        %add3A_647 = arith.constant 15360 : i32
        %add3A_648 = arith.addi %add3A_647, %mul3A_646 : i32
        %get3A_649 = arith.index_cast %add3A_648 : i32 to index
        %get3A_650 = tpu.vector_load %arg11[%get3A_649] {strides = array<i32>} : memref<16384xi32, #tpu.memory_space<vmem>>, vector<16xi32>,
        %add3A_651 = arith.addi %add3A_638, %get3A_650 : vector<16xi32>
        %gt3A_652 = arith.constant 15 : i32
        %gt3A_653 = arith.cmpi sgt, %arg1, %gt3A_652 : i32
        %jit3A_654 = arith.constant 0 : i32
        %broadcast_in_dim3A_655 = vector.broadcast %jit3A_654 : i32 to vector<16xi32>
        %select_n3A_656 = arith.select %gt3A_653, %get3A_650, %broadcast_in_dim3A_655 : vector<16xi32>
        %add3A_657 = arith.addi %add3A_644, %select_n3A_656 : vector<16xi32>
        %broadcast_in_dim3A_658 = arith.constant true
        %broadcast_in_dim3A_659 = vector.broadcast %broadcast_in_dim3A_658 : i1 to vector<16xi1>
        %masked_cumsum3A = tpu.scan <sum>, %add3A_651 masked %broadcast_in_dim3A_659 : vector<16xi32>, vector<16xi1> -> vector<16xi32>
        %sub3A_660 = arith.subi %masked_cumsum3A, %add3A_651 : vector<16xi32>
        %add3A_661 = vector.broadcast %scan3A_446 : i32 to vector<16xi32>
        %add3A_662 = arith.addi %add3A_661, %sub3A_660 : vector<16xi32>
        %add3A_663 = arith.addi %add3A_662, %add3A_657 : vector<16xi32>
        %mul3A_664 = arith.constant 16 : i32
        %mul3A_665 = arith.muli %scan3A_445, %mul3A_664 : i32
        %swap3A_666 = arith.index_cast %mul3A_665 : i32 to index
        %swap3A_667 = tpu.vector_load %arg10[%swap3A_666] {strides = array<i32>} : memref<1024xi32, #tpu.memory_space<vmem>>, vector<16xi32>,
        tpu.vector_store %arg10[%swap3A_666], %add3A_663 {strides = array<i32>} : memref<1024xi32, #tpu.memory_space<vmem>>, vector<16xi32>,
        %reduce_sum3A_668 = arith.constant true
        %reduce_sum3A_669 = vector.broadcast %reduce_sum3A_668 : i1 to vector<16xi1>
        %reduce_sum3A_670 = tpu.scan <sum>, %add3A_651 masked %reduce_sum3A_669 : vector<16xi32>, vector<16xi1> -> vector<16xi32>
        %reduce_sum3A_671 = vector.extract %reduce_sum3A_670[15] : i32 from vector<16xi32>
        %add3A_672 = arith.addi %scan3A_446, %reduce_sum3A_671 : i32
        scf.yield %add3A_672 : i32
      }
      %scan3A_147 = arith.constant 64 : i32
      %scan3A_148 = arith.constant 0 : i32
      %scan3A_149 = arith.constant 0 : i32
      %scan3A_150 = arith.constant 49 : i32
      %scan3A_151 = arith.addi %scan3A_149, %scan3A_150 : i32
      %scan3A_152 = arith.constant 1 : i32
      %scan3A_153 = scf.for %scan3A_445 = %scan3A_149 to %scan3A_151 step %scan3A_152 iter_args(%scan3A_446 = %scan3A_148) -> (i32)  : i32 {
        %mul3A_447 = arith.constant 8 : i32
        %mul3A_448 = arith.muli %scan3A_445, %mul3A_447 : i32
        %add3A_449 = arith.constant 0 : i32
        %add3A_450 = arith.addi %mul3A_448, %add3A_449 : i32
        %mul3A_451 = arith.constant 16 : i32
        %mul3A_452 = arith.muli %add3A_450, %mul3A_451 : i32
        %get3A = arith.index_cast %mul3A_452 : i32 to index
        %get3A_453 = tpu.vector_load %arg5[%get3A] {strides = array<i32>} : memref<6272xi32, #tpu.memory_space<vmem>>, vector<16xi32>,
        %shift_right_arithmetic3A = arith.constant 20 : i32
        %shift_right_arithmetic3A_454 = vector.broadcast %shift_right_arithmetic3A : i32 to vector<16xi32>
        %shift_right_arithmetic3A_455 = arith.shrsi %get3A_453, %shift_right_arithmetic3A_454 : vector<16xi32>
        %and3A_456 = arith.constant 1023 : i32
        %and3A_457 = vector.broadcast %and3A_456 : i32 to vector<16xi32>
        %and3A_458 = arith.andi %shift_right_arithmetic3A_455, %and3A_457 : vector<16xi32>
        %broadcast_in_dim3A_459 = arith.constant true
        %broadcast_in_dim3A_460 = vector.broadcast %broadcast_in_dim3A_459 : i1 to vector<16xi1>
        %unique3A, %unique3A_461 = tpu.scan_count mask(%broadcast_in_dim3A_460 : vector<16xi1>) value(%and3A_458 : vector<16xi32>) : vector<16xi1>, vector<16xi32>
        %gather3A_462 = tpu.vector_load_idx %arg10[%and3A_458] : memref<1024xi32, #tpu.memory_space<vmem>>[vector<16xi32>], vector<16xi32>,
        %add3A_463 = arith.addi %gather3A_462, %unique3A_461 : vector<16xi32>
        %sub3A_464 = arith.constant 1 : i32
        %sub3A_465 = vector.broadcast %sub3A_464 : i32 to vector<16xi32>
        %sub3A_466 = arith.subi %add3A_463, %sub3A_465 : vector<16xi32>
        %mul3A_467 = arith.constant 16 : i32
        %mul3A_468 = arith.muli %add3A_450, %mul3A_467 : i32
        %swap3A_469 = arith.index_cast %mul3A_468 : i32 to index
        %swap3A_470 = tpu.vector_load %arg8[%swap3A_469] {strides = array<i32>} : memref<6272xi32, #tpu.memory_space<vmem>>, vector<16xi32>,
        tpu.vector_store %arg8[%swap3A_469], %sub3A_466 {strides = array<i32>} : memref<6272xi32, #tpu.memory_space<vmem>>, vector<16xi32>,
        %add3A_471 = arith.addi %gather3A_462, %unique3A_461 : vector<16xi32>
        tpu.vector_store_idx %arg10[%and3A_458], %add3A_471 masked %unique3A : memref<1024xi32, #tpu.memory_space<vmem>>[vector<16xi32>], vector<16xi32>, vector<16xi1>
        %mul3A_472 = arith.constant 8 : i32
        %mul3A_473 = arith.muli %scan3A_445, %mul3A_472 : i32
        %add3A_474 = arith.constant 1 : i32
        %add3A_475 = arith.addi %mul3A_473, %add3A_474 : i32
        %mul3A_476 = arith.constant 16 : i32
        %mul3A_477 = arith.muli %add3A_475, %mul3A_476 : i32
        %get3A_478 = arith.index_cast %mul3A_477 : i32 to index
        %get3A_479 = tpu.vector_load %arg5[%get3A_478] {strides = array<i32>} : memref<6272xi32, #tpu.memory_space<vmem>>, vector<16xi32>,
        %shift_right_arithmetic3A_480 = arith.constant 20 : i32
        %shift_right_arithmetic3A_481 = vector.broadcast %shift_right_arithmetic3A_480 : i32 to vector<16xi32>
        %shift_right_arithmetic3A_482 = arith.shrsi %get3A_479, %shift_right_arithmetic3A_481 : vector<16xi32>
        %and3A_483 = arith.constant 1023 : i32
        %and3A_484 = vector.broadcast %and3A_483 : i32 to vector<16xi32>
        %and3A_485 = arith.andi %shift_right_arithmetic3A_482, %and3A_484 : vector<16xi32>
        %broadcast_in_dim3A_486 = arith.constant true
        %broadcast_in_dim3A_487 = vector.broadcast %broadcast_in_dim3A_486 : i1 to vector<16xi1>
        %unique3A_488, %unique3A_489 = tpu.scan_count mask(%broadcast_in_dim3A_487 : vector<16xi1>) value(%and3A_485 : vector<16xi32>) : vector<16xi1>, vector<16xi32>
        %gather3A_490 = tpu.vector_load_idx %arg10[%and3A_485] : memref<1024xi32, #tpu.memory_space<vmem>>[vector<16xi32>], vector<16xi32>,
        %add3A_491 = arith.addi %gather3A_490, %unique3A_489 : vector<16xi32>
        %sub3A_492 = arith.constant 1 : i32
        %sub3A_493 = vector.broadcast %sub3A_492 : i32 to vector<16xi32>
        %sub3A_494 = arith.subi %add3A_491, %sub3A_493 : vector<16xi32>
        %mul3A_495 = arith.constant 16 : i32
        %mul3A_496 = arith.muli %add3A_475, %mul3A_495 : i32
        %swap3A_497 = arith.index_cast %mul3A_496 : i32 to index
        %swap3A_498 = tpu.vector_load %arg8[%swap3A_497] {strides = array<i32>} : memref<6272xi32, #tpu.memory_space<vmem>>, vector<16xi32>,
        tpu.vector_store %arg8[%swap3A_497], %sub3A_494 {strides = array<i32>} : memref<6272xi32, #tpu.memory_space<vmem>>, vector<16xi32>,
        %add3A_499 = arith.addi %gather3A_490, %unique3A_489 : vector<16xi32>
        tpu.vector_store_idx %arg10[%and3A_485], %add3A_499 masked %unique3A_488 : memref<1024xi32, #tpu.memory_space<vmem>>[vector<16xi32>], vector<16xi32>, vector<16xi1>
        %mul3A_500 = arith.constant 8 : i32
        %mul3A_501 = arith.muli %scan3A_445, %mul3A_500 : i32
        %add3A_502 = arith.constant 2 : i32
        %add3A_503 = arith.addi %mul3A_501, %add3A_502 : i32
        %mul3A_504 = arith.constant 16 : i32
        %mul3A_505 = arith.muli %add3A_503, %mul3A_504 : i32
        %get3A_506 = arith.index_cast %mul3A_505 : i32 to index
        %get3A_507 = tpu.vector_load %arg5[%get3A_506] {strides = array<i32>} : memref<6272xi32, #tpu.memory_space<vmem>>, vector<16xi32>,
        %shift_right_arithmetic3A_508 = arith.constant 20 : i32
        %shift_right_arithmetic3A_509 = vector.broadcast %shift_right_arithmetic3A_508 : i32 to vector<16xi32>
        %shift_right_arithmetic3A_510 = arith.shrsi %get3A_507, %shift_right_arithmetic3A_509 : vector<16xi32>
        %and3A_511 = arith.constant 1023 : i32
        %and3A_512 = vector.broadcast %and3A_511 : i32 to vector<16xi32>
        %and3A_513 = arith.andi %shift_right_arithmetic3A_510, %and3A_512 : vector<16xi32>
        %broadcast_in_dim3A_514 = arith.constant true
        %broadcast_in_dim3A_515 = vector.broadcast %broadcast_in_dim3A_514 : i1 to vector<16xi1>
        %unique3A_516, %unique3A_517 = tpu.scan_count mask(%broadcast_in_dim3A_515 : vector<16xi1>) value(%and3A_513 : vector<16xi32>) : vector<16xi1>, vector<16xi32>
        %gather3A_518 = tpu.vector_load_idx %arg10[%and3A_513] : memref<1024xi32, #tpu.memory_space<vmem>>[vector<16xi32>], vector<16xi32>,
        %add3A_519 = arith.addi %gather3A_518, %unique3A_517 : vector<16xi32>
        %sub3A_520 = arith.constant 1 : i32
        %sub3A_521 = vector.broadcast %sub3A_520 : i32 to vector<16xi32>
        %sub3A_522 = arith.subi %add3A_519, %sub3A_521 : vector<16xi32>
        %mul3A_523 = arith.constant 16 : i32
        %mul3A_524 = arith.muli %add3A_503, %mul3A_523 : i32
        %swap3A_525 = arith.index_cast %mul3A_524 : i32 to index
        %swap3A_526 = tpu.vector_load %arg8[%swap3A_525] {strides = array<i32>} : memref<6272xi32, #tpu.memory_space<vmem>>, vector<16xi32>,
        tpu.vector_store %arg8[%swap3A_525], %sub3A_522 {strides = array<i32>} : memref<6272xi32, #tpu.memory_space<vmem>>, vector<16xi32>,
        %add3A_527 = arith.addi %gather3A_518, %unique3A_517 : vector<16xi32>
        tpu.vector_store_idx %arg10[%and3A_513], %add3A_527 masked %unique3A_516 : memref<1024xi32, #tpu.memory_space<vmem>>[vector<16xi32>], vector<16xi32>, vector<16xi1>
        %mul3A_528 = arith.constant 8 : i32
        %mul3A_529 = arith.muli %scan3A_445, %mul3A_528 : i32
        %add3A_530 = arith.constant 3 : i32
        %add3A_531 = arith.addi %mul3A_529, %add3A_530 : i32
        %mul3A_532 = arith.constant 16 : i32
        %mul3A_533 = arith.muli %add3A_531, %mul3A_532 : i32
        %get3A_534 = arith.index_cast %mul3A_533 : i32 to index
        %get3A_535 = tpu.vector_load %arg5[%get3A_534] {strides = array<i32>} : memref<6272xi32, #tpu.memory_space<vmem>>, vector<16xi32>,
        %shift_right_arithmetic3A_536 = arith.constant 20 : i32
        %shift_right_arithmetic3A_537 = vector.broadcast %shift_right_arithmetic3A_536 : i32 to vector<16xi32>
        %shift_right_arithmetic3A_538 = arith.shrsi %get3A_535, %shift_right_arithmetic3A_537 : vector<16xi32>
        %and3A_539 = arith.constant 1023 : i32
        %and3A_540 = vector.broadcast %and3A_539 : i32 to vector<16xi32>
        %and3A_541 = arith.andi %shift_right_arithmetic3A_538, %and3A_540 : vector<16xi32>
        %broadcast_in_dim3A_542 = arith.constant true
        %broadcast_in_dim3A_543 = vector.broadcast %broadcast_in_dim3A_542 : i1 to vector<16xi1>
        %unique3A_544, %unique3A_545 = tpu.scan_count mask(%broadcast_in_dim3A_543 : vector<16xi1>) value(%and3A_541 : vector<16xi32>) : vector<16xi1>, vector<16xi32>
        %gather3A_546 = tpu.vector_load_idx %arg10[%and3A_541] : memref<1024xi32, #tpu.memory_space<vmem>>[vector<16xi32>], vector<16xi32>,
        %add3A_547 = arith.addi %gather3A_546, %unique3A_545 : vector<16xi32>
        %sub3A_548 = arith.constant 1 : i32
        %sub3A_549 = vector.broadcast %sub3A_548 : i32 to vector<16xi32>
        %sub3A_550 = arith.subi %add3A_547, %sub3A_549 : vector<16xi32>
        %mul3A_551 = arith.constant 16 : i32
        %mul3A_552 = arith.muli %add3A_531, %mul3A_551 : i32
        %swap3A_553 = arith.index_cast %mul3A_552 : i32 to index
        %swap3A_554 = tpu.vector_load %arg8[%swap3A_553] {strides = array<i32>} : memref<6272xi32, #tpu.memory_space<vmem>>, vector<16xi32>,
        tpu.vector_store %arg8[%swap3A_553], %sub3A_550 {strides = array<i32>} : memref<6272xi32, #tpu.memory_space<vmem>>, vector<16xi32>,
        %add3A_555 = arith.addi %gather3A_546, %unique3A_545 : vector<16xi32>
        tpu.vector_store_idx %arg10[%and3A_541], %add3A_555 masked %unique3A_544 : memref<1024xi32, #tpu.memory_space<vmem>>[vector<16xi32>], vector<16xi32>, vector<16xi1>
        %mul3A_556 = arith.constant 8 : i32
        %mul3A_557 = arith.muli %scan3A_445, %mul3A_556 : i32
        %add3A_558 = arith.constant 4 : i32
        %add3A_559 = arith.addi %mul3A_557, %add3A_558 : i32
        %mul3A_560 = arith.constant 16 : i32
        %mul3A_561 = arith.muli %add3A_559, %mul3A_560 : i32
        %get3A_562 = arith.index_cast %mul3A_561 : i32 to index
        %get3A_563 = tpu.vector_load %arg5[%get3A_562] {strides = array<i32>} : memref<6272xi32, #tpu.memory_space<vmem>>, vector<16xi32>,
        %shift_right_arithmetic3A_564 = arith.constant 20 : i32
        %shift_right_arithmetic3A_565 = vector.broadcast %shift_right_arithmetic3A_564 : i32 to vector<16xi32>
        %shift_right_arithmetic3A_566 = arith.shrsi %get3A_563, %shift_right_arithmetic3A_565 : vector<16xi32>
        %and3A_567 = arith.constant 1023 : i32
        %and3A_568 = vector.broadcast %and3A_567 : i32 to vector<16xi32>
        %and3A_569 = arith.andi %shift_right_arithmetic3A_566, %and3A_568 : vector<16xi32>
        %broadcast_in_dim3A_570 = arith.constant true
        %broadcast_in_dim3A_571 = vector.broadcast %broadcast_in_dim3A_570 : i1 to vector<16xi1>
        %unique3A_572, %unique3A_573 = tpu.scan_count mask(%broadcast_in_dim3A_571 : vector<16xi1>) value(%and3A_569 : vector<16xi32>) : vector<16xi1>, vector<16xi32>
        %gather3A_574 = tpu.vector_load_idx %arg10[%and3A_569] : memref<1024xi32, #tpu.memory_space<vmem>>[vector<16xi32>], vector<16xi32>,
        %add3A_575 = arith.addi %gather3A_574, %unique3A_573 : vector<16xi32>
        %sub3A_576 = arith.constant 1 : i32
        %sub3A_577 = vector.broadcast %sub3A_576 : i32 to vector<16xi32>
        %sub3A_578 = arith.subi %add3A_575, %sub3A_577 : vector<16xi32>
        %mul3A_579 = arith.constant 16 : i32
        %mul3A_580 = arith.muli %add3A_559, %mul3A_579 : i32
        %swap3A_581 = arith.index_cast %mul3A_580 : i32 to index
        %swap3A_582 = tpu.vector_load %arg8[%swap3A_581] {strides = array<i32>} : memref<6272xi32, #tpu.memory_space<vmem>>, vector<16xi32>,
        tpu.vector_store %arg8[%swap3A_581], %sub3A_578 {strides = array<i32>} : memref<6272xi32, #tpu.memory_space<vmem>>, vector<16xi32>,
        %add3A_583 = arith.addi %gather3A_574, %unique3A_573 : vector<16xi32>
        tpu.vector_store_idx %arg10[%and3A_569], %add3A_583 masked %unique3A_572 : memref<1024xi32, #tpu.memory_space<vmem>>[vector<16xi32>], vector<16xi32>, vector<16xi1>
        %mul3A_584 = arith.constant 8 : i32
        %mul3A_585 = arith.muli %scan3A_445, %mul3A_584 : i32
        %add3A_586 = arith.constant 5 : i32
        %add3A_587 = arith.addi %mul3A_585, %add3A_586 : i32
        %mul3A_588 = arith.constant 16 : i32
        %mul3A_589 = arith.muli %add3A_587, %mul3A_588 : i32
        %get3A_590 = arith.index_cast %mul3A_589 : i32 to index
        %get3A_591 = tpu.vector_load %arg5[%get3A_590] {strides = array<i32>} : memref<6272xi32, #tpu.memory_space<vmem>>, vector<16xi32>,
        %shift_right_arithmetic3A_592 = arith.constant 20 : i32
        %shift_right_arithmetic3A_593 = vector.broadcast %shift_right_arithmetic3A_592 : i32 to vector<16xi32>
        %shift_right_arithmetic3A_594 = arith.shrsi %get3A_591, %shift_right_arithmetic3A_593 : vector<16xi32>
        %and3A_595 = arith.constant 1023 : i32
        %and3A_596 = vector.broadcast %and3A_595 : i32 to vector<16xi32>
        %and3A_597 = arith.andi %shift_right_arithmetic3A_594, %and3A_596 : vector<16xi32>
        %broadcast_in_dim3A_598 = arith.constant true
        %broadcast_in_dim3A_599 = vector.broadcast %broadcast_in_dim3A_598 : i1 to vector<16xi1>
        %unique3A_600, %unique3A_601 = tpu.scan_count mask(%broadcast_in_dim3A_599 : vector<16xi1>) value(%and3A_597 : vector<16xi32>) : vector<16xi1>, vector<16xi32>
        %gather3A_602 = tpu.vector_load_idx %arg10[%and3A_597] : memref<1024xi32, #tpu.memory_space<vmem>>[vector<16xi32>], vector<16xi32>,
        %add3A_603 = arith.addi %gather3A_602, %unique3A_601 : vector<16xi32>
        %sub3A_604 = arith.constant 1 : i32
        %sub3A_605 = vector.broadcast %sub3A_604 : i32 to vector<16xi32>
        %sub3A_606 = arith.subi %add3A_603, %sub3A_605 : vector<16xi32>
        %mul3A_607 = arith.constant 16 : i32
        %mul3A_608 = arith.muli %add3A_587, %mul3A_607 : i32
        %swap3A_609 = arith.index_cast %mul3A_608 : i32 to index
        %swap3A_610 = tpu.vector_load %arg8[%swap3A_609] {strides = array<i32>} : memref<6272xi32, #tpu.memory_space<vmem>>, vector<16xi32>,
        tpu.vector_store %arg8[%swap3A_609], %sub3A_606 {strides = array<i32>} : memref<6272xi32, #tpu.memory_space<vmem>>, vector<16xi32>,
        %add3A_611 = arith.addi %gather3A_602, %unique3A_601 : vector<16xi32>
        tpu.vector_store_idx %arg10[%and3A_597], %add3A_611 masked %unique3A_600 : memref<1024xi32, #tpu.memory_space<vmem>>[vector<16xi32>], vector<16xi32>, vector<16xi1>
        %mul3A_612 = arith.constant 8 : i32
        %mul3A_613 = arith.muli %scan3A_445, %mul3A_612 : i32
        %add3A_614 = arith.constant 6 : i32
        %add3A_615 = arith.addi %mul3A_613, %add3A_614 : i32
        %mul3A_616 = arith.constant 16 : i32
        %mul3A_617 = arith.muli %add3A_615, %mul3A_616 : i32
        %get3A_618 = arith.index_cast %mul3A_617 : i32 to index
        %get3A_619 = tpu.vector_load %arg5[%get3A_618] {strides = array<i32>} : memref<6272xi32, #tpu.memory_space<vmem>>, vector<16xi32>,
        %shift_right_arithmetic3A_620 = arith.constant 20 : i32
        %shift_right_arithmetic3A_621 = vector.broadcast %shift_right_arithmetic3A_620 : i32 to vector<16xi32>
        %shift_right_arithmetic3A_622 = arith.shrsi %get3A_619, %shift_right_arithmetic3A_621 : vector<16xi32>
        %and3A_623 = arith.constant 1023 : i32
        %and3A_624 = vector.broadcast %and3A_623 : i32 to vector<16xi32>
        %and3A_625 = arith.andi %shift_right_arithmetic3A_622, %and3A_624 : vector<16xi32>
        %broadcast_in_dim3A_626 = arith.constant true
        %broadcast_in_dim3A_627 = vector.broadcast %broadcast_in_dim3A_626 : i1 to vector<16xi1>
        %unique3A_628, %unique3A_629 = tpu.scan_count mask(%broadcast_in_dim3A_627 : vector<16xi1>) value(%and3A_625 : vector<16xi32>) : vector<16xi1>, vector<16xi32>
        %gather3A_630 = tpu.vector_load_idx %arg10[%and3A_625] : memref<1024xi32, #tpu.memory_space<vmem>>[vector<16xi32>], vector<16xi32>,
        %add3A_631 = arith.addi %gather3A_630, %unique3A_629 : vector<16xi32>
        %sub3A_632 = arith.constant 1 : i32
        %sub3A_633 = vector.broadcast %sub3A_632 : i32 to vector<16xi32>
        %sub3A_634 = arith.subi %add3A_631, %sub3A_633 : vector<16xi32>
        %mul3A_635 = arith.constant 16 : i32
        %mul3A_636 = arith.muli %add3A_615, %mul3A_635 : i32
        %swap3A_637 = arith.index_cast %mul3A_636 : i32 to index
        %swap3A_638 = tpu.vector_load %arg8[%swap3A_637] {strides = array<i32>} : memref<6272xi32, #tpu.memory_space<vmem>>, vector<16xi32>,
        tpu.vector_store %arg8[%swap3A_637], %sub3A_634 {strides = array<i32>} : memref<6272xi32, #tpu.memory_space<vmem>>, vector<16xi32>,
        %add3A_639 = arith.addi %gather3A_630, %unique3A_629 : vector<16xi32>
        tpu.vector_store_idx %arg10[%and3A_625], %add3A_639 masked %unique3A_628 : memref<1024xi32, #tpu.memory_space<vmem>>[vector<16xi32>], vector<16xi32>, vector<16xi1>
        %mul3A_640 = arith.constant 8 : i32
        %mul3A_641 = arith.muli %scan3A_445, %mul3A_640 : i32
        %add3A_642 = arith.constant 7 : i32
        %add3A_643 = arith.addi %mul3A_641, %add3A_642 : i32
        %mul3A_644 = arith.constant 16 : i32
        %mul3A_645 = arith.muli %add3A_643, %mul3A_644 : i32
        %get3A_646 = arith.index_cast %mul3A_645 : i32 to index
        %get3A_647 = tpu.vector_load %arg5[%get3A_646] {strides = array<i32>} : memref<6272xi32, #tpu.memory_space<vmem>>, vector<16xi32>,
        %shift_right_arithmetic3A_648 = arith.constant 20 : i32
        %shift_right_arithmetic3A_649 = vector.broadcast %shift_right_arithmetic3A_648 : i32 to vector<16xi32>
        %shift_right_arithmetic3A_650 = arith.shrsi %get3A_647, %shift_right_arithmetic3A_649 : vector<16xi32>
        %and3A_651 = arith.constant 1023 : i32
        %and3A_652 = vector.broadcast %and3A_651 : i32 to vector<16xi32>
        %and3A_653 = arith.andi %shift_right_arithmetic3A_650, %and3A_652 : vector<16xi32>
        %broadcast_in_dim3A_654 = arith.constant true
        %broadcast_in_dim3A_655 = vector.broadcast %broadcast_in_dim3A_654 : i1 to vector<16xi1>
        %unique3A_656, %unique3A_657 = tpu.scan_count mask(%broadcast_in_dim3A_655 : vector<16xi1>) value(%and3A_653 : vector<16xi32>) : vector<16xi1>, vector<16xi32>
        %gather3A_658 = tpu.vector_load_idx %arg10[%and3A_653] : memref<1024xi32, #tpu.memory_space<vmem>>[vector<16xi32>], vector<16xi32>,
        %add3A_659 = arith.addi %gather3A_658, %unique3A_657 : vector<16xi32>
        %sub3A_660 = arith.constant 1 : i32
        %sub3A_661 = vector.broadcast %sub3A_660 : i32 to vector<16xi32>
        %sub3A_662 = arith.subi %add3A_659, %sub3A_661 : vector<16xi32>
        %mul3A_663 = arith.constant 16 : i32
        %mul3A_664 = arith.muli %add3A_643, %mul3A_663 : i32
        %swap3A_665 = arith.index_cast %mul3A_664 : i32 to index
        %swap3A_666 = tpu.vector_load %arg8[%swap3A_665] {strides = array<i32>} : memref<6272xi32, #tpu.memory_space<vmem>>, vector<16xi32>,
        tpu.vector_store %arg8[%swap3A_665], %sub3A_662 {strides = array<i32>} : memref<6272xi32, #tpu.memory_space<vmem>>, vector<16xi32>,
        %add3A_667 = arith.addi %gather3A_658, %unique3A_657 : vector<16xi32>
        tpu.vector_store_idx %arg10[%and3A_653], %add3A_667 masked %unique3A_656 : memref<1024xi32, #tpu.memory_space<vmem>>[vector<16xi32>], vector<16xi32>, vector<16xi1>
        %scan3A_668 = arith.constant 0 : i32
        scf.yield %scan3A_668 : i32
      }
      %scan3A_154 = arith.constant 49 : i32
      %dma_start3A_155 = arith.constant 0 : i32
      %dma_start3A_156 = tpu.memref_slice %arg15[%dma_start3A_155] : memref<100352xi32, #tpu.memory_space<vmem_shared>> -> memref<100352xi32, #tpu.memory_space<vmem_shared>>
      tpu.enqueue_indirect_dma source(%arg5 : memref<6272xi32, #tpu.memory_space<vmem>>) target(%dma_start3A_156 : memref<100352xi32, #tpu.memory_space<vmem_shared>>) offsets(%arg8 : memref<6272xi32, #tpu.memory_space<vmem>>) semaphore(%arg20 : memref<!tpu.dma_semaphore, #tpu.memory_space<semaphore_mem>>)
      %dma_wait3A_157 = arith.constant 0 : i32
      %dma_wait3A_158 = tpu.memref_slice %arg15[%dma_wait3A_157] : memref<100352xi32, #tpu.memory_space<vmem_shared>> -> memref<100352xi32, #tpu.memory_space<vmem_shared>>
      tpu.wait_indirect_dma semaphore(%arg20 : memref<!tpu.dma_semaphore, #tpu.memory_space<semaphore_mem>>) src(%arg5 : memref<6272xi32, #tpu.memory_space<vmem>>) dst(%dma_wait3A_158 : memref<100352xi32, #tpu.memory_space<vmem_shared>>)
      %barrier3A_159 = arith.constant 0 : index
      tpu.barrier barrier_id(%barrier3A_159)
      %mul3A_160 = arith.constant 6272 : i32
      %mul3A_161 = arith.muli %arg1, %mul3A_160 : i32
      "tpu.region"() ({
        %run_scoped3A = tpu.sem_alloc : memref<!tpu.dma_semaphore, #tpu.memory_space<semaphore_mem>>
        %dma_start3A_445 = tpu.memref_slice %arg15[%mul3A_161] : memref<100352xi32, #tpu.memory_space<vmem_shared>> -> memref<6272xi32, #tpu.memory_space<vmem_shared>>
        %dma_start3A_446 = tpu.memref_slice %arg15[%mul3A_161] : memref<100352xi32, #tpu.memory_space<vmem_shared>> -> memref<6272xi32, #tpu.memory_space<vmem_shared>>
        tpu.enqueue_dma source(%dma_start3A_446 : memref<6272xi32, #tpu.memory_space<vmem_shared>>) target(%arg5 : memref<6272xi32, #tpu.memory_space<vmem>>) target_semaphore(%run_scoped3A : memref<!tpu.dma_semaphore, #tpu.memory_space<semaphore_mem>>)
        %dma_wait3A_447 = tpu.memref_slice %arg15[%mul3A_161] : memref<100352xi32, #tpu.memory_space<vmem_shared>> -> memref<6272xi32, #tpu.memory_space<vmem_shared>>
        %dma_wait3A_448 = tpu.memref_slice %arg15[%mul3A_161] : memref<100352xi32, #tpu.memory_space<vmem_shared>> -> memref<6272xi32, #tpu.memory_space<vmem_shared>>
        tpu.wait_dma2 semaphore(%run_scoped3A : memref<!tpu.dma_semaphore, #tpu.memory_space<semaphore_mem>>) src(%dma_wait3A_448 : memref<6272xi32, #tpu.memory_space<vmem_shared>>) dst(%arg5 : memref<6272xi32, #tpu.memory_space<vmem>>)
        tpu.yield
      }) : () -> ()
      %broadcast_in_dim3A = arith.constant 0.000000e+00 : f32
      %broadcast_in_dim3A_162 = vector.broadcast %broadcast_in_dim3A : f32 to vector<16xf32>
      %scan3A_163 = arith.constant 0 : i32
      %scan3A_164 = arith.constant 49 : i32
      %scan3A_165 = arith.addi %scan3A_163, %scan3A_164 : i32
      %scan3A_166 = arith.constant 1 : i32
      %scan3A_167 = scf.for %scan3A_445 = %scan3A_163 to %scan3A_165 step %scan3A_166 iter_args(%scan3A_446 = %broadcast_in_dim3A_162) -> (vector<16xf32>)  : i32 {
        %mul3A_447 = arith.constant 8 : i32
        %mul3A_448 = arith.muli %scan3A_445, %mul3A_447 : i32
        %add3A_449 = arith.constant 0 : i32
        %add3A_450 = arith.addi %mul3A_448, %add3A_449 : i32
        %mul3A_451 = arith.constant 16 : i32
        %mul3A_452 = arith.muli %add3A_450, %mul3A_451 : i32
        %get3A = arith.index_cast %mul3A_452 : i32 to index
        %get3A_453 = tpu.vector_load %arg5[%get3A] {strides = array<i32>} : memref<6272xi32, #tpu.memory_space<vmem>>, vector<16xi32>,
        %sub3A_454 = arith.constant 1065353216 : i32
        %sub3A_455 = vector.broadcast %sub3A_454 : i32 to vector<16xi32>
        %sub3A_456 = arith.subi %sub3A_455, %get3A_453 : vector<16xi32>
        %bitcast3A = vector.bitcast %sub3A_456 : vector<16xi32> to vector<16xf32>
        %gt3A_457 = arith.constant 0.000000e+00 : f32
        %gt3A_458 = vector.broadcast %gt3A_457 : f32 to vector<16xf32>
        %gt3A_459 = arith.cmpf ogt, %bitcast3A, %gt3A_458 : vector<16xf32>
        %jit3A_460 = arith.constant 0.000000e+00 : f32
        %broadcast_in_dim3A_461 = vector.broadcast %jit3A_460 : f32 to vector<16xf32>
        %select_n3A_462 = arith.select %gt3A_459, %bitcast3A, %broadcast_in_dim3A_461 : vector<16xi1>, vector<16xf32>
        %add3A_463 = arith.addf %scan3A_446, %select_n3A_462 : vector<16xf32>
        %mul3A_464 = arith.constant 8 : i32
        %mul3A_465 = arith.muli %scan3A_445, %mul3A_464 : i32
        %add3A_466 = arith.constant 1 : i32
        %add3A_467 = arith.addi %mul3A_465, %add3A_466 : i32
        %mul3A_468 = arith.constant 16 : i32
        %mul3A_469 = arith.muli %add3A_467, %mul3A_468 : i32
        %get3A_470 = arith.index_cast %mul3A_469 : i32 to index
        %get3A_471 = tpu.vector_load %arg5[%get3A_470] {strides = array<i32>} : memref<6272xi32, #tpu.memory_space<vmem>>, vector<16xi32>,
        %sub3A_472 = arith.constant 1065353216 : i32
        %sub3A_473 = vector.broadcast %sub3A_472 : i32 to vector<16xi32>
        %sub3A_474 = arith.subi %sub3A_473, %get3A_471 : vector<16xi32>
        %bitcast3A_475 = vector.bitcast %sub3A_474 : vector<16xi32> to vector<16xf32>
        %gt3A_476 = arith.constant 0.000000e+00 : f32
        %gt3A_477 = vector.broadcast %gt3A_476 : f32 to vector<16xf32>
        %gt3A_478 = arith.cmpf ogt, %bitcast3A_475, %gt3A_477 : vector<16xf32>
        %jit3A_479 = arith.constant 0.000000e+00 : f32
        %broadcast_in_dim3A_480 = vector.broadcast %jit3A_479 : f32 to vector<16xf32>
        %select_n3A_481 = arith.select %gt3A_478, %bitcast3A_475, %broadcast_in_dim3A_480 : vector<16xi1>, vector<16xf32>
        %add3A_482 = arith.addf %add3A_463, %select_n3A_481 : vector<16xf32>
        %mul3A_483 = arith.constant 8 : i32
        %mul3A_484 = arith.muli %scan3A_445, %mul3A_483 : i32
        %add3A_485 = arith.constant 2 : i32
        %add3A_486 = arith.addi %mul3A_484, %add3A_485 : i32
        %mul3A_487 = arith.constant 16 : i32
        %mul3A_488 = arith.muli %add3A_486, %mul3A_487 : i32
        %get3A_489 = arith.index_cast %mul3A_488 : i32 to index
        %get3A_490 = tpu.vector_load %arg5[%get3A_489] {strides = array<i32>} : memref<6272xi32, #tpu.memory_space<vmem>>, vector<16xi32>,
        %sub3A_491 = arith.constant 1065353216 : i32
        %sub3A_492 = vector.broadcast %sub3A_491 : i32 to vector<16xi32>
        %sub3A_493 = arith.subi %sub3A_492, %get3A_490 : vector<16xi32>
        %bitcast3A_494 = vector.bitcast %sub3A_493 : vector<16xi32> to vector<16xf32>
        %gt3A_495 = arith.constant 0.000000e+00 : f32
        %gt3A_496 = vector.broadcast %gt3A_495 : f32 to vector<16xf32>
        %gt3A_497 = arith.cmpf ogt, %bitcast3A_494, %gt3A_496 : vector<16xf32>
        %jit3A_498 = arith.constant 0.000000e+00 : f32
        %broadcast_in_dim3A_499 = vector.broadcast %jit3A_498 : f32 to vector<16xf32>
        %select_n3A_500 = arith.select %gt3A_497, %bitcast3A_494, %broadcast_in_dim3A_499 : vector<16xi1>, vector<16xf32>
        %add3A_501 = arith.addf %add3A_482, %select_n3A_500 : vector<16xf32>
        %mul3A_502 = arith.constant 8 : i32
        %mul3A_503 = arith.muli %scan3A_445, %mul3A_502 : i32
        %add3A_504 = arith.constant 3 : i32
        %add3A_505 = arith.addi %mul3A_503, %add3A_504 : i32
        %mul3A_506 = arith.constant 16 : i32
        %mul3A_507 = arith.muli %add3A_505, %mul3A_506 : i32
        %get3A_508 = arith.index_cast %mul3A_507 : i32 to index
        %get3A_509 = tpu.vector_load %arg5[%get3A_508] {strides = array<i32>} : memref<6272xi32, #tpu.memory_space<vmem>>, vector<16xi32>,
        %sub3A_510 = arith.constant 1065353216 : i32
        %sub3A_511 = vector.broadcast %sub3A_510 : i32 to vector<16xi32>
        %sub3A_512 = arith.subi %sub3A_511, %get3A_509 : vector<16xi32>
        %bitcast3A_513 = vector.bitcast %sub3A_512 : vector<16xi32> to vector<16xf32>
        %gt3A_514 = arith.constant 0.000000e+00 : f32
        %gt3A_515 = vector.broadcast %gt3A_514 : f32 to vector<16xf32>
        %gt3A_516 = arith.cmpf ogt, %bitcast3A_513, %gt3A_515 : vector<16xf32>
        %jit3A_517 = arith.constant 0.000000e+00 : f32
        %broadcast_in_dim3A_518 = vector.broadcast %jit3A_517 : f32 to vector<16xf32>
        %select_n3A_519 = arith.select %gt3A_516, %bitcast3A_513, %broadcast_in_dim3A_518 : vector<16xi1>, vector<16xf32>
        %add3A_520 = arith.addf %add3A_501, %select_n3A_519 : vector<16xf32>
        %mul3A_521 = arith.constant 8 : i32
        %mul3A_522 = arith.muli %scan3A_445, %mul3A_521 : i32
        %add3A_523 = arith.constant 4 : i32
        %add3A_524 = arith.addi %mul3A_522, %add3A_523 : i32
        %mul3A_525 = arith.constant 16 : i32
        %mul3A_526 = arith.muli %add3A_524, %mul3A_525 : i32
        %get3A_527 = arith.index_cast %mul3A_526 : i32 to index
        %get3A_528 = tpu.vector_load %arg5[%get3A_527] {strides = array<i32>} : memref<6272xi32, #tpu.memory_space<vmem>>, vector<16xi32>,
        %sub3A_529 = arith.constant 1065353216 : i32
        %sub3A_530 = vector.broadcast %sub3A_529 : i32 to vector<16xi32>
        %sub3A_531 = arith.subi %sub3A_530, %get3A_528 : vector<16xi32>
        %bitcast3A_532 = vector.bitcast %sub3A_531 : vector<16xi32> to vector<16xf32>
        %gt3A_533 = arith.constant 0.000000e+00 : f32
        %gt3A_534 = vector.broadcast %gt3A_533 : f32 to vector<16xf32>
        %gt3A_535 = arith.cmpf ogt, %bitcast3A_532, %gt3A_534 : vector<16xf32>
        %jit3A_536 = arith.constant 0.000000e+00 : f32
        %broadcast_in_dim3A_537 = vector.broadcast %jit3A_536 : f32 to vector<16xf32>
        %select_n3A_538 = arith.select %gt3A_535, %bitcast3A_532, %broadcast_in_dim3A_537 : vector<16xi1>, vector<16xf32>
        %add3A_539 = arith.addf %add3A_520, %select_n3A_538 : vector<16xf32>
        %mul3A_540 = arith.constant 8 : i32
        %mul3A_541 = arith.muli %scan3A_445, %mul3A_540 : i32
        %add3A_542 = arith.constant 5 : i32
        %add3A_543 = arith.addi %mul3A_541, %add3A_542 : i32
        %mul3A_544 = arith.constant 16 : i32
        %mul3A_545 = arith.muli %add3A_543, %mul3A_544 : i32
        %get3A_546 = arith.index_cast %mul3A_545 : i32 to index
        %get3A_547 = tpu.vector_load %arg5[%get3A_546] {strides = array<i32>} : memref<6272xi32, #tpu.memory_space<vmem>>, vector<16xi32>,
        %sub3A_548 = arith.constant 1065353216 : i32
        %sub3A_549 = vector.broadcast %sub3A_548 : i32 to vector<16xi32>
        %sub3A_550 = arith.subi %sub3A_549, %get3A_547 : vector<16xi32>
        %bitcast3A_551 = vector.bitcast %sub3A_550 : vector<16xi32> to vector<16xf32>
        %gt3A_552 = arith.constant 0.000000e+00 : f32
        %gt3A_553 = vector.broadcast %gt3A_552 : f32 to vector<16xf32>
        %gt3A_554 = arith.cmpf ogt, %bitcast3A_551, %gt3A_553 : vector<16xf32>
        %jit3A_555 = arith.constant 0.000000e+00 : f32
        %broadcast_in_dim3A_556 = vector.broadcast %jit3A_555 : f32 to vector<16xf32>
        %select_n3A_557 = arith.select %gt3A_554, %bitcast3A_551, %broadcast_in_dim3A_556 : vector<16xi1>, vector<16xf32>
        %add3A_558 = arith.addf %add3A_539, %select_n3A_557 : vector<16xf32>
        %mul3A_559 = arith.constant 8 : i32
        %mul3A_560 = arith.muli %scan3A_445, %mul3A_559 : i32
        %add3A_561 = arith.constant 6 : i32
        %add3A_562 = arith.addi %mul3A_560, %add3A_561 : i32
        %mul3A_563 = arith.constant 16 : i32
        %mul3A_564 = arith.muli %add3A_562, %mul3A_563 : i32
        %get3A_565 = arith.index_cast %mul3A_564 : i32 to index
        %get3A_566 = tpu.vector_load %arg5[%get3A_565] {strides = array<i32>} : memref<6272xi32, #tpu.memory_space<vmem>>, vector<16xi32>,
        %sub3A_567 = arith.constant 1065353216 : i32
        %sub3A_568 = vector.broadcast %sub3A_567 : i32 to vector<16xi32>
        %sub3A_569 = arith.subi %sub3A_568, %get3A_566 : vector<16xi32>
        %bitcast3A_570 = vector.bitcast %sub3A_569 : vector<16xi32> to vector<16xf32>
        %gt3A_571 = arith.constant 0.000000e+00 : f32
        %gt3A_572 = vector.broadcast %gt3A_571 : f32 to vector<16xf32>
        %gt3A_573 = arith.cmpf ogt, %bitcast3A_570, %gt3A_572 : vector<16xf32>
        %jit3A_574 = arith.constant 0.000000e+00 : f32
        %broadcast_in_dim3A_575 = vector.broadcast %jit3A_574 : f32 to vector<16xf32>
        %select_n3A_576 = arith.select %gt3A_573, %bitcast3A_570, %broadcast_in_dim3A_575 : vector<16xi1>, vector<16xf32>
        %add3A_577 = arith.addf %add3A_558, %select_n3A_576 : vector<16xf32>
        %mul3A_578 = arith.constant 8 : i32
        %mul3A_579 = arith.muli %scan3A_445, %mul3A_578 : i32
        %add3A_580 = arith.constant 7 : i32
        %add3A_581 = arith.addi %mul3A_579, %add3A_580 : i32
        %mul3A_582 = arith.constant 16 : i32
        %mul3A_583 = arith.muli %add3A_581, %mul3A_582 : i32
        %get3A_584 = arith.index_cast %mul3A_583 : i32 to index
        %get3A_585 = tpu.vector_load %arg5[%get3A_584] {strides = array<i32>} : memref<6272xi32, #tpu.memory_space<vmem>>, vector<16xi32>,
        %sub3A_586 = arith.constant 1065353216 : i32
        %sub3A_587 = vector.broadcast %sub3A_586 : i32 to vector<16xi32>
        %sub3A_588 = arith.subi %sub3A_587, %get3A_585 : vector<16xi32>
        %bitcast3A_589 = vector.bitcast %sub3A_588 : vector<16xi32> to vector<16xf32>
        %gt3A_590 = arith.constant 0.000000e+00 : f32
        %gt3A_591 = vector.broadcast %gt3A_590 : f32 to vector<16xf32>
        %gt3A_592 = arith.cmpf ogt, %bitcast3A_589, %gt3A_591 : vector<16xf32>
        %jit3A_593 = arith.constant 0.000000e+00 : f32
        %broadcast_in_dim3A_594 = vector.broadcast %jit3A_593 : f32 to vector<16xf32>
        %select_n3A_595 = arith.select %gt3A_592, %bitcast3A_589, %broadcast_in_dim3A_594 : vector<16xi1>, vector<16xf32>
        %add3A_596 = arith.addf %add3A_577, %select_n3A_595 : vector<16xf32>
        scf.yield %add3A_596 : vector<16xf32>
      }
      %scan3A_168 = arith.constant 49 : i32
      %broadcast_in_dim3A_169 = arith.constant 1.000000e+00 : f32
      %broadcast_in_dim3A_170 = vector.broadcast %broadcast_in_dim3A_169 : f32 to vector<16xf32>
      %reduce_sum3A = arith.constant true
      %reduce_sum3A_171 = vector.broadcast %reduce_sum3A : i1 to vector<16xi1>
      %reduce_sum3A_172 = tpu.scan <sum>, %scan3A_167 masked %reduce_sum3A_171 : vector<16xf32>, vector<16xi1> -> vector<16xf32>
      %reduce_sum3A_173 = vector.extract %reduce_sum3A_172[15] : f32 from vector<16xf32>
      %mul3A_174 = vector.broadcast %reduce_sum3A_173 : f32 to vector<16xf32>
      %mul3A_175 = arith.mulf %broadcast_in_dim3A_170, %mul3A_174 : vector<16xf32>
      %swap3A = arith.constant 0 : index
      %swap3A_176 = tpu.vector_load %arg13[%swap3A] {strides = array<i32>} : memref<16xf32, #tpu.memory_space<vmem>>, vector<16xf32>,
      tpu.vector_store %arg13[%swap3A], %mul3A_175 {strides = array<i32>} : memref<16xf32, #tpu.memory_space<vmem>>, vector<16xf32>,
      %mul3A_177 = arith.constant 16 : i32
      %mul3A_178 = arith.muli %arg1, %mul3A_177 : i32
      "tpu.region"() ({
        %run_scoped3A = tpu.sem_alloc : memref<!tpu.dma_semaphore, #tpu.memory_space<semaphore_mem>>
        %dma_start3A_445 = tpu.memref_slice %arg18[%mul3A_178] : memref<256xf32, #tpu.memory_space<vmem_shared>> -> memref<16xf32, #tpu.memory_space<vmem_shared>>
        %dma_start3A_446 = tpu.memref_slice %arg18[%mul3A_178] : memref<256xf32, #tpu.memory_space<vmem_shared>> -> memref<16xf32, #tpu.memory_space<vmem_shared>>
        tpu.enqueue_dma source(%arg13 : memref<16xf32, #tpu.memory_space<vmem>>) target(%dma_start3A_446 : memref<16xf32, #tpu.memory_space<vmem_shared>>) target_semaphore(%run_scoped3A : memref<!tpu.dma_semaphore, #tpu.memory_space<semaphore_mem>>)
        %dma_wait3A_447 = tpu.memref_slice %arg18[%mul3A_178] : memref<256xf32, #tpu.memory_space<vmem_shared>> -> memref<16xf32, #tpu.memory_space<vmem_shared>>
        %dma_wait3A_448 = tpu.memref_slice %arg18[%mul3A_178] : memref<256xf32, #tpu.memory_space<vmem_shared>> -> memref<16xf32, #tpu.memory_space<vmem_shared>>
        tpu.wait_dma2 semaphore(%run_scoped3A : memref<!tpu.dma_semaphore, #tpu.memory_space<semaphore_mem>>) src(%arg13 : memref<16xf32, #tpu.memory_space<vmem>>) dst(%dma_wait3A_448 : memref<16xf32, #tpu.memory_space<vmem_shared>>)
        tpu.yield
      }) : () -> ()
      %barrier3A_179 = arith.constant 0 : index
      tpu.barrier barrier_id(%barrier3A_179)
      "tpu.region"() ({
        %run_scoped3A = tpu.sem_alloc : memref<!tpu.dma_semaphore, #tpu.memory_space<semaphore_mem>>
        %dma_start3A_445 = arith.constant 0 : i32
        %dma_start3A_446 = tpu.memref_slice %arg7[%dma_start3A_445] : memref<6272xf32, #tpu.memory_space<vmem>> -> memref<256xf32, #tpu.memory_space<vmem>>
        %dma_start3A_447 = arith.constant 0 : i32
        %dma_start3A_448 = tpu.memref_slice %arg7[%dma_start3A_447] : memref<6272xf32, #tpu.memory_space<vmem>> -> memref<256xf32, #tpu.memory_space<vmem>>
        tpu.enqueue_dma source(%arg18 : memref<256xf32, #tpu.memory_space<vmem_shared>>) target(%dma_start3A_448 : memref<256xf32, #tpu.memory_space<vmem>>) target_semaphore(%run_scoped3A : memref<!tpu.dma_semaphore, #tpu.memory_space<semaphore_mem>>)
        %dma_wait3A_449 = arith.constant 0 : i32
        %dma_wait3A_450 = tpu.memref_slice %arg7[%dma_wait3A_449] : memref<6272xf32, #tpu.memory_space<vmem>> -> memref<256xf32, #tpu.memory_space<vmem>>
        %dma_wait3A_451 = arith.constant 0 : i32
        %dma_wait3A_452 = tpu.memref_slice %arg7[%dma_wait3A_451] : memref<6272xf32, #tpu.memory_space<vmem>> -> memref<256xf32, #tpu.memory_space<vmem>>
        tpu.wait_dma2 semaphore(%run_scoped3A : memref<!tpu.dma_semaphore, #tpu.memory_space<semaphore_mem>>) src(%arg18 : memref<256xf32, #tpu.memory_space<vmem_shared>>) dst(%dma_wait3A_452 : memref<256xf32, #tpu.memory_space<vmem>>)
        tpu.yield
      }) : () -> ()
      %iota3A = tpu.iota {dimensions = array<i32: 0>} : vector<16xi32>
      %mul3A_180 = arith.constant 16 : i32
      %mul3A_181 = vector.broadcast %mul3A_180 : i32 to vector<16xi32>
      %mul3A_182 = arith.muli %iota3A, %mul3A_181 : vector<16xi32>
      %gather3A = tpu.vector_load_idx %arg7[%mul3A_182] : memref<6272xf32, #tpu.memory_space<vmem>>[vector<16xi32>], vector<16xf32>,
      %iota3A_183 = tpu.iota {dimensions = array<i32: 0>} : vector<16xi32>
      %lt3A_184 = vector.broadcast %arg1 : i32 to vector<16xi32>
      %lt3A_185 = arith.cmpi slt, %iota3A_183, %lt3A_184 : vector<16xi32>
      %jit3A_186 = arith.constant 0.000000e+00 : f32
      %broadcast_in_dim3A_187 = vector.broadcast %jit3A_186 : f32 to vector<16xf32>
      %select_n3A_188 = arith.select %lt3A_185, %gather3A, %broadcast_in_dim3A_187 : vector<16xi1>, vector<16xf32>
      %reduce_sum3A_189 = arith.constant true
      %reduce_sum3A_190 = vector.broadcast %reduce_sum3A_189 : i1 to vector<16xi1>
      %reduce_sum3A_191 = tpu.scan <sum>, %select_n3A_188 masked %reduce_sum3A_190 : vector<16xf32>, vector<16xi1> -> vector<16xf32>
      %reduce_sum3A_192 = vector.extract %reduce_sum3A_191[15] : f32 from vector<16xf32>
      %lt3A_193 = arith.constant 0.899999976 : f32
      %lt3A_194 = arith.cmpf olt, %reduce_sum3A_192, %lt3A_193 : f32
      %convert_element_type3A_195 = arith.extui %lt3A_194 : i1 to i32
      %cond3A_196 = arith.constant 0 : i32
      %cond3A_197 = arith.cmpi ne, %convert_element_type3A_195, %cond3A_196 : i32
      scf.if %cond3A_197 {
        %mul3A_445 = arith.constant 100000 : i32
        %mul3A_446 = arith.muli %add3A, %mul3A_445 : i32
        %mul3A_447 = arith.constant 6272 : i32
        %mul3A_448 = arith.muli %arg1, %mul3A_447 : i32
        %add3A_449 = arith.addi %mul3A_446, %mul3A_448 : i32
        %lt3A_450 = arith.constant 15 : i32
        %lt3A_451 = arith.cmpi slt, %arg1, %lt3A_450 : i32
        %convert_element_type3A_452 = arith.extui %lt3A_451 : i1 to i32
        %cond3A_453 = arith.constant 0 : i32
        %cond3A_454 = arith.cmpi ne, %convert_element_type3A_452, %cond3A_453 : i32
        scf.if %cond3A_454 {
          "tpu.region"() ({
            %run_scoped3A = tpu.sem_alloc : memref<!tpu.dma_semaphore, #tpu.memory_space<semaphore_mem>>
            %dma_start3A_460 = tpu.memref_slice %arg3[%add3A_449] : memref<6400000xf32, #tpu.memory_space<hbm>> -> memref<6272xf32, #tpu.memory_space<hbm>>
            %dma_start3A_461 = tpu.memref_slice %arg3[%add3A_449] : memref<6400000xf32, #tpu.memory_space<hbm>> -> memref<6272xf32, #tpu.memory_space<hbm>>
            tpu.enqueue_dma source(%dma_start3A_461 : memref<6272xf32, #tpu.memory_space<hbm>>) target(%arg7 : memref<6272xf32, #tpu.memory_space<vmem>>) target_semaphore(%run_scoped3A : memref<!tpu.dma_semaphore, #tpu.memory_space<semaphore_mem>>)
            %dma_wait3A_462 = tpu.memref_slice %arg3[%add3A_449] : memref<6400000xf32, #tpu.memory_space<hbm>> -> memref<6272xf32, #tpu.memory_space<hbm>>
            %dma_wait3A_463 = tpu.memref_slice %arg3[%add3A_449] : memref<6400000xf32, #tpu.memory_space<hbm>> -> memref<6272xf32, #tpu.memory_space<hbm>>
            tpu.wait_dma2 semaphore(%run_scoped3A : memref<!tpu.dma_semaphore, #tpu.memory_space<semaphore_mem>>) src(%dma_wait3A_463 : memref<6272xf32, #tpu.memory_space<hbm>>) dst(%arg7 : memref<6272xf32, #tpu.memory_space<vmem>>)
            tpu.yield
          }) : () -> ()
        } else {
        }
        %eq3A_455 = arith.constant 15 : i32
        %eq3A_456 = arith.cmpi eq, %arg1, %eq3A_455 : i32
        %convert_element_type3A_457 = arith.extui %eq3A_456 : i1 to i32
        %cond3A_458 = arith.constant 0 : i32
        %cond3A_459 = arith.cmpi ne, %convert_element_type3A_457, %cond3A_458 : i32
        scf.if %cond3A_459 {
          "tpu.region"() ({
            %run_scoped3A = tpu.sem_alloc : memref<!tpu.dma_semaphore, #tpu.memory_space<semaphore_mem>>
            %dma_start3A_460 = arith.constant 0 : i32
            %dma_start3A_461 = tpu.memref_slice %arg7[%dma_start3A_460] : memref<6272xf32, #tpu.memory_space<vmem>> -> memref<5920xf32, #tpu.memory_space<vmem>>
            %dma_start3A_462 = tpu.memref_slice %arg3[%add3A_449] : memref<6400000xf32, #tpu.memory_space<hbm>> -> memref<5920xf32, #tpu.memory_space<hbm>>
            %dma_start3A_463 = arith.constant 0 : i32
            %dma_start3A_464 = tpu.memref_slice %arg7[%dma_start3A_463] : memref<6272xf32, #tpu.memory_space<vmem>> -> memref<5920xf32, #tpu.memory_space<vmem>>
            %dma_start3A_465 = tpu.memref_slice %arg3[%add3A_449] : memref<6400000xf32, #tpu.memory_space<hbm>> -> memref<5920xf32, #tpu.memory_space<hbm>>
            tpu.enqueue_dma source(%dma_start3A_465 : memref<5920xf32, #tpu.memory_space<hbm>>) target(%dma_start3A_464 : memref<5920xf32, #tpu.memory_space<vmem>>) target_semaphore(%run_scoped3A : memref<!tpu.dma_semaphore, #tpu.memory_space<semaphore_mem>>)
            %dma_wait3A_466 = arith.constant 0 : i32
            %dma_wait3A_467 = tpu.memref_slice %arg7[%dma_wait3A_466] : memref<6272xf32, #tpu.memory_space<vmem>> -> memref<5920xf32, #tpu.memory_space<vmem>>
            %dma_wait3A_468 = tpu.memref_slice %arg3[%add3A_449] : memref<6400000xf32, #tpu.memory_space<hbm>> -> memref<5920xf32, #tpu.memory_space<hbm>>
            %dma_wait3A_469 = arith.constant 0 : i32
            %dma_wait3A_470 = tpu.memref_slice %arg7[%dma_wait3A_469] : memref<6272xf32, #tpu.memory_space<vmem>> -> memref<5920xf32, #tpu.memory_space<vmem>>
            %dma_wait3A_471 = tpu.memref_slice %arg3[%add3A_449] : memref<6400000xf32, #tpu.memory_space<hbm>> -> memref<5920xf32, #tpu.memory_space<hbm>>
            tpu.wait_dma2 semaphore(%run_scoped3A : memref<!tpu.dma_semaphore, #tpu.memory_space<semaphore_mem>>) src(%dma_wait3A_471 : memref<5920xf32, #tpu.memory_space<hbm>>) dst(%dma_wait3A_470 : memref<5920xf32, #tpu.memory_space<vmem>>)
            tpu.yield
          }) : () -> ()
        } else {
        }
      } else {
      }
      %broadcast_in_dim3A_198 = arith.constant -2.000000e+00 : f32
      %broadcast_in_dim3A_199 = vector.broadcast %broadcast_in_dim3A_198 : f32 to vector<16xf32>
      %broadcast_in_dim3A_200 = arith.constant 1073741824 : i32
      %broadcast_in_dim3A_201 = vector.broadcast %broadcast_in_dim3A_200 : i32 to vector<16xi32>
      %broadcast_in_dim3A_202 = arith.constant 0.000000e+00 : f32
      %broadcast_in_dim3A_203 = vector.broadcast %broadcast_in_dim3A_202 : f32 to vector<16xf32>
      %while3A = arith.constant 0 : i32
      %while3A_204:5 = scf.while (%while3A_445 = %while3A, %while3A_446 = %reduce_sum3A_192, %while3A_447 = %broadcast_in_dim3A_199, %while3A_448 = %broadcast_in_dim3A_201, %while3A_449 = %broadcast_in_dim3A_203) : (i32, f32, vector<16xf32>, vector<16xi32>, vector<16xf32>) -> (i32, f32, vector<16xf32>, vector<16xi32>, vector<16xf32>) {
        %lt3A_450 = arith.constant 98 : i32
        %lt3A_451 = arith.cmpi slt, %while3A_445, %lt3A_450 : i32
        %lt3A_452 = arith.constant 0.899999976 : f32
        %lt3A_453 = arith.cmpf olt, %while3A_446, %lt3A_452 : f32
        %and3A_454 = arith.andi %lt3A_451, %lt3A_453 : i1
        scf.condition(%and3A_454) %while3A_445, %while3A_446, %while3A_447, %while3A_448, %while3A_449 : i32, f32, vector<16xf32>, vector<16xi32>, vector<16xf32>
      } do {
      ^bb0(%while3A_445: i32, %while3A_446: f32, %while3A_447: vector<16xf32>, %while3A_448: vector<16xi32>, %while3A_449: vector<16xf32>):
        %mul3A_450 = arith.constant 4 : i32
        %mul3A_451 = arith.muli %while3A_445, %mul3A_450 : i32
        %add3A_452 = arith.constant 0 : i32
        %add3A_453 = arith.addi %mul3A_451, %add3A_452 : i32
        %mul3A_454 = arith.constant 16 : i32
        %mul3A_455 = arith.muli %add3A_453, %mul3A_454 : i32
        %get3A = arith.index_cast %mul3A_455 : i32 to index
        %get3A_456 = tpu.vector_load %arg5[%get3A] {strides = array<i32>} : memref<6272xi32, #tpu.memory_space<vmem>>, vector<16xi32>,
        %sub3A_457 = arith.constant 1065353216 : i32
        %sub3A_458 = vector.broadcast %sub3A_457 : i32 to vector<16xi32>
        %sub3A_459 = arith.subi %sub3A_458, %get3A_456 : vector<16xi32>
        %bitcast3A = vector.bitcast %sub3A_459 : vector<16xi32> to vector<16xf32>
        %mul3A_460 = arith.constant 16 : i32
        %mul3A_461 = arith.muli %add3A_453, %mul3A_460 : i32
        %get3A_462 = arith.index_cast %mul3A_461 : i32 to index
        %get3A_463 = tpu.vector_load %arg7[%get3A_462] {strides = array<i32>} : memref<6272xf32, #tpu.memory_space<vmem>>, vector<16xf32>,
        %broadcast_in_dim3A_464 = arith.constant true
        %broadcast_in_dim3A_465 = vector.broadcast %broadcast_in_dim3A_464 : i1 to vector<16xi1>
        %masked_cumsum3A = tpu.scan <sum>, %bitcast3A masked %broadcast_in_dim3A_465 : vector<16xf32>, vector<16xi1> -> vector<16xf32>
        %sub3A_466 = arith.subf %masked_cumsum3A, %bitcast3A : vector<16xf32>
        %add3A_467 = vector.broadcast %while3A_446 : f32 to vector<16xf32>
        %add3A_468 = arith.addf %add3A_467, %sub3A_466 : vector<16xf32>
        %lt3A_469 = arith.constant 0.899999976 : f32
        %lt3A_470 = vector.broadcast %lt3A_469 : f32 to vector<16xf32>
        %lt3A_471 = arith.cmpf olt, %add3A_468, %lt3A_470 : vector<16xf32>
        %gt3A_472 = arith.constant 0.000000e+00 : f32
        %gt3A_473 = vector.broadcast %gt3A_472 : f32 to vector<16xf32>
        %gt3A_474 = arith.cmpf ogt, %bitcast3A, %gt3A_473 : vector<16xf32>
        %and3A_475 = arith.andi %lt3A_471, %gt3A_474 : vector<16xi1>
        %mul3A_476 = arith.mulf %bitcast3A, %get3A_463 : vector<16xf32>
        %jit3A_477 = arith.constant -1.000000e+00 : f32
        %broadcast_in_dim3A_478 = vector.broadcast %jit3A_477 : f32 to vector<16xf32>
        %select_n3A_479 = arith.select %and3A_475, %mul3A_476, %broadcast_in_dim3A_478 : vector<16xi1>, vector<16xf32>
        %mul3A_480 = arith.constant 6272 : i32
        %mul3A_481 = arith.muli %arg1, %mul3A_480 : i32
        %mul3A_482 = arith.constant 16 : i32
        %mul3A_483 = arith.muli %add3A_453, %mul3A_482 : i32
        %add3A_484 = arith.addi %mul3A_481, %mul3A_483 : i32
        %iota3A_485 = tpu.iota {dimensions = array<i32: 0>} : vector<16xi32>
        %add3A_486 = vector.broadcast %add3A_484 : i32 to vector<16xi32>
        %add3A_487 = arith.addi %add3A_486, %iota3A_485 : vector<16xi32>
        %gt3A_488 = arith.cmpf ogt, %select_n3A_479, %while3A_447 : vector<16xf32>
        %select_n3A_489 = arith.select %gt3A_488, %select_n3A_479, %while3A_447 : vector<16xi1>, vector<16xf32>
        %select_n3A_490 = arith.select %gt3A_488, %add3A_487, %while3A_448 : vector<16xi1>, vector<16xi32>
        %select_n3A_491 = arith.select %gt3A_488, %bitcast3A, %while3A_449 : vector<16xi1>, vector<16xf32>
        %gt3A_492 = arith.constant 0.000000e+00 : f32
        %gt3A_493 = vector.broadcast %gt3A_492 : f32 to vector<16xf32>
        %gt3A_494 = arith.cmpf ogt, %bitcast3A, %gt3A_493 : vector<16xf32>
        %jit3A_495 = arith.constant 0.000000e+00 : f32
        %broadcast_in_dim3A_496 = vector.broadcast %jit3A_495 : f32 to vector<16xf32>
        %select_n3A_497 = arith.select %gt3A_494, %bitcast3A, %broadcast_in_dim3A_496 : vector<16xi1>, vector<16xf32>
        %reduce_sum3A_498 = arith.constant true
        %reduce_sum3A_499 = vector.broadcast %reduce_sum3A_498 : i1 to vector<16xi1>
        %reduce_sum3A_500 = tpu.scan <sum>, %select_n3A_497 masked %reduce_sum3A_499 : vector<16xf32>, vector<16xi1> -> vector<16xf32>
        %reduce_sum3A_501 = vector.extract %reduce_sum3A_500[15] : f32 from vector<16xf32>
        %add3A_502 = arith.addf %while3A_446, %reduce_sum3A_501 : f32
        %mul3A_503 = arith.constant 4 : i32
        %mul3A_504 = arith.muli %while3A_445, %mul3A_503 : i32
        %add3A_505 = arith.constant 1 : i32
        %add3A_506 = arith.addi %mul3A_504, %add3A_505 : i32
        %mul3A_507 = arith.constant 16 : i32
        %mul3A_508 = arith.muli %add3A_506, %mul3A_507 : i32
        %get3A_509 = arith.index_cast %mul3A_508 : i32 to index
        %get3A_510 = tpu.vector_load %arg5[%get3A_509] {strides = array<i32>} : memref<6272xi32, #tpu.memory_space<vmem>>, vector<16xi32>,
        %sub3A_511 = arith.constant 1065353216 : i32
        %sub3A_512 = vector.broadcast %sub3A_511 : i32 to vector<16xi32>
        %sub3A_513 = arith.subi %sub3A_512, %get3A_510 : vector<16xi32>
        %bitcast3A_514 = vector.bitcast %sub3A_513 : vector<16xi32> to vector<16xf32>
        %mul3A_515 = arith.constant 16 : i32
        %mul3A_516 = arith.muli %add3A_506, %mul3A_515 : i32
        %get3A_517 = arith.index_cast %mul3A_516 : i32 to index
        %get3A_518 = tpu.vector_load %arg7[%get3A_517] {strides = array<i32>} : memref<6272xf32, #tpu.memory_space<vmem>>, vector<16xf32>,
        %broadcast_in_dim3A_519 = arith.constant true
        %broadcast_in_dim3A_520 = vector.broadcast %broadcast_in_dim3A_519 : i1 to vector<16xi1>
        %masked_cumsum3A_521 = tpu.scan <sum>, %bitcast3A_514 masked %broadcast_in_dim3A_520 : vector<16xf32>, vector<16xi1> -> vector<16xf32>
        %sub3A_522 = arith.subf %masked_cumsum3A_521, %bitcast3A_514 : vector<16xf32>
        %add3A_523 = vector.broadcast %add3A_502 : f32 to vector<16xf32>
        %add3A_524 = arith.addf %add3A_523, %sub3A_522 : vector<16xf32>
        %lt3A_525 = arith.constant 0.899999976 : f32
        %lt3A_526 = vector.broadcast %lt3A_525 : f32 to vector<16xf32>
        %lt3A_527 = arith.cmpf olt, %add3A_524, %lt3A_526 : vector<16xf32>
        %gt3A_528 = arith.constant 0.000000e+00 : f32
        %gt3A_529 = vector.broadcast %gt3A_528 : f32 to vector<16xf32>
        %gt3A_530 = arith.cmpf ogt, %bitcast3A_514, %gt3A_529 : vector<16xf32>
        %and3A_531 = arith.andi %lt3A_527, %gt3A_530 : vector<16xi1>
        %mul3A_532 = arith.mulf %bitcast3A_514, %get3A_518 : vector<16xf32>
        %jit3A_533 = arith.constant -1.000000e+00 : f32
        %broadcast_in_dim3A_534 = vector.broadcast %jit3A_533 : f32 to vector<16xf32>
        %select_n3A_535 = arith.select %and3A_531, %mul3A_532, %broadcast_in_dim3A_534 : vector<16xi1>, vector<16xf32>
        %mul3A_536 = arith.constant 6272 : i32
        %mul3A_537 = arith.muli %arg1, %mul3A_536 : i32
        %mul3A_538 = arith.constant 16 : i32
        %mul3A_539 = arith.muli %add3A_506, %mul3A_538 : i32
        %add3A_540 = arith.addi %mul3A_537, %mul3A_539 : i32
        %iota3A_541 = tpu.iota {dimensions = array<i32: 0>} : vector<16xi32>
        %add3A_542 = vector.broadcast %add3A_540 : i32 to vector<16xi32>
        %add3A_543 = arith.addi %add3A_542, %iota3A_541 : vector<16xi32>
        %gt3A_544 = arith.cmpf ogt, %select_n3A_535, %select_n3A_489 : vector<16xf32>
        %select_n3A_545 = arith.select %gt3A_544, %select_n3A_535, %select_n3A_489 : vector<16xi1>, vector<16xf32>
        %select_n3A_546 = arith.select %gt3A_544, %add3A_543, %select_n3A_490 : vector<16xi1>, vector<16xi32>
        %select_n3A_547 = arith.select %gt3A_544, %bitcast3A_514, %select_n3A_491 : vector<16xi1>, vector<16xf32>
        %gt3A_548 = arith.constant 0.000000e+00 : f32
        %gt3A_549 = vector.broadcast %gt3A_548 : f32 to vector<16xf32>
        %gt3A_550 = arith.cmpf ogt, %bitcast3A_514, %gt3A_549 : vector<16xf32>
        %jit3A_551 = arith.constant 0.000000e+00 : f32
        %broadcast_in_dim3A_552 = vector.broadcast %jit3A_551 : f32 to vector<16xf32>
        %select_n3A_553 = arith.select %gt3A_550, %bitcast3A_514, %broadcast_in_dim3A_552 : vector<16xi1>, vector<16xf32>
        %reduce_sum3A_554 = arith.constant true
        %reduce_sum3A_555 = vector.broadcast %reduce_sum3A_554 : i1 to vector<16xi1>
        %reduce_sum3A_556 = tpu.scan <sum>, %select_n3A_553 masked %reduce_sum3A_555 : vector<16xf32>, vector<16xi1> -> vector<16xf32>
        %reduce_sum3A_557 = vector.extract %reduce_sum3A_556[15] : f32 from vector<16xf32>
        %add3A_558 = arith.addf %add3A_502, %reduce_sum3A_557 : f32
        %mul3A_559 = arith.constant 4 : i32
        %mul3A_560 = arith.muli %while3A_445, %mul3A_559 : i32
        %add3A_561 = arith.constant 2 : i32
        %add3A_562 = arith.addi %mul3A_560, %add3A_561 : i32
        %mul3A_563 = arith.constant 16 : i32
        %mul3A_564 = arith.muli %add3A_562, %mul3A_563 : i32
        %get3A_565 = arith.index_cast %mul3A_564 : i32 to index
        %get3A_566 = tpu.vector_load %arg5[%get3A_565] {strides = array<i32>} : memref<6272xi32, #tpu.memory_space<vmem>>, vector<16xi32>,
        %sub3A_567 = arith.constant 1065353216 : i32
        %sub3A_568 = vector.broadcast %sub3A_567 : i32 to vector<16xi32>
        %sub3A_569 = arith.subi %sub3A_568, %get3A_566 : vector<16xi32>
        %bitcast3A_570 = vector.bitcast %sub3A_569 : vector<16xi32> to vector<16xf32>
        %mul3A_571 = arith.constant 16 : i32
        %mul3A_572 = arith.muli %add3A_562, %mul3A_571 : i32
        %get3A_573 = arith.index_cast %mul3A_572 : i32 to index
        %get3A_574 = tpu.vector_load %arg7[%get3A_573] {strides = array<i32>} : memref<6272xf32, #tpu.memory_space<vmem>>, vector<16xf32>,
        %broadcast_in_dim3A_575 = arith.constant true
        %broadcast_in_dim3A_576 = vector.broadcast %broadcast_in_dim3A_575 : i1 to vector<16xi1>
        %masked_cumsum3A_577 = tpu.scan <sum>, %bitcast3A_570 masked %broadcast_in_dim3A_576 : vector<16xf32>, vector<16xi1> -> vector<16xf32>
        %sub3A_578 = arith.subf %masked_cumsum3A_577, %bitcast3A_570 : vector<16xf32>
        %add3A_579 = vector.broadcast %add3A_558 : f32 to vector<16xf32>
        %add3A_580 = arith.addf %add3A_579, %sub3A_578 : vector<16xf32>
        %lt3A_581 = arith.constant 0.899999976 : f32
        %lt3A_582 = vector.broadcast %lt3A_581 : f32 to vector<16xf32>
        %lt3A_583 = arith.cmpf olt, %add3A_580, %lt3A_582 : vector<16xf32>
        %gt3A_584 = arith.constant 0.000000e+00 : f32
        %gt3A_585 = vector.broadcast %gt3A_584 : f32 to vector<16xf32>
        %gt3A_586 = arith.cmpf ogt, %bitcast3A_570, %gt3A_585 : vector<16xf32>
        %and3A_587 = arith.andi %lt3A_583, %gt3A_586 : vector<16xi1>
        %mul3A_588 = arith.mulf %bitcast3A_570, %get3A_574 : vector<16xf32>
        %jit3A_589 = arith.constant -1.000000e+00 : f32
        %broadcast_in_dim3A_590 = vector.broadcast %jit3A_589 : f32 to vector<16xf32>
        %select_n3A_591 = arith.select %and3A_587, %mul3A_588, %broadcast_in_dim3A_590 : vector<16xi1>, vector<16xf32>
        %mul3A_592 = arith.constant 6272 : i32
        %mul3A_593 = arith.muli %arg1, %mul3A_592 : i32
        %mul3A_594 = arith.constant 16 : i32
        %mul3A_595 = arith.muli %add3A_562, %mul3A_594 : i32
        %add3A_596 = arith.addi %mul3A_593, %mul3A_595 : i32
        %iota3A_597 = tpu.iota {dimensions = array<i32: 0>} : vector<16xi32>
        %add3A_598 = vector.broadcast %add3A_596 : i32 to vector<16xi32>
        %add3A_599 = arith.addi %add3A_598, %iota3A_597 : vector<16xi32>
        %gt3A_600 = arith.cmpf ogt, %select_n3A_591, %select_n3A_545 : vector<16xf32>
        %select_n3A_601 = arith.select %gt3A_600, %select_n3A_591, %select_n3A_545 : vector<16xi1>, vector<16xf32>
        %select_n3A_602 = arith.select %gt3A_600, %add3A_599, %select_n3A_546 : vector<16xi1>, vector<16xi32>
        %select_n3A_603 = arith.select %gt3A_600, %bitcast3A_570, %select_n3A_547 : vector<16xi1>, vector<16xf32>
        %gt3A_604 = arith.constant 0.000000e+00 : f32
        %gt3A_605 = vector.broadcast %gt3A_604 : f32 to vector<16xf32>
        %gt3A_606 = arith.cmpf ogt, %bitcast3A_570, %gt3A_605 : vector<16xf32>
        %jit3A_607 = arith.constant 0.000000e+00 : f32
        %broadcast_in_dim3A_608 = vector.broadcast %jit3A_607 : f32 to vector<16xf32>
        %select_n3A_609 = arith.select %gt3A_606, %bitcast3A_570, %broadcast_in_dim3A_608 : vector<16xi1>, vector<16xf32>
        %reduce_sum3A_610 = arith.constant true
        %reduce_sum3A_611 = vector.broadcast %reduce_sum3A_610 : i1 to vector<16xi1>
        %reduce_sum3A_612 = tpu.scan <sum>, %select_n3A_609 masked %reduce_sum3A_611 : vector<16xf32>, vector<16xi1> -> vector<16xf32>
        %reduce_sum3A_613 = vector.extract %reduce_sum3A_612[15] : f32 from vector<16xf32>
        %add3A_614 = arith.addf %add3A_558, %reduce_sum3A_613 : f32
        %mul3A_615 = arith.constant 4 : i32
        %mul3A_616 = arith.muli %while3A_445, %mul3A_615 : i32
        %add3A_617 = arith.constant 3 : i32
        %add3A_618 = arith.addi %mul3A_616, %add3A_617 : i32
        %mul3A_619 = arith.constant 16 : i32
        %mul3A_620 = arith.muli %add3A_618, %mul3A_619 : i32
        %get3A_621 = arith.index_cast %mul3A_620 : i32 to index
        %get3A_622 = tpu.vector_load %arg5[%get3A_621] {strides = array<i32>} : memref<6272xi32, #tpu.memory_space<vmem>>, vector<16xi32>,
        %sub3A_623 = arith.constant 1065353216 : i32
        %sub3A_624 = vector.broadcast %sub3A_623 : i32 to vector<16xi32>
        %sub3A_625 = arith.subi %sub3A_624, %get3A_622 : vector<16xi32>
        %bitcast3A_626 = vector.bitcast %sub3A_625 : vector<16xi32> to vector<16xf32>
        %mul3A_627 = arith.constant 16 : i32
        %mul3A_628 = arith.muli %add3A_618, %mul3A_627 : i32
        %get3A_629 = arith.index_cast %mul3A_628 : i32 to index
        %get3A_630 = tpu.vector_load %arg7[%get3A_629] {strides = array<i32>} : memref<6272xf32, #tpu.memory_space<vmem>>, vector<16xf32>,
        %broadcast_in_dim3A_631 = arith.constant true
        %broadcast_in_dim3A_632 = vector.broadcast %broadcast_in_dim3A_631 : i1 to vector<16xi1>
        %masked_cumsum3A_633 = tpu.scan <sum>, %bitcast3A_626 masked %broadcast_in_dim3A_632 : vector<16xf32>, vector<16xi1> -> vector<16xf32>
        %sub3A_634 = arith.subf %masked_cumsum3A_633, %bitcast3A_626 : vector<16xf32>
        %add3A_635 = vector.broadcast %add3A_614 : f32 to vector<16xf32>
        %add3A_636 = arith.addf %add3A_635, %sub3A_634 : vector<16xf32>
        %lt3A_637 = arith.constant 0.899999976 : f32
        %lt3A_638 = vector.broadcast %lt3A_637 : f32 to vector<16xf32>
        %lt3A_639 = arith.cmpf olt, %add3A_636, %lt3A_638 : vector<16xf32>
        %gt3A_640 = arith.constant 0.000000e+00 : f32
        %gt3A_641 = vector.broadcast %gt3A_640 : f32 to vector<16xf32>
        %gt3A_642 = arith.cmpf ogt, %bitcast3A_626, %gt3A_641 : vector<16xf32>
        %and3A_643 = arith.andi %lt3A_639, %gt3A_642 : vector<16xi1>
        %mul3A_644 = arith.mulf %bitcast3A_626, %get3A_630 : vector<16xf32>
        %jit3A_645 = arith.constant -1.000000e+00 : f32
        %broadcast_in_dim3A_646 = vector.broadcast %jit3A_645 : f32 to vector<16xf32>
        %select_n3A_647 = arith.select %and3A_643, %mul3A_644, %broadcast_in_dim3A_646 : vector<16xi1>, vector<16xf32>
        %mul3A_648 = arith.constant 6272 : i32
        %mul3A_649 = arith.muli %arg1, %mul3A_648 : i32
        %mul3A_650 = arith.constant 16 : i32
        %mul3A_651 = arith.muli %add3A_618, %mul3A_650 : i32
        %add3A_652 = arith.addi %mul3A_649, %mul3A_651 : i32
        %iota3A_653 = tpu.iota {dimensions = array<i32: 0>} : vector<16xi32>
        %add3A_654 = vector.broadcast %add3A_652 : i32 to vector<16xi32>
        %add3A_655 = arith.addi %add3A_654, %iota3A_653 : vector<16xi32>
        %gt3A_656 = arith.cmpf ogt, %select_n3A_647, %select_n3A_601 : vector<16xf32>
        %select_n3A_657 = arith.select %gt3A_656, %select_n3A_647, %select_n3A_601 : vector<16xi1>, vector<16xf32>
        %select_n3A_658 = arith.select %gt3A_656, %add3A_655, %select_n3A_602 : vector<16xi1>, vector<16xi32>
        %select_n3A_659 = arith.select %gt3A_656, %bitcast3A_626, %select_n3A_603 : vector<16xi1>, vector<16xf32>
        %gt3A_660 = arith.constant 0.000000e+00 : f32
        %gt3A_661 = vector.broadcast %gt3A_660 : f32 to vector<16xf32>
        %gt3A_662 = arith.cmpf ogt, %bitcast3A_626, %gt3A_661 : vector<16xf32>
        %jit3A_663 = arith.constant 0.000000e+00 : f32
        %broadcast_in_dim3A_664 = vector.broadcast %jit3A_663 : f32 to vector<16xf32>
        %select_n3A_665 = arith.select %gt3A_662, %bitcast3A_626, %broadcast_in_dim3A_664 : vector<16xi1>, vector<16xf32>
        %reduce_sum3A_666 = arith.constant true
        %reduce_sum3A_667 = vector.broadcast %reduce_sum3A_666 : i1 to vector<16xi1>
        %reduce_sum3A_668 = tpu.scan <sum>, %select_n3A_665 masked %reduce_sum3A_667 : vector<16xf32>, vector<16xi1> -> vector<16xf32>
        %reduce_sum3A_669 = vector.extract %reduce_sum3A_668[15] : f32 from vector<16xf32>
        %add3A_670 = arith.addf %add3A_614, %reduce_sum3A_669 : f32
        %add3A_671 = arith.constant 1 : i32
        %add3A_672 = arith.addi %while3A_445, %add3A_671 : i32
        scf.yield %add3A_672, %add3A_670, %select_n3A_657, %select_n3A_658, %select_n3A_659 : i32, f32, vector<16xf32>, vector<16xi32>, vector<16xf32>
      }
      %reduce_max3A = arith.constant true
      %reduce_max3A_205 = vector.broadcast %reduce_max3A : i1 to vector<16xi1>
      %reduce_max3A_206 = tpu.scan <max>, %while3A_204#2 masked %reduce_max3A_205 : vector<16xf32>, vector<16xi1> -> vector<16xf32>
      %reduce_max3A_207 = vector.extract %reduce_max3A_206[15] : f32 from vector<16xf32>
      %eq3A_208 = vector.broadcast %reduce_max3A_207 : f32 to vector<16xf32>
      %eq3A_209 = arith.cmpf oeq, %while3A_204#2, %eq3A_208 : vector<16xf32>
      %jit3A_210 = arith.constant 1073741824 : i32
      %broadcast_in_dim3A_211 = vector.broadcast %jit3A_210 : i32 to vector<16xi32>
      %select_n3A_212 = arith.select %eq3A_209, %while3A_204#3, %broadcast_in_dim3A_211 : vector<16xi1>, vector<16xi32>
      %reduce_min3A = arith.constant true
      %reduce_min3A_213 = vector.broadcast %reduce_min3A : i1 to vector<16xi1>
      %reduce_min3A_214 = arith.constant -2147483648 : i32
      %reduce_min3A_215 = vector.broadcast %reduce_min3A_214 : i32 to vector<16xi32>
      %reduce_min3A_216 = arith.xori %select_n3A_212, %reduce_min3A_215 : vector<16xi32>
      %reduce_min3A_217 = tpu.scan <min>, %reduce_min3A_216 masked %reduce_min3A_213 : vector<16xi32>, vector<16xi1> -> vector<16xi32>
      %reduce_min3A_218 = arith.xori %reduce_min3A_217, %reduce_min3A_215 : vector<16xi32>
      %reduce_min3A_219 = vector.extract %reduce_min3A_218[15] : i32 from vector<16xi32>
      %eq3A_220 = vector.broadcast %reduce_min3A_219 : i32 to vector<16xi32>
      %eq3A_221 = arith.cmpi eq, %while3A_204#3, %eq3A_220 : vector<16xi32>
      %jit3A_222 = arith.constant -1.000000e+00 : f32
      %broadcast_in_dim3A_223 = vector.broadcast %jit3A_222 : f32 to vector<16xf32>
      %select_n3A_224 = arith.select %eq3A_221, %while3A_204#4, %broadcast_in_dim3A_223 : vector<16xi1>, vector<16xf32>
      %reduce_max3A_225 = arith.constant true
      %reduce_max3A_226 = vector.broadcast %reduce_max3A_225 : i1 to vector<16xi1>
      %reduce_max3A_227 = tpu.scan <max>, %select_n3A_224 masked %reduce_max3A_226 : vector<16xf32>, vector<16xi1> -> vector<16xf32>
      %reduce_max3A_228 = vector.extract %reduce_max3A_227[15] : f32 from vector<16xf32>
      %iota3A_229 = tpu.iota {dimensions = array<i32: 0>} : vector<16xi32>
      %eq3A_230 = arith.constant 0 : i32
      %eq3A_231 = vector.broadcast %eq3A_230 : i32 to vector<16xi32>
      %eq3A_232 = arith.cmpi eq, %iota3A_229, %eq3A_231 : vector<16xi32>
      %iota3A_233 = tpu.iota {dimensions = array<i32: 0>} : vector<16xi32>
      %eq3A_234 = arith.constant 1 : i32
      %eq3A_235 = vector.broadcast %eq3A_234 : i32 to vector<16xi32>
      %eq3A_236 = arith.cmpi eq, %iota3A_233, %eq3A_235 : vector<16xi32>
      %jit3A_237 = arith.constant 0.000000e+00 : f32
      %broadcast_in_dim3A_238 = vector.broadcast %reduce_max3A_228 : f32 to vector<16xf32>
      %broadcast_in_dim3A_239 = vector.broadcast %jit3A_237 : f32 to vector<16xf32>
      %select_n3A_240 = arith.select %eq3A_236, %broadcast_in_dim3A_238, %broadcast_in_dim3A_239 : vector<16xi1>, vector<16xf32>
      %broadcast_in_dim3A_241 = vector.broadcast %reduce_max3A_207 : f32 to vector<16xf32>
      %select_n3A_242 = arith.select %eq3A_232, %broadcast_in_dim3A_241, %select_n3A_240 : vector<16xi1>, vector<16xf32>
      %swap3A_243 = arith.constant 0 : index
      %swap3A_244 = tpu.vector_load %arg13[%swap3A_243] {strides = array<i32>} : memref<16xf32, #tpu.memory_space<vmem>>, vector<16xf32>,
      tpu.vector_store %arg13[%swap3A_243], %select_n3A_242 {strides = array<i32>} : memref<16xf32, #tpu.memory_space<vmem>>, vector<16xf32>,
      %mul3A_245 = arith.constant 16 : i32
      %mul3A_246 = arith.muli %arg1, %mul3A_245 : i32
      "tpu.region"() ({
        %run_scoped3A = tpu.sem_alloc : memref<!tpu.dma_semaphore, #tpu.memory_space<semaphore_mem>>
        %dma_start3A_445 = tpu.memref_slice %arg18[%mul3A_246] : memref<256xf32, #tpu.memory_space<vmem_shared>> -> memref<16xf32, #tpu.memory_space<vmem_shared>>
        %dma_start3A_446 = tpu.memref_slice %arg18[%mul3A_246] : memref<256xf32, #tpu.memory_space<vmem_shared>> -> memref<16xf32, #tpu.memory_space<vmem_shared>>
        tpu.enqueue_dma source(%arg13 : memref<16xf32, #tpu.memory_space<vmem>>) target(%dma_start3A_446 : memref<16xf32, #tpu.memory_space<vmem_shared>>) target_semaphore(%run_scoped3A : memref<!tpu.dma_semaphore, #tpu.memory_space<semaphore_mem>>)
        %dma_wait3A_447 = tpu.memref_slice %arg18[%mul3A_246] : memref<256xf32, #tpu.memory_space<vmem_shared>> -> memref<16xf32, #tpu.memory_space<vmem_shared>>
        %dma_wait3A_448 = tpu.memref_slice %arg18[%mul3A_246] : memref<256xf32, #tpu.memory_space<vmem_shared>> -> memref<16xf32, #tpu.memory_space<vmem_shared>>
        tpu.wait_dma2 semaphore(%run_scoped3A : memref<!tpu.dma_semaphore, #tpu.memory_space<semaphore_mem>>) src(%arg13 : memref<16xf32, #tpu.memory_space<vmem>>) dst(%dma_wait3A_448 : memref<16xf32, #tpu.memory_space<vmem_shared>>)
        tpu.yield
      }) : () -> ()
      %broadcast_in_dim3A_247 = arith.constant 1 : i32
      %broadcast_in_dim3A_248 = vector.broadcast %broadcast_in_dim3A_247 : i32 to vector<16xi32>
      %mul3A_249 = vector.broadcast %reduce_min3A_219 : i32 to vector<16xi32>
      %mul3A_250 = arith.muli %broadcast_in_dim3A_248, %mul3A_249 : vector<16xi32>
      %swap3A_251 = arith.constant 0 : index
      %swap3A_252 = tpu.vector_load %arg14[%swap3A_251] {strides = array<i32>} : memref<16xi32, #tpu.memory_space<vmem>>, vector<16xi32>,
      tpu.vector_store %arg14[%swap3A_251], %mul3A_250 {strides = array<i32>} : memref<16xi32, #tpu.memory_space<vmem>>, vector<16xi32>,
      %mul3A_253 = arith.constant 16 : i32
      %mul3A_254 = arith.muli %arg1, %mul3A_253 : i32
      "tpu.region"() ({
        %run_scoped3A = tpu.sem_alloc : memref<!tpu.dma_semaphore, #tpu.memory_space<semaphore_mem>>
        %dma_start3A_445 = tpu.memref_slice %arg19[%mul3A_254] : memref<256xi32, #tpu.memory_space<vmem_shared>> -> memref<16xi32, #tpu.memory_space<vmem_shared>>
        %dma_start3A_446 = tpu.memref_slice %arg19[%mul3A_254] : memref<256xi32, #tpu.memory_space<vmem_shared>> -> memref<16xi32, #tpu.memory_space<vmem_shared>>
        tpu.enqueue_dma source(%arg14 : memref<16xi32, #tpu.memory_space<vmem>>) target(%dma_start3A_446 : memref<16xi32, #tpu.memory_space<vmem_shared>>) target_semaphore(%run_scoped3A : memref<!tpu.dma_semaphore, #tpu.memory_space<semaphore_mem>>)
        %dma_wait3A_447 = tpu.memref_slice %arg19[%mul3A_254] : memref<256xi32, #tpu.memory_space<vmem_shared>> -> memref<16xi32, #tpu.memory_space<vmem_shared>>
        %dma_wait3A_448 = tpu.memref_slice %arg19[%mul3A_254] : memref<256xi32, #tpu.memory_space<vmem_shared>> -> memref<16xi32, #tpu.memory_space<vmem_shared>>
        tpu.wait_dma2 semaphore(%run_scoped3A : memref<!tpu.dma_semaphore, #tpu.memory_space<semaphore_mem>>) src(%arg14 : memref<16xi32, #tpu.memory_space<vmem>>) dst(%dma_wait3A_448 : memref<16xi32, #tpu.memory_space<vmem_shared>>)
        tpu.yield
      }) : () -> ()
      %barrier3A_255 = arith.constant 0 : index
      tpu.barrier barrier_id(%barrier3A_255)
      "tpu.region"() ({
        %run_scoped3A = tpu.sem_alloc : memref<!tpu.dma_semaphore, #tpu.memory_space<semaphore_mem>>
        %dma_start3A_445 = arith.constant 0 : i32
        %dma_start3A_446 = tpu.memref_slice %arg7[%dma_start3A_445] : memref<6272xf32, #tpu.memory_space<vmem>> -> memref<256xf32, #tpu.memory_space<vmem>>
        %dma_start3A_447 = arith.constant 0 : i32
        %dma_start3A_448 = tpu.memref_slice %arg7[%dma_start3A_447] : memref<6272xf32, #tpu.memory_space<vmem>> -> memref<256xf32, #tpu.memory_space<vmem>>
        tpu.enqueue_dma source(%arg18 : memref<256xf32, #tpu.memory_space<vmem_shared>>) target(%dma_start3A_448 : memref<256xf32, #tpu.memory_space<vmem>>) target_semaphore(%run_scoped3A : memref<!tpu.dma_semaphore, #tpu.memory_space<semaphore_mem>>)
        %dma_wait3A_449 = arith.constant 0 : i32
        %dma_wait3A_450 = tpu.memref_slice %arg7[%dma_wait3A_449] : memref<6272xf32, #tpu.memory_space<vmem>> -> memref<256xf32, #tpu.memory_space<vmem>>
        %dma_wait3A_451 = arith.constant 0 : i32
        %dma_wait3A_452 = tpu.memref_slice %arg7[%dma_wait3A_451] : memref<6272xf32, #tpu.memory_space<vmem>> -> memref<256xf32, #tpu.memory_space<vmem>>
        tpu.wait_dma2 semaphore(%run_scoped3A : memref<!tpu.dma_semaphore, #tpu.memory_space<semaphore_mem>>) src(%arg18 : memref<256xf32, #tpu.memory_space<vmem_shared>>) dst(%dma_wait3A_452 : memref<256xf32, #tpu.memory_space<vmem>>)
        tpu.yield
      }) : () -> ()
      "tpu.region"() ({
        %run_scoped3A = tpu.sem_alloc : memref<!tpu.dma_semaphore, #tpu.memory_space<semaphore_mem>>
        %dma_start3A_445 = arith.constant 0 : i32
        %dma_start3A_446 = tpu.memref_slice %arg11[%dma_start3A_445] : memref<16384xi32, #tpu.memory_space<vmem>> -> memref<256xi32, #tpu.memory_space<vmem>>
        %dma_start3A_447 = arith.constant 0 : i32
        %dma_start3A_448 = tpu.memref_slice %arg11[%dma_start3A_447] : memref<16384xi32, #tpu.memory_space<vmem>> -> memref<256xi32, #tpu.memory_space<vmem>>
        tpu.enqueue_dma source(%arg19 : memref<256xi32, #tpu.memory_space<vmem_shared>>) target(%dma_start3A_448 : memref<256xi32, #tpu.memory_space<vmem>>) target_semaphore(%run_scoped3A : memref<!tpu.dma_semaphore, #tpu.memory_space<semaphore_mem>>)
        %dma_wait3A_449 = arith.constant 0 : i32
        %dma_wait3A_450 = tpu.memref_slice %arg11[%dma_wait3A_449] : memref<16384xi32, #tpu.memory_space<vmem>> -> memref<256xi32, #tpu.memory_space<vmem>>
        %dma_wait3A_451 = arith.constant 0 : i32
        %dma_wait3A_452 = tpu.memref_slice %arg11[%dma_wait3A_451] : memref<16384xi32, #tpu.memory_space<vmem>> -> memref<256xi32, #tpu.memory_space<vmem>>
        tpu.wait_dma2 semaphore(%run_scoped3A : memref<!tpu.dma_semaphore, #tpu.memory_space<semaphore_mem>>) src(%arg19 : memref<256xi32, #tpu.memory_space<vmem_shared>>) dst(%dma_wait3A_452 : memref<256xi32, #tpu.memory_space<vmem>>)
        tpu.yield
      }) : () -> ()
      %iota3A_256 = tpu.iota {dimensions = array<i32: 0>} : vector<16xi32>
      %mul3A_257 = arith.constant 16 : i32
      %mul3A_258 = vector.broadcast %mul3A_257 : i32 to vector<16xi32>
      %mul3A_259 = arith.muli %iota3A_256, %mul3A_258 : vector<16xi32>
      %gather3A_260 = tpu.vector_load_idx %arg7[%mul3A_259] : memref<6272xf32, #tpu.memory_space<vmem>>[vector<16xi32>], vector<16xf32>,
      %iota3A_261 = tpu.iota {dimensions = array<i32: 0>} : vector<16xi32>
      %mul3A_262 = arith.constant 16 : i32
      %mul3A_263 = vector.broadcast %mul3A_262 : i32 to vector<16xi32>
      %mul3A_264 = arith.muli %iota3A_261, %mul3A_263 : vector<16xi32>
      %add3A_265 = arith.constant 1 : i32
      %add3A_266 = vector.broadcast %add3A_265 : i32 to vector<16xi32>
      %add3A_267 = arith.addi %mul3A_264, %add3A_266 : vector<16xi32>
      %gather3A_268 = tpu.vector_load_idx %arg7[%add3A_267] : memref<6272xf32, #tpu.memory_space<vmem>>[vector<16xi32>], vector<16xf32>,
      %iota3A_269 = tpu.iota {dimensions = array<i32: 0>} : vector<16xi32>
      %mul3A_270 = arith.constant 16 : i32
      %mul3A_271 = vector.broadcast %mul3A_270 : i32 to vector<16xi32>
      %mul3A_272 = arith.muli %iota3A_269, %mul3A_271 : vector<16xi32>
      %gather3A_273 = tpu.vector_load_idx %arg11[%mul3A_272] : memref<16384xi32, #tpu.memory_space<vmem>>[vector<16xi32>], vector<16xi32>,
      %reduce_max3A_274 = arith.constant true
      %reduce_max3A_275 = vector.broadcast %reduce_max3A_274 : i1 to vector<16xi1>
      %reduce_max3A_276 = tpu.scan <max>, %gather3A_260 masked %reduce_max3A_275 : vector<16xf32>, vector<16xi1> -> vector<16xf32>
      %reduce_max3A_277 = vector.extract %reduce_max3A_276[15] : f32 from vector<16xf32>
      %eq3A_278 = vector.broadcast %reduce_max3A_277 : f32 to vector<16xf32>
      %eq3A_279 = arith.cmpf oeq, %gather3A_260, %eq3A_278 : vector<16xf32>
      %jit3A_280 = arith.constant 1073741824 : i32
      %broadcast_in_dim3A_281 = vector.broadcast %jit3A_280 : i32 to vector<16xi32>
      %select_n3A_282 = arith.select %eq3A_279, %gather3A_273, %broadcast_in_dim3A_281 : vector<16xi1>, vector<16xi32>
      %reduce_min3A_283 = arith.constant true
      %reduce_min3A_284 = vector.broadcast %reduce_min3A_283 : i1 to vector<16xi1>
      %reduce_min3A_285 = arith.constant -2147483648 : i32
      %reduce_min3A_286 = vector.broadcast %reduce_min3A_285 : i32 to vector<16xi32>
      %reduce_min3A_287 = arith.xori %select_n3A_282, %reduce_min3A_286 : vector<16xi32>
      %reduce_min3A_288 = tpu.scan <min>, %reduce_min3A_287 masked %reduce_min3A_284 : vector<16xi32>, vector<16xi1> -> vector<16xi32>
      %reduce_min3A_289 = arith.xori %reduce_min3A_288, %reduce_min3A_286 : vector<16xi32>
      %reduce_min3A_290 = vector.extract %reduce_min3A_289[15] : i32 from vector<16xi32>
      %eq3A_291 = vector.broadcast %reduce_min3A_290 : i32 to vector<16xi32>
      %eq3A_292 = arith.cmpi eq, %gather3A_273, %eq3A_291 : vector<16xi32>
      %jit3A_293 = arith.constant -1.000000e+00 : f32
      %broadcast_in_dim3A_294 = vector.broadcast %jit3A_293 : f32 to vector<16xf32>
      %select_n3A_295 = arith.select %eq3A_292, %gather3A_268, %broadcast_in_dim3A_294 : vector<16xi1>, vector<16xf32>
      %reduce_max3A_296 = arith.constant true
      %reduce_max3A_297 = vector.broadcast %reduce_max3A_296 : i1 to vector<16xi1>
      %reduce_max3A_298 = tpu.scan <max>, %select_n3A_295 masked %reduce_max3A_297 : vector<16xf32>, vector<16xi1> -> vector<16xf32>
      %reduce_max3A_299 = vector.extract %reduce_max3A_298[15] : f32 from vector<16xf32>
      %mul3A_300 = arith.constant 100000 : i32
      %mul3A_301 = arith.muli %add3A, %mul3A_300 : i32
      %mul3A_302 = arith.constant 6272 : i32
      %mul3A_303 = arith.muli %arg1, %mul3A_302 : i32
      %add3A_304 = arith.addi %mul3A_301, %mul3A_303 : i32
      %lt3A_305 = arith.constant 15 : i32
      %lt3A_306 = arith.cmpi slt, %arg1, %lt3A_305 : i32
      %convert_element_type3A_307 = arith.extui %lt3A_306 : i1 to i32
      %cond3A_308 = arith.constant 0 : i32
      %cond3A_309 = arith.cmpi ne, %convert_element_type3A_307, %cond3A_308 : i32
      scf.if %cond3A_309 {
        "tpu.region"() ({
          %run_scoped3A = tpu.sem_alloc : memref<!tpu.dma_semaphore, #tpu.memory_space<semaphore_mem>>
          %dma_start3A_445 = tpu.memref_slice %arg2[%add3A_304] : memref<6400000xf32, #tpu.memory_space<hbm>> -> memref<6272xf32, #tpu.memory_space<hbm>>
          %dma_start3A_446 = tpu.memref_slice %arg2[%add3A_304] : memref<6400000xf32, #tpu.memory_space<hbm>> -> memref<6272xf32, #tpu.memory_space<hbm>>
          tpu.enqueue_dma source(%dma_start3A_446 : memref<6272xf32, #tpu.memory_space<hbm>>) target(%arg6 : memref<6272xf32, #tpu.memory_space<vmem>>) target_semaphore(%run_scoped3A : memref<!tpu.dma_semaphore, #tpu.memory_space<semaphore_mem>>)
          %dma_wait3A_447 = tpu.memref_slice %arg2[%add3A_304] : memref<6400000xf32, #tpu.memory_space<hbm>> -> memref<6272xf32, #tpu.memory_space<hbm>>
          %dma_wait3A_448 = tpu.memref_slice %arg2[%add3A_304] : memref<6400000xf32, #tpu.memory_space<hbm>> -> memref<6272xf32, #tpu.memory_space<hbm>>
          tpu.wait_dma2 semaphore(%run_scoped3A : memref<!tpu.dma_semaphore, #tpu.memory_space<semaphore_mem>>) src(%dma_wait3A_448 : memref<6272xf32, #tpu.memory_space<hbm>>) dst(%arg6 : memref<6272xf32, #tpu.memory_space<vmem>>)
          tpu.yield
        }) : () -> ()
      } else {
      }
      %eq3A_310 = arith.constant 15 : i32
      %eq3A_311 = arith.cmpi eq, %arg1, %eq3A_310 : i32
      %convert_element_type3A_312 = arith.extui %eq3A_311 : i1 to i32
      %cond3A_313 = arith.constant 0 : i32
      %cond3A_314 = arith.cmpi ne, %convert_element_type3A_312, %cond3A_313 : i32
      scf.if %cond3A_314 {
        "tpu.region"() ({
          %run_scoped3A = tpu.sem_alloc : memref<!tpu.dma_semaphore, #tpu.memory_space<semaphore_mem>>
          %dma_start3A_445 = arith.constant 0 : i32
          %dma_start3A_446 = tpu.memref_slice %arg6[%dma_start3A_445] : memref<6272xf32, #tpu.memory_space<vmem>> -> memref<5920xf32, #tpu.memory_space<vmem>>
          %dma_start3A_447 = tpu.memref_slice %arg2[%add3A_304] : memref<6400000xf32, #tpu.memory_space<hbm>> -> memref<5920xf32, #tpu.memory_space<hbm>>
          %dma_start3A_448 = arith.constant 0 : i32
          %dma_start3A_449 = tpu.memref_slice %arg6[%dma_start3A_448] : memref<6272xf32, #tpu.memory_space<vmem>> -> memref<5920xf32, #tpu.memory_space<vmem>>
          %dma_start3A_450 = tpu.memref_slice %arg2[%add3A_304] : memref<6400000xf32, #tpu.memory_space<hbm>> -> memref<5920xf32, #tpu.memory_space<hbm>>
          tpu.enqueue_dma source(%dma_start3A_450 : memref<5920xf32, #tpu.memory_space<hbm>>) target(%dma_start3A_449 : memref<5920xf32, #tpu.memory_space<vmem>>) target_semaphore(%run_scoped3A : memref<!tpu.dma_semaphore, #tpu.memory_space<semaphore_mem>>)
          %dma_wait3A_451 = arith.constant 0 : i32
          %dma_wait3A_452 = tpu.memref_slice %arg6[%dma_wait3A_451] : memref<6272xf32, #tpu.memory_space<vmem>> -> memref<5920xf32, #tpu.memory_space<vmem>>
          %dma_wait3A_453 = tpu.memref_slice %arg2[%add3A_304] : memref<6400000xf32, #tpu.memory_space<hbm>> -> memref<5920xf32, #tpu.memory_space<hbm>>
          %dma_wait3A_454 = arith.constant 0 : i32
          %dma_wait3A_455 = tpu.memref_slice %arg6[%dma_wait3A_454] : memref<6272xf32, #tpu.memory_space<vmem>> -> memref<5920xf32, #tpu.memory_space<vmem>>
          %dma_wait3A_456 = tpu.memref_slice %arg2[%add3A_304] : memref<6400000xf32, #tpu.memory_space<hbm>> -> memref<5920xf32, #tpu.memory_space<hbm>>
          tpu.wait_dma2 semaphore(%run_scoped3A : memref<!tpu.dma_semaphore, #tpu.memory_space<semaphore_mem>>) src(%dma_wait3A_456 : memref<5920xf32, #tpu.memory_space<hbm>>) dst(%dma_wait3A_455 : memref<5920xf32, #tpu.memory_space<vmem>>)
          tpu.yield
        }) : () -> ()
      } else {
      }
      %scan3A_315 = arith.constant 0 : i32
      %scan3A_316 = arith.constant 0 : i32
      %scan3A_317 = arith.constant 1073741824 : i32
      %scan3A_318 = arith.constant 0 : i32
      %scan3A_319 = arith.constant 49 : i32
      %scan3A_320 = arith.addi %scan3A_318, %scan3A_319 : i32
      %scan3A_321 = arith.constant 1 : i32
      %scan3A_322:3 = scf.for %scan3A_445 = %scan3A_318 to %scan3A_320 step %scan3A_321 iter_args(%scan3A_446 = %scan3A_315, %scan3A_447 = %scan3A_316, %scan3A_448 = %scan3A_317) -> (i32, i32, i32)  : i32 {
        %mul3A_449 = arith.constant 8 : i32
        %mul3A_450 = arith.muli %scan3A_445, %mul3A_449 : i32
        %add3A_451 = arith.constant 0 : i32
        %add3A_452 = arith.addi %mul3A_450, %add3A_451 : i32
        %mul3A_453 = arith.constant 16 : i32
        %mul3A_454 = arith.muli %add3A_452, %mul3A_453 : i32
        %get3A = arith.index_cast %mul3A_454 : i32 to index
        %get3A_455 = tpu.vector_load %arg6[%get3A] {strides = array<i32>} : memref<6272xf32, #tpu.memory_space<vmem>>, vector<16xf32>,
        %mul3A_456 = arith.constant 6272 : i32
        %mul3A_457 = arith.muli %arg1, %mul3A_456 : i32
        %mul3A_458 = arith.constant 16 : i32
        %mul3A_459 = arith.muli %add3A_452, %mul3A_458 : i32
        %add3A_460 = arith.addi %mul3A_457, %mul3A_459 : i32
        %iota3A_461 = tpu.iota {dimensions = array<i32: 0>} : vector<16xi32>
        %add3A_462 = vector.broadcast %add3A_460 : i32 to vector<16xi32>
        %add3A_463 = arith.addi %add3A_462, %iota3A_461 : vector<16xi32>
        %lt3A_464 = arith.constant 100000 : i32
        %lt3A_465 = vector.broadcast %lt3A_464 : i32 to vector<16xi32>
        %lt3A_466 = arith.cmpi slt, %add3A_463, %lt3A_465 : vector<16xi32>
        %gt3A_467 = vector.broadcast %reduce_max3A_299 : f32 to vector<16xf32>
        %gt3A_468 = arith.cmpf ogt, %get3A_455, %gt3A_467 : vector<16xf32>
        %and3A_469 = arith.andi %gt3A_468, %lt3A_466 : vector<16xi1>
        %convert_element_type3A_470 = arith.extui %and3A_469 : vector<16xi1> to vector<16xi32>
        %eq3A_471 = vector.broadcast %reduce_max3A_299 : f32 to vector<16xf32>
        %eq3A_472 = arith.cmpf oeq, %get3A_455, %eq3A_471 : vector<16xf32>
        %and3A_473 = arith.andi %eq3A_472, %lt3A_466 : vector<16xi1>
        %jit3A_474 = arith.constant 1073741824 : i32
        %broadcast_in_dim3A_475 = vector.broadcast %jit3A_474 : i32 to vector<16xi32>
        %select_n3A_476 = arith.select %and3A_473, %add3A_463, %broadcast_in_dim3A_475 : vector<16xi1>, vector<16xi32>
        %reduce_min3A_477 = arith.constant true
        %reduce_min3A_478 = vector.broadcast %reduce_min3A_477 : i1 to vector<16xi1>
        %reduce_min3A_479 = arith.constant -2147483648 : i32
        %reduce_min3A_480 = vector.broadcast %reduce_min3A_479 : i32 to vector<16xi32>
        %reduce_min3A_481 = arith.xori %select_n3A_476, %reduce_min3A_480 : vector<16xi32>
        %reduce_min3A_482 = tpu.scan <min>, %reduce_min3A_481 masked %reduce_min3A_478 : vector<16xi32>, vector<16xi1> -> vector<16xi32>
        %reduce_min3A_483 = arith.xori %reduce_min3A_482, %reduce_min3A_480 : vector<16xi32>
        %reduce_min3A_484 = vector.extract %reduce_min3A_483[15] : i32 from vector<16xi32>
        %reduce_sum3A_485 = arith.constant true
        %reduce_sum3A_486 = vector.broadcast %reduce_sum3A_485 : i1 to vector<16xi1>
        %reduce_sum3A_487 = tpu.scan <sum>, %convert_element_type3A_470 masked %reduce_sum3A_486 : vector<16xi32>, vector<16xi1> -> vector<16xi32>
        %reduce_sum3A_488 = vector.extract %reduce_sum3A_487[15] : i32 from vector<16xi32>
        %add3A_489 = arith.addi %scan3A_446, %reduce_sum3A_488 : i32
        %convert_element_type3A_490 = arith.extui %and3A_473 : vector<16xi1> to vector<16xi32>
        %reduce_sum3A_491 = arith.constant true
        %reduce_sum3A_492 = vector.broadcast %reduce_sum3A_491 : i1 to vector<16xi1>
        %reduce_sum3A_493 = tpu.scan <sum>, %convert_element_type3A_490 masked %reduce_sum3A_492 : vector<16xi32>, vector<16xi1> -> vector<16xi32>
        %reduce_sum3A_494 = vector.extract %reduce_sum3A_493[15] : i32 from vector<16xi32>
        %add3A_495 = arith.addi %scan3A_447, %reduce_sum3A_494 : i32
        %min3A_496 = arith.minsi %scan3A_448, %reduce_min3A_484 : i32
        %mul3A_497 = arith.constant 8 : i32
        %mul3A_498 = arith.muli %scan3A_445, %mul3A_497 : i32
        %add3A_499 = arith.constant 1 : i32
        %add3A_500 = arith.addi %mul3A_498, %add3A_499 : i32
        %mul3A_501 = arith.constant 16 : i32
        %mul3A_502 = arith.muli %add3A_500, %mul3A_501 : i32
        %get3A_503 = arith.index_cast %mul3A_502 : i32 to index
        %get3A_504 = tpu.vector_load %arg6[%get3A_503] {strides = array<i32>} : memref<6272xf32, #tpu.memory_space<vmem>>, vector<16xf32>,
        %mul3A_505 = arith.constant 6272 : i32
        %mul3A_506 = arith.muli %arg1, %mul3A_505 : i32
        %mul3A_507 = arith.constant 16 : i32
        %mul3A_508 = arith.muli %add3A_500, %mul3A_507 : i32
        %add3A_509 = arith.addi %mul3A_506, %mul3A_508 : i32
        %iota3A_510 = tpu.iota {dimensions = array<i32: 0>} : vector<16xi32>
        %add3A_511 = vector.broadcast %add3A_509 : i32 to vector<16xi32>
        %add3A_512 = arith.addi %add3A_511, %iota3A_510 : vector<16xi32>
        %lt3A_513 = arith.constant 100000 : i32
        %lt3A_514 = vector.broadcast %lt3A_513 : i32 to vector<16xi32>
        %lt3A_515 = arith.cmpi slt, %add3A_512, %lt3A_514 : vector<16xi32>
        %gt3A_516 = vector.broadcast %reduce_max3A_299 : f32 to vector<16xf32>
        %gt3A_517 = arith.cmpf ogt, %get3A_504, %gt3A_516 : vector<16xf32>
        %and3A_518 = arith.andi %gt3A_517, %lt3A_515 : vector<16xi1>
        %convert_element_type3A_519 = arith.extui %and3A_518 : vector<16xi1> to vector<16xi32>
        %eq3A_520 = vector.broadcast %reduce_max3A_299 : f32 to vector<16xf32>
        %eq3A_521 = arith.cmpf oeq, %get3A_504, %eq3A_520 : vector<16xf32>
        %and3A_522 = arith.andi %eq3A_521, %lt3A_515 : vector<16xi1>
        %jit3A_523 = arith.constant 1073741824 : i32
        %broadcast_in_dim3A_524 = vector.broadcast %jit3A_523 : i32 to vector<16xi32>
        %select_n3A_525 = arith.select %and3A_522, %add3A_512, %broadcast_in_dim3A_524 : vector<16xi1>, vector<16xi32>
        %reduce_min3A_526 = arith.constant true
        %reduce_min3A_527 = vector.broadcast %reduce_min3A_526 : i1 to vector<16xi1>
        %reduce_min3A_528 = arith.constant -2147483648 : i32
        %reduce_min3A_529 = vector.broadcast %reduce_min3A_528 : i32 to vector<16xi32>
        %reduce_min3A_530 = arith.xori %select_n3A_525, %reduce_min3A_529 : vector<16xi32>
        %reduce_min3A_531 = tpu.scan <min>, %reduce_min3A_530 masked %reduce_min3A_527 : vector<16xi32>, vector<16xi1> -> vector<16xi32>
        %reduce_min3A_532 = arith.xori %reduce_min3A_531, %reduce_min3A_529 : vector<16xi32>
        %reduce_min3A_533 = vector.extract %reduce_min3A_532[15] : i32 from vector<16xi32>
        %reduce_sum3A_534 = arith.constant true
        %reduce_sum3A_535 = vector.broadcast %reduce_sum3A_534 : i1 to vector<16xi1>
        %reduce_sum3A_536 = tpu.scan <sum>, %convert_element_type3A_519 masked %reduce_sum3A_535 : vector<16xi32>, vector<16xi1> -> vector<16xi32>
        %reduce_sum3A_537 = vector.extract %reduce_sum3A_536[15] : i32 from vector<16xi32>
        %add3A_538 = arith.addi %add3A_489, %reduce_sum3A_537 : i32
        %convert_element_type3A_539 = arith.extui %and3A_522 : vector<16xi1> to vector<16xi32>
        %reduce_sum3A_540 = arith.constant true
        %reduce_sum3A_541 = vector.broadcast %reduce_sum3A_540 : i1 to vector<16xi1>
        %reduce_sum3A_542 = tpu.scan <sum>, %convert_element_type3A_539 masked %reduce_sum3A_541 : vector<16xi32>, vector<16xi1> -> vector<16xi32>
        %reduce_sum3A_543 = vector.extract %reduce_sum3A_542[15] : i32 from vector<16xi32>
        %add3A_544 = arith.addi %add3A_495, %reduce_sum3A_543 : i32
        %min3A_545 = arith.minsi %min3A_496, %reduce_min3A_533 : i32
        %mul3A_546 = arith.constant 8 : i32
        %mul3A_547 = arith.muli %scan3A_445, %mul3A_546 : i32
        %add3A_548 = arith.constant 2 : i32
        %add3A_549 = arith.addi %mul3A_547, %add3A_548 : i32
        %mul3A_550 = arith.constant 16 : i32
        %mul3A_551 = arith.muli %add3A_549, %mul3A_550 : i32
        %get3A_552 = arith.index_cast %mul3A_551 : i32 to index
        %get3A_553 = tpu.vector_load %arg6[%get3A_552] {strides = array<i32>} : memref<6272xf32, #tpu.memory_space<vmem>>, vector<16xf32>,
        %mul3A_554 = arith.constant 6272 : i32
        %mul3A_555 = arith.muli %arg1, %mul3A_554 : i32
        %mul3A_556 = arith.constant 16 : i32
        %mul3A_557 = arith.muli %add3A_549, %mul3A_556 : i32
        %add3A_558 = arith.addi %mul3A_555, %mul3A_557 : i32
        %iota3A_559 = tpu.iota {dimensions = array<i32: 0>} : vector<16xi32>
        %add3A_560 = vector.broadcast %add3A_558 : i32 to vector<16xi32>
        %add3A_561 = arith.addi %add3A_560, %iota3A_559 : vector<16xi32>
        %lt3A_562 = arith.constant 100000 : i32
        %lt3A_563 = vector.broadcast %lt3A_562 : i32 to vector<16xi32>
        %lt3A_564 = arith.cmpi slt, %add3A_561, %lt3A_563 : vector<16xi32>
        %gt3A_565 = vector.broadcast %reduce_max3A_299 : f32 to vector<16xf32>
        %gt3A_566 = arith.cmpf ogt, %get3A_553, %gt3A_565 : vector<16xf32>
        %and3A_567 = arith.andi %gt3A_566, %lt3A_564 : vector<16xi1>
        %convert_element_type3A_568 = arith.extui %and3A_567 : vector<16xi1> to vector<16xi32>
        %eq3A_569 = vector.broadcast %reduce_max3A_299 : f32 to vector<16xf32>
        %eq3A_570 = arith.cmpf oeq, %get3A_553, %eq3A_569 : vector<16xf32>
        %and3A_571 = arith.andi %eq3A_570, %lt3A_564 : vector<16xi1>
        %jit3A_572 = arith.constant 1073741824 : i32
        %broadcast_in_dim3A_573 = vector.broadcast %jit3A_572 : i32 to vector<16xi32>
        %select_n3A_574 = arith.select %and3A_571, %add3A_561, %broadcast_in_dim3A_573 : vector<16xi1>, vector<16xi32>
        %reduce_min3A_575 = arith.constant true
        %reduce_min3A_576 = vector.broadcast %reduce_min3A_575 : i1 to vector<16xi1>
        %reduce_min3A_577 = arith.constant -2147483648 : i32
        %reduce_min3A_578 = vector.broadcast %reduce_min3A_577 : i32 to vector<16xi32>
        %reduce_min3A_579 = arith.xori %select_n3A_574, %reduce_min3A_578 : vector<16xi32>
        %reduce_min3A_580 = tpu.scan <min>, %reduce_min3A_579 masked %reduce_min3A_576 : vector<16xi32>, vector<16xi1> -> vector<16xi32>
        %reduce_min3A_581 = arith.xori %reduce_min3A_580, %reduce_min3A_578 : vector<16xi32>
        %reduce_min3A_582 = vector.extract %reduce_min3A_581[15] : i32 from vector<16xi32>
        %reduce_sum3A_583 = arith.constant true
        %reduce_sum3A_584 = vector.broadcast %reduce_sum3A_583 : i1 to vector<16xi1>
        %reduce_sum3A_585 = tpu.scan <sum>, %convert_element_type3A_568 masked %reduce_sum3A_584 : vector<16xi32>, vector<16xi1> -> vector<16xi32>
        %reduce_sum3A_586 = vector.extract %reduce_sum3A_585[15] : i32 from vector<16xi32>
        %add3A_587 = arith.addi %add3A_538, %reduce_sum3A_586 : i32
        %convert_element_type3A_588 = arith.extui %and3A_571 : vector<16xi1> to vector<16xi32>
        %reduce_sum3A_589 = arith.constant true
        %reduce_sum3A_590 = vector.broadcast %reduce_sum3A_589 : i1 to vector<16xi1>
        %reduce_sum3A_591 = tpu.scan <sum>, %convert_element_type3A_588 masked %reduce_sum3A_590 : vector<16xi32>, vector<16xi1> -> vector<16xi32>
        %reduce_sum3A_592 = vector.extract %reduce_sum3A_591[15] : i32 from vector<16xi32>
        %add3A_593 = arith.addi %add3A_544, %reduce_sum3A_592 : i32
        %min3A_594 = arith.minsi %min3A_545, %reduce_min3A_582 : i32
        %mul3A_595 = arith.constant 8 : i32
        %mul3A_596 = arith.muli %scan3A_445, %mul3A_595 : i32
        %add3A_597 = arith.constant 3 : i32
        %add3A_598 = arith.addi %mul3A_596, %add3A_597 : i32
        %mul3A_599 = arith.constant 16 : i32
        %mul3A_600 = arith.muli %add3A_598, %mul3A_599 : i32
        %get3A_601 = arith.index_cast %mul3A_600 : i32 to index
        %get3A_602 = tpu.vector_load %arg6[%get3A_601] {strides = array<i32>} : memref<6272xf32, #tpu.memory_space<vmem>>, vector<16xf32>,
        %mul3A_603 = arith.constant 6272 : i32
        %mul3A_604 = arith.muli %arg1, %mul3A_603 : i32
        %mul3A_605 = arith.constant 16 : i32
        %mul3A_606 = arith.muli %add3A_598, %mul3A_605 : i32
        %add3A_607 = arith.addi %mul3A_604, %mul3A_606 : i32
        %iota3A_608 = tpu.iota {dimensions = array<i32: 0>} : vector<16xi32>
        %add3A_609 = vector.broadcast %add3A_607 : i32 to vector<16xi32>
        %add3A_610 = arith.addi %add3A_609, %iota3A_608 : vector<16xi32>
        %lt3A_611 = arith.constant 100000 : i32
        %lt3A_612 = vector.broadcast %lt3A_611 : i32 to vector<16xi32>
        %lt3A_613 = arith.cmpi slt, %add3A_610, %lt3A_612 : vector<16xi32>
        %gt3A_614 = vector.broadcast %reduce_max3A_299 : f32 to vector<16xf32>
        %gt3A_615 = arith.cmpf ogt, %get3A_602, %gt3A_614 : vector<16xf32>
        %and3A_616 = arith.andi %gt3A_615, %lt3A_613 : vector<16xi1>
        %convert_element_type3A_617 = arith.extui %and3A_616 : vector<16xi1> to vector<16xi32>
        %eq3A_618 = vector.broadcast %reduce_max3A_299 : f32 to vector<16xf32>
        %eq3A_619 = arith.cmpf oeq, %get3A_602, %eq3A_618 : vector<16xf32>
        %and3A_620 = arith.andi %eq3A_619, %lt3A_613 : vector<16xi1>
        %jit3A_621 = arith.constant 1073741824 : i32
        %broadcast_in_dim3A_622 = vector.broadcast %jit3A_621 : i32 to vector<16xi32>
        %select_n3A_623 = arith.select %and3A_620, %add3A_610, %broadcast_in_dim3A_622 : vector<16xi1>, vector<16xi32>
        %reduce_min3A_624 = arith.constant true
        %reduce_min3A_625 = vector.broadcast %reduce_min3A_624 : i1 to vector<16xi1>
        %reduce_min3A_626 = arith.constant -2147483648 : i32
        %reduce_min3A_627 = vector.broadcast %reduce_min3A_626 : i32 to vector<16xi32>
        %reduce_min3A_628 = arith.xori %select_n3A_623, %reduce_min3A_627 : vector<16xi32>
        %reduce_min3A_629 = tpu.scan <min>, %reduce_min3A_628 masked %reduce_min3A_625 : vector<16xi32>, vector<16xi1> -> vector<16xi32>
        %reduce_min3A_630 = arith.xori %reduce_min3A_629, %reduce_min3A_627 : vector<16xi32>
        %reduce_min3A_631 = vector.extract %reduce_min3A_630[15] : i32 from vector<16xi32>
        %reduce_sum3A_632 = arith.constant true
        %reduce_sum3A_633 = vector.broadcast %reduce_sum3A_632 : i1 to vector<16xi1>
        %reduce_sum3A_634 = tpu.scan <sum>, %convert_element_type3A_617 masked %reduce_sum3A_633 : vector<16xi32>, vector<16xi1> -> vector<16xi32>
        %reduce_sum3A_635 = vector.extract %reduce_sum3A_634[15] : i32 from vector<16xi32>
        %add3A_636 = arith.addi %add3A_587, %reduce_sum3A_635 : i32
        %convert_element_type3A_637 = arith.extui %and3A_620 : vector<16xi1> to vector<16xi32>
        %reduce_sum3A_638 = arith.constant true
        %reduce_sum3A_639 = vector.broadcast %reduce_sum3A_638 : i1 to vector<16xi1>
        %reduce_sum3A_640 = tpu.scan <sum>, %convert_element_type3A_637 masked %reduce_sum3A_639 : vector<16xi32>, vector<16xi1> -> vector<16xi32>
        %reduce_sum3A_641 = vector.extract %reduce_sum3A_640[15] : i32 from vector<16xi32>
        %add3A_642 = arith.addi %add3A_593, %reduce_sum3A_641 : i32
        %min3A_643 = arith.minsi %min3A_594, %reduce_min3A_631 : i32
        %mul3A_644 = arith.constant 8 : i32
        %mul3A_645 = arith.muli %scan3A_445, %mul3A_644 : i32
        %add3A_646 = arith.constant 4 : i32
        %add3A_647 = arith.addi %mul3A_645, %add3A_646 : i32
        %mul3A_648 = arith.constant 16 : i32
        %mul3A_649 = arith.muli %add3A_647, %mul3A_648 : i32
        %get3A_650 = arith.index_cast %mul3A_649 : i32 to index
        %get3A_651 = tpu.vector_load %arg6[%get3A_650] {strides = array<i32>} : memref<6272xf32, #tpu.memory_space<vmem>>, vector<16xf32>,
        %mul3A_652 = arith.constant 6272 : i32
        %mul3A_653 = arith.muli %arg1, %mul3A_652 : i32
        %mul3A_654 = arith.constant 16 : i32
        %mul3A_655 = arith.muli %add3A_647, %mul3A_654 : i32
        %add3A_656 = arith.addi %mul3A_653, %mul3A_655 : i32
        %iota3A_657 = tpu.iota {dimensions = array<i32: 0>} : vector<16xi32>
        %add3A_658 = vector.broadcast %add3A_656 : i32 to vector<16xi32>
        %add3A_659 = arith.addi %add3A_658, %iota3A_657 : vector<16xi32>
        %lt3A_660 = arith.constant 100000 : i32
        %lt3A_661 = vector.broadcast %lt3A_660 : i32 to vector<16xi32>
        %lt3A_662 = arith.cmpi slt, %add3A_659, %lt3A_661 : vector<16xi32>
        %gt3A_663 = vector.broadcast %reduce_max3A_299 : f32 to vector<16xf32>
        %gt3A_664 = arith.cmpf ogt, %get3A_651, %gt3A_663 : vector<16xf32>
        %and3A_665 = arith.andi %gt3A_664, %lt3A_662 : vector<16xi1>
        %convert_element_type3A_666 = arith.extui %and3A_665 : vector<16xi1> to vector<16xi32>
        %eq3A_667 = vector.broadcast %reduce_max3A_299 : f32 to vector<16xf32>
        %eq3A_668 = arith.cmpf oeq, %get3A_651, %eq3A_667 : vector<16xf32>
        %and3A_669 = arith.andi %eq3A_668, %lt3A_662 : vector<16xi1>
        %jit3A_670 = arith.constant 1073741824 : i32
        %broadcast_in_dim3A_671 = vector.broadcast %jit3A_670 : i32 to vector<16xi32>
        %select_n3A_672 = arith.select %and3A_669, %add3A_659, %broadcast_in_dim3A_671 : vector<16xi1>, vector<16xi32>
        %reduce_min3A_673 = arith.constant true
        %reduce_min3A_674 = vector.broadcast %reduce_min3A_673 : i1 to vector<16xi1>
        %reduce_min3A_675 = arith.constant -2147483648 : i32
        %reduce_min3A_676 = vector.broadcast %reduce_min3A_675 : i32 to vector<16xi32>
        %reduce_min3A_677 = arith.xori %select_n3A_672, %reduce_min3A_676 : vector<16xi32>
        %reduce_min3A_678 = tpu.scan <min>, %reduce_min3A_677 masked %reduce_min3A_674 : vector<16xi32>, vector<16xi1> -> vector<16xi32>
        %reduce_min3A_679 = arith.xori %reduce_min3A_678, %reduce_min3A_676 : vector<16xi32>
        %reduce_min3A_680 = vector.extract %reduce_min3A_679[15] : i32 from vector<16xi32>
        %reduce_sum3A_681 = arith.constant true
        %reduce_sum3A_682 = vector.broadcast %reduce_sum3A_681 : i1 to vector<16xi1>
        %reduce_sum3A_683 = tpu.scan <sum>, %convert_element_type3A_666 masked %reduce_sum3A_682 : vector<16xi32>, vector<16xi1> -> vector<16xi32>
        %reduce_sum3A_684 = vector.extract %reduce_sum3A_683[15] : i32 from vector<16xi32>
        %add3A_685 = arith.addi %add3A_636, %reduce_sum3A_684 : i32
        %convert_element_type3A_686 = arith.extui %and3A_669 : vector<16xi1> to vector<16xi32>
        %reduce_sum3A_687 = arith.constant true
        %reduce_sum3A_688 = vector.broadcast %reduce_sum3A_687 : i1 to vector<16xi1>
        %reduce_sum3A_689 = tpu.scan <sum>, %convert_element_type3A_686 masked %reduce_sum3A_688 : vector<16xi32>, vector<16xi1> -> vector<16xi32>
        %reduce_sum3A_690 = vector.extract %reduce_sum3A_689[15] : i32 from vector<16xi32>
        %add3A_691 = arith.addi %add3A_642, %reduce_sum3A_690 : i32
        %min3A_692 = arith.minsi %min3A_643, %reduce_min3A_680 : i32
        %mul3A_693 = arith.constant 8 : i32
        %mul3A_694 = arith.muli %scan3A_445, %mul3A_693 : i32
        %add3A_695 = arith.constant 5 : i32
        %add3A_696 = arith.addi %mul3A_694, %add3A_695 : i32
        %mul3A_697 = arith.constant 16 : i32
        %mul3A_698 = arith.muli %add3A_696, %mul3A_697 : i32
        %get3A_699 = arith.index_cast %mul3A_698 : i32 to index
        %get3A_700 = tpu.vector_load %arg6[%get3A_699] {strides = array<i32>} : memref<6272xf32, #tpu.memory_space<vmem>>, vector<16xf32>,
        %mul3A_701 = arith.constant 6272 : i32
        %mul3A_702 = arith.muli %arg1, %mul3A_701 : i32
        %mul3A_703 = arith.constant 16 : i32
        %mul3A_704 = arith.muli %add3A_696, %mul3A_703 : i32
        %add3A_705 = arith.addi %mul3A_702, %mul3A_704 : i32
        %iota3A_706 = tpu.iota {dimensions = array<i32: 0>} : vector<16xi32>
        %add3A_707 = vector.broadcast %add3A_705 : i32 to vector<16xi32>
        %add3A_708 = arith.addi %add3A_707, %iota3A_706 : vector<16xi32>
        %lt3A_709 = arith.constant 100000 : i32
        %lt3A_710 = vector.broadcast %lt3A_709 : i32 to vector<16xi32>
        %lt3A_711 = arith.cmpi slt, %add3A_708, %lt3A_710 : vector<16xi32>
        %gt3A_712 = vector.broadcast %reduce_max3A_299 : f32 to vector<16xf32>
        %gt3A_713 = arith.cmpf ogt, %get3A_700, %gt3A_712 : vector<16xf32>
        %and3A_714 = arith.andi %gt3A_713, %lt3A_711 : vector<16xi1>
        %convert_element_type3A_715 = arith.extui %and3A_714 : vector<16xi1> to vector<16xi32>
        %eq3A_716 = vector.broadcast %reduce_max3A_299 : f32 to vector<16xf32>
        %eq3A_717 = arith.cmpf oeq, %get3A_700, %eq3A_716 : vector<16xf32>
        %and3A_718 = arith.andi %eq3A_717, %lt3A_711 : vector<16xi1>
        %jit3A_719 = arith.constant 1073741824 : i32
        %broadcast_in_dim3A_720 = vector.broadcast %jit3A_719 : i32 to vector<16xi32>
        %select_n3A_721 = arith.select %and3A_718, %add3A_708, %broadcast_in_dim3A_720 : vector<16xi1>, vector<16xi32>
        %reduce_min3A_722 = arith.constant true
        %reduce_min3A_723 = vector.broadcast %reduce_min3A_722 : i1 to vector<16xi1>
        %reduce_min3A_724 = arith.constant -2147483648 : i32
        %reduce_min3A_725 = vector.broadcast %reduce_min3A_724 : i32 to vector<16xi32>
        %reduce_min3A_726 = arith.xori %select_n3A_721, %reduce_min3A_725 : vector<16xi32>
        %reduce_min3A_727 = tpu.scan <min>, %reduce_min3A_726 masked %reduce_min3A_723 : vector<16xi32>, vector<16xi1> -> vector<16xi32>
        %reduce_min3A_728 = arith.xori %reduce_min3A_727, %reduce_min3A_725 : vector<16xi32>
        %reduce_min3A_729 = vector.extract %reduce_min3A_728[15] : i32 from vector<16xi32>
        %reduce_sum3A_730 = arith.constant true
        %reduce_sum3A_731 = vector.broadcast %reduce_sum3A_730 : i1 to vector<16xi1>
        %reduce_sum3A_732 = tpu.scan <sum>, %convert_element_type3A_715 masked %reduce_sum3A_731 : vector<16xi32>, vector<16xi1> -> vector<16xi32>
        %reduce_sum3A_733 = vector.extract %reduce_sum3A_732[15] : i32 from vector<16xi32>
        %add3A_734 = arith.addi %add3A_685, %reduce_sum3A_733 : i32
        %convert_element_type3A_735 = arith.extui %and3A_718 : vector<16xi1> to vector<16xi32>
        %reduce_sum3A_736 = arith.constant true
        %reduce_sum3A_737 = vector.broadcast %reduce_sum3A_736 : i1 to vector<16xi1>
        %reduce_sum3A_738 = tpu.scan <sum>, %convert_element_type3A_735 masked %reduce_sum3A_737 : vector<16xi32>, vector<16xi1> -> vector<16xi32>
        %reduce_sum3A_739 = vector.extract %reduce_sum3A_738[15] : i32 from vector<16xi32>
        %add3A_740 = arith.addi %add3A_691, %reduce_sum3A_739 : i32
        %min3A_741 = arith.minsi %min3A_692, %reduce_min3A_729 : i32
        %mul3A_742 = arith.constant 8 : i32
        %mul3A_743 = arith.muli %scan3A_445, %mul3A_742 : i32
        %add3A_744 = arith.constant 6 : i32
        %add3A_745 = arith.addi %mul3A_743, %add3A_744 : i32
        %mul3A_746 = arith.constant 16 : i32
        %mul3A_747 = arith.muli %add3A_745, %mul3A_746 : i32
        %get3A_748 = arith.index_cast %mul3A_747 : i32 to index
        %get3A_749 = tpu.vector_load %arg6[%get3A_748] {strides = array<i32>} : memref<6272xf32, #tpu.memory_space<vmem>>, vector<16xf32>,
        %mul3A_750 = arith.constant 6272 : i32
        %mul3A_751 = arith.muli %arg1, %mul3A_750 : i32
        %mul3A_752 = arith.constant 16 : i32
        %mul3A_753 = arith.muli %add3A_745, %mul3A_752 : i32
        %add3A_754 = arith.addi %mul3A_751, %mul3A_753 : i32
        %iota3A_755 = tpu.iota {dimensions = array<i32: 0>} : vector<16xi32>
        %add3A_756 = vector.broadcast %add3A_754 : i32 to vector<16xi32>
        %add3A_757 = arith.addi %add3A_756, %iota3A_755 : vector<16xi32>
        %lt3A_758 = arith.constant 100000 : i32
        %lt3A_759 = vector.broadcast %lt3A_758 : i32 to vector<16xi32>
        %lt3A_760 = arith.cmpi slt, %add3A_757, %lt3A_759 : vector<16xi32>
        %gt3A_761 = vector.broadcast %reduce_max3A_299 : f32 to vector<16xf32>
        %gt3A_762 = arith.cmpf ogt, %get3A_749, %gt3A_761 : vector<16xf32>
        %and3A_763 = arith.andi %gt3A_762, %lt3A_760 : vector<16xi1>
        %convert_element_type3A_764 = arith.extui %and3A_763 : vector<16xi1> to vector<16xi32>
        %eq3A_765 = vector.broadcast %reduce_max3A_299 : f32 to vector<16xf32>
        %eq3A_766 = arith.cmpf oeq, %get3A_749, %eq3A_765 : vector<16xf32>
        %and3A_767 = arith.andi %eq3A_766, %lt3A_760 : vector<16xi1>
        %jit3A_768 = arith.constant 1073741824 : i32
        %broadcast_in_dim3A_769 = vector.broadcast %jit3A_768 : i32 to vector<16xi32>
        %select_n3A_770 = arith.select %and3A_767, %add3A_757, %broadcast_in_dim3A_769 : vector<16xi1>, vector<16xi32>
        %reduce_min3A_771 = arith.constant true
        %reduce_min3A_772 = vector.broadcast %reduce_min3A_771 : i1 to vector<16xi1>
        %reduce_min3A_773 = arith.constant -2147483648 : i32
        %reduce_min3A_774 = vector.broadcast %reduce_min3A_773 : i32 to vector<16xi32>
        %reduce_min3A_775 = arith.xori %select_n3A_770, %reduce_min3A_774 : vector<16xi32>
        %reduce_min3A_776 = tpu.scan <min>, %reduce_min3A_775 masked %reduce_min3A_772 : vector<16xi32>, vector<16xi1> -> vector<16xi32>
        %reduce_min3A_777 = arith.xori %reduce_min3A_776, %reduce_min3A_774 : vector<16xi32>
        %reduce_min3A_778 = vector.extract %reduce_min3A_777[15] : i32 from vector<16xi32>
        %reduce_sum3A_779 = arith.constant true
        %reduce_sum3A_780 = vector.broadcast %reduce_sum3A_779 : i1 to vector<16xi1>
        %reduce_sum3A_781 = tpu.scan <sum>, %convert_element_type3A_764 masked %reduce_sum3A_780 : vector<16xi32>, vector<16xi1> -> vector<16xi32>
        %reduce_sum3A_782 = vector.extract %reduce_sum3A_781[15] : i32 from vector<16xi32>
        %add3A_783 = arith.addi %add3A_734, %reduce_sum3A_782 : i32
        %convert_element_type3A_784 = arith.extui %and3A_767 : vector<16xi1> to vector<16xi32>
        %reduce_sum3A_785 = arith.constant true
        %reduce_sum3A_786 = vector.broadcast %reduce_sum3A_785 : i1 to vector<16xi1>
        %reduce_sum3A_787 = tpu.scan <sum>, %convert_element_type3A_784 masked %reduce_sum3A_786 : vector<16xi32>, vector<16xi1> -> vector<16xi32>
        %reduce_sum3A_788 = vector.extract %reduce_sum3A_787[15] : i32 from vector<16xi32>
        %add3A_789 = arith.addi %add3A_740, %reduce_sum3A_788 : i32
        %min3A_790 = arith.minsi %min3A_741, %reduce_min3A_778 : i32
        %mul3A_791 = arith.constant 8 : i32
        %mul3A_792 = arith.muli %scan3A_445, %mul3A_791 : i32
        %add3A_793 = arith.constant 7 : i32
        %add3A_794 = arith.addi %mul3A_792, %add3A_793 : i32
        %mul3A_795 = arith.constant 16 : i32
        %mul3A_796 = arith.muli %add3A_794, %mul3A_795 : i32
        %get3A_797 = arith.index_cast %mul3A_796 : i32 to index
        %get3A_798 = tpu.vector_load %arg6[%get3A_797] {strides = array<i32>} : memref<6272xf32, #tpu.memory_space<vmem>>, vector<16xf32>,
        %mul3A_799 = arith.constant 6272 : i32
        %mul3A_800 = arith.muli %arg1, %mul3A_799 : i32
        %mul3A_801 = arith.constant 16 : i32
        %mul3A_802 = arith.muli %add3A_794, %mul3A_801 : i32
        %add3A_803 = arith.addi %mul3A_800, %mul3A_802 : i32
        %iota3A_804 = tpu.iota {dimensions = array<i32: 0>} : vector<16xi32>
        %add3A_805 = vector.broadcast %add3A_803 : i32 to vector<16xi32>
        %add3A_806 = arith.addi %add3A_805, %iota3A_804 : vector<16xi32>
        %lt3A_807 = arith.constant 100000 : i32
        %lt3A_808 = vector.broadcast %lt3A_807 : i32 to vector<16xi32>
        %lt3A_809 = arith.cmpi slt, %add3A_806, %lt3A_808 : vector<16xi32>
        %gt3A_810 = vector.broadcast %reduce_max3A_299 : f32 to vector<16xf32>
        %gt3A_811 = arith.cmpf ogt, %get3A_798, %gt3A_810 : vector<16xf32>
        %and3A_812 = arith.andi %gt3A_811, %lt3A_809 : vector<16xi1>
        %convert_element_type3A_813 = arith.extui %and3A_812 : vector<16xi1> to vector<16xi32>
        %eq3A_814 = vector.broadcast %reduce_max3A_299 : f32 to vector<16xf32>
        %eq3A_815 = arith.cmpf oeq, %get3A_798, %eq3A_814 : vector<16xf32>
        %and3A_816 = arith.andi %eq3A_815, %lt3A_809 : vector<16xi1>
        %jit3A_817 = arith.constant 1073741824 : i32
        %broadcast_in_dim3A_818 = vector.broadcast %jit3A_817 : i32 to vector<16xi32>
        %select_n3A_819 = arith.select %and3A_816, %add3A_806, %broadcast_in_dim3A_818 : vector<16xi1>, vector<16xi32>
        %reduce_min3A_820 = arith.constant true
        %reduce_min3A_821 = vector.broadcast %reduce_min3A_820 : i1 to vector<16xi1>
        %reduce_min3A_822 = arith.constant -2147483648 : i32
        %reduce_min3A_823 = vector.broadcast %reduce_min3A_822 : i32 to vector<16xi32>
        %reduce_min3A_824 = arith.xori %select_n3A_819, %reduce_min3A_823 : vector<16xi32>
        %reduce_min3A_825 = tpu.scan <min>, %reduce_min3A_824 masked %reduce_min3A_821 : vector<16xi32>, vector<16xi1> -> vector<16xi32>
        %reduce_min3A_826 = arith.xori %reduce_min3A_825, %reduce_min3A_823 : vector<16xi32>
        %reduce_min3A_827 = vector.extract %reduce_min3A_826[15] : i32 from vector<16xi32>
        %reduce_sum3A_828 = arith.constant true
        %reduce_sum3A_829 = vector.broadcast %reduce_sum3A_828 : i1 to vector<16xi1>
        %reduce_sum3A_830 = tpu.scan <sum>, %convert_element_type3A_813 masked %reduce_sum3A_829 : vector<16xi32>, vector<16xi1> -> vector<16xi32>
        %reduce_sum3A_831 = vector.extract %reduce_sum3A_830[15] : i32 from vector<16xi32>
        %add3A_832 = arith.addi %add3A_783, %reduce_sum3A_831 : i32
        %convert_element_type3A_833 = arith.extui %and3A_816 : vector<16xi1> to vector<16xi32>
        %reduce_sum3A_834 = arith.constant true
        %reduce_sum3A_835 = vector.broadcast %reduce_sum3A_834 : i1 to vector<16xi1>
        %reduce_sum3A_836 = tpu.scan <sum>, %convert_element_type3A_833 masked %reduce_sum3A_835 : vector<16xi32>, vector<16xi1> -> vector<16xi32>
        %reduce_sum3A_837 = vector.extract %reduce_sum3A_836[15] : i32 from vector<16xi32>
        %add3A_838 = arith.addi %add3A_789, %reduce_sum3A_837 : i32
        %min3A_839 = arith.minsi %min3A_790, %reduce_min3A_827 : i32
        scf.yield %add3A_832, %add3A_838, %min3A_839 : i32, i32, i32
      }
      %scan3A_323 = arith.constant 49 : i32
      %iota3A_324 = tpu.iota {dimensions = array<i32: 0>} : vector<16xi32>
      %eq3A_325 = arith.constant 0 : i32
      %eq3A_326 = vector.broadcast %eq3A_325 : i32 to vector<16xi32>
      %eq3A_327 = arith.cmpi eq, %iota3A_324, %eq3A_326 : vector<16xi32>
      %iota3A_328 = tpu.iota {dimensions = array<i32: 0>} : vector<16xi32>
      %eq3A_329 = arith.constant 1 : i32
      %eq3A_330 = vector.broadcast %eq3A_329 : i32 to vector<16xi32>
      %eq3A_331 = arith.cmpi eq, %iota3A_328, %eq3A_330 : vector<16xi32>
      %iota3A_332 = tpu.iota {dimensions = array<i32: 0>} : vector<16xi32>
      %eq3A_333 = arith.constant 2 : i32
      %eq3A_334 = vector.broadcast %eq3A_333 : i32 to vector<16xi32>
      %eq3A_335 = arith.cmpi eq, %iota3A_332, %eq3A_334 : vector<16xi32>
      %jit3A_336 = arith.constant 0 : i32
      %broadcast_in_dim3A_337 = vector.broadcast %scan3A_322#2 : i32 to vector<16xi32>
      %broadcast_in_dim3A_338 = vector.broadcast %jit3A_336 : i32 to vector<16xi32>
      %select_n3A_339 = arith.select %eq3A_335, %broadcast_in_dim3A_337, %broadcast_in_dim3A_338 : vector<16xi1>, vector<16xi32>
      %broadcast_in_dim3A_340 = vector.broadcast %scan3A_322#1 : i32 to vector<16xi32>
      %select_n3A_341 = arith.select %eq3A_331, %broadcast_in_dim3A_340, %select_n3A_339 : vector<16xi1>, vector<16xi32>
      %broadcast_in_dim3A_342 = vector.broadcast %scan3A_322#0 : i32 to vector<16xi32>
      %select_n3A_343 = arith.select %eq3A_327, %broadcast_in_dim3A_342, %select_n3A_341 : vector<16xi1>, vector<16xi32>
      %swap3A_344 = arith.constant 0 : index
      %swap3A_345 = tpu.vector_load %arg14[%swap3A_344] {strides = array<i32>} : memref<16xi32, #tpu.memory_space<vmem>>, vector<16xi32>,
      tpu.vector_store %arg14[%swap3A_344], %select_n3A_343 {strides = array<i32>} : memref<16xi32, #tpu.memory_space<vmem>>, vector<16xi32>,
      %mul3A_346 = arith.constant 16 : i32
      %mul3A_347 = arith.muli %arg1, %mul3A_346 : i32
      "tpu.region"() ({
        %run_scoped3A = tpu.sem_alloc : memref<!tpu.dma_semaphore, #tpu.memory_space<semaphore_mem>>
        %dma_start3A_445 = tpu.memref_slice %arg19[%mul3A_347] : memref<256xi32, #tpu.memory_space<vmem_shared>> -> memref<16xi32, #tpu.memory_space<vmem_shared>>
        %dma_start3A_446 = tpu.memref_slice %arg19[%mul3A_347] : memref<256xi32, #tpu.memory_space<vmem_shared>> -> memref<16xi32, #tpu.memory_space<vmem_shared>>
        tpu.enqueue_dma source(%arg14 : memref<16xi32, #tpu.memory_space<vmem>>) target(%dma_start3A_446 : memref<16xi32, #tpu.memory_space<vmem_shared>>) target_semaphore(%run_scoped3A : memref<!tpu.dma_semaphore, #tpu.memory_space<semaphore_mem>>)
        %dma_wait3A_447 = tpu.memref_slice %arg19[%mul3A_347] : memref<256xi32, #tpu.memory_space<vmem_shared>> -> memref<16xi32, #tpu.memory_space<vmem_shared>>
        %dma_wait3A_448 = tpu.memref_slice %arg19[%mul3A_347] : memref<256xi32, #tpu.memory_space<vmem_shared>> -> memref<16xi32, #tpu.memory_space<vmem_shared>>
        tpu.wait_dma2 semaphore(%run_scoped3A : memref<!tpu.dma_semaphore, #tpu.memory_space<semaphore_mem>>) src(%arg14 : memref<16xi32, #tpu.memory_space<vmem>>) dst(%dma_wait3A_448 : memref<16xi32, #tpu.memory_space<vmem_shared>>)
        tpu.yield
      }) : () -> ()
      %barrier3A_348 = arith.constant 0 : index
      tpu.barrier barrier_id(%barrier3A_348)
      "tpu.region"() ({
        %run_scoped3A = tpu.sem_alloc : memref<!tpu.dma_semaphore, #tpu.memory_space<semaphore_mem>>
        %dma_start3A_445 = arith.constant 0 : i32
        %dma_start3A_446 = tpu.memref_slice %arg11[%dma_start3A_445] : memref<16384xi32, #tpu.memory_space<vmem>> -> memref<256xi32, #tpu.memory_space<vmem>>
        %dma_start3A_447 = arith.constant 0 : i32
        %dma_start3A_448 = tpu.memref_slice %arg11[%dma_start3A_447] : memref<16384xi32, #tpu.memory_space<vmem>> -> memref<256xi32, #tpu.memory_space<vmem>>
        tpu.enqueue_dma source(%arg19 : memref<256xi32, #tpu.memory_space<vmem_shared>>) target(%dma_start3A_448 : memref<256xi32, #tpu.memory_space<vmem>>) target_semaphore(%run_scoped3A : memref<!tpu.dma_semaphore, #tpu.memory_space<semaphore_mem>>)
        %dma_wait3A_449 = arith.constant 0 : i32
        %dma_wait3A_450 = tpu.memref_slice %arg11[%dma_wait3A_449] : memref<16384xi32, #tpu.memory_space<vmem>> -> memref<256xi32, #tpu.memory_space<vmem>>
        %dma_wait3A_451 = arith.constant 0 : i32
        %dma_wait3A_452 = tpu.memref_slice %arg11[%dma_wait3A_451] : memref<16384xi32, #tpu.memory_space<vmem>> -> memref<256xi32, #tpu.memory_space<vmem>>
        tpu.wait_dma2 semaphore(%run_scoped3A : memref<!tpu.dma_semaphore, #tpu.memory_space<semaphore_mem>>) src(%arg19 : memref<256xi32, #tpu.memory_space<vmem_shared>>) dst(%dma_wait3A_452 : memref<256xi32, #tpu.memory_space<vmem>>)
        tpu.yield
      }) : () -> ()
      %iota3A_349 = tpu.iota {dimensions = array<i32: 0>} : vector<16xi32>
      %mul3A_350 = arith.constant 16 : i32
      %mul3A_351 = vector.broadcast %mul3A_350 : i32 to vector<16xi32>
      %mul3A_352 = arith.muli %iota3A_349, %mul3A_351 : vector<16xi32>
      %gather3A_353 = tpu.vector_load_idx %arg11[%mul3A_352] : memref<16384xi32, #tpu.memory_space<vmem>>[vector<16xi32>], vector<16xi32>,
      %iota3A_354 = tpu.iota {dimensions = array<i32: 0>} : vector<16xi32>
      %mul3A_355 = arith.constant 16 : i32
      %mul3A_356 = vector.broadcast %mul3A_355 : i32 to vector<16xi32>
      %mul3A_357 = arith.muli %iota3A_354, %mul3A_356 : vector<16xi32>
      %add3A_358 = arith.constant 1 : i32
      %add3A_359 = vector.broadcast %add3A_358 : i32 to vector<16xi32>
      %add3A_360 = arith.addi %mul3A_357, %add3A_359 : vector<16xi32>
      %gather3A_361 = tpu.vector_load_idx %arg11[%add3A_360] : memref<16384xi32, #tpu.memory_space<vmem>>[vector<16xi32>], vector<16xi32>,
      %iota3A_362 = tpu.iota {dimensions = array<i32: 0>} : vector<16xi32>
      %mul3A_363 = arith.constant 16 : i32
      %mul3A_364 = vector.broadcast %mul3A_363 : i32 to vector<16xi32>
      %mul3A_365 = arith.muli %iota3A_362, %mul3A_364 : vector<16xi32>
      %add3A_366 = arith.constant 2 : i32
      %add3A_367 = vector.broadcast %add3A_366 : i32 to vector<16xi32>
      %add3A_368 = arith.addi %mul3A_365, %add3A_367 : vector<16xi32>
      %gather3A_369 = tpu.vector_load_idx %arg11[%add3A_368] : memref<16384xi32, #tpu.memory_space<vmem>>[vector<16xi32>], vector<16xi32>,
      %reduce_sum3A_370 = arith.constant true
      %reduce_sum3A_371 = vector.broadcast %reduce_sum3A_370 : i1 to vector<16xi1>
      %reduce_sum3A_372 = tpu.scan <sum>, %gather3A_353 masked %reduce_sum3A_371 : vector<16xi32>, vector<16xi1> -> vector<16xi32>
      %reduce_sum3A_373 = vector.extract %reduce_sum3A_372[15] : i32 from vector<16xi32>
      %reduce_sum3A_374 = arith.constant true
      %reduce_sum3A_375 = vector.broadcast %reduce_sum3A_374 : i1 to vector<16xi1>
      %reduce_sum3A_376 = tpu.scan <sum>, %gather3A_361 masked %reduce_sum3A_375 : vector<16xi32>, vector<16xi1> -> vector<16xi32>
      %reduce_sum3A_377 = vector.extract %reduce_sum3A_376[15] : i32 from vector<16xi32>
      %iota3A_378 = tpu.iota {dimensions = array<i32: 0>} : vector<16xi32>
      %lt3A_379 = vector.broadcast %arg1 : i32 to vector<16xi32>
      %lt3A_380 = arith.cmpi slt, %iota3A_378, %lt3A_379 : vector<16xi32>
      %jit3A_381 = arith.constant 0 : i32
      %broadcast_in_dim3A_382 = vector.broadcast %jit3A_381 : i32 to vector<16xi32>
      %select_n3A_383 = arith.select %lt3A_380, %gather3A_361, %broadcast_in_dim3A_382 : vector<16xi1>, vector<16xi32>
      %reduce_sum3A_384 = arith.constant true
      %reduce_sum3A_385 = vector.broadcast %reduce_sum3A_384 : i1 to vector<16xi1>
      %reduce_sum3A_386 = tpu.scan <sum>, %select_n3A_383 masked %reduce_sum3A_385 : vector<16xi32>, vector<16xi1> -> vector<16xi32>
      %reduce_sum3A_387 = vector.extract %reduce_sum3A_386[15] : i32 from vector<16xi32>
      %sub3A = arith.subi %reduce_min3A_290, %reduce_sum3A_373 : i32
      %le3A = arith.cmpi sle, %reduce_sum3A_387, %sub3A : i32
      %add3A_388 = arith.addi %reduce_sum3A_387, %scan3A_322#1 : i32
      %lt3A_389 = arith.cmpi slt, %sub3A, %add3A_388 : i32
      %and3A = arith.andi %le3A, %lt3A_389 : i1
      %gt3A = arith.constant 1 : i32
      %gt3A_390 = arith.cmpi sgt, %reduce_sum3A_377, %gt3A : i32
      %and3A_391 = arith.andi %gt3A_390, %and3A : i1
      %jit3A_392 = arith.constant 392 : i32
      %jit3A_393 = arith.constant 0 : i32
      %select_n3A_394 = arith.select %and3A_391, %jit3A_392, %jit3A_393 : i32
      %while3A_395 = arith.constant 0 : i32
      %while3A_396 = arith.constant 1073741824 : i32
      %while3A_397 = arith.subi %select_n3A_394, %while3A_395 : i32
      %while3A_398 = arith.addi %while3A_395, %while3A_397 : i32
      %while3A_399 = arith.constant 1 : i32
      %while3A_400 = arith.divsi %while3A_397, %while3A_399 : i32
      %while3A_401 = arith.muli %while3A_400, %while3A_399 : i32
      %while3A_402 = arith.addi %while3A_395, %while3A_401 : i32
      %while3A_403 = arith.constant 1 : i32
      %while3A_404:2 = scf.for %while3A_445 = %while3A_395 to %while3A_402 step %while3A_403 iter_args(%while3A_446 = %reduce_sum3A_387, %while3A_447 = %while3A_396) -> (i32, i32)  : i32 {
        %mul3A_448 = arith.constant 16 : i32
        %mul3A_449 = arith.muli %while3A_445, %mul3A_448 : i32
        %get3A = arith.index_cast %mul3A_449 : i32 to index
        %get3A_450 = tpu.vector_load %arg6[%get3A] {strides = array<i32>} : memref<6272xf32, #tpu.memory_space<vmem>>, vector<16xf32>,
        %mul3A_451 = arith.constant 6272 : i32
        %mul3A_452 = arith.muli %arg1, %mul3A_451 : i32
        %mul3A_453 = arith.constant 16 : i32
        %mul3A_454 = arith.muli %while3A_445, %mul3A_453 : i32
        %add3A_455 = arith.addi %mul3A_452, %mul3A_454 : i32
        %iota3A_456 = tpu.iota {dimensions = array<i32: 0>} : vector<16xi32>
        %add3A_457 = vector.broadcast %add3A_455 : i32 to vector<16xi32>
        %add3A_458 = arith.addi %add3A_457, %iota3A_456 : vector<16xi32>
        %eq3A_459 = vector.broadcast %reduce_max3A_299 : f32 to vector<16xf32>
        %eq3A_460 = arith.cmpf oeq, %get3A_450, %eq3A_459 : vector<16xf32>
        %lt3A_461 = arith.constant 100000 : i32
        %lt3A_462 = vector.broadcast %lt3A_461 : i32 to vector<16xi32>
        %lt3A_463 = arith.cmpi slt, %add3A_458, %lt3A_462 : vector<16xi32>
        %and3A_464 = arith.andi %eq3A_460, %lt3A_463 : vector<16xi1>
        %convert_element_type3A_465 = arith.extui %and3A_464 : vector<16xi1> to vector<16xi32>
        %broadcast_in_dim3A_466 = arith.constant true
        %broadcast_in_dim3A_467 = vector.broadcast %broadcast_in_dim3A_466 : i1 to vector<16xi1>
        %masked_cumsum3A = tpu.scan <sum>, %convert_element_type3A_465 masked %broadcast_in_dim3A_467 : vector<16xi32>, vector<16xi1> -> vector<16xi32>
        %add3A_468 = vector.broadcast %while3A_446 : i32 to vector<16xi32>
        %add3A_469 = arith.addi %add3A_468, %masked_cumsum3A : vector<16xi32>
        %add3A_470 = arith.constant 1 : i32
        %add3A_471 = arith.addi %sub3A, %add3A_470 : i32
        %eq3A_472 = vector.broadcast %add3A_471 : i32 to vector<16xi32>
        %eq3A_473 = arith.cmpi eq, %add3A_469, %eq3A_472 : vector<16xi32>
        %and3A_474 = arith.andi %and3A_464, %eq3A_473 : vector<16xi1>
        %jit3A_475 = arith.constant 1073741824 : i32
        %broadcast_in_dim3A_476 = vector.broadcast %jit3A_475 : i32 to vector<16xi32>
        %select_n3A_477 = arith.select %and3A_474, %add3A_458, %broadcast_in_dim3A_476 : vector<16xi1>, vector<16xi32>
        %reduce_min3A_478 = arith.constant true
        %reduce_min3A_479 = vector.broadcast %reduce_min3A_478 : i1 to vector<16xi1>
        %reduce_min3A_480 = arith.constant -2147483648 : i32
        %reduce_min3A_481 = vector.broadcast %reduce_min3A_480 : i32 to vector<16xi32>
        %reduce_min3A_482 = arith.xori %select_n3A_477, %reduce_min3A_481 : vector<16xi32>
        %reduce_min3A_483 = tpu.scan <min>, %reduce_min3A_482 masked %reduce_min3A_479 : vector<16xi32>, vector<16xi1> -> vector<16xi32>
        %reduce_min3A_484 = arith.xori %reduce_min3A_483, %reduce_min3A_481 : vector<16xi32>
        %reduce_min3A_485 = vector.extract %reduce_min3A_484[15] : i32 from vector<16xi32>
        %reduce_sum3A_486 = arith.constant true
        %reduce_sum3A_487 = vector.broadcast %reduce_sum3A_486 : i1 to vector<16xi1>
        %reduce_sum3A_488 = tpu.scan <sum>, %convert_element_type3A_465 masked %reduce_sum3A_487 : vector<16xi32>, vector<16xi1> -> vector<16xi32>
        %reduce_sum3A_489 = vector.extract %reduce_sum3A_488[15] : i32 from vector<16xi32>
        %add3A_490 = arith.addi %while3A_446, %reduce_sum3A_489 : i32
        %min3A_491 = arith.minsi %while3A_447, %reduce_min3A_485 : i32
        scf.yield %add3A_490, %min3A_491 : i32, i32
      }
      %while3A_405 = arith.constant 1 : i32
      %while3A_406:2 = scf.for %while3A_445 = %while3A_402 to %while3A_398 step %while3A_405 iter_args(%while3A_446 = %while3A_404#0, %while3A_447 = %while3A_404#1) -> (i32, i32)  : i32 {
        %mul3A_448 = arith.constant 16 : i32
        %mul3A_449 = arith.muli %while3A_445, %mul3A_448 : i32
        %get3A = arith.index_cast %mul3A_449 : i32 to index
        %get3A_450 = tpu.vector_load %arg6[%get3A] {strides = array<i32>} : memref<6272xf32, #tpu.memory_space<vmem>>, vector<16xf32>,
        %mul3A_451 = arith.constant 6272 : i32
        %mul3A_452 = arith.muli %arg1, %mul3A_451 : i32
        %mul3A_453 = arith.constant 16 : i32
        %mul3A_454 = arith.muli %while3A_445, %mul3A_453 : i32
        %add3A_455 = arith.addi %mul3A_452, %mul3A_454 : i32
        %iota3A_456 = tpu.iota {dimensions = array<i32: 0>} : vector<16xi32>
        %add3A_457 = vector.broadcast %add3A_455 : i32 to vector<16xi32>
        %add3A_458 = arith.addi %add3A_457, %iota3A_456 : vector<16xi32>
        %eq3A_459 = vector.broadcast %reduce_max3A_299 : f32 to vector<16xf32>
        %eq3A_460 = arith.cmpf oeq, %get3A_450, %eq3A_459 : vector<16xf32>
        %lt3A_461 = arith.constant 100000 : i32
        %lt3A_462 = vector.broadcast %lt3A_461 : i32 to vector<16xi32>
        %lt3A_463 = arith.cmpi slt, %add3A_458, %lt3A_462 : vector<16xi32>
        %and3A_464 = arith.andi %eq3A_460, %lt3A_463 : vector<16xi1>
        %convert_element_type3A_465 = arith.extui %and3A_464 : vector<16xi1> to vector<16xi32>
        %broadcast_in_dim3A_466 = arith.constant true
        %broadcast_in_dim3A_467 = vector.broadcast %broadcast_in_dim3A_466 : i1 to vector<16xi1>
        %masked_cumsum3A = tpu.scan <sum>, %convert_element_type3A_465 masked %broadcast_in_dim3A_467 : vector<16xi32>, vector<16xi1> -> vector<16xi32>
        %add3A_468 = vector.broadcast %while3A_446 : i32 to vector<16xi32>
        %add3A_469 = arith.addi %add3A_468, %masked_cumsum3A : vector<16xi32>
        %add3A_470 = arith.constant 1 : i32
        %add3A_471 = arith.addi %sub3A, %add3A_470 : i32
        %eq3A_472 = vector.broadcast %add3A_471 : i32 to vector<16xi32>
        %eq3A_473 = arith.cmpi eq, %add3A_469, %eq3A_472 : vector<16xi32>
        %and3A_474 = arith.andi %and3A_464, %eq3A_473 : vector<16xi1>
        %jit3A_475 = arith.constant 1073741824 : i32
        %broadcast_in_dim3A_476 = vector.broadcast %jit3A_475 : i32 to vector<16xi32>
        %select_n3A_477 = arith.select %and3A_474, %add3A_458, %broadcast_in_dim3A_476 : vector<16xi1>, vector<16xi32>
        %reduce_min3A_478 = arith.constant true
        %reduce_min3A_479 = vector.broadcast %reduce_min3A_478 : i1 to vector<16xi1>
        %reduce_min3A_480 = arith.constant -2147483648 : i32
        %reduce_min3A_481 = vector.broadcast %reduce_min3A_480 : i32 to vector<16xi32>
        %reduce_min3A_482 = arith.xori %select_n3A_477, %reduce_min3A_481 : vector<16xi32>
        %reduce_min3A_483 = tpu.scan <min>, %reduce_min3A_482 masked %reduce_min3A_479 : vector<16xi32>, vector<16xi1> -> vector<16xi32>
        %reduce_min3A_484 = arith.xori %reduce_min3A_483, %reduce_min3A_481 : vector<16xi32>
        %reduce_min3A_485 = vector.extract %reduce_min3A_484[15] : i32 from vector<16xi32>
        %reduce_sum3A_486 = arith.constant true
        %reduce_sum3A_487 = vector.broadcast %reduce_sum3A_486 : i1 to vector<16xi1>
        %reduce_sum3A_488 = tpu.scan <sum>, %convert_element_type3A_465 masked %reduce_sum3A_487 : vector<16xi32>, vector<16xi1> -> vector<16xi32>
        %reduce_sum3A_489 = vector.extract %reduce_sum3A_488[15] : i32 from vector<16xi32>
        %add3A_490 = arith.addi %while3A_446, %reduce_sum3A_489 : i32
        %min3A_491 = arith.minsi %while3A_447, %reduce_min3A_485 : i32
        scf.yield %add3A_490, %min3A_491 : i32, i32
      }
      %eq3A_407 = arith.constant 1 : i32
      %eq3A_408 = arith.cmpi eq, %reduce_sum3A_377, %eq3A_407 : i32
      %reduce_min3A_409 = arith.constant true
      %reduce_min3A_410 = vector.broadcast %reduce_min3A_409 : i1 to vector<16xi1>
      %reduce_min3A_411 = arith.constant -2147483648 : i32
      %reduce_min3A_412 = vector.broadcast %reduce_min3A_411 : i32 to vector<16xi32>
      %reduce_min3A_413 = arith.xori %gather3A_369, %reduce_min3A_412 : vector<16xi32>
      %reduce_min3A_414 = tpu.scan <min>, %reduce_min3A_413 masked %reduce_min3A_410 : vector<16xi32>, vector<16xi1> -> vector<16xi32>
      %reduce_min3A_415 = arith.xori %reduce_min3A_414, %reduce_min3A_412 : vector<16xi32>
      %reduce_min3A_416 = vector.extract %reduce_min3A_415[15] : i32 from vector<16xi32>
      %select_n3A_417 = arith.select %eq3A_408, %reduce_min3A_416, %while3A_406#1 : i32
      %lt3A_418 = arith.constant 15 : i32
      %lt3A_419 = arith.cmpi slt, %arg1, %lt3A_418 : i32
      %convert_element_type3A_420 = arith.extui %lt3A_419 : i1 to i32
      %cond3A_421 = arith.constant 0 : i32
      %cond3A_422 = arith.cmpi ne, %convert_element_type3A_420, %cond3A_421 : i32
      scf.if %cond3A_422 {
        "tpu.region"() ({
          %run_scoped3A = tpu.sem_alloc : memref<!tpu.dma_semaphore, #tpu.memory_space<semaphore_mem>>
          %dma_start3A_445 = tpu.memref_slice %arg4[%add3A_304] : memref<6400000xf32, #tpu.memory_space<hbm>> -> memref<6272xf32, #tpu.memory_space<hbm>>
          %dma_start3A_446 = tpu.memref_slice %arg4[%add3A_304] : memref<6400000xf32, #tpu.memory_space<hbm>> -> memref<6272xf32, #tpu.memory_space<hbm>>
          tpu.enqueue_dma source(%arg12 : memref<6272xf32, #tpu.memory_space<vmem>>) target(%dma_start3A_446 : memref<6272xf32, #tpu.memory_space<hbm>>) target_semaphore(%run_scoped3A : memref<!tpu.dma_semaphore, #tpu.memory_space<semaphore_mem>>)
          %dma_wait3A_447 = tpu.memref_slice %arg4[%add3A_304] : memref<6400000xf32, #tpu.memory_space<hbm>> -> memref<6272xf32, #tpu.memory_space<hbm>>
          %dma_wait3A_448 = tpu.memref_slice %arg4[%add3A_304] : memref<6400000xf32, #tpu.memory_space<hbm>> -> memref<6272xf32, #tpu.memory_space<hbm>>
          tpu.wait_dma2 semaphore(%run_scoped3A : memref<!tpu.dma_semaphore, #tpu.memory_space<semaphore_mem>>) src(%arg12 : memref<6272xf32, #tpu.memory_space<vmem>>) dst(%dma_wait3A_448 : memref<6272xf32, #tpu.memory_space<hbm>>)
          tpu.yield
        }) : () -> ()
      } else {
      }
      %eq3A_423 = arith.constant 15 : i32
      %eq3A_424 = arith.cmpi eq, %arg1, %eq3A_423 : i32
      %convert_element_type3A_425 = arith.extui %eq3A_424 : i1 to i32
      %cond3A_426 = arith.constant 0 : i32
      %cond3A_427 = arith.cmpi ne, %convert_element_type3A_425, %cond3A_426 : i32
      scf.if %cond3A_427 {
        "tpu.region"() ({
          %run_scoped3A = tpu.sem_alloc : memref<!tpu.dma_semaphore, #tpu.memory_space<semaphore_mem>>
          %dma_start3A_445 = arith.constant 0 : i32
          %dma_start3A_446 = tpu.memref_slice %arg12[%dma_start3A_445] : memref<6272xf32, #tpu.memory_space<vmem>> -> memref<5920xf32, #tpu.memory_space<vmem>>
          %dma_start3A_447 = tpu.memref_slice %arg4[%add3A_304] : memref<6400000xf32, #tpu.memory_space<hbm>> -> memref<5920xf32, #tpu.memory_space<hbm>>
          %dma_start3A_448 = tpu.memref_slice %arg4[%add3A_304] : memref<6400000xf32, #tpu.memory_space<hbm>> -> memref<5920xf32, #tpu.memory_space<hbm>>
          %dma_start3A_449 = arith.constant 0 : i32
          %dma_start3A_450 = tpu.memref_slice %arg12[%dma_start3A_449] : memref<6272xf32, #tpu.memory_space<vmem>> -> memref<5920xf32, #tpu.memory_space<vmem>>
          tpu.enqueue_dma source(%dma_start3A_450 : memref<5920xf32, #tpu.memory_space<vmem>>) target(%dma_start3A_448 : memref<5920xf32, #tpu.memory_space<hbm>>) target_semaphore(%run_scoped3A : memref<!tpu.dma_semaphore, #tpu.memory_space<semaphore_mem>>)
          %dma_wait3A_451 = arith.constant 0 : i32
          %dma_wait3A_452 = tpu.memref_slice %arg12[%dma_wait3A_451] : memref<6272xf32, #tpu.memory_space<vmem>> -> memref<5920xf32, #tpu.memory_space<vmem>>
          %dma_wait3A_453 = tpu.memref_slice %arg4[%add3A_304] : memref<6400000xf32, #tpu.memory_space<hbm>> -> memref<5920xf32, #tpu.memory_space<hbm>>
          %dma_wait3A_454 = tpu.memref_slice %arg4[%add3A_304] : memref<6400000xf32, #tpu.memory_space<hbm>> -> memref<5920xf32, #tpu.memory_space<hbm>>
          %dma_wait3A_455 = arith.constant 0 : i32
          %dma_wait3A_456 = tpu.memref_slice %arg12[%dma_wait3A_455] : memref<6272xf32, #tpu.memory_space<vmem>> -> memref<5920xf32, #tpu.memory_space<vmem>>
          tpu.wait_dma2 semaphore(%run_scoped3A : memref<!tpu.dma_semaphore, #tpu.memory_space<semaphore_mem>>) src(%dma_wait3A_456 : memref<5920xf32, #tpu.memory_space<vmem>>) dst(%dma_wait3A_454 : memref<5920xf32, #tpu.memory_space<hbm>>)
          tpu.yield
        }) : () -> ()
      } else {
      }
      %mul3A_428 = arith.constant 6272 : i32
      %mul3A_429 = arith.muli %arg1, %mul3A_428 : i32
      %add3A_430 = arith.constant 6272 : i32
      %add3A_431 = arith.addi %mul3A_429, %add3A_430 : i32
      %min3A = arith.constant 100000 : i32
      %min3A_432 = arith.minsi %add3A_431, %min3A : i32
      %lt3A_433 = arith.constant 1073741824 : i32
      %lt3A_434 = arith.cmpi slt, %select_n3A_417, %lt3A_433 : i32
      %mul3A_435 = arith.constant 6272 : i32
      %mul3A_436 = arith.muli %arg1, %mul3A_435 : i32
      %le3A_437 = arith.cmpi sle, %mul3A_436, %select_n3A_417 : i32
      %and3A_438 = arith.andi %lt3A_434, %le3A_437 : i1
      %lt3A_439 = arith.cmpi slt, %select_n3A_417, %min3A_432 : i32
      %and3A_440 = arith.andi %and3A_438, %lt3A_439 : i1
      %convert_element_type3A_441 = arith.extui %and3A_440 : i1 to i32
      %cond3A_442 = arith.constant 0 : i32
      %cond3A_443 = arith.cmpi ne, %convert_element_type3A_441, %cond3A_442 : i32
      scf.if %cond3A_443 {
        %jit3A_445 = arith.constant 16 : i32
        %div3A = arith.divsi %select_n3A_417, %jit3A_445 : i32
        %sign3A = arith.constant 0 : i32
        %sign3A_446 = arith.cmpi sgt, %select_n3A_417, %sign3A : i32
        %sign3A_447 = arith.extui %sign3A_446 : i1 to i32
        %sign3A_448 = arith.constant 0 : i32
        %sign3A_449 = arith.cmpi slt, %select_n3A_417, %sign3A_448 : i32
        %sign3A_450 = arith.extui %sign3A_449 : i1 to i32
        %sign3A_451 = arith.subi %sign3A_447, %sign3A_450 : i32
        %sign3A_452 = arith.constant 0 : i32
        %sign3A_453 = arith.cmpi sgt, %jit3A_445, %sign3A_452 : i32
        %sign3A_454 = arith.extui %sign3A_453 : i1 to i32
        %sign3A_455 = arith.constant 0 : i32
        %sign3A_456 = arith.cmpi slt, %jit3A_445, %sign3A_455 : i32
        %sign3A_457 = arith.extui %sign3A_456 : i1 to i32
        %sign3A_458 = arith.subi %sign3A_454, %sign3A_457 : i32
        %ne3A = arith.cmpi ne, %sign3A_451, %sign3A_458 : i32
        %rem3A = arith.remsi %select_n3A_417, %jit3A_445 : i32
        %ne3A_459 = arith.constant 0 : i32
        %ne3A_460 = arith.cmpi ne, %rem3A, %ne3A_459 : i32
        %and3A_461 = arith.andi %ne3A, %ne3A_460 : i1
        %sub3A_462 = arith.constant 1 : i32
        %sub3A_463 = arith.subi %div3A, %sub3A_462 : i32
        %select_n3A_464 = arith.select %and3A_461, %sub3A_463, %div3A : i32
        %mul3A_465 = arith.constant 16 : i32
        %mul3A_466 = arith.muli %select_n3A_464, %mul3A_465 : i32
        %iota3A_467 = tpu.iota {dimensions = array<i32: 0>} : vector<16xi32>
        %sub3A_468 = arith.subi %select_n3A_417, %mul3A_466 : i32
        %eq3A_469 = vector.broadcast %sub3A_468 : i32 to vector<16xi32>
        %eq3A_470 = arith.cmpi eq, %iota3A_467, %eq3A_469 : vector<16xi32>
        %jit3A_471 = arith.constant 1.000000e+05 : f32
        %jit3A_472 = arith.constant 9.99999974E-6 : f32
        %broadcast_in_dim3A_473 = vector.broadcast %jit3A_471 : f32 to vector<16xf32>
        %broadcast_in_dim3A_474 = vector.broadcast %jit3A_472 : f32 to vector<16xf32>
        %select_n3A_475 = arith.select %eq3A_470, %broadcast_in_dim3A_473, %broadcast_in_dim3A_474 : vector<16xi1>, vector<16xf32>
        %swap3A_476 = arith.constant 0 : index
        %swap3A_477 = tpu.vector_load %arg13[%swap3A_476] {strides = array<i32>} : memref<16xf32, #tpu.memory_space<vmem>>, vector<16xf32>,
        tpu.vector_store %arg13[%swap3A_476], %select_n3A_475 {strides = array<i32>} : memref<16xf32, #tpu.memory_space<vmem>>, vector<16xf32>,
        %mul3A_478 = arith.constant 100000 : i32
        %mul3A_479 = arith.muli %add3A, %mul3A_478 : i32
        %add3A_480 = arith.addi %mul3A_479, %mul3A_466 : i32
        "tpu.region"() ({
          %run_scoped3A = tpu.sem_alloc : memref<!tpu.dma_semaphore, #tpu.memory_space<semaphore_mem>>
          %dma_start3A_481 = tpu.memref_slice %arg4[%add3A_480] : memref<6400000xf32, #tpu.memory_space<hbm>> -> memref<16xf32, #tpu.memory_space<hbm>>
          %dma_start3A_482 = tpu.memref_slice %arg4[%add3A_480] : memref<6400000xf32, #tpu.memory_space<hbm>> -> memref<16xf32, #tpu.memory_space<hbm>>
          tpu.enqueue_dma source(%arg13 : memref<16xf32, #tpu.memory_space<vmem>>) target(%dma_start3A_482 : memref<16xf32, #tpu.memory_space<hbm>>) target_semaphore(%run_scoped3A : memref<!tpu.dma_semaphore, #tpu.memory_space<semaphore_mem>>)
          %dma_wait3A_483 = tpu.memref_slice %arg4[%add3A_480] : memref<6400000xf32, #tpu.memory_space<hbm>> -> memref<16xf32, #tpu.memory_space<hbm>>
          %dma_wait3A_484 = tpu.memref_slice %arg4[%add3A_480] : memref<6400000xf32, #tpu.memory_space<hbm>> -> memref<16xf32, #tpu.memory_space<hbm>>
          tpu.wait_dma2 semaphore(%run_scoped3A : memref<!tpu.dma_semaphore, #tpu.memory_space<semaphore_mem>>) src(%arg13 : memref<16xf32, #tpu.memory_space<vmem>>) dst(%dma_wait3A_484 : memref<16xf32, #tpu.memory_space<hbm>>)
          tpu.yield
        }) : () -> ()
      } else {
      }
      %scan3A_444 = arith.constant 0 : i32
      scf.yield %scan3A_444 : i32
    }
    %scan3A_12 = arith.constant 32 : i32
    return
  }
}

</mosaic_0001>

<sc_bundles>
// kernel: kernel.5.cloned.1.call-start
scs
__scs_entry_jumppad:
0x0: {  	(pc) =	sbr.rel $0x88, $3  }
0x1: {  	(tag) =	ssettag $0x0;
	lr =	simm.s32 $0x1  }
0x2: {  	[smem:$0x3F9F] =	sst lr;
	_ =	strace $0xD0000000  }
0x3: {  	_ = 	snop  }
0x4: {  	_ = 	snop  }
0x5: {  	_ = 	snop  }
0x6: {  	_ = 	snop  }
0x7: {  	_ = 	snop  }
__scs_overlays_trampoline_lowered:
0x8: {  	[smem:$0x3FAE] =	sst s0  }
0x9: {  	[smem:$0x3FAF] =	sst s1  }
0xa: {  	[smem:$0x3FB0] =	sst s2  }
0xb: {  	[smem:$0x3FB1] =	sst s3  }
0xc: {  	[smem:$0x3FB2] =	sst s4  }
0xd: {  	[smem:$0x3FB3] =	sst s5  }
0xe: {  	[smem:$0x3FB4] =	sst s6  }
0xf: {  	[smem:$0x3FB5] =	sst s7  }
0x10: {  	[smem:$0x3FB6] =	sst s8  }
0x11: {  	[smem:$0x3FB7] =	sst s9;
	s0 =	simm.s32 @!p0 $0x0  }
0x12: {  	s1 =	sld [smem:$0x3F9D];
	s0 =	simm.s32 @p0 $0x1  }
0x13: {  	[smem:$0x3FB8] =	sst s0;
	s0 =	simm.s32 @!p1 $0x0  }
0x14: {  	s2 =	sld [smem:$0x3F9C];
	s0 =	simm.s32 @p1 $0x1  }
0x15: {  	[smem:$0x3FB9] =	sst s0;
	s0 =	simm.s32 @!p2 $0x0  }
0x16: {  	s3 =	sld [smem:$0x3FDB];
	s0 =	simm.s32 @p2 $0x1  }
0x17: {  	s4 =	simm.s32 $0x1BF5;
	[smem:$0x3FBB] =	sst s0  }
0x18: {  	s0 =	sld [smem:$0x3F9E];
	_ =	swait.ge [sflag:s4], $0x0  }
0x19: {  	s7 =	sld [smem:$0x3F9F]  }
0x1a: {  	s8 =	sadd.s32 $0xFFFFE003, lr  }
0x1b: {  	s9 =	sadd.s32 $0xFFFFFEF7, lr;
	s5 =	simm.s32 $0xFFFFFFFF;
	p2 =	slt.u32 s8, $0xFFFFF086  }
0x1c: {  	p1 =	slt.u32 s9, $0xF7A;
	s5 =	simm.s32 @!p2 $0x0  }
0x1d: {  	s5 =	simm.s32 @p1 $0x1;
	p0 =	seq.s32 s7, s2  }
0x1e: {  	s7 =	smul.u32 @!p0 $0xF7A, s2;
	p2 =	seq.s32 @!p0 s5, $0x0  }
0x1f: {  	s9 =	smul.u32 $0xF7A, s1;
	s8 =	simm.s32 @!p0 $0x1BF5;
	p2 =	por !p2, p0  }
0x20: {  	[sflag:s8] =	ssyncset.s32 @!p0 $0xFFFFF086;
	s6 =	sadd.s32 @!p0 s3, s7;
	s7 =	simm.s32 @!p0 $0x108  }
0x21: {  	s3 =	sadd.s32 s3, s9;
	s6 =	sadd.s32 @!p0 $0x88, s6;
	s7 =	simm.s32 @p2 $0x1082  }
0x22: {  	[simem:s7], [sflag:s8] =	dma.local @!p0 [hbm:s6], $0xF7A  }
0x23: {  	s9 =	sor.u32 $0xD0000000, s2;
	s6 =	simm.s32 $0x108;
	_ =	swait.ge @!p0 [sflag:s8], $0x0  }
0x24: {  	s3 =	sadd.s32 $0x88, s3;
	s6 =	simm.s32 @!p1 $0x1082;
	[sflag:s4] =	ssyncset.s32 $0xFFFFF086  }
0x25: {  	[simem:s6], [sflag:s4] =	dma.local [hbm:s3], $0xF7A  }
0x26: {  	[smem:$0x3F9F] =	sst s1;
	(tag) =	ssettag s2;
	_ =	strace s9  }
0x27: {  	s1 =	sld [smem:$0x3FAF]  }
0x28: {  	s2 =	sld [smem:$0x3FB0]  }
0x29: {  	s4 =	sld [smem:$0x3FB2]  }
0x2a: {  	p0 =	seq.s32 s5, $0x0;
	s5 =	sld [smem:$0x3FB3]  }
0x2b: {  	s6 =	sld [smem:$0x3FB4]  }
0x2c: {  	s7 =	sld [smem:$0x3FB5]  }
0x2d: {  	s3 =	simm.s32 $0x108;
	s8 =	sld [smem:$0x3FB6]  }
0x2e: {  	s3 =	simm.s32 @!p0 $0x1082;
	s9 =	sld [smem:$0x3FB7]  }
0x2f: {  	lr =	sadd.s32 s0, s3;
	s0 =	sld [smem:$0x3FAE]  }
0x30: {  	s3 =	sld [smem:$0x3FB1]  }
0x31: {  	[smem:$0x3FBA] =	sst s10  }
0x32: {  	s10 =	sld [smem:$0x3FB8];
	_ =	sdelay $0x3  }
0x33: {  	p0 =	seq.s32 s10, $0x1;
	s10 =	sld [smem:$0x3FBA];
	_ =	sdelay $0x3  }
0x34: {  	[smem:$0x3FBA] =	sst s10  }
0x35: {  	s10 =	sld [smem:$0x3FB9];
	_ =	sdelay $0x3  }
0x36: {  	p1 =	seq.s32 s10, $0x1;
	s10 =	sld [smem:$0x3FBA];
	_ =	sdelay $0x3  }
0x37: {  	[smem:$0x3FBA] =	sst s10  }
0x38: {  	s10 =	sld [smem:$0x3FBB]  }
0x39: {  	_ = 	snop;
	(pc) =	sbr.ind lr, $3  }
0x3a: {  	_ = 	snop  }
0x3b: {  	_ = 	snop  }
0x3c: {  	p2 =	seq.s32 s10, $0x1;
	s10 =	sld [smem:$0x3FBA]  }
0x3d: {  	_ =	shalt  }
0x3e: {  	_ =	shalt  }
0x3f: {  	_ =	shalt  }
0x40: {  	_ =	shalt  }
0x41: {  	_ =	shalt  }
0x42: {  	_ =	shalt  }
0x43: {  	_ =	shalt  }
0x44: {  	_ =	shalt  }
0x45: {  	_ =	shalt  }
0x46: {  	_ =	shalt  }
0x47: {  	_ =	shalt  }
0x48: {  	_ =	shalt  }
0x49: {  	_ =	shalt  }
0x4a: {  	_ =	shalt  }
0x4b: {  	_ =	shalt  }
0x4c: {  	_ =	shalt  }
0x4d: {  	_ =	shalt  }
0x4e: {  	_ =	shalt  }
0x4f: {  	_ =	shalt  }
0x50: {  	_ =	shalt  }
0x51: {  	_ =	shalt  }
0x52: {  	_ =	shalt  }
0x53: {  	_ =	shalt  }
0x54: {  	_ =	shalt  }
0x55: {  	_ =	shalt  }
0x56: {  	_ =	shalt  }
0x57: {  	_ =	shalt  }
0x58: {  	_ =	shalt  }
0x59: {  	_ =	shalt  }
0x5a: {  	_ =	shalt  }
0x5b: {  	_ =	shalt  }
0x5c: {  	_ =	shalt  }
0x5d: {  	_ =	shalt  }
0x5e: {  	_ =	shalt  }
0x5f: {  	_ =	shalt  }
0x60: {  	_ =	shalt  }
0x61: {  	_ =	shalt  }
0x62: {  	_ =	shalt  }
0x63: {  	_ =	shalt  }
0x64: {  	_ =	shalt  }
0x65: {  	_ =	shalt  }
0x66: {  	_ =	shalt  }
0x67: {  	_ =	shalt  }
0x68: {  	_ =	shalt  }
0x69: {  	_ =	shalt  }
0x6a: {  	_ =	shalt  }
0x6b: {  	_ =	shalt  }
0x6c: {  	_ =	shalt  }
0x6d: {  	_ =	shalt  }
0x6e: {  	_ =	shalt  }
0x6f: {  	_ =	shalt  }
0x70: {  	_ =	shalt  }
0x71: {  	_ =	shalt  }
0x72: {  	_ =	shalt  }
0x73: {  	_ =	shalt  }
0x74: {  	_ =	shalt  }
0x75: {  	_ =	shalt  }
0x76: {  	_ =	shalt  }
0x77: {  	_ =	shalt  }
0x78: {  	_ =	shalt  }
0x79: {  	_ =	shalt  }
0x7a: {  	_ =	shalt  }
0x7b: {  	_ =	shalt  }
0x7c: {  	_ =	shalt  }
0x7d: {  	_ =	shalt  }
0x7e: {  	_ =	shalt  }
0x7f: {  	_ =	shalt  }
0x80: {  	_ =	shalt  }
0x81: {  	_ =	shalt  }
0x82: {  	_ =	shalt  }
0x83: {  	_ =	shalt  }
0x84: {  	_ =	shalt  }
0x85: {  	_ =	shalt  }
0x86: {  	_ =	shalt  }
0x87: {  	_ =	shalt  }
.Lfunc_end0:
.L_simem_size_0:
called_computation_lowered:
.L_overlay_start_0:
0x88: {  	s2 =	sld [smem:$0x3FD9]  }
0x89: {  	s3 =	sld [smem:$0x3FFE];
	_ =	sdelay $0x1  }
0x8a: {  	s1 =	srdreg.scid  }
0x8b: {  	s0 =	sand.u32 $0x1, s1  }
0x8c: {  	s17 =	sshll.u32 s0, $0xA;
	s2 =	sadd.s32 s3, s2  }
0x8d: {  	s2 =	sadd.s32 s2, s17  }
0x8e: {  	[smem:$0x3FC6] =	sst s2  }
0x8f: {  	_ = 	snop  }
0x90: {  	s2 =	sld [smem:$0x3FD0];
	(tm) =	ssettm $0x1  }
0x91: {  	s18 =	sld [smem:$0x3FFB];
	_ =	sdelay $0x3  }
0x92: {  	_ =	strace s18  }
0x93: {  	s3 =	sld [smem:$0x3FFC];
	_ =	sdelay $0x3  }
0x94: {  	_ =	strace s3  }
0x95: {  	s3 =	sld [smem:$0x3FFD];
	_ =	sdelay $0x3  }
0x96: {  	_ =	strace s3  }
0x97: {  	_ =	strace $0x8FFFFFFF  }
0x98: {  	s19 =	sld [smem:$0x3FDB];
	_ =	sdelay $0x1  }
0x99: {  	s4 =	simm.s32 $_scs_section_size  }
0x9a: {  	s5 =	simm.s32 $_size__tile_overlayer_lowered;
	s6 =	simm.s32 $_tile_overlayer_lowered  }
0x9b: {  	s22 =	simm.s32 $0x1BFF;
	s21 =	sshll.u32 s6, $0x1;
	s3 =	sadd.s32 s4, s19  }
0x9c: {  	s7 =	simm.s32 $0x0;
	s20 =	sshll.u32 s5, $0x1;
	s5 =	sadd.s32 s21, s3  }
0x9d: {  	[timem:s7], [sflag:s22] =	dma.local [hbm:s5], s20  }
0x9e: {  	_ =	swait.ge [sflag:s22], s20  }
0x9f: {  	s4 =	ssub.s32 $0x0, s20;
	[sflag:s22] =	ssyncset.done $0x0  }
0xa0: {  	[sflag:s22] =	ssyncadd.s32 s4;
	_ =	sdelay $0x1  }
0xa1: {  	s23 =	simm.s32 $0x1B8B  }
0xa2: {  	_ =	swait.ge [sflag:s23], $0x1  }
0xa3: {  	[sflag:s23] =	ssyncset.done $0x0  }
0xa4: {  	s25 =	simm.s32 $0x1B8E;
	s24 =	sld [smem:$0x3FFE];
	[sflag:s23] =	ssyncadd.s32 $0xFFFFFFFF  }
0xa5: {  	s26 =	simm.s32 $execute0_lowered;
	[smem:$0x3FD2] =	sst s25  }
0xa6: {  	s5 =	sshll.u32 s26, $0x1;
	_ =	strace $0x80000046;
	[dreg:$0x1] =	wrdreg $0xFFFFFFFF  }
0xa7: {  	s28 =	simm.s32 $_size_execute0_lowered;
	s3 =	sadd.s32 s3, s5;
	[dreg:$0x0] =	wrdreg $0x0  }
0xa8: {  	s5 =	sshll.u32 s28, $0x1;
	[dreg:$0x2] =	wrdreg s3  }
0xa9: {  	[dreg:$0x3] =	wrdreg s5  }
0xaa: {  	[dreg:$0x4] =	wrdreg $0xC0  }
0xab: {  	_ =	task [dreg:s7], $0x5FFFF  }
0xac: {  	[dreg:$0x1] =	wrdreg $0xFFFFFFFF  }
0xad: {  	[dreg:$0x0] =	wrdreg $0x60  }
0xae: {  	[dreg:$0x2] =	wrdreg s24  }
0xaf: {  	[dreg:$0x3] =	wrdreg s2  }
0xb0: {  	[dreg:$0x4] =	wrdreg $0x130800  }
0xb1: {  	[dreg:$0x5] =	wrdreg $0xFF800  }
0xb2: {  	[dreg:$0x6] =	wrdreg $0x118000  }
0xb3: {  	[dreg:$0x7] =	wrdreg $0x134800  }
0xb4: {  	[dreg:$0x8] =	wrdreg $0x134900  }
0xb5: {  	[dreg:$0x9] =	wrdreg $0x9  }
0xb6: {  	_ =	task.clear_ibuf [dreg:s7], $0xAFFFF;
	_ =	strace $0x90000046  }
0xb7: {  	s29 =	simm.s32 $0x9;
	_ =	strace $0x80000048  }
0xb8: {  	_ =	swait.ge [sflag:s29], $0x1  }
0xb9: {  	[sflag:s29] =	ssyncadd.s32 $0xFFFFFFFF  }
0xba: {  	_ =	strace $0x90000048  }
0xbb: {  	_ =	sfence  }
0xbc: {  	s30 =	sld [smem:$0x0];
	_ =	sdelay $0x2  }
0xbd: {  	s31 =	sshll.u32 s1, $0xD;
	s1 =	sshrl.u32 s1, $0x2  }
0xbe: {  	s3 =	sand.u32 $0x4000, s31;
	s1 =	sadd.s32 s1, s30  }
0xbf: {  	s0 =	sor.u32 s3, s0;
	s1 =	sshll.u32 s1, $0x11  }
0xc0: {  	s0 =	sor.u32 s1, s0  }
0xc1: {  	s0 =	sadd.s32 $0x8F2B, s0  }
0xc2: {  	[sflag:s0] =	ssyncadd.remote.s32 $0x1  }
0xc3: {  	_ =	sfence.sel $0xFFFF  }
0xc4: {  	[dreg:$0x0] =	wrdreg $0xFFFFFFFF;
	(pc) =	sbr.abs _section_cstart, $3  }
0xc5: {  	[dreg:$0x1] =	wrdreg $0xFFFFFFFF  }
0xc6: {  	_ =	task.clear_ibuf [dreg:s7], $0x2FFFF;
	_ =	strace $0x9FFFFFFF  }
0xc7: {  	(tm) =	ssettm $0x7FFFFFFF  }
tec
execute0_lowered:
.L_overlay_start_1:
0x0: {  	(tag) =	ssettag $0x1  }
0x1: {  	s2 =	rddreg [dreg:$0x0]  }
0x2: {  	s14 =	rddreg [dreg:$0x2]  }
0x3: {  	s16 =	rddreg [dreg:$0x3]  }
0x4: {  	s3 =	rddreg [dreg:$0x4]  }
0x5: {  	s10 =	rddreg [dreg:$0x5]  }
0x6: {  	s17 =	rddreg [dreg:$0x6]  }
0x7: {  	s4 =	simm.s32 $0x0;
	s0 =	srdreg.scid;
	s5 =	stileid.u32  }
0x8: {  	[smem:$0x7FF] =	sst s4;
	s0 =	sand.u32 $0x1, s0;
	s24 =	sshll.u32 s5, $0x4  }
0x9: {  	p1 =	sgt.u32 s5, $0xD;
	s1 =	ssub.s32 $0x2, s0;
	s0 =	sshll.u32 s0, $0x5  }
0xa: {  	_ =	strace $0x80000047;
	[dreg:$0xa] =	wrdreg s0;
	s0 =	sadd.s32 s24, s17  }
0xb: {  	[dreg:$0xd] =	wrdreg s0;
	s0 =	simm.s32 @!p1 $0x0  }
0xc: {  	s0 =	simm.s32 @p1 $0x1;
	p1 =	sgt.u32 s5, $0xC  }
0xd: {  	[smem:$0x7EF] =	sst s0;
	s0 =	simm.s32 @!p1 $0x0  }
0xe: {  	s0 =	simm.s32 @p1 $0x1;
	p1 =	sgt.u32 s5, $0xA  }
0xf: {  	[smem:$0x7F0] =	sst s0;
	s0 =	simm.s32 @!p1 $0x0  }
0x10: {  	p2 =	sgt.u32 s5, $0x9;
	s0 =	simm.s32 @p1 $0x1  }
0x11: {  	[smem:$0x7F1] =	sst s0;
	s0 =	simm.s32 @!p2 $0x0  }
0x12: {  	p3 =	sgt.u32 s5, $0x8;
	s0 =	simm.s32 @p2 $0x1  }
0x13: {  	[smem:$0x7F2] =	sst s0;
	s0 =	simm.s32 @!p3 $0x0  }
0x14: {  	s0 =	simm.s32 @p3 $0x1;
	p3 =	sgt.u32 s5, $0x7  }
0x15: {  	s20 =	simm.s32 $0x3;
	[smem:$0x7F3] =	sst s0;
	s0 =	simm.s32 @!p3 $0x0  }
0x16: {  	s21 =	simm.s32 $0xA200;
	s0 =	simm.s32 @p3 $0x1;
	p3 =	sgt.u32 s5, $0x6  }
0x17: {  	s13 =	simm.s32 $0x1880;
	[smem:$0x7F4] =	sst s0;
	s0 =	simm.s32 @!p3 $0x0  }
0x18: {  	s2 =	sadd.s32 $0xC3600, s2;
	s0 =	simm.s32 @p3 $0x1;
	p3 =	sgt.u32 s5, $0x5  }
0x19: {  	s11 =	smul.u32 $0x1880, s5;
	[smem:$0x7F5] =	sst s0;
	s0 =	simm.s32 @!p3 $0x0  }
0x1a: {  	s23 =	sshll.u32 s5, $0xA;
	s0 =	simm.s32 @p3 $0x1;
	p3 =	sgt.u32 s5, $0x4  }
0x1b: {  	p5 =	sgt.u32 s5, $0xB;
	[smem:$0x7F6] =	sst s0;
	s0 =	simm.s32 @!p3 $0x0  }
0x1c: {  	[dreg:$0x9] =	wrdreg s2;
	s0 =	simm.s32 @p3 $0x1;
	p3 =	sgt.u32 s5, $0x3  }
0x1d: {  	s22 =	sshrl.u32 s1, $0x1;
	[smem:$0x7F7] =	sst s0;
	s0 =	simm.s32 @!p3 $0x0  }
0x1e: {  	s25 =	sadd.s32 s11, s3;
	s0 =	simm.s32 @p3 $0x1;
	p3 =	sgt.u32 s5, $0x2  }
0x1f: {  	s26 =	smin.u32 s11, $0x16E20;
	[smem:$0x7F8] =	sst s0;
	s0 =	simm.s32 @!p3 $0x0  }
0x20: {  	s1 =	ssub.s32 s1, s22;
	s0 =	simm.s32 @p3 $0x1;
	p3 =	sgt.u32 s5, $0x1  }
0x21: {  	s22 =	sadd.s32 s23, s14;
	[smem:$0x7F9] =	sst s0;
	s0 =	simm.s32 @!p3 $0x0  }
0x22: {  	[dreg:$0xc] =	wrdreg s25;
	s0 =	simm.s32 @p3 $0x1;
	p3 =	seq.s32 s5, $0x0  }
0x23: {  	s28 =	sadd.s32 $0x1880, s26;
	[smem:$0x7FA] =	sst s0;
	s0 =	simm.s32 @!p3 $0x0  }
0x24: {  	s23 =	sadd.s32 s11, s16;
	[dreg:$0xe] =	wrdreg s28;
	s0 =	simm.s32 @p3 $0x1  }
.Ltmp0:
0x25: {  	[smem:$0x7FB] =	sst s0;
	s0 =	simm.s32 @!p5 $0x0;
	(pc) =	sbr.rel .LBB2_1-.Ltmp0, $4  }
0x26: {  	p0 =	seq.s32 s5, $0xF;
	[dreg:$0xb] =	wrdreg s23;
	s0 =	simm.s32 @p5 $0x1  }
0x27: {  	s30 =	smax.u32 s1, $0x1;
	[smem:$0x7FC] =	sst s0;
	s0 =	simm.s32 @!p0 $0x0  }
0x28: {  	s31 =	simm.s32 $0x1;
	v1 =	vimm.f32 $9.999999740e-06;
	v2 =	vlaneseq.u32;
	v3 =	vimm.s32 $0x0;
	[dreg:$0xf] =	wrdreg s30;
	s0 =	simm.s32 @p0 $0x1  }
0x29: {  	vm6 =	vcmask $0x704;
	v0 =	vmov s5;
	v4 =	vmul.u32 $0x400, v2;
	s29 =	sadd.s32 s24, s10;
	s26 =	simm.s32 $0x4980;
	[smem:$0x7FD] =	sst s0  }
.LBB2_49:
0x2a: {  	s4 =	rddreg [dreg:$0x8]  }
0x2b: {  	s0 =	rddreg [dreg:$0xf];
	s4 =	sadd.s32 $0x1, s4  }
0x2c: {  	p3 =	sne.s32 s4, s0  }
.Ltmp1:
0x2d: {  	_ = 	snop;
	(pc) =	sbr.rel @!p3 .LBB2_50-.Ltmp1, $1  }
0x2e: {  	_ =	sdelay $0x3  }
.LBB2_1:
0x2f: {  	[dreg:$0x8] =	wrdreg s4;
	s0 =	simm.s32 $0x40;
	s1 =	simm.s32 $0x0  }
.LBB2_2:
0x30: {  	p3 =	sne.s32 s0, $0x61C0;
	[tilespmem:s1+$0xE600] =	vst v1;
	s1 =	smov.u32 s0;
	s0 =	sadd.s32 $0x40, s0  }
.Ltmp2:
0x31: {  	(pc) =	sbr.rel @p3 .LBB2_2-.Ltmp2, $2  }
0x32: {  	_ =	sdelay $0x2  }
0x33: {  	s1 =	sshra.s32 s1, $0x2  }
.Ltmp3:
0x34: {  	(pc) =	sbr.rel .LBB2_4-.Ltmp3, $2  }
0x35: {  	_ =	sdelay $0x2  }
0x36: {  	[tilespmem:s1+$0xE600] =	vst v1;
	s30 =	simm.s32 $0x0  }
.LBB2_44:
0x37: {  	s0 =	simm.s32 $0x40000000;
	s14 =	smov.u32 s26;
	s16 =	rddreg [dreg:$0x3]  }
0x38: {  	s10 =	smov.u32 s13;
	s22 =	smov.u32 s31;
	s28 =	sld [smem:$0x7FC]  }
0x39: {  	s23 =	rddreg [dreg:$0xb];
	s29 =	smov.u32 s1;
	s13 =	simm.s32 $0x1880  }
0x3a: {  	s26 =	simm.s32 $0x4980;
	s18 =	rddreg [dreg:$0x10];
	s0 =	simm.s32 @p5 $0x40000000  }
0x3b: {  	s31 =	simm.s32 $0x1;
	s0 =	simm.s32 @!p4 $0x40000000;
	p5 =	seq.s32 s28, $0x1  }
.LBB2_48:
0x3c: {  	v5 =	vxor.u32 $0x80000000, v7  }
0x3d: {  	(xrf0) =	vmin.scan.msk.u32 $0xffff, v5;
	_ =	sdelay $0x5  }
0x3e: {  	v5, _, _ =	vpop (xrf0)  }
0x3f: {  	(v2sf) =	vpush v5, $0xF;
	_ =	sdelay $0xb  }
0x40: {  	s4 =	rddreg [dreg:$0x9]  }
0x41: {  	s2 =	simm.s32 @p0 $0x0;
	s3 =	simm.s32 @p0 $0xE600;
	s1 =	sadd.s32 s4, s24  }
0x42: {  	[hbm4b:s1+s2] =	stream.linear.scatter @p0 [tilespmem:s3], [sflag:$0x3], $0x1720, $0x38;
	[tilespmem:$0x134A0] =	vst v63  }
0x43: {  	s24 =	spop (v2sf)  }
0x44: {  	p3 =	seq.s32 s9, $0x1;
	s3 =	simm.s32 @p0 $0x3;
	s2 =	sxor.u32 $0x80000000, s24  }
0x45: {  	_ =	swait.ge @p0 [sflag:s3], $0x1720;
	s0 =	smov.u32 @p3 s2  }
0x46: {  	[sflag:s3] =	ssyncset.done @p0 $0x0;
	s2 =	simm.s32 @!p0 $0x0;
	s25 =	rddreg [dreg:$0xe]  }
0x47: {  	[sflag:s3] =	ssyncadd.s32 @p0 $0xFFFFE8E0;
	s3 =	simm.s32 @!p0 $0xE600;
	p6 =	sge.s32 s0, s25  }
0x48: {  	[hbm4b:s1+s2] =	stream.linear.scatter @!p0 [tilespmem:s3], [sflag:$0x3], $0x1880, $0x38;
	[tilespmem:$0x134A0] =	vst v63  }
0x49: {  	p2 =	sgt.s32 @!p6 s11, s0  }
0x4a: {  	p3 =	por p2, p6  }
0x4b: {  	p4 =	slt.s32 @!p3 s0, $0x1  }
0x4c: {  	s2 =	simm.s32 @!p4 $0x0  }
0x4d: {  	s2 =	simm.s32 @p4 $0x1  }
0x4e: {  	[smem:$0x7EE] =	sst s2  }
0x4f: {  	s28 =	sld [smem:$0x7EE];
	_ =	sdelay $0x1  }
0x50: {  	s1 =	sand.u32 @!p3 $0xF, s0  }
0x51: {  	p4 =	sne.s32 @!p3 s1, $0x0;
	p1 =	seq.s32 s28, $0x1  }
0x52: {  	p4 =	por @!p3 !p1, !p4  }
0x53: {  	p4 =	por @!p3 !p4, !p4  }
0x54: {  	p4 =	por @!p6 !p4, p2  }
0x55: {  	s1 =	simm.s32 @!p3 $0xFFFFFFFF;
	p4 =	por !p4, p6  }
0x56: {  	s1 =	simm.s32 @!p4 $0x0  }
0x57: {  	s1 =	sshll.u32 @!p3 s1, $0x4  }
0x58: {  	s1 =	sadd.s32 @!p3 s0, s1  }
0x59: {  	s1 =	sand.u32 @!p3 $0xFFFFFFF0, s1  }
0x5a: {  	s2 =	simm.s32 @!p0 $0x3;
	s0 =	ssub.s32 @!p3 s0, s1  }
0x5b: {  	v6 =	vlaneseq.u32 @!p3;
	_ =	swait.ge @!p0 [sflag:s2], $0x1880;
	v5 =	vmov @!p3 s0  }
0x5c: {  	s30 =	sadd.s32 $0x1, s30;
	[sflag:s2] =	ssyncset.done @!p0 $0x0;
	s0 =	sadd.s32 @!p3 s18, s1;
	vm0 =	veq.s32 @!p3 v5, v6;
	v5 =	vimm.f32 @!p3 $9.999999740e-06  }
0x5d: {  	[sflag:s2] =	ssyncadd.s32 @!p0 $0xFFFFE780;
	s2 =	simm.s32 @!p3 $0xFE80;
	s0 =	sshrl.u32 @!p3 s0, $0x3;
	v5 =	vsel @!p3 vm0, $0x47C35000, v5  }
0x5e: {  	p4 =	sne.s32 s30, $0x20;
	s1 =	simm.s32 @!p3 $0x0;
	s0 =	sadd.s32 @!p3 s4, s0;
	[tilespmem:$0xFE80] =	vst @!p3 v5  }
0x5f: {  	[hbm4b:s0+s1] =	stream.linear.scatter @!p3 [tilespmem:s2], [sflag:$0x2], $0x10, $0x38;
	[tilespmem:$0x134A0] =	vst v63  }
.Ltmp4:
0x60: {  	_ = 	snop;
	(pc) =	sbr.rel @!p4 .LBB2_49-.Ltmp4, $4  }
0x61: {  	s0 =	simm.s32 @!p3 $0x2  }
0x62: {  	_ =	swait.ge @!p3 [sflag:s0], $0x10  }
0x63: {  	[sflag:s0] =	ssyncset.done @!p3 $0x0  }
0x64: {  	[sflag:s0] =	ssyncadd.s32 @!p3 $0xFFFFFFF0  }
.LBB2_4:
0x65: {  	s0 =	simm.s32 $0x40;
	s2 =	simm.s32 $0x0  }
.LBB2_5:
0x66: {  	p3 =	sne.s32 s0, $0xFFC0;
	[tilespmem:s2+$0x6200] =	vst v3;
	s1 =	smov.u32 s0;
	s0 =	sadd.s32 $0x40, s0  }
.Ltmp5:
0x67: {  	(pc) =	sbr.rel @p3 .LBB2_5-.Ltmp5, $2  }
0x68: {  	_ =	sdelay $0x2  }
0x69: {  	s2 =	sshra.s32 s1, $0x2  }
0x6a: {  	s0 =	rddreg [dreg:$0xa]  }
0x6b: {  	s0 =	sadd.s32 s0, s30  }
0x6c: {  	s0 =	smul.u32 $0x186A0, s0;
	_ =	sdelay $0x1  }
0x6d: {  	[dreg:$0x10] =	wrdreg s0;
	s0 =	sadd.s32 s11, s0  }
0x6e: {  	s25 =	rddreg [dreg:$0x0];
	s24 =	sshrl.u32 s0, $0x3  }
0x6f: {  	[tilespmem:s2+$0x6200] =	vst v3;
	s2 =	simm.s32 @p0 $0x1880;
	s0 =	simm.s32 @p0 $0x0;
	s9 =	sadd.s32 s25, s24  }
0x70: {  	[tilespmem:s2], [sflag:$0x3] =	stream.linear.gather @p0 [hbm4b:s9+s0], $0x1720, $0x38;
	[tilespmem:$0x134A0] =	vst v63  }
0x71: {  	s0 =	simm.s32 @p0 $0x3  }
0x72: {  	_ =	swait.ge @p0 [sflag:s0], $0x1720  }
0x73: {  	[sflag:s0] =	ssyncset.done @p0 $0x0  }
0x74: {  	s2 =	simm.s32 @!p0 $0x1880;
	[sflag:s0] =	ssyncadd.s32 @p0 $0xFFFFE8E0;
	s0 =	simm.s32 @!p0 $0x0  }
0x75: {  	[tilespmem:s2], [sflag:$0x3] =	stream.linear.gather @!p0 [hbm4b:s9+s0], $0x1880, $0x38;
	[tilespmem:$0x134A0] =	vst v63  }
0x76: {  	s12 =	simm.s32 $0x0;
	s18 =	simm.s32 $0x40;
	s2 =	simm.s32 @!p0 $0x3  }
0x77: {  	s19 =	simm.s32 $0x18C0;
	s0 =	simm.s32 @!p0 $0x188;
	_ =	swait.ge @!p0 [sflag:s2], $0x1880  }
0x78: {  	s25 =	simm.s32 $0x0;
	s0 =	simm.s32 @p0 $0x172;
	s1 =	sld [smem:$0x7F5]  }
0x79: {  	[sflag:s2] =	ssyncset.done @!p0 $0x0;
	s4 =	sadd.s32 $0xFFFFFFFE, s0;
	s28 =	sld [smem:$0x7F1]  }
0x7a: {  	s5 =	sadd.s32 $0xFFFFFFFD, s0;
	s6 =	sadd.s32 $0xFFFFFFFC, s0;
	s7 =	sadd.s32 $0xFFFFFFFB, s0  }
0x7b: {  	s8 =	sadd.s32 $0xFFFFFFFA, s0;
	s15 =	sadd.s32 $0xFFFFFFF9, s0;
	[sflag:s2] =	ssyncadd.s32 @!p0 $0xFFFFE780  }
0x7c: {  	s2 =	sadd.s32 $0xFFFFFFFF, s0;
	p4 =	seq.s32 s1, $0x1;
	p6 =	seq.s32 s28, $0x1  }
.LBB2_7:
0x7d: {  	v5 =	vld [tilespmem:s19+$0xFFFFFFC0];
	_ =	sdelay $0x4  }
0x7e: {  	p3 =	slt.u32 s25, s0;
	v5 =	vsub.s32 $0x3F800000, v5  }
0x7f: {  	v5 =	vpsel !p3, $0x3FFFFFFF, v5  }
0x80: {  	v6 =	vand.u32 $0x3FF, v5  }
0x81: {  	v6 =	vor.u32 v4, v6;
	_ =	sdelay $0x3  }
0x82: {  	s28 =	simm.s32 $0x6200;
	[tilespmem:s18+$0xFFFFFFC0] =	vst v5  }
0x83: {  	v5 =	vld.idx.msk [tilespmem:v6+s28+$0x0], $0xffff;
	_ =	sdelay $0x4  }
0x84: {  	v5 =	vadd.s32 $0x1, v5  }
0x85: {  	[tilespmem:v6+s28+$0x0] =	vst.idx.msk $0xffff, v5  }
0x86: {  	v5 =	vld [tilespmem:s19+$0xFFFFFFD0];
	_ =	sdelay $0x4  }
0x87: {  	p2 =	slt.u32 s25, s2;
	v5 =	vsub.s32 $0x3F800000, v5  }
0x88: {  	v5 =	vpsel !p2, $0x3FFFFFFF, v5  }
0x89: {  	v6 =	vand.u32 $0x3FF, v5  }
0x8a: {  	v6 =	vor.u32 v4, v6;
	_ =	sdelay $0x3  }
0x8b: {  	[tilespmem:s18+$0xFFFFFFD0] =	vst v5  }
0x8c: {  	v5 =	vld.idx.msk [tilespmem:v6+s28+$0x0], $0xffff;
	_ =	sdelay $0x4  }
0x8d: {  	v5 =	vadd.s32 $0x1, v5  }
0x8e: {  	[tilespmem:v6+s28+$0x0] =	vst.idx.msk $0xffff, v5  }
0x8f: {  	v5 =	vld [tilespmem:s19+$0xFFFFFFE0];
	_ =	sdelay $0x4  }
0x90: {  	p0 =	slt.u32 s25, s4;
	v5 =	vsub.s32 $0x3F800000, v5  }
0x91: {  	v5 =	vpsel !p0, $0x3FFFFFFF, v5  }
0x92: {  	v6 =	vand.u32 $0x3FF, v5  }
0x93: {  	v6 =	vor.u32 v4, v6;
	_ =	sdelay $0x3  }
0x94: {  	[tilespmem:s18+$0xFFFFFFE0] =	vst v5  }
0x95: {  	v5 =	vld.idx.msk [tilespmem:v6+s28+$0x0], $0xffff;
	_ =	sdelay $0x4  }
0x96: {  	v5 =	vadd.s32 $0x1, v5  }
0x97: {  	[tilespmem:v6+s28+$0x0] =	vst.idx.msk $0xffff, v5  }
0x98: {  	v5 =	vld [tilespmem:s19+$0xFFFFFFF0];
	_ =	sdelay $0x4  }
0x99: {  	p1 =	slt.u32 s25, s5;
	v5 =	vsub.s32 $0x3F800000, v5  }
0x9a: {  	v5 =	vpsel !p1, $0x3FFFFFFF, v5  }
0x9b: {  	v6 =	vand.u32 $0x3FF, v5  }
0x9c: {  	v6 =	vor.u32 v4, v6;
	_ =	sdelay $0x3  }
0x9d: {  	[tilespmem:s18+$0xFFFFFFF0] =	vst v5  }
0x9e: {  	v5 =	vld.idx.msk [tilespmem:v6+s28+$0x0], $0xffff;
	_ =	sdelay $0x4  }
0x9f: {  	v5 =	vadd.s32 $0x1, v5  }
0xa0: {  	[tilespmem:v6+s28+$0x0] =	vst.idx.msk $0xffff, v5  }
0xa1: {  	v5 =	vld [tilespmem:s19+$0x0];
	_ =	sdelay $0x4  }
0xa2: {  	p2 =	slt.u32 s25, s6;
	v5 =	vsub.s32 $0x3F800000, v5  }
0xa3: {  	v5 =	vpsel !p2, $0x3FFFFFFF, v5  }
0xa4: {  	v6 =	vand.u32 $0x3FF, v5  }
0xa5: {  	v6 =	vor.u32 v4, v6;
	_ =	sdelay $0x3  }
0xa6: {  	[tilespmem:s18+$0x0] =	vst v5  }
0xa7: {  	v5 =	vld.idx.msk [tilespmem:v6+s28+$0x0], $0xffff;
	_ =	sdelay $0x4  }
0xa8: {  	v5 =	vadd.s32 $0x1, v5  }
0xa9: {  	[tilespmem:v6+s28+$0x0] =	vst.idx.msk $0xffff, v5  }
0xaa: {  	v5 =	vld [tilespmem:s19+$0x10];
	_ =	sdelay $0x4  }
0xab: {  	p0 =	slt.u32 s25, s7;
	v5 =	vsub.s32 $0x3F800000, v5  }
0xac: {  	v5 =	vpsel !p0, $0x3FFFFFFF, v5  }
0xad: {  	v6 =	vand.u32 $0x3FF, v5  }
0xae: {  	v6 =	vor.u32 v4, v6;
	_ =	sdelay $0x3  }
0xaf: {  	[tilespmem:s18+$0x10] =	vst v5  }
0xb0: {  	v5 =	vld.idx.msk [tilespmem:v6+s28+$0x0], $0xffff;
	_ =	sdelay $0x4  }
0xb1: {  	v5 =	vadd.s32 $0x1, v5  }
0xb2: {  	[tilespmem:v6+s28+$0x0] =	vst.idx.msk $0xffff, v5  }
0xb3: {  	v5 =	vld [tilespmem:s19+$0x20];
	_ =	sdelay $0x4  }
0xb4: {  	p1 =	slt.u32 s25, s8;
	v5 =	vsub.s32 $0x3F800000, v5  }
0xb5: {  	v5 =	vpsel !p1, $0x3FFFFFFF, v5  }
0xb6: {  	v6 =	vand.u32 $0x3FF, v5  }
0xb7: {  	v6 =	vor.u32 v4, v6;
	_ =	sdelay $0x3  }
0xb8: {  	[tilespmem:s18+$0x20] =	vst v5  }
0xb9: {  	v5 =	vld.idx.msk [tilespmem:v6+s28+$0x0], $0xffff;
	_ =	sdelay $0x4  }
0xba: {  	v5 =	vadd.s32 $0x1, v5  }
0xbb: {  	[tilespmem:v6+s28+$0x0] =	vst.idx.msk $0xffff, v5  }
0xbc: {  	v5 =	vld [tilespmem:s19+$0x30];
	_ =	sdelay $0x4  }
0xbd: {  	p2 =	slt.u32 s25, s15;
	v5 =	vsub.s32 $0x3F800000, v5  }
0xbe: {  	v5 =	vpsel !p2, $0x3FFFFFFF, v5  }
0xbf: {  	v6 =	vand.u32 $0x3FF, v5  }
0xc0: {  	v6 =	vor.u32 v4, v6;
	_ =	sdelay $0x3  }
0xc1: {  	[tilespmem:s18+$0x30] =	vst v5  }
0xc2: {  	v5 =	vld.idx.msk [tilespmem:v6+s28+$0x0], $0xffff  }
0xc3: {  	p3 =	sne.s32 s25, $0x180  }
.Ltmp6:
0xc4: {  	_ = 	snop;
	(pc) =	sbr.rel @p3 .LBB2_7-.Ltmp6, $3  }
0xc5: {  	_ =	sdelay $0x1  }
0xc6: {  	v5 =	vadd.s32 $0x1, v5  }
0xc7: {  	s25 =	sadd.s32 $0x8, s25;
	s19 =	sadd.s32 $0x80, s19;
	s18 =	sadd.s32 $0x80, s18;
	[tilespmem:v6+s28+$0x0] =	vst.idx.msk $0xffff, v5  }
0xc8: {  	s0 =	sand.u32 $0x3F0, s12;
	v6 =	vld [tilespmem:s28+$0x0]  }
0xc9: {  	v5 =	vld [tilespmem:s0+$0x6600]  }
0xca: {  	v7 =	vld [tilespmem:s0+$0x6A00]  }
0xcb: {  	v8 =	vld [tilespmem:s0+$0x6E00]  }
0xcc: {  	v9 =	vld [tilespmem:s0+$0x7200]  }
0xcd: {  	v10 =	vld [tilespmem:s0+$0x7600]  }
0xce: {  	v5 =	vadd.s32 v6, v5;
	v6 =	vld [tilespmem:s0+$0x7A00]  }
0xcf: {  	v5 =	vadd.s32 v7, v5;
	v7 =	vld [tilespmem:s0+$0x7E00]  }
0xd0: {  	v58 =	vld [tilespmem:s0+$0x8200];
	v5 =	vadd.s32 v8, v5  }
0xd1: {  	v59 =	vld [tilespmem:s0+$0x8600];
	v5 =	vadd.s32 v9, v5  }
0xd2: {  	v60 =	vld [tilespmem:s0+$0x8A00];
	v5 =	vadd.s32 v10, v5  }
0xd3: {  	v5 =	vadd.s32 v6, v5;
	v6 =	vld [tilespmem:s0+$0x8E00]  }
0xd4: {  	v5 =	vadd.s32 v7, v5;
	v7 =	vld [tilespmem:s0+$0x9200]  }
0xd5: {  	v61 =	vld [tilespmem:s0+$0x9600];
	v5 =	vadd.s32 v58, v5  }
0xd6: {  	v62 =	vld [tilespmem:s0+$0x9A00];
	v5 =	vadd.s32 v59, v5  }
0xd7: {  	v63 =	vld [tilespmem:s0+$0x9E00];
	v5 =	vadd.s32 v60, v5  }
0xd8: {  	v5 =	vadd.s32 v6, v5  }
0xd9: {  	v5 =	vadd.s32 v7, v5  }
0xda: {  	v5 =	vadd.s32 v61, v5  }
0xdb: {  	s1 =	sld [smem:$0x7F2];
	v5 =	vadd.s32 v62, v5  }
0xdc: {  	s2 =	simm.s32 $0x10;
	s0 =	simm.s32 $0xA200;
	v5 =	vadd.s32 v63, v5  }
0xdd: {  	s2 =	sand.u32 $0x3F0, s2;
	[tilespmem:s0+$0x0] =	vst v5  }
0xde: {  	s4 =	simm.s32 $0x20;
	s3 =	simm.s32 $0x6210;
	p1 =	seq.s32 s1, $0x1;
	v5 =	vld [tilespmem:s2+$0x6600]  }
.LBB2_9:
0xdf: {  	p3 =	sne.s32 s4, $0x3F0;
	v6 =	vld [tilespmem:s3+$0x0]  }
0xe0: {  	v7 =	vld [tilespmem:s2+$0x6A00]  }
0xe1: {  	v8 =	vld [tilespmem:s2+$0x6E00]  }
0xe2: {  	v9 =	vld [tilespmem:s2+$0x7200]  }
0xe3: {  	v10 =	vld [tilespmem:s2+$0x7600]  }
0xe4: {  	v5 =	vadd.s32 v6, v5;
	v6 =	vld [tilespmem:s2+$0x7A00]  }
0xe5: {  	v5 =	vadd.s32 v7, v5;
	v7 =	vld [tilespmem:s2+$0x7E00]  }
0xe6: {  	v5 =	vadd.s32 v8, v5;
	v8 =	vld [tilespmem:s2+$0x8200]  }
0xe7: {  	v5 =	vadd.s32 v9, v5;
	v9 =	vld [tilespmem:s2+$0x8600]  }
0xe8: {  	v5 =	vadd.s32 v10, v5;
	v10 =	vld [tilespmem:s2+$0x8A00]  }
0xe9: {  	v5 =	vadd.s32 v6, v5;
	v6 =	vld [tilespmem:s2+$0x8E00]  }
0xea: {  	v5 =	vadd.s32 v7, v5;
	v7 =	vld [tilespmem:s2+$0x9200]  }
0xeb: {  	v5 =	vadd.s32 v8, v5;
	v8 =	vld [tilespmem:s2+$0x9600]  }
0xec: {  	v5 =	vadd.s32 v9, v5;
	v9 =	vld [tilespmem:s2+$0x9A00]  }
0xed: {  	v5 =	vadd.s32 v10, v5;
	v10 =	vld [tilespmem:s2+$0x9E00]  }
0xee: {  	v5 =	vadd.s32 v6, v5  }
0xef: {  	v5 =	vadd.s32 v7, v5  }
.Ltmp7:
0xf0: {  	v5 =	vadd.s32 v8, v5;
	(pc) =	sbr.rel @p3 .LBB2_9-.Ltmp7, $4  }
0xf1: {  	v5 =	vadd.s32 v9, v5  }
0xf2: {  	s0 =	sadd.s32 $0x10, s0;
	v5 =	vadd.s32 v10, v5  }
0xf3: {  	s2 =	sand.u32 $0x3F0, s4;
	[tilespmem:s0+$0x0] =	vst v5  }
0xf4: {  	s3 =	sadd.s32 $0x10, s3;
	s4 =	sadd.s32 $0x10, s4;
	v5 =	vld [tilespmem:s2+$0x6600]  }
0xf5: {  	v6 =	vld [tilespmem:s3+$0x0]  }
0xf6: {  	v7 =	vld [tilespmem:s2+$0x6A00]  }
0xf7: {  	v8 =	vld [tilespmem:s2+$0x6E00]  }
0xf8: {  	v9 =	vld [tilespmem:s2+$0x7200]  }
0xf9: {  	v10 =	vld [tilespmem:s2+$0x7600]  }
0xfa: {  	v5 =	vadd.s32 v6, v5;
	v6 =	vld [tilespmem:s2+$0x7A00]  }
0xfb: {  	v5 =	vadd.s32 v7, v5;
	v7 =	vld [tilespmem:s2+$0x7E00]  }
0xfc: {  	v52 =	vld [tilespmem:s2+$0x8200];
	v5 =	vadd.s32 v8, v5  }
0xfd: {  	v53 =	vld [tilespmem:s2+$0x8600];
	v5 =	vadd.s32 v9, v5  }
0xfe: {  	v54 =	vld [tilespmem:s2+$0x8A00];
	v5 =	vadd.s32 v10, v5  }
0xff: {  	v5 =	vadd.s32 v6, v5;
	v6 =	vld [tilespmem:s2+$0x8E00]  }
0x100: {  	v5 =	vadd.s32 v7, v5;
	v7 =	vld [tilespmem:s2+$0x9200]  }
0x101: {  	v55 =	vld [tilespmem:s2+$0x9600];
	v5 =	vadd.s32 v52, v5  }
0x102: {  	v56 =	vld [tilespmem:s2+$0x9A00];
	v5 =	vadd.s32 v53, v5  }
0x103: {  	v57 =	vld [tilespmem:s2+$0x9E00];
	v5 =	vadd.s32 v54, v5  }
0x104: {  	v5 =	vadd.s32 v6, v5  }
0x105: {  	v5 =	vadd.s32 v7, v5  }
0x106: {  	v5 =	vadd.s32 v55, v5  }
0x107: {  	v5 =	vadd.s32 v56, v5  }
0x108: {  	s0 =	sadd.s32 $0x10, s0;
	v5 =	vadd.s32 v57, v5  }
0x109: {  	s8 =	simm.s32 $0xA200;
	[tilespmem:s0+$0x0] =	vst v5  }
0x10a: {  	[spmem:s22] =	stream.linear.scatter [tilespmem:s8], [sflag:$0x3], $0x400, $0x38;
	[tilespmem:$0x134A0] =	vst v63  }
0x10b: {  	_ =	swait.ge [sflag:s20], $0x400  }
0x10c: {  	[sflag:s20] =	ssyncset.done $0x0  }
0x10d: {  	[sflag:s20] =	ssyncadd.s32 $0xFFFFFC00  }
0x10e: {  	s18 =	simm.s32 $0xA600;
	[bflag:$0x0] =	sbarrier.arrive $0xFFFF  }
0x10f: {  	[tilespmem:s18], [sflag:$0x3] =	stream.linear.gather [spmem:s14], $0x4000, $0x38;
	[tilespmem:$0x134A0] =	vst v63  }
0x110: {  	_ =	swait.ge [sflag:s20], $0x4000  }
0x111: {  	s19 =	simm.s32 $0x0;
	[sflag:s20] =	ssyncset.done $0x0  }
0x112: {  	s25 =	sand.u32 $0x3F0, s19;
	[sflag:s20] =	ssyncadd.s32 $0xFFFFC000  }
0x113: {  	v5 =	vld [tilespmem:s25+$0xAA00]  }
0x114: {  	v6 =	vld [tilespmem:s18+$0x0]  }
0x115: {  	v7 =	vld [tilespmem:s25+$0xAE00]  }
0x116: {  	v58 =	vld [tilespmem:s25+$0xB200]  }
0x117: {  	v59 =	vld [tilespmem:s25+$0xB600]  }
0x118: {  	v60 =	vld [tilespmem:s25+$0xBA00]  }
0x119: {  	v12 =	vld [tilespmem:s25+$0xBE00];
	v11 =	vadd.s32 v6, v5  }
0x11a: {  	s28 =	sld [smem:$0x7FB];
	v13 =	vld [tilespmem:s25+$0xC200];
	v11 =	vadd.s32 v7, v11  }
0x11b: {  	s1 =	sld [smem:$0x7FA];
	v14 =	vld [tilespmem:s25+$0xC600];
	v11 =	vadd.s32 v58, v11  }
0x11c: {  	s3 =	sld [smem:$0x7F9];
	v15 =	vld [tilespmem:s25+$0xCA00];
	v11 =	vadd.s32 v59, v11  }
0x11d: {  	s4 =	sld [smem:$0x7F8];
	v16 =	vld [tilespmem:s25+$0xCE00];
	p0 =	seq.s32 s28, $0x1;
	v11 =	vadd.s32 v60, v11  }
0x11e: {  	s5 =	sld [smem:$0x7F7];
	v17 =	vld [tilespmem:s25+$0xD200];
	p3 =	seq.s32 s1, $0x1;
	v6 =	vpsel p0, $0x0, v6;
	v11 =	vadd.s32 v12, v11  }
0x11f: {  	s6 =	sld [smem:$0x7F6];
	v18 =	vld [tilespmem:s25+$0xD600];
	p2 =	seq.s32 s3, $0x1;
	v5 =	vpsel !p3, $0x0, v5;
	v6 =	vadd.s32 s19, v6;
	v11 =	vadd.s32 v13, v11  }
0x120: {  	v19 =	vld [tilespmem:s25+$0xDA00];
	p3 =	seq.s32 s4, $0x1;
	v7 =	vpsel !p2, $0x0, v7;
	v5 =	vadd.s32 v5, v6;
	v11 =	vadd.s32 v14, v11  }
0x121: {  	s7 =	sld [smem:$0x7F4];
	v62 =	vld [tilespmem:s25+$0xDE00];
	p2 =	seq.s32 s5, $0x1;
	v6 =	vpsel !p3, $0x0, v58;
	v5 =	vadd.s32 v7, v5;
	v61 =	vadd.s32 v15, v11  }
0x122: {  	s12 =	sld [smem:$0x7F3];
	v63 =	vld [tilespmem:s25+$0xE200];
	p3 =	seq.s32 s6, $0x1;
	v7 =	vpsel !p2, $0x0, v59;
	v5 =	vadd.s32 v6, v5;
	v8 =	vadd.s32 v16, v61  }
0x123: {  	v6 =	vpsel !p3, $0x0, v60;
	v5 =	vadd.s32 v7, v5;
	v8 =	vadd.s32 v17, v8  }
0x124: {  	p2 =	seq.s32 s7, $0x1;
	v7 =	vpsel !p4, $0x0, v12;
	v5 =	vadd.s32 v6, v5;
	v8 =	vadd.s32 v18, v8  }
0x125: {  	v6 =	vpsel !p2, $0x0, v13;
	p2 =	seq.s32 s12, $0x1;
	v5 =	vadd.s32 v7, v5;
	v8 =	vadd.s32 v19, v8  }
0x126: {  	s15 =	sld [smem:$0x7F0];
	v7 =	vpsel !p2, $0x0, v14;
	v5 =	vadd.s32 v6, v5;
	v8 =	vadd.s32 v62, v8  }
0x127: {  	s18 =	sld [smem:$0x7EF];
	v6 =	vpsel !p1, $0x0, v15;
	v5 =	vadd.s32 v7, v5;
	v8 =	vadd.s32 v63, v8  }
0x128: {  	s25 =	sld [smem:$0x7FD];
	v7 =	vpsel !p6, $0x0, v16;
	v5 =	vadd.s32 v6, v5;
	(xrf0) =	vadd.scan.msk.s32 $0xffff, v8  }
0x129: {  	p3 =	seq.s32 s15, $0x1;
	v6 =	vpsel !p5, $0x0, v17;
	v5 =	vadd.s32 v7, v5  }
0x12a: {  	v7 =	vpsel !p3, $0x0, v18;
	p3 =	seq.s32 s18, $0x1;
	v5 =	vadd.s32 v6, v5  }
0x12b: {  	v6 =	vpsel !p3, $0x0, v19;
	p3 =	seq.s32 s25, $0x1;
	v5 =	vadd.s32 v7, v5  }
0x12c: {  	v7 =	vpsel !p3, $0x0, v62;
	v5 =	vadd.s32 v6, v5  }
0x12d: {  	v5 =	vadd.s32 v7, v5  }
0x12e: {  	v5 =	vsub.s32 v5, v8;
	v6, _, _ =	vpop (xrf0)  }
0x12f: {  	s28 =	simm.s32 $0x10;
	v5 =	vadd.s32 v6, v5  }
0x130: {  	s5 =	sand.u32 $0x3F0, s28;
	[tilespmem:s8+$0x0] =	vst v5  }
0x131: {  	s2 =	simm.s32 $0xA610;
	s0 =	simm.s32 $0x0;
	s4 =	simm.s32 $0x20;
	(v2sf) =	vpush v6, $0xF;
	v5 =	vld [tilespmem:s5+$0xAA00]  }
.LBB2_11:
0x132: {  	_ =	sdelay $0x4  }
0x133: {  	v6 =	vld [tilespmem:s2+$0x0];
	s1 =	sld [smem:$0x7FA]  }
0x134: {  	v7 =	vld [tilespmem:s5+$0xAE00];
	s28 =	sld [smem:$0x7FB]  }
0x135: {  	v8 =	vld [tilespmem:s5+$0xB200]  }
0x136: {  	v9 =	vld [tilespmem:s5+$0xB600];
	p0 =	seq.s32 s1, $0x1  }
0x137: {  	v11 =	vld [tilespmem:s5+$0xBA00];
	v10 =	vpsel !p0, $0x0, v5;
	p0 =	seq.s32 s28, $0x1  }
0x138: {  	v12 =	vpsel p0, $0x0, v6;
	v5 =	vadd.s32 v6, v5;
	v6 =	vld [tilespmem:s5+$0xBE00]  }
0x139: {  	s3 =	sld [smem:$0x7F9];
	v13 =	vld [tilespmem:s5+$0xC200];
	v5 =	vadd.s32 v7, v5  }
0x13a: {  	v14 =	vld [tilespmem:s5+$0xC600];
	v5 =	vadd.s32 v8, v5  }
0x13b: {  	v15 =	vld [tilespmem:s5+$0xCA00];
	v5 =	vadd.s32 v9, v5  }
0x13c: {  	s6 =	sld [smem:$0x7F8];
	v16 =	vld [tilespmem:s5+$0xCE00];
	p0 =	seq.s32 s3, $0x1;
	v5 =	vadd.s32 v11, v5;
	s3 =	spop (v2sf)  }
0x13d: {  	s7 =	sld [smem:$0x7F7];
	v17 =	vld [tilespmem:s5+$0xD200];
	v5 =	vadd.s32 v6, v5;
	s0 =	sadd.s32 s0, s3  }
0x13e: {  	s12 =	sld [smem:$0x7F6];
	v18 =	vld [tilespmem:s5+$0xD600];
	v5 =	vadd.s32 v13, v5;
	v12 =	vadd.s32 s0, v12  }
0x13f: {  	v19 =	vld [tilespmem:s5+$0xDA00];
	v7 =	vpsel !p0, $0x0, v7;
	p0 =	seq.s32 s6, $0x1;
	v5 =	vadd.s32 v14, v5;
	v10 =	vadd.s32 v10, v12  }
0x140: {  	s15 =	sld [smem:$0x7F4];
	v20 =	vld [tilespmem:s5+$0xDE00];
	v8 =	vpsel !p0, $0x0, v8;
	p0 =	seq.s32 s7, $0x1;
	v5 =	vadd.s32 v15, v5;
	v7 =	vadd.s32 v7, v10  }
0x141: {  	v59 =	vld [tilespmem:s5+$0xE200];
	v9 =	vpsel !p0, $0x0, v9;
	p0 =	seq.s32 s12, $0x1;
	v5 =	vadd.s32 v16, v5;
	v7 =	vadd.s32 v8, v7  }
0x142: {  	v11 =	vpsel !p0, $0x0, v11;
	v5 =	vadd.s32 v17, v5;
	v7 =	vadd.s32 v9, v7  }
0x143: {  	p0 =	seq.s32 s15, $0x1;
	v6 =	vpsel !p4, $0x0, v6;
	v5 =	vadd.s32 v18, v5;
	v7 =	vadd.s32 v11, v7  }
0x144: {  	v13 =	vpsel !p0, $0x0, v13;
	v5 =	vadd.s32 v19, v5;
	v6 =	vadd.s32 v6, v7  }
0x145: {  	s18 =	sld [smem:$0x7F0];
	v14 =	vpsel !p2, $0x0, v14;
	v5 =	vadd.s32 v20, v5;
	v6 =	vadd.s32 v13, v6  }
0x146: {  	s25 =	sld [smem:$0x7EF];
	v15 =	vpsel !p1, $0x0, v15;
	v5 =	vadd.s32 v59, v5;
	v6 =	vadd.s32 v14, v6  }
0x147: {  	s28 =	sld [smem:$0x7FD];
	v58 =	vpsel !p6, $0x0, v16;
	(xrf0) =	vadd.scan.msk.s32 $0xffff, v5;
	v6 =	vadd.s32 v15, v6  }
0x148: {  	v60 =	vpsel !p5, $0x0, v17;
	p0 =	seq.s32 s18, $0x1;
	v6 =	vadd.s32 v58, v6  }
0x149: {  	v61 =	vpsel !p0, $0x0, v18;
	p0 =	seq.s32 s25, $0x1;
	v6 =	vadd.s32 v60, v6  }
0x14a: {  	v62 =	vpsel !p0, $0x0, v19;
	p0 =	seq.s32 s28, $0x1;
	v6 =	vadd.s32 v61, v6  }
0x14b: {  	p3 =	sne.s32 s4, $0x3F0;
	v63 =	vpsel !p0, $0x0, v20;
	v6 =	vadd.s32 v62, v6  }
.Ltmp8:
0x14c: {  	v6 =	vadd.s32 v63, v6;
	(pc) =	sbr.rel @p3 .LBB2_11-.Ltmp8, $4  }
0x14d: {  	v7, _, _ =	vpop (xrf0);
	v5 =	vsub.s32 v6, v5  }
0x14e: {  	s8 =	sadd.s32 $0x10, s8;
	v5 =	vadd.s32 v7, v5  }
0x14f: {  	s5 =	sand.u32 $0x3F0, s4;
	[tilespmem:s8+$0x0] =	vst v5  }
0x150: {  	s2 =	sadd.s32 $0x10, s2;
	s4 =	sadd.s32 $0x10, s4;
	(v2sf) =	vpush v7, $0xF;
	v5 =	vld [tilespmem:s5+$0xAA00]  }
0x151: {  	v6 =	vld [tilespmem:s2+$0x0]  }
0x152: {  	v7 =	vld [tilespmem:s5+$0xAE00]  }
0x153: {  	v8 =	vld [tilespmem:s5+$0xB200]  }
0x154: {  	v9 =	vld [tilespmem:s5+$0xB600]  }
0x155: {  	v10 =	vld [tilespmem:s5+$0xBA00]  }
0x156: {  	v12 =	vld [tilespmem:s5+$0xBE00];
	v11 =	vadd.s32 v6, v5  }
0x157: {  	v13 =	vld [tilespmem:s5+$0xC200];
	v11 =	vadd.s32 v7, v11  }
0x158: {  	v14 =	vld [tilespmem:s5+$0xC600];
	v11 =	vadd.s32 v8, v11  }
0x159: {  	v15 =	vld [tilespmem:s5+$0xCA00];
	v11 =	vadd.s32 v9, v11  }
0x15a: {  	v16 =	vld [tilespmem:s5+$0xCE00];
	v11 =	vadd.s32 v10, v11  }
0x15b: {  	v17 =	vld [tilespmem:s5+$0xD200];
	v11 =	vadd.s32 v12, v11  }
0x15c: {  	v18 =	vld [tilespmem:s5+$0xD600];
	v11 =	vadd.s32 v13, v11  }
0x15d: {  	v19 =	vld [tilespmem:s5+$0xDA00];
	v11 =	vadd.s32 v14, v11  }
0x15e: {  	v20 =	vld [tilespmem:s5+$0xDE00];
	v11 =	vadd.s32 v15, v11  }
0x15f: {  	v21 =	vld [tilespmem:s5+$0xE200];
	v11 =	vadd.s32 v16, v11  }
0x160: {  	v11 =	vadd.s32 v17, v11  }
0x161: {  	v11 =	vadd.s32 v18, v11  }
0x162: {  	v11 =	vadd.s32 v19, v11  }
0x163: {  	s1 =	sld [smem:$0x7FB];
	v11 =	vadd.s32 v20, v11  }
0x164: {  	v11 =	vadd.s32 v21, v11  }
0x165: {  	(xrf0) =	vadd.scan.msk.s32 $0xffff, v11  }
0x166: {  	s2 =	sld [smem:$0x7FA];
	p3 =	seq.s32 s1, $0x1;
	s28 =	spop (v2sf)  }
0x167: {  	s3 =	sld [smem:$0x7F9];
	v6 =	vpsel p3, $0x0, v6;
	s0 =	sadd.s32 s0, s28  }
0x168: {  	s4 =	sld [smem:$0x7F8];
	v6 =	vadd.s32 s0, v6  }
0x169: {  	s5 =	sld [smem:$0x7F7];
	p0 =	seq.s32 s2, $0x1  }
0x16a: {  	s6 =	sld [smem:$0x7F6];
	v5 =	vpsel !p0, $0x0, v5;
	p3 =	seq.s32 s3, $0x1  }
0x16b: {  	v7 =	vpsel !p3, $0x0, v7;
	p3 =	seq.s32 s4, $0x1;
	v5 =	vadd.s32 v5, v6;
	v6, _, _ =	vpop (xrf0)  }
0x16c: {  	s7 =	sld [smem:$0x7F4];
	v8 =	vpsel !p3, $0x0, v8;
	p3 =	seq.s32 s5, $0x1;
	v5 =	vadd.s32 v7, v5;
	(v2sf) =	vpush v6, $0xF  }
0x16d: {  	v7 =	vpsel !p3, $0x0, v9;
	p3 =	seq.s32 s6, $0x1;
	v5 =	vadd.s32 v8, v5  }
0x16e: {  	v59 =	vpsel !p3, $0x0, v10;
	v5 =	vadd.s32 v7, v5  }
0x16f: {  	p3 =	seq.s32 s7, $0x1;
	v7 =	vpsel !p4, $0x0, v12;
	v5 =	vadd.s32 v59, v5  }
0x170: {  	v60 =	vpsel !p3, $0x0, v13;
	v5 =	vadd.s32 v7, v5  }
0x171: {  	s12 =	sld [smem:$0x7F0];
	v7 =	vpsel !p2, $0x0, v14;
	v5 =	vadd.s32 v60, v5  }
0x172: {  	s15 =	sld [smem:$0x7EF];
	v61 =	vpsel !p1, $0x0, v15;
	v5 =	vadd.s32 v7, v5  }
0x173: {  	s18 =	sld [smem:$0x7FD];
	v7 =	vpsel !p6, $0x0, v16;
	v5 =	vadd.s32 v61, v5  }
0x174: {  	v62 =	vpsel !p5, $0x0, v17;
	p4 =	seq.s32 s12, $0x1;
	v5 =	vadd.s32 v7, v5  }
0x175: {  	p5 =	seq.s32 s15, $0x1;
	v7 =	vpsel !p4, $0x0, v18;
	v5 =	vadd.s32 v62, v5  }
0x176: {  	v63 =	vpsel !p5, $0x0, v19;
	p6 =	seq.s32 s18, $0x1;
	v5 =	vadd.s32 v7, v5  }
0x177: {  	v7 =	vpsel !p6, $0x0, v20;
	v5 =	vadd.s32 v63, v5  }
0x178: {  	v5 =	vadd.s32 v7, v5  }
0x179: {  	v5 =	vsub.s32 v5, v11  }
0x17a: {  	s25 =	sadd.s32 $0x10, s8;
	v5 =	vadd.s32 v6, v5  }
0x17b: {  	[tilespmem:s25+$0x0] =	vst v5;
	s28 =	spop (v2sf)  }
.LBB2_13:
0x17c: {  	s0 =	sshra.s32 s19, $0x2  }
0x17d: {  	v5 =	vld [tilespmem:s0+$0x0];
	_ =	sdelay $0x4  }
0x17e: {  	v5 =	vand.u32 $0x3FF, v5  }
0x17f: {  	(xrf1) =	vunique.msk.u32 $0xffff, v5;
	_ =	sdelay $0xb  }
0x180: {  	v6 =	vld.idx.msk [tilespmem:v5+s21+$0x0], $0xffff;
	_ =	sdelay $0x1  }
0x181: {  	_, v7, vm0 =	vpop (xrf1);
	_ =	sdelay $0x2  }
0x182: {  	v6 =	vadd.s32 v6, v7  }
0x183: {  	v7 =	vadd.s32 $0xFFFFFFFF, v6  }
0x184: {  	[tilespmem:s0+$0x4980] =	vst v7  }
0x185: {  	[tilespmem:v5+s21+$0x0] =	vst.idx.msk vm0, v6  }
0x186: {  	v5 =	vld [tilespmem:s0+$0x10];
	_ =	sdelay $0x4  }
0x187: {  	v5 =	vand.u32 $0x3FF, v5  }
0x188: {  	(xrf1) =	vunique.msk.u32 $0xffff, v5;
	_ =	sdelay $0xb  }
0x189: {  	v6 =	vld.idx.msk [tilespmem:v5+s21+$0x0], $0xffff;
	_ =	sdelay $0x1  }
0x18a: {  	_, v7, vm9 =	vpop (xrf1);
	_ =	sdelay $0x2  }
0x18b: {  	v6 =	vadd.s32 v6, v7  }
0x18c: {  	v7 =	vadd.s32 $0xFFFFFFFF, v6  }
0x18d: {  	[tilespmem:s0+$0x4990] =	vst v7  }
0x18e: {  	[tilespmem:v5+s21+$0x0] =	vst.idx.msk vm9, v6  }
0x18f: {  	v5 =	vld [tilespmem:s0+$0x20];
	_ =	sdelay $0x4  }
0x190: {  	v5 =	vand.u32 $0x3FF, v5  }
0x191: {  	(xrf1) =	vunique.msk.u32 $0xffff, v5;
	_ =	sdelay $0xb  }
0x192: {  	v6 =	vld.idx.msk [tilespmem:v5+s21+$0x0], $0xffff;
	_ =	sdelay $0x1  }
0x193: {  	_, v7, vm10 =	vpop (xrf1);
	_ =	sdelay $0x2  }
0x194: {  	v6 =	vadd.s32 v6, v7  }
0x195: {  	v7 =	vadd.s32 $0xFFFFFFFF, v6  }
0x196: {  	[tilespmem:s0+$0x49A0] =	vst v7  }
0x197: {  	[tilespmem:v5+s21+$0x0] =	vst.idx.msk vm10, v6  }
0x198: {  	v5 =	vld [tilespmem:s0+$0x30];
	_ =	sdelay $0x4  }
0x199: {  	v5 =	vand.u32 $0x3FF, v5  }
0x19a: {  	(xrf1) =	vunique.msk.u32 $0xffff, v5;
	_ =	sdelay $0xb  }
0x19b: {  	v6 =	vld.idx.msk [tilespmem:v5+s21+$0x0], $0xffff;
	_ =	sdelay $0x1  }
0x19c: {  	_, v7, vm11 =	vpop (xrf1);
	_ =	sdelay $0x2  }
0x19d: {  	v6 =	vadd.s32 v6, v7  }
0x19e: {  	v7 =	vadd.s32 $0xFFFFFFFF, v6  }
0x19f: {  	[tilespmem:s0+$0x49B0] =	vst v7  }
0x1a0: {  	[tilespmem:v5+s21+$0x0] =	vst.idx.msk vm11, v6  }
0x1a1: {  	v5 =	vld [tilespmem:s0+$0x40];
	_ =	sdelay $0x4  }
0x1a2: {  	v5 =	vand.u32 $0x3FF, v5  }
0x1a3: {  	(xrf1) =	vunique.msk.u32 $0xffff, v5;
	_ =	sdelay $0xb  }
0x1a4: {  	v6 =	vld.idx.msk [tilespmem:v5+s21+$0x0], $0xffff;
	_ =	sdelay $0x1  }
0x1a5: {  	_, v7, vm12 =	vpop (xrf1);
	_ =	sdelay $0x2  }
0x1a6: {  	v6 =	vadd.s32 v6, v7  }
0x1a7: {  	v7 =	vadd.s32 $0xFFFFFFFF, v6  }
0x1a8: {  	[tilespmem:s0+$0x49C0] =	vst v7  }
0x1a9: {  	[tilespmem:v5+s21+$0x0] =	vst.idx.msk vm12, v6  }
0x1aa: {  	v5 =	vld [tilespmem:s0+$0x50];
	_ =	sdelay $0x4  }
0x1ab: {  	v5 =	vand.u32 $0x3FF, v5  }
0x1ac: {  	(xrf1) =	vunique.msk.u32 $0xffff, v5;
	_ =	sdelay $0xb  }
0x1ad: {  	v6 =	vld.idx.msk [tilespmem:v5+s21+$0x0], $0xffff;
	_ =	sdelay $0x1  }
0x1ae: {  	_, v7, vm13 =	vpop (xrf1);
	_ =	sdelay $0x2  }
0x1af: {  	v6 =	vadd.s32 v6, v7  }
0x1b0: {  	v7 =	vadd.s32 $0xFFFFFFFF, v6  }
0x1b1: {  	[tilespmem:s0+$0x49D0] =	vst v7  }
0x1b2: {  	[tilespmem:v5+s21+$0x0] =	vst.idx.msk vm13, v6  }
0x1b3: {  	v5 =	vld [tilespmem:s0+$0x60];
	_ =	sdelay $0x4  }
0x1b4: {  	v5 =	vand.u32 $0x3FF, v5  }
0x1b5: {  	(xrf1) =	vunique.msk.u32 $0xffff, v5;
	_ =	sdelay $0xb  }
0x1b6: {  	v6 =	vld.idx.msk [tilespmem:v5+s21+$0x0], $0xffff;
	_ =	sdelay $0x1  }
0x1b7: {  	_, v7, vm14 =	vpop (xrf1);
	_ =	sdelay $0x2  }
0x1b8: {  	v6 =	vadd.s32 v6, v7  }
0x1b9: {  	v7 =	vadd.s32 $0xFFFFFFFF, v6  }
0x1ba: {  	[tilespmem:s0+$0x49E0] =	vst v7  }
0x1bb: {  	[tilespmem:v5+s21+$0x0] =	vst.idx.msk vm14, v6  }
0x1bc: {  	v5 =	vld [tilespmem:s0+$0x70];
	_ =	sdelay $0x4  }
0x1bd: {  	v5 =	vand.u32 $0x3FF, v5  }
0x1be: {  	(xrf1) =	vunique.msk.u32 $0xffff, v5;
	_ =	sdelay $0xb  }
0x1bf: {  	v6 =	vld.idx.msk [tilespmem:v5+s21+$0x0], $0xffff;
	_ =	sdelay $0x1  }
0x1c0: {  	_, v7, vm15 =	vpop (xrf1)  }
0x1c1: {  	p3 =	sne.s32 s19, $0x6000  }
.Ltmp9:
0x1c2: {  	_ = 	snop;
	(pc) =	sbr.rel @p3 .LBB2_13-.Ltmp9, $4  }
0x1c3: {  	v6 =	vadd.s32 v6, v7  }
0x1c4: {  	v7 =	vadd.s32 $0xFFFFFFFF, v6  }
0x1c5: {  	[tilespmem:s0+$0x49F0] =	vst v7  }
0x1c6: {  	s19 =	sadd.s32 $0x200, s19;
	[tilespmem:v5+s21+$0x0] =	vst.idx.msk vm15, v6  }
0x1c7: {  	s0 =	simm.s32 $0x0  }
0x1c8: {  	[spmem:s16] =	stream.indirect.scatter [tilespmem:s0], [sflag:$0x1], $0x1, s26, s13, $0xb8;
	[tilespmem:$0x134A0] =	vst v63  }
0x1c9: {  	_ =	swait.ge [sflag:s31], $0x1880  }
0x1ca: {  	[sflag:s31] =	ssyncset.done $0x0  }
0x1cb: {  	[sflag:s31] =	ssyncadd.s32 $0xFFFFE780  }
0x1cc: {  	s2 =	simm.s32 $0x0;
	s0 =	simm.s32 $0x40;
	[bflag:$0x0] =	sbarrier.arrive $0xFFFF  }
.LBB2_15:
0x1cd: {  	p3 =	sne.s32 s0, $0xFFC0;
	[tilespmem:s2+$0x6200] =	vst v3;
	s2 =	smov.u32 s0;
	s0 =	sadd.s32 $0x40, s0  }
.Ltmp10:
0x1ce: {  	(pc) =	sbr.rel @p3 .LBB2_15-.Ltmp10, $2  }
0x1cf: {  	_ =	sdelay $0x2  }
0x1d0: {  	s2 =	sshra.s32 s2, $0x2  }
0x1d1: {  	[tilespmem:s2+$0x6200] =	vst v3;
	s0 =	simm.s32 $0x0  }
0x1d2: {  	[tilespmem:s0], [sflag:$0x3] =	stream.linear.gather [spmem:s23], $0x1880, $0x38;
	[tilespmem:$0x134A0] =	vst v63  }
0x1d3: {  	_ =	swait.ge [sflag:s20], $0x1880  }
0x1d4: {  	s1 =	sld [smem:$0x7FC]  }
0x1d5: {  	s15 =	sld [smem:$0x7F1]  }
0x1d6: {  	s18 =	sld [smem:$0x7F2]  }
0x1d7: {  	s19 =	sld [smem:$0x7F3]  }
0x1d8: {  	s25 =	sld [smem:$0x7F4]  }
0x1d9: {  	[sflag:s20] =	ssyncset.done $0x0;
	s28 =	sld [smem:$0x7F5]  }
0x1da: {  	s2 =	simm.s32 $0x0;
	[sflag:s20] =	ssyncadd.s32 $0xFFFFE780  }
0x1db: {  	p5 =	seq.s32 s1, $0x1;
	p6 =	seq.s32 s15, $0x1;
	p1 =	seq.s32 s18, $0x1  }
0x1dc: {  	p2 =	seq.s32 s19, $0x1;
	p0 =	seq.s32 s25, $0x1;
	p4 =	seq.s32 s28, $0x1  }
.LBB2_17:
0x1dd: {  	s4 =	sshra.s32 s2, $0x2  }
0x1de: {  	v5 =	vld [tilespmem:s4+$0x0];
	_ =	sdelay $0x4  }
0x1df: {  	v5 =	vshrl.u32 v5, $0xA  }
0x1e0: {  	v5 =	vand.u32 $0x3FF, v5  }
0x1e1: {  	v5 =	vor.u32 v4, v5;
	_ =	sdelay $0x3  }
0x1e2: {  	s3 =	simm.s32 $0x6200  }
0x1e3: {  	v6 =	vld.idx.msk [tilespmem:v5+s3+$0x0], $0xffff;
	_ =	sdelay $0x4  }
0x1e4: {  	v6 =	vadd.s32 $0x1, v6  }
0x1e5: {  	[tilespmem:v5+s3+$0x0] =	vst.idx.msk $0xffff, v6  }
0x1e6: {  	v5 =	vld [tilespmem:s4+$0x10];
	_ =	sdelay $0x4  }
0x1e7: {  	v5 =	vshrl.u32 v5, $0xA  }
0x1e8: {  	v5 =	vand.u32 $0x3FF, v5  }
0x1e9: {  	v5 =	vor.u32 v4, v5;
	_ =	sdelay $0x4  }
0x1ea: {  	v6 =	vld.idx.msk [tilespmem:v5+s3+$0x0], $0xffff;
	_ =	sdelay $0x4  }
0x1eb: {  	v6 =	vadd.s32 $0x1, v6  }
0x1ec: {  	[tilespmem:v5+s3+$0x0] =	vst.idx.msk $0xffff, v6  }
0x1ed: {  	v5 =	vld [tilespmem:s4+$0x20];
	_ =	sdelay $0x4  }
0x1ee: {  	v5 =	vshrl.u32 v5, $0xA  }
0x1ef: {  	v5 =	vand.u32 $0x3FF, v5  }
0x1f0: {  	v5 =	vor.u32 v4, v5;
	_ =	sdelay $0x4  }
0x1f1: {  	v6 =	vld.idx.msk [tilespmem:v5+s3+$0x0], $0xffff;
	_ =	sdelay $0x4  }
0x1f2: {  	v6 =	vadd.s32 $0x1, v6  }
0x1f3: {  	[tilespmem:v5+s3+$0x0] =	vst.idx.msk $0xffff, v6  }
0x1f4: {  	v5 =	vld [tilespmem:s4+$0x30];
	_ =	sdelay $0x4  }
0x1f5: {  	v5 =	vshrl.u32 v5, $0xA  }
0x1f6: {  	v5 =	vand.u32 $0x3FF, v5  }
0x1f7: {  	v5 =	vor.u32 v4, v5;
	_ =	sdelay $0x4  }
0x1f8: {  	v6 =	vld.idx.msk [tilespmem:v5+s3+$0x0], $0xffff;
	_ =	sdelay $0x4  }
0x1f9: {  	v6 =	vadd.s32 $0x1, v6  }
0x1fa: {  	[tilespmem:v5+s3+$0x0] =	vst.idx.msk $0xffff, v6  }
0x1fb: {  	v5 =	vld [tilespmem:s4+$0x40];
	_ =	sdelay $0x4  }
0x1fc: {  	v5 =	vshrl.u32 v5, $0xA  }
0x1fd: {  	v5 =	vand.u32 $0x3FF, v5  }
0x1fe: {  	v5 =	vor.u32 v4, v5;
	_ =	sdelay $0x4  }
0x1ff: {  	v6 =	vld.idx.msk [tilespmem:v5+s3+$0x0], $0xffff;
	_ =	sdelay $0x4  }
0x200: {  	v6 =	vadd.s32 $0x1, v6  }
0x201: {  	[tilespmem:v5+s3+$0x0] =	vst.idx.msk $0xffff, v6  }
0x202: {  	v5 =	vld [tilespmem:s4+$0x50];
	_ =	sdelay $0x4  }
0x203: {  	v5 =	vshrl.u32 v5, $0xA  }
0x204: {  	v5 =	vand.u32 $0x3FF, v5  }
0x205: {  	v5 =	vor.u32 v4, v5;
	_ =	sdelay $0x4  }
0x206: {  	v6 =	vld.idx.msk [tilespmem:v5+s3+$0x0], $0xffff;
	_ =	sdelay $0x4  }
0x207: {  	v6 =	vadd.s32 $0x1, v6  }
0x208: {  	[tilespmem:v5+s3+$0x0] =	vst.idx.msk $0xffff, v6  }
0x209: {  	v5 =	vld [tilespmem:s4+$0x60];
	_ =	sdelay $0x4  }
0x20a: {  	v5 =	vshrl.u32 v5, $0xA  }
0x20b: {  	v5 =	vand.u32 $0x3FF, v5  }
0x20c: {  	v5 =	vor.u32 v4, v5;
	_ =	sdelay $0x4  }
0x20d: {  	v6 =	vld.idx.msk [tilespmem:v5+s3+$0x0], $0xffff;
	_ =	sdelay $0x4  }
0x20e: {  	v6 =	vadd.s32 $0x1, v6  }
0x20f: {  	[tilespmem:v5+s3+$0x0] =	vst.idx.msk $0xffff, v6  }
0x210: {  	v5 =	vld [tilespmem:s4+$0x70];
	_ =	sdelay $0x4  }
0x211: {  	v5 =	vshrl.u32 v5, $0xA  }
0x212: {  	v5 =	vand.u32 $0x3FF, v5  }
0x213: {  	v5 =	vor.u32 v4, v5;
	_ =	sdelay $0x4  }
0x214: {  	v6 =	vld.idx.msk [tilespmem:v5+s3+$0x0], $0xffff  }
0x215: {  	p3 =	sne.s32 s2, $0x6000  }
.Ltmp11:
0x216: {  	_ = 	snop;
	(pc) =	sbr.rel @p3 .LBB2_17-.Ltmp11, $3  }
0x217: {  	_ =	sdelay $0x1  }
0x218: {  	v6 =	vadd.s32 $0x1, v6  }
0x219: {  	s2 =	sadd.s32 $0x200, s2;
	[tilespmem:v5+s3+$0x0] =	vst.idx.msk $0xffff, v6  }
0x21a: {  	s0 =	sand.u32 $0x3F0, s0;
	v6 =	vld [tilespmem:s3+$0x0]  }
0x21b: {  	v5 =	vld [tilespmem:s0+$0x6600]  }
0x21c: {  	v7 =	vld [tilespmem:s0+$0x6A00]  }
0x21d: {  	v8 =	vld [tilespmem:s0+$0x6E00]  }
0x21e: {  	v9 =	vld [tilespmem:s0+$0x7200]  }
0x21f: {  	v10 =	vld [tilespmem:s0+$0x7600]  }
0x220: {  	v5 =	vadd.s32 v6, v5;
	v6 =	vld [tilespmem:s0+$0x7A00]  }
0x221: {  	v5 =	vadd.s32 v7, v5;
	v7 =	vld [tilespmem:s0+$0x7E00]  }
0x222: {  	v58 =	vld [tilespmem:s0+$0x8200];
	v5 =	vadd.s32 v8, v5  }
0x223: {  	v59 =	vld [tilespmem:s0+$0x8600];
	v5 =	vadd.s32 v9, v5  }
0x224: {  	v60 =	vld [tilespmem:s0+$0x8A00];
	v5 =	vadd.s32 v10, v5  }
0x225: {  	v5 =	vadd.s32 v6, v5;
	v6 =	vld [tilespmem:s0+$0x8E00]  }
0x226: {  	v5 =	vadd.s32 v7, v5;
	v7 =	vld [tilespmem:s0+$0x9200]  }
0x227: {  	v61 =	vld [tilespmem:s0+$0x9600];
	v5 =	vadd.s32 v58, v5  }
0x228: {  	v62 =	vld [tilespmem:s0+$0x9A00];
	v5 =	vadd.s32 v59, v5  }
0x229: {  	v63 =	vld [tilespmem:s0+$0x9E00];
	v5 =	vadd.s32 v60, v5  }
0x22a: {  	v5 =	vadd.s32 v6, v5  }
0x22b: {  	v5 =	vadd.s32 v7, v5  }
0x22c: {  	v5 =	vadd.s32 v61, v5  }
0x22d: {  	v5 =	vadd.s32 v62, v5  }
0x22e: {  	s2 =	simm.s32 $0x10;
	s0 =	simm.s32 $0xA200;
	v5 =	vadd.s32 v63, v5  }
0x22f: {  	s2 =	sand.u32 $0x3F0, s2;
	[tilespmem:s0+$0x0] =	vst v5  }
0x230: {  	s4 =	simm.s32 $0x20;
	s3 =	simm.s32 $0x6210;
	v5 =	vld [tilespmem:s2+$0x6600]  }
.LBB2_19:
0x231: {  	p3 =	sne.s32 s4, $0x3F0;
	v6 =	vld [tilespmem:s3+$0x0]  }
0x232: {  	v7 =	vld [tilespmem:s2+$0x6A00]  }
0x233: {  	v8 =	vld [tilespmem:s2+$0x6E00]  }
0x234: {  	v9 =	vld [tilespmem:s2+$0x7200]  }
0x235: {  	v10 =	vld [tilespmem:s2+$0x7600]  }
0x236: {  	v5 =	vadd.s32 v6, v5;
	v6 =	vld [tilespmem:s2+$0x7A00]  }
0x237: {  	v5 =	vadd.s32 v7, v5;
	v7 =	vld [tilespmem:s2+$0x7E00]  }
0x238: {  	v5 =	vadd.s32 v8, v5;
	v8 =	vld [tilespmem:s2+$0x8200]  }
0x239: {  	v5 =	vadd.s32 v9, v5;
	v9 =	vld [tilespmem:s2+$0x8600]  }
0x23a: {  	v5 =	vadd.s32 v10, v5;
	v10 =	vld [tilespmem:s2+$0x8A00]  }
0x23b: {  	v5 =	vadd.s32 v6, v5;
	v6 =	vld [tilespmem:s2+$0x8E00]  }
0x23c: {  	v5 =	vadd.s32 v7, v5;
	v7 =	vld [tilespmem:s2+$0x9200]  }
0x23d: {  	v5 =	vadd.s32 v8, v5;
	v8 =	vld [tilespmem:s2+$0x9600]  }
0x23e: {  	v5 =	vadd.s32 v9, v5;
	v9 =	vld [tilespmem:s2+$0x9A00]  }
0x23f: {  	v5 =	vadd.s32 v10, v5;
	v10 =	vld [tilespmem:s2+$0x9E00]  }
0x240: {  	v5 =	vadd.s32 v6, v5  }
0x241: {  	v5 =	vadd.s32 v7, v5  }
.Ltmp12:
0x242: {  	v5 =	vadd.s32 v8, v5;
	(pc) =	sbr.rel @p3 .LBB2_19-.Ltmp12, $4  }
0x243: {  	v5 =	vadd.s32 v9, v5  }
0x244: {  	s0 =	sadd.s32 $0x10, s0;
	v5 =	vadd.s32 v10, v5  }
0x245: {  	s2 =	sand.u32 $0x3F0, s4;
	[tilespmem:s0+$0x0] =	vst v5  }
0x246: {  	s3 =	sadd.s32 $0x10, s3;
	s4 =	sadd.s32 $0x10, s4;
	v5 =	vld [tilespmem:s2+$0x6600]  }
0x247: {  	v6 =	vld [tilespmem:s3+$0x0]  }
0x248: {  	v7 =	vld [tilespmem:s2+$0x6A00]  }
0x249: {  	v8 =	vld [tilespmem:s2+$0x6E00]  }
0x24a: {  	v9 =	vld [tilespmem:s2+$0x7200]  }
0x24b: {  	v10 =	vld [tilespmem:s2+$0x7600]  }
0x24c: {  	v5 =	vadd.s32 v6, v5;
	v6 =	vld [tilespmem:s2+$0x7A00]  }
0x24d: {  	v5 =	vadd.s32 v7, v5;
	v7 =	vld [tilespmem:s2+$0x7E00]  }
0x24e: {  	v52 =	vld [tilespmem:s2+$0x8200];
	v5 =	vadd.s32 v8, v5  }
0x24f: {  	v53 =	vld [tilespmem:s2+$0x8600];
	v5 =	vadd.s32 v9, v5  }
0x250: {  	v54 =	vld [tilespmem:s2+$0x8A00];
	v5 =	vadd.s32 v10, v5  }
0x251: {  	v5 =	vadd.s32 v6, v5;
	v6 =	vld [tilespmem:s2+$0x8E00]  }
0x252: {  	v5 =	vadd.s32 v7, v5;
	v7 =	vld [tilespmem:s2+$0x9200]  }
0x253: {  	v55 =	vld [tilespmem:s2+$0x9600];
	v5 =	vadd.s32 v52, v5  }
0x254: {  	v56 =	vld [tilespmem:s2+$0x9A00];
	v5 =	vadd.s32 v53, v5  }
0x255: {  	v57 =	vld [tilespmem:s2+$0x9E00];
	v5 =	vadd.s32 v54, v5  }
0x256: {  	v5 =	vadd.s32 v6, v5  }
0x257: {  	v5 =	vadd.s32 v7, v5  }
0x258: {  	v5 =	vadd.s32 v55, v5  }
0x259: {  	v5 =	vadd.s32 v56, v5  }
0x25a: {  	s0 =	sadd.s32 $0x10, s0;
	v5 =	vadd.s32 v57, v5  }
0x25b: {  	s8 =	simm.s32 $0xA200;
	[tilespmem:s0+$0x0] =	vst v5  }
0x25c: {  	[spmem:s22] =	stream.linear.scatter [tilespmem:s8], [sflag:$0x3], $0x400, $0x38;
	[tilespmem:$0x134A0] =	vst v63  }
0x25d: {  	_ =	swait.ge [sflag:s20], $0x400  }
0x25e: {  	[sflag:s20] =	ssyncset.done $0x0  }
0x25f: {  	[sflag:s20] =	ssyncadd.s32 $0xFFFFFC00  }
0x260: {  	s28 =	simm.s32 $0xA600;
	[bflag:$0x0] =	sbarrier.arrive $0xFFFF  }
0x261: {  	[tilespmem:s28], [sflag:$0x3] =	stream.linear.gather [spmem:s14], $0x4000, $0x38;
	[tilespmem:$0x134A0] =	vst v63  }
0x262: {  	_ =	swait.ge [sflag:s20], $0x4000  }
0x263: {  	s19 =	simm.s32 $0x0;
	[sflag:s20] =	ssyncset.done $0x0  }
0x264: {  	s1 =	sand.u32 $0x3F0, s19;
	[sflag:s20] =	ssyncadd.s32 $0xFFFFC000  }
0x265: {  	v5 =	vld [tilespmem:s1+$0xAA00]  }
0x266: {  	v6 =	vld [tilespmem:s28+$0x0]  }
0x267: {  	v7 =	vld [tilespmem:s1+$0xAE00]  }
0x268: {  	v58 =	vld [tilespmem:s1+$0xB200]  }
0x269: {  	v59 =	vld [tilespmem:s1+$0xB600]  }
0x26a: {  	v60 =	vld [tilespmem:s1+$0xBA00]  }
0x26b: {  	v12 =	vld [tilespmem:s1+$0xBE00];
	v11 =	vadd.s32 v6, v5  }
0x26c: {  	s3 =	sld [smem:$0x7FB];
	v13 =	vld [tilespmem:s1+$0xC200];
	v11 =	vadd.s32 v7, v11  }
0x26d: {  	s4 =	sld [smem:$0x7FA];
	v14 =	vld [tilespmem:s1+$0xC600];
	v11 =	vadd.s32 v58, v11  }
0x26e: {  	s5 =	sld [smem:$0x7F9];
	v15 =	vld [tilespmem:s1+$0xCA00];
	v11 =	vadd.s32 v59, v11  }
0x26f: {  	s6 =	sld [smem:$0x7F8];
	v16 =	vld [tilespmem:s1+$0xCE00];
	p3 =	seq.s32 s3, $0x1;
	v11 =	vadd.s32 v60, v11  }
0x270: {  	s7 =	sld [smem:$0x7F7];
	v17 =	vld [tilespmem:s1+$0xD200];
	v6 =	vpsel p3, $0x0, v6;
	p3 =	seq.s32 s4, $0x1;
	v11 =	vadd.s32 v12, v11  }
0x271: {  	s12 =	sld [smem:$0x7F6];
	v18 =	vld [tilespmem:s1+$0xD600];
	v5 =	vpsel !p3, $0x0, v5;
	v6 =	vadd.s32 s19, v6;
	p3 =	seq.s32 s5, $0x1;
	v11 =	vadd.s32 v13, v11  }
0x272: {  	v19 =	vld [tilespmem:s1+$0xDA00];
	v7 =	vpsel !p3, $0x0, v7;
	v5 =	vadd.s32 v5, v6;
	p3 =	seq.s32 s6, $0x1;
	v11 =	vadd.s32 v14, v11  }
0x273: {  	v62 =	vld [tilespmem:s1+$0xDE00];
	v6 =	vpsel !p3, $0x0, v58;
	v5 =	vadd.s32 v7, v5;
	p3 =	seq.s32 s7, $0x1;
	v61 =	vadd.s32 v15, v11  }
0x274: {  	v63 =	vld [tilespmem:s1+$0xE200];
	v7 =	vpsel !p3, $0x0, v59;
	v5 =	vadd.s32 v6, v5;
	p3 =	seq.s32 s12, $0x1;
	v8 =	vadd.s32 v16, v61  }
0x275: {  	v6 =	vpsel !p3, $0x0, v60;
	v5 =	vadd.s32 v7, v5;
	v8 =	vadd.s32 v17, v8  }
0x276: {  	v7 =	vpsel !p4, $0x0, v12;
	v5 =	vadd.s32 v6, v5;
	v8 =	vadd.s32 v18, v8  }
0x277: {  	v6 =	vpsel !p0, $0x0, v13;
	v5 =	vadd.s32 v7, v5;
	v8 =	vadd.s32 v19, v8  }
0x278: {  	s15 =	sld [smem:$0x7F0];
	v7 =	vpsel !p2, $0x0, v14;
	v5 =	vadd.s32 v6, v5;
	v8 =	vadd.s32 v62, v8  }
0x279: {  	s18 =	sld [smem:$0x7EF];
	v6 =	vpsel !p1, $0x0, v15;
	v5 =	vadd.s32 v7, v5;
	v8 =	vadd.s32 v63, v8  }
0x27a: {  	s25 =	sld [smem:$0x7FD];
	v7 =	vpsel !p6, $0x0, v16;
	v5 =	vadd.s32 v6, v5;
	(xrf0) =	vadd.scan.msk.s32 $0xffff, v8  }
0x27b: {  	v6 =	vpsel !p5, $0x0, v17;
	p5 =	seq.s32 s15, $0x1;
	v5 =	vadd.s32 v7, v5  }
0x27c: {  	v7 =	vpsel !p5, $0x0, v18;
	p5 =	seq.s32 s18, $0x1;
	v5 =	vadd.s32 v6, v5  }
0x27d: {  	v6 =	vpsel !p5, $0x0, v19;
	p5 =	seq.s32 s25, $0x1;
	v5 =	vadd.s32 v7, v5  }
0x27e: {  	v7 =	vpsel !p5, $0x0, v62;
	v5 =	vadd.s32 v6, v5  }
0x27f: {  	v5 =	vadd.s32 v7, v5  }
0x280: {  	v5 =	vsub.s32 v5, v8;
	v6, _, _ =	vpop (xrf0)  }
0x281: {  	s28 =	simm.s32 $0x10;
	v5 =	vadd.s32 v6, v5  }
0x282: {  	s5 =	sand.u32 $0x3F0, s28;
	[tilespmem:s8+$0x0] =	vst v5  }
0x283: {  	s2 =	simm.s32 $0xA610;
	s0 =	simm.s32 $0x0;
	s4 =	simm.s32 $0x20;
	(v2sf) =	vpush v6, $0xF;
	v5 =	vld [tilespmem:s5+$0xAA00]  }
.LBB2_21:
0x284: {  	_ =	sdelay $0x4  }
0x285: {  	v6 =	vld [tilespmem:s2+$0x0];
	s1 =	sld [smem:$0x7FA]  }
0x286: {  	v7 =	vld [tilespmem:s5+$0xAE00];
	s28 =	sld [smem:$0x7FB]  }
0x287: {  	v8 =	vld [tilespmem:s5+$0xB200]  }
0x288: {  	v9 =	vld [tilespmem:s5+$0xB600];
	p3 =	seq.s32 s1, $0x1  }
0x289: {  	v11 =	vld [tilespmem:s5+$0xBA00];
	v10 =	vpsel !p3, $0x0, v5;
	p3 =	seq.s32 s28, $0x1  }
0x28a: {  	v12 =	vpsel p3, $0x0, v6;
	v5 =	vadd.s32 v6, v5;
	v6 =	vld [tilespmem:s5+$0xBE00]  }
0x28b: {  	s3 =	sld [smem:$0x7F9];
	v13 =	vld [tilespmem:s5+$0xC200];
	v5 =	vadd.s32 v7, v5  }
0x28c: {  	v14 =	vld [tilespmem:s5+$0xC600];
	v5 =	vadd.s32 v8, v5  }
0x28d: {  	v15 =	vld [tilespmem:s5+$0xCA00];
	v5 =	vadd.s32 v9, v5  }
0x28e: {  	s6 =	sld [smem:$0x7F8];
	v16 =	vld [tilespmem:s5+$0xCE00];
	p3 =	seq.s32 s3, $0x1;
	v5 =	vadd.s32 v11, v5;
	s3 =	spop (v2sf)  }
0x28f: {  	s7 =	sld [smem:$0x7F7];
	v17 =	vld [tilespmem:s5+$0xD200];
	v5 =	vadd.s32 v6, v5;
	s0 =	sadd.s32 s0, s3  }
0x290: {  	s12 =	sld [smem:$0x7F6];
	v18 =	vld [tilespmem:s5+$0xD600];
	v5 =	vadd.s32 v13, v5;
	v12 =	vadd.s32 s0, v12  }
0x291: {  	v19 =	vld [tilespmem:s5+$0xDA00];
	v7 =	vpsel !p3, $0x0, v7;
	p3 =	seq.s32 s6, $0x1;
	v5 =	vadd.s32 v14, v5;
	v10 =	vadd.s32 v10, v12  }
0x292: {  	v20 =	vld [tilespmem:s5+$0xDE00];
	v8 =	vpsel !p3, $0x0, v8;
	p3 =	seq.s32 s7, $0x1;
	v5 =	vadd.s32 v15, v5;
	v7 =	vadd.s32 v7, v10  }
0x293: {  	v59 =	vld [tilespmem:s5+$0xE200];
	v9 =	vpsel !p3, $0x0, v9;
	p3 =	seq.s32 s12, $0x1;
	v5 =	vadd.s32 v16, v5;
	v7 =	vadd.s32 v8, v7  }
0x294: {  	v11 =	vpsel !p3, $0x0, v11;
	v5 =	vadd.s32 v17, v5;
	v7 =	vadd.s32 v9, v7  }
0x295: {  	v6 =	vpsel !p4, $0x0, v6;
	v5 =	vadd.s32 v18, v5;
	v7 =	vadd.s32 v11, v7  }
0x296: {  	s15 =	sld [smem:$0x7FC];
	v13 =	vpsel !p0, $0x0, v13;
	v5 =	vadd.s32 v19, v5;
	v6 =	vadd.s32 v6, v7  }
0x297: {  	s18 =	sld [smem:$0x7F0];
	v14 =	vpsel !p2, $0x0, v14;
	v5 =	vadd.s32 v20, v5;
	v6 =	vadd.s32 v13, v6  }
0x298: {  	s25 =	sld [smem:$0x7EF];
	v15 =	vpsel !p1, $0x0, v15;
	v5 =	vadd.s32 v59, v5;
	v6 =	vadd.s32 v14, v6  }
0x299: {  	s28 =	sld [smem:$0x7FD];
	v58 =	vpsel !p6, $0x0, v16;
	p3 =	seq.s32 s15, $0x1;
	(xrf0) =	vadd.scan.msk.s32 $0xffff, v5;
	v6 =	vadd.s32 v15, v6  }
0x29a: {  	v60 =	vpsel !p3, $0x0, v17;
	p3 =	seq.s32 s18, $0x1;
	v6 =	vadd.s32 v58, v6  }
0x29b: {  	v61 =	vpsel !p3, $0x0, v18;
	p3 =	seq.s32 s25, $0x1;
	v6 =	vadd.s32 v60, v6  }
0x29c: {  	v62 =	vpsel !p3, $0x0, v19;
	p3 =	seq.s32 s28, $0x1;
	v6 =	vadd.s32 v61, v6  }
0x29d: {  	p5 =	sne.s32 s4, $0x3F0;
	v63 =	vpsel !p3, $0x0, v20;
	v6 =	vadd.s32 v62, v6  }
.Ltmp13:
0x29e: {  	v6 =	vadd.s32 v63, v6;
	(pc) =	sbr.rel @p5 .LBB2_21-.Ltmp13, $4  }
0x29f: {  	v7, _, _ =	vpop (xrf0);
	v5 =	vsub.s32 v6, v5  }
0x2a0: {  	s8 =	sadd.s32 $0x10, s8;
	v5 =	vadd.s32 v7, v5  }
0x2a1: {  	s5 =	sand.u32 $0x3F0, s4;
	[tilespmem:s8+$0x0] =	vst v5  }
0x2a2: {  	s2 =	sadd.s32 $0x10, s2;
	s4 =	sadd.s32 $0x10, s4;
	(v2sf) =	vpush v7, $0xF;
	v5 =	vld [tilespmem:s5+$0xAA00]  }
0x2a3: {  	v6 =	vld [tilespmem:s2+$0x0]  }
0x2a4: {  	v7 =	vld [tilespmem:s5+$0xAE00]  }
0x2a5: {  	v8 =	vld [tilespmem:s5+$0xB200]  }
0x2a6: {  	v9 =	vld [tilespmem:s5+$0xB600]  }
0x2a7: {  	v10 =	vld [tilespmem:s5+$0xBA00]  }
0x2a8: {  	v12 =	vld [tilespmem:s5+$0xBE00];
	v11 =	vadd.s32 v6, v5  }
0x2a9: {  	v13 =	vld [tilespmem:s5+$0xC200];
	v11 =	vadd.s32 v7, v11  }
0x2aa: {  	v14 =	vld [tilespmem:s5+$0xC600];
	v11 =	vadd.s32 v8, v11  }
0x2ab: {  	v15 =	vld [tilespmem:s5+$0xCA00];
	v11 =	vadd.s32 v9, v11  }
0x2ac: {  	v16 =	vld [tilespmem:s5+$0xCE00];
	v11 =	vadd.s32 v10, v11  }
0x2ad: {  	v17 =	vld [tilespmem:s5+$0xD200];
	v11 =	vadd.s32 v12, v11  }
0x2ae: {  	v18 =	vld [tilespmem:s5+$0xD600];
	v11 =	vadd.s32 v13, v11  }
0x2af: {  	v19 =	vld [tilespmem:s5+$0xDA00];
	v11 =	vadd.s32 v14, v11  }
0x2b0: {  	v20 =	vld [tilespmem:s5+$0xDE00];
	v11 =	vadd.s32 v15, v11  }
0x2b1: {  	v21 =	vld [tilespmem:s5+$0xE200];
	v11 =	vadd.s32 v16, v11  }
0x2b2: {  	v11 =	vadd.s32 v17, v11  }
0x2b3: {  	v11 =	vadd.s32 v18, v11  }
0x2b4: {  	v11 =	vadd.s32 v19, v11  }
0x2b5: {  	s1 =	sld [smem:$0x7FB];
	v11 =	vadd.s32 v20, v11  }
0x2b6: {  	v11 =	vadd.s32 v21, v11  }
0x2b7: {  	(xrf0) =	vadd.scan.msk.s32 $0xffff, v11  }
0x2b8: {  	s2 =	sld [smem:$0x7FA];
	p3 =	seq.s32 s1, $0x1;
	s28 =	spop (v2sf)  }
0x2b9: {  	s3 =	sld [smem:$0x7F9];
	v6 =	vpsel p3, $0x0, v6;
	s0 =	sadd.s32 s0, s28  }
0x2ba: {  	s4 =	sld [smem:$0x7F8];
	v6 =	vadd.s32 s0, v6  }
0x2bb: {  	s5 =	sld [smem:$0x7F7];
	p5 =	seq.s32 s2, $0x1  }
0x2bc: {  	s6 =	sld [smem:$0x7F6];
	v5 =	vpsel !p5, $0x0, v5;
	p5 =	seq.s32 s3, $0x1  }
0x2bd: {  	v7 =	vpsel !p5, $0x0, v7;
	p5 =	seq.s32 s4, $0x1;
	v5 =	vadd.s32 v5, v6;
	v6, _, _ =	vpop (xrf0)  }
0x2be: {  	v8 =	vpsel !p5, $0x0, v8;
	p5 =	seq.s32 s5, $0x1;
	v5 =	vadd.s32 v7, v5;
	(v2sf) =	vpush v6, $0xF  }
0x2bf: {  	v7 =	vpsel !p5, $0x0, v9;
	p5 =	seq.s32 s6, $0x1;
	v5 =	vadd.s32 v8, v5  }
0x2c0: {  	v59 =	vpsel !p5, $0x0, v10;
	v5 =	vadd.s32 v7, v5  }
0x2c1: {  	v7 =	vpsel !p4, $0x0, v12;
	v5 =	vadd.s32 v59, v5  }
0x2c2: {  	s7 =	sld [smem:$0x7FC];
	v60 =	vpsel !p0, $0x0, v13;
	v5 =	vadd.s32 v7, v5  }
0x2c3: {  	s12 =	sld [smem:$0x7F0];
	v7 =	vpsel !p2, $0x0, v14;
	v5 =	vadd.s32 v60, v5  }
0x2c4: {  	s15 =	sld [smem:$0x7EF];
	v61 =	vpsel !p1, $0x0, v15;
	v5 =	vadd.s32 v7, v5  }
0x2c5: {  	s18 =	sld [smem:$0x7FD];
	p3 =	seq.s32 s7, $0x1;
	v7 =	vpsel !p6, $0x0, v16;
	v5 =	vadd.s32 v61, v5  }
0x2c6: {  	v62 =	vpsel !p3, $0x0, v17;
	p4 =	seq.s32 s12, $0x1;
	v5 =	vadd.s32 v7, v5  }
0x2c7: {  	p5 =	seq.s32 s15, $0x1;
	v7 =	vpsel !p4, $0x0, v18;
	v5 =	vadd.s32 v62, v5  }
0x2c8: {  	v63 =	vpsel !p5, $0x0, v19;
	p6 =	seq.s32 s18, $0x1;
	v5 =	vadd.s32 v7, v5  }
0x2c9: {  	v7 =	vpsel !p6, $0x0, v20;
	v5 =	vadd.s32 v63, v5  }
0x2ca: {  	v5 =	vadd.s32 v7, v5  }
0x2cb: {  	v5 =	vsub.s32 v5, v11  }
0x2cc: {  	s25 =	sadd.s32 $0x10, s8;
	v5 =	vadd.s32 v6, v5  }
0x2cd: {  	[tilespmem:s25+$0x0] =	vst v5;
	s28 =	spop (v2sf)  }
.LBB2_23:
0x2ce: {  	s0 =	sshra.s32 s19, $0x2  }
0x2cf: {  	v5 =	vld [tilespmem:s0+$0x0];
	_ =	sdelay $0x4  }
0x2d0: {  	v5 =	vshrl.u32 v5, $0xA  }
0x2d1: {  	v5 =	vand.u32 $0x3FF, v5  }
0x2d2: {  	(xrf1) =	vunique.msk.u32 $0xffff, v5;
	_ =	sdelay $0xb  }
0x2d3: {  	v6 =	vld.idx.msk [tilespmem:v5+s21+$0x0], $0xffff;
	_ =	sdelay $0x1  }
0x2d4: {  	_, v7, vm0 =	vpop (xrf1);
	_ =	sdelay $0x2  }
0x2d5: {  	v6 =	vadd.s32 v6, v7  }
0x2d6: {  	v7 =	vadd.s32 $0xFFFFFFFF, v6  }
0x2d7: {  	[tilespmem:s0+$0x4980] =	vst v7  }
0x2d8: {  	[tilespmem:v5+s21+$0x0] =	vst.idx.msk vm0, v6  }
0x2d9: {  	v5 =	vld [tilespmem:s0+$0x10];
	_ =	sdelay $0x4  }
0x2da: {  	v5 =	vshrl.u32 v5, $0xA  }
0x2db: {  	v5 =	vand.u32 $0x3FF, v5  }
0x2dc: {  	(xrf1) =	vunique.msk.u32 $0xffff, v5;
	_ =	sdelay $0xb  }
0x2dd: {  	v6 =	vld.idx.msk [tilespmem:v5+s21+$0x0], $0xffff;
	_ =	sdelay $0x1  }
0x2de: {  	_, v7, vm9 =	vpop (xrf1);
	_ =	sdelay $0x2  }
0x2df: {  	v6 =	vadd.s32 v6, v7  }
0x2e0: {  	v7 =	vadd.s32 $0xFFFFFFFF, v6  }
0x2e1: {  	[tilespmem:s0+$0x4990] =	vst v7  }
0x2e2: {  	[tilespmem:v5+s21+$0x0] =	vst.idx.msk vm9, v6  }
0x2e3: {  	v5 =	vld [tilespmem:s0+$0x20];
	_ =	sdelay $0x4  }
0x2e4: {  	v5 =	vshrl.u32 v5, $0xA  }
0x2e5: {  	v5 =	vand.u32 $0x3FF, v5  }
0x2e6: {  	(xrf1) =	vunique.msk.u32 $0xffff, v5;
	_ =	sdelay $0xb  }
0x2e7: {  	v6 =	vld.idx.msk [tilespmem:v5+s21+$0x0], $0xffff;
	_ =	sdelay $0x1  }
0x2e8: {  	_, v7, vm10 =	vpop (xrf1);
	_ =	sdelay $0x2  }
0x2e9: {  	v6 =	vadd.s32 v6, v7  }
0x2ea: {  	v7 =	vadd.s32 $0xFFFFFFFF, v6  }
0x2eb: {  	[tilespmem:s0+$0x49A0] =	vst v7  }
0x2ec: {  	[tilespmem:v5+s21+$0x0] =	vst.idx.msk vm10, v6  }
0x2ed: {  	v5 =	vld [tilespmem:s0+$0x30];
	_ =	sdelay $0x4  }
0x2ee: {  	v5 =	vshrl.u32 v5, $0xA  }
0x2ef: {  	v5 =	vand.u32 $0x3FF, v5  }
0x2f0: {  	(xrf1) =	vunique.msk.u32 $0xffff, v5;
	_ =	sdelay $0xb  }
0x2f1: {  	v6 =	vld.idx.msk [tilespmem:v5+s21+$0x0], $0xffff;
	_ =	sdelay $0x1  }
0x2f2: {  	_, v7, vm11 =	vpop (xrf1);
	_ =	sdelay $0x2  }
0x2f3: {  	v6 =	vadd.s32 v6, v7  }
0x2f4: {  	v7 =	vadd.s32 $0xFFFFFFFF, v6  }
0x2f5: {  	[tilespmem:s0+$0x49B0] =	vst v7  }
0x2f6: {  	[tilespmem:v5+s21+$0x0] =	vst.idx.msk vm11, v6  }
0x2f7: {  	v5 =	vld [tilespmem:s0+$0x40];
	_ =	sdelay $0x4  }
0x2f8: {  	v5 =	vshrl.u32 v5, $0xA  }
0x2f9: {  	v5 =	vand.u32 $0x3FF, v5  }
0x2fa: {  	(xrf1) =	vunique.msk.u32 $0xffff, v5;
	_ =	sdelay $0xb  }
0x2fb: {  	v6 =	vld.idx.msk [tilespmem:v5+s21+$0x0], $0xffff;
	_ =	sdelay $0x1  }
0x2fc: {  	_, v7, vm12 =	vpop (xrf1);
	_ =	sdelay $0x2  }
0x2fd: {  	v6 =	vadd.s32 v6, v7  }
0x2fe: {  	v7 =	vadd.s32 $0xFFFFFFFF, v6  }
0x2ff: {  	[tilespmem:s0+$0x49C0] =	vst v7  }
0x300: {  	[tilespmem:v5+s21+$0x0] =	vst.idx.msk vm12, v6  }
0x301: {  	v5 =	vld [tilespmem:s0+$0x50];
	_ =	sdelay $0x4  }
0x302: {  	v5 =	vshrl.u32 v5, $0xA  }
0x303: {  	v5 =	vand.u32 $0x3FF, v5  }
0x304: {  	(xrf1) =	vunique.msk.u32 $0xffff, v5;
	_ =	sdelay $0xb  }
0x305: {  	v6 =	vld.idx.msk [tilespmem:v5+s21+$0x0], $0xffff;
	_ =	sdelay $0x1  }
0x306: {  	_, v7, vm13 =	vpop (xrf1);
	_ =	sdelay $0x2  }
0x307: {  	v6 =	vadd.s32 v6, v7  }
0x308: {  	v7 =	vadd.s32 $0xFFFFFFFF, v6  }
0x309: {  	[tilespmem:s0+$0x49D0] =	vst v7  }
0x30a: {  	[tilespmem:v5+s21+$0x0] =	vst.idx.msk vm13, v6  }
0x30b: {  	v5 =	vld [tilespmem:s0+$0x60];
	_ =	sdelay $0x4  }
0x30c: {  	v5 =	vshrl.u32 v5, $0xA  }
0x30d: {  	v5 =	vand.u32 $0x3FF, v5  }
0x30e: {  	(xrf1) =	vunique.msk.u32 $0xffff, v5;
	_ =	sdelay $0xb  }
0x30f: {  	v6 =	vld.idx.msk [tilespmem:v5+s21+$0x0], $0xffff;
	_ =	sdelay $0x1  }
0x310: {  	_, v7, vm14 =	vpop (xrf1);
	_ =	sdelay $0x2  }
0x311: {  	v6 =	vadd.s32 v6, v7  }
0x312: {  	v7 =	vadd.s32 $0xFFFFFFFF, v6  }
0x313: {  	[tilespmem:s0+$0x49E0] =	vst v7  }
0x314: {  	[tilespmem:v5+s21+$0x0] =	vst.idx.msk vm14, v6  }
0x315: {  	v5 =	vld [tilespmem:s0+$0x70];
	_ =	sdelay $0x4  }
0x316: {  	v5 =	vshrl.u32 v5, $0xA  }
0x317: {  	v5 =	vand.u32 $0x3FF, v5  }
0x318: {  	(xrf1) =	vunique.msk.u32 $0xffff, v5;
	_ =	sdelay $0xb  }
0x319: {  	v6 =	vld.idx.msk [tilespmem:v5+s21+$0x0], $0xffff;
	_ =	sdelay $0x1  }
0x31a: {  	_, v7, vm15 =	vpop (xrf1)  }
0x31b: {  	p3 =	sne.s32 s19, $0x6000  }
.Ltmp14:
0x31c: {  	_ = 	snop;
	(pc) =	sbr.rel @p3 .LBB2_23-.Ltmp14, $4  }
0x31d: {  	v6 =	vadd.s32 v6, v7  }
0x31e: {  	v7 =	vadd.s32 $0xFFFFFFFF, v6  }
0x31f: {  	[tilespmem:s0+$0x49F0] =	vst v7  }
0x320: {  	s19 =	sadd.s32 $0x200, s19;
	[tilespmem:v5+s21+$0x0] =	vst.idx.msk vm15, v6  }
0x321: {  	s0 =	simm.s32 $0x0;
	s2 =	rddreg [dreg:$0x4]  }
0x322: {  	[spmem:s2] =	stream.indirect.scatter [tilespmem:s0], [sflag:$0x1], $0x1, s26, s13, $0xb8;
	[tilespmem:$0x134A0] =	vst v63  }
0x323: {  	_ =	swait.ge [sflag:s31], $0x1880  }
0x324: {  	[sflag:s31] =	ssyncset.done $0x0  }
0x325: {  	[sflag:s31] =	ssyncadd.s32 $0xFFFFE780  }
0x326: {  	s0 =	simm.s32 $0x40;
	s2 =	simm.s32 $0x0;
	[bflag:$0x0] =	sbarrier.arrive $0xFFFF  }
.LBB2_25:
0x327: {  	p3 =	sne.s32 s0, $0xFFC0;
	[tilespmem:s2+$0x6200] =	vst v3;
	s2 =	smov.u32 s0;
	s0 =	sadd.s32 $0x40, s0  }
.Ltmp15:
0x328: {  	(pc) =	sbr.rel @p3 .LBB2_25-.Ltmp15, $2  }
0x329: {  	_ =	sdelay $0x2  }
0x32a: {  	s2 =	sshra.s32 s2, $0x2  }
0x32b: {  	[tilespmem:s2+$0x6200] =	vst v3;
	s0 =	simm.s32 $0x0;
	s12 =	rddreg [dreg:$0xc]  }
0x32c: {  	[tilespmem:s0], [sflag:$0x3] =	stream.linear.gather [spmem:s12], $0x1880, $0x38;
	[tilespmem:$0x134A0] =	vst v63  }
0x32d: {  	_ =	swait.ge [sflag:s20], $0x1880  }
0x32e: {  	s1 =	sld [smem:$0x7FC]  }
0x32f: {  	s15 =	sld [smem:$0x7F1]  }
0x330: {  	s18 =	sld [smem:$0x7F2]  }
0x331: {  	s19 =	sld [smem:$0x7F3]  }
0x332: {  	s25 =	sld [smem:$0x7F4]  }
0x333: {  	[sflag:s20] =	ssyncset.done $0x0;
	s28 =	sld [smem:$0x7F5]  }
0x334: {  	s2 =	simm.s32 $0x0;
	[sflag:s20] =	ssyncadd.s32 $0xFFFFE780  }
0x335: {  	p5 =	seq.s32 s1, $0x1;
	p6 =	seq.s32 s15, $0x1;
	p1 =	seq.s32 s18, $0x1  }
0x336: {  	p2 =	seq.s32 s19, $0x1;
	p0 =	seq.s32 s25, $0x1;
	p4 =	seq.s32 s28, $0x1  }
.LBB2_27:
0x337: {  	s4 =	sshra.s32 s2, $0x2  }
0x338: {  	v5 =	vld [tilespmem:s4+$0x0];
	_ =	sdelay $0x4  }
0x339: {  	v5 =	vshrl.u32 v5, $0x14  }
0x33a: {  	v5 =	vand.u32 $0x3FF, v5  }
0x33b: {  	v5 =	vor.u32 v4, v5;
	_ =	sdelay $0x3  }
0x33c: {  	s3 =	simm.s32 $0x6200  }
0x33d: {  	v6 =	vld.idx.msk [tilespmem:v5+s3+$0x0], $0xffff;
	_ =	sdelay $0x4  }
0x33e: {  	v6 =	vadd.s32 $0x1, v6  }
0x33f: {  	[tilespmem:v5+s3+$0x0] =	vst.idx.msk $0xffff, v6  }
0x340: {  	v5 =	vld [tilespmem:s4+$0x10];
	_ =	sdelay $0x4  }
0x341: {  	v5 =	vshrl.u32 v5, $0x14  }
0x342: {  	v5 =	vand.u32 $0x3FF, v5  }
0x343: {  	v5 =	vor.u32 v4, v5;
	_ =	sdelay $0x4  }
0x344: {  	v6 =	vld.idx.msk [tilespmem:v5+s3+$0x0], $0xffff;
	_ =	sdelay $0x4  }
0x345: {  	v6 =	vadd.s32 $0x1, v6  }
0x346: {  	[tilespmem:v5+s3+$0x0] =	vst.idx.msk $0xffff, v6  }
0x347: {  	v5 =	vld [tilespmem:s4+$0x20];
	_ =	sdelay $0x4  }
0x348: {  	v5 =	vshrl.u32 v5, $0x14  }
0x349: {  	v5 =	vand.u32 $0x3FF, v5  }
0x34a: {  	v5 =	vor.u32 v4, v5;
	_ =	sdelay $0x4  }
0x34b: {  	v6 =	vld.idx.msk [tilespmem:v5+s3+$0x0], $0xffff;
	_ =	sdelay $0x4  }
0x34c: {  	v6 =	vadd.s32 $0x1, v6  }
0x34d: {  	[tilespmem:v5+s3+$0x0] =	vst.idx.msk $0xffff, v6  }
0x34e: {  	v5 =	vld [tilespmem:s4+$0x30];
	_ =	sdelay $0x4  }
0x34f: {  	v5 =	vshrl.u32 v5, $0x14  }
0x350: {  	v5 =	vand.u32 $0x3FF, v5  }
0x351: {  	v5 =	vor.u32 v4, v5;
	_ =	sdelay $0x4  }
0x352: {  	v6 =	vld.idx.msk [tilespmem:v5+s3+$0x0], $0xffff;
	_ =	sdelay $0x4  }
0x353: {  	v6 =	vadd.s32 $0x1, v6  }
0x354: {  	[tilespmem:v5+s3+$0x0] =	vst.idx.msk $0xffff, v6  }
0x355: {  	v5 =	vld [tilespmem:s4+$0x40];
	_ =	sdelay $0x4  }
0x356: {  	v5 =	vshrl.u32 v5, $0x14  }
0x357: {  	v5 =	vand.u32 $0x3FF, v5  }
0x358: {  	v5 =	vor.u32 v4, v5;
	_ =	sdelay $0x4  }
0x359: {  	v6 =	vld.idx.msk [tilespmem:v5+s3+$0x0], $0xffff;
	_ =	sdelay $0x4  }
0x35a: {  	v6 =	vadd.s32 $0x1, v6  }
0x35b: {  	[tilespmem:v5+s3+$0x0] =	vst.idx.msk $0xffff, v6  }
0x35c: {  	v5 =	vld [tilespmem:s4+$0x50];
	_ =	sdelay $0x4  }
0x35d: {  	v5 =	vshrl.u32 v5, $0x14  }
0x35e: {  	v5 =	vand.u32 $0x3FF, v5  }
0x35f: {  	v5 =	vor.u32 v4, v5;
	_ =	sdelay $0x4  }
0x360: {  	v6 =	vld.idx.msk [tilespmem:v5+s3+$0x0], $0xffff;
	_ =	sdelay $0x4  }
0x361: {  	v6 =	vadd.s32 $0x1, v6  }
0x362: {  	[tilespmem:v5+s3+$0x0] =	vst.idx.msk $0xffff, v6  }
0x363: {  	v5 =	vld [tilespmem:s4+$0x60];
	_ =	sdelay $0x4  }
0x364: {  	v5 =	vshrl.u32 v5, $0x14  }
0x365: {  	v5 =	vand.u32 $0x3FF, v5  }
0x366: {  	v5 =	vor.u32 v4, v5;
	_ =	sdelay $0x4  }
0x367: {  	v6 =	vld.idx.msk [tilespmem:v5+s3+$0x0], $0xffff;
	_ =	sdelay $0x4  }
0x368: {  	v6 =	vadd.s32 $0x1, v6  }
0x369: {  	[tilespmem:v5+s3+$0x0] =	vst.idx.msk $0xffff, v6  }
0x36a: {  	v5 =	vld [tilespmem:s4+$0x70];
	_ =	sdelay $0x4  }
0x36b: {  	v5 =	vshrl.u32 v5, $0x14  }
0x36c: {  	v5 =	vand.u32 $0x3FF, v5  }
0x36d: {  	v5 =	vor.u32 v4, v5;
	_ =	sdelay $0x4  }
0x36e: {  	v6 =	vld.idx.msk [tilespmem:v5+s3+$0x0], $0xffff  }
0x36f: {  	p3 =	sne.s32 s2, $0x6000  }
.Ltmp16:
0x370: {  	_ = 	snop;
	(pc) =	sbr.rel @p3 .LBB2_27-.Ltmp16, $3  }
0x371: {  	_ =	sdelay $0x1  }
0x372: {  	v6 =	vadd.s32 $0x1, v6  }
0x373: {  	s2 =	sadd.s32 $0x200, s2;
	[tilespmem:v5+s3+$0x0] =	vst.idx.msk $0xffff, v6  }
0x374: {  	s0 =	sand.u32 $0x3F0, s0;
	v6 =	vld [tilespmem:s3+$0x0]  }
0x375: {  	v5 =	vld [tilespmem:s0+$0x6600]  }
0x376: {  	v7 =	vld [tilespmem:s0+$0x6A00]  }
0x377: {  	v8 =	vld [tilespmem:s0+$0x6E00]  }
0x378: {  	v9 =	vld [tilespmem:s0+$0x7200]  }
0x379: {  	v10 =	vld [tilespmem:s0+$0x7600]  }
0x37a: {  	v5 =	vadd.s32 v6, v5;
	v6 =	vld [tilespmem:s0+$0x7A00]  }
0x37b: {  	v5 =	vadd.s32 v7, v5;
	v7 =	vld [tilespmem:s0+$0x7E00]  }
0x37c: {  	v58 =	vld [tilespmem:s0+$0x8200];
	v5 =	vadd.s32 v8, v5  }
0x37d: {  	v59 =	vld [tilespmem:s0+$0x8600];
	v5 =	vadd.s32 v9, v5  }
0x37e: {  	v60 =	vld [tilespmem:s0+$0x8A00];
	v5 =	vadd.s32 v10, v5  }
0x37f: {  	v5 =	vadd.s32 v6, v5;
	v6 =	vld [tilespmem:s0+$0x8E00]  }
0x380: {  	v5 =	vadd.s32 v7, v5;
	v7 =	vld [tilespmem:s0+$0x9200]  }
0x381: {  	v61 =	vld [tilespmem:s0+$0x9600];
	v5 =	vadd.s32 v58, v5  }
0x382: {  	v62 =	vld [tilespmem:s0+$0x9A00];
	v5 =	vadd.s32 v59, v5  }
0x383: {  	v63 =	vld [tilespmem:s0+$0x9E00];
	v5 =	vadd.s32 v60, v5  }
0x384: {  	v5 =	vadd.s32 v6, v5  }
0x385: {  	v5 =	vadd.s32 v7, v5  }
0x386: {  	v5 =	vadd.s32 v61, v5  }
0x387: {  	v5 =	vadd.s32 v62, v5  }
0x388: {  	s2 =	simm.s32 $0x10;
	s0 =	simm.s32 $0xA200;
	v5 =	vadd.s32 v63, v5  }
0x389: {  	s2 =	sand.u32 $0x3F0, s2;
	[tilespmem:s0+$0x0] =	vst v5  }
0x38a: {  	s4 =	simm.s32 $0x20;
	s3 =	simm.s32 $0x6210;
	v5 =	vld [tilespmem:s2+$0x6600]  }
.LBB2_29:
0x38b: {  	p3 =	sne.s32 s4, $0x3F0;
	v6 =	vld [tilespmem:s3+$0x0]  }
0x38c: {  	v7 =	vld [tilespmem:s2+$0x6A00]  }
0x38d: {  	v8 =	vld [tilespmem:s2+$0x6E00]  }
0x38e: {  	v9 =	vld [tilespmem:s2+$0x7200]  }
0x38f: {  	v10 =	vld [tilespmem:s2+$0x7600]  }
0x390: {  	v5 =	vadd.s32 v6, v5;
	v6 =	vld [tilespmem:s2+$0x7A00]  }
0x391: {  	v5 =	vadd.s32 v7, v5;
	v7 =	vld [tilespmem:s2+$0x7E00]  }
0x392: {  	v5 =	vadd.s32 v8, v5;
	v8 =	vld [tilespmem:s2+$0x8200]  }
0x393: {  	v5 =	vadd.s32 v9, v5;
	v9 =	vld [tilespmem:s2+$0x8600]  }
0x394: {  	v5 =	vadd.s32 v10, v5;
	v10 =	vld [tilespmem:s2+$0x8A00]  }
0x395: {  	v5 =	vadd.s32 v6, v5;
	v6 =	vld [tilespmem:s2+$0x8E00]  }
0x396: {  	v5 =	vadd.s32 v7, v5;
	v7 =	vld [tilespmem:s2+$0x9200]  }
0x397: {  	v5 =	vadd.s32 v8, v5;
	v8 =	vld [tilespmem:s2+$0x9600]  }
0x398: {  	v5 =	vadd.s32 v9, v5;
	v9 =	vld [tilespmem:s2+$0x9A00]  }
0x399: {  	v5 =	vadd.s32 v10, v5;
	v10 =	vld [tilespmem:s2+$0x9E00]  }
0x39a: {  	v5 =	vadd.s32 v6, v5  }
0x39b: {  	v5 =	vadd.s32 v7, v5  }
.Ltmp17:
0x39c: {  	v5 =	vadd.s32 v8, v5;
	(pc) =	sbr.rel @p3 .LBB2_29-.Ltmp17, $4  }
0x39d: {  	v5 =	vadd.s32 v9, v5  }
0x39e: {  	s0 =	sadd.s32 $0x10, s0;
	v5 =	vadd.s32 v10, v5  }
0x39f: {  	s2 =	sand.u32 $0x3F0, s4;
	[tilespmem:s0+$0x0] =	vst v5  }
0x3a0: {  	s3 =	sadd.s32 $0x10, s3;
	s4 =	sadd.s32 $0x10, s4;
	v5 =	vld [tilespmem:s2+$0x6600]  }
0x3a1: {  	v6 =	vld [tilespmem:s3+$0x0]  }
0x3a2: {  	v7 =	vld [tilespmem:s2+$0x6A00]  }
0x3a3: {  	v8 =	vld [tilespmem:s2+$0x6E00]  }
0x3a4: {  	v9 =	vld [tilespmem:s2+$0x7200]  }
0x3a5: {  	v10 =	vld [tilespmem:s2+$0x7600]  }
0x3a6: {  	v5 =	vadd.s32 v6, v5;
	v6 =	vld [tilespmem:s2+$0x7A00]  }
0x3a7: {  	v5 =	vadd.s32 v7, v5;
	v7 =	vld [tilespmem:s2+$0x7E00]  }
0x3a8: {  	v52 =	vld [tilespmem:s2+$0x8200];
	v5 =	vadd.s32 v8, v5  }
0x3a9: {  	v53 =	vld [tilespmem:s2+$0x8600];
	v5 =	vadd.s32 v9, v5  }
0x3aa: {  	v54 =	vld [tilespmem:s2+$0x8A00];
	v5 =	vadd.s32 v10, v5  }
0x3ab: {  	v5 =	vadd.s32 v6, v5;
	v6 =	vld [tilespmem:s2+$0x8E00]  }
0x3ac: {  	v5 =	vadd.s32 v7, v5;
	v7 =	vld [tilespmem:s2+$0x9200]  }
0x3ad: {  	v55 =	vld [tilespmem:s2+$0x9600];
	v5 =	vadd.s32 v52, v5  }
0x3ae: {  	v56 =	vld [tilespmem:s2+$0x9A00];
	v5 =	vadd.s32 v53, v5  }
0x3af: {  	v57 =	vld [tilespmem:s2+$0x9E00];
	v5 =	vadd.s32 v54, v5  }
0x3b0: {  	v5 =	vadd.s32 v6, v5  }
0x3b1: {  	v5 =	vadd.s32 v7, v5  }
0x3b2: {  	v5 =	vadd.s32 v55, v5  }
0x3b3: {  	v5 =	vadd.s32 v56, v5  }
0x3b4: {  	s0 =	sadd.s32 $0x10, s0;
	v5 =	vadd.s32 v57, v5  }
0x3b5: {  	s8 =	simm.s32 $0xA200;
	[tilespmem:s0+$0x0] =	vst v5  }
0x3b6: {  	[spmem:s22] =	stream.linear.scatter [tilespmem:s8], [sflag:$0x3], $0x400, $0x38;
	[tilespmem:$0x134A0] =	vst v63  }
0x3b7: {  	_ =	swait.ge [sflag:s20], $0x400  }
0x3b8: {  	[sflag:s20] =	ssyncset.done $0x0  }
0x3b9: {  	[sflag:s20] =	ssyncadd.s32 $0xFFFFFC00  }
0x3ba: {  	s28 =	simm.s32 $0xA600;
	[bflag:$0x0] =	sbarrier.arrive $0xFFFF  }
0x3bb: {  	[tilespmem:s28], [sflag:$0x3] =	stream.linear.gather [spmem:s14], $0x4000, $0x38;
	[tilespmem:$0x134A0] =	vst v63  }
0x3bc: {  	_ =	swait.ge [sflag:s20], $0x4000  }
0x3bd: {  	s19 =	simm.s32 $0x0;
	[sflag:s20] =	ssyncset.done $0x0  }
0x3be: {  	s1 =	sand.u32 $0x3F0, s19;
	[sflag:s20] =	ssyncadd.s32 $0xFFFFC000  }
0x3bf: {  	v5 =	vld [tilespmem:s1+$0xAA00]  }
0x3c0: {  	v6 =	vld [tilespmem:s28+$0x0]  }
0x3c1: {  	v7 =	vld [tilespmem:s1+$0xAE00]  }
0x3c2: {  	v58 =	vld [tilespmem:s1+$0xB200]  }
0x3c3: {  	v59 =	vld [tilespmem:s1+$0xB600]  }
0x3c4: {  	v60 =	vld [tilespmem:s1+$0xBA00]  }
0x3c5: {  	v12 =	vld [tilespmem:s1+$0xBE00];
	v11 =	vadd.s32 v6, v5  }
0x3c6: {  	s3 =	sld [smem:$0x7FB];
	v13 =	vld [tilespmem:s1+$0xC200];
	v11 =	vadd.s32 v7, v11  }
0x3c7: {  	s4 =	sld [smem:$0x7FA];
	v14 =	vld [tilespmem:s1+$0xC600];
	v11 =	vadd.s32 v58, v11  }
0x3c8: {  	s5 =	sld [smem:$0x7F9];
	v15 =	vld [tilespmem:s1+$0xCA00];
	v11 =	vadd.s32 v59, v11  }
0x3c9: {  	s6 =	sld [smem:$0x7F8];
	v16 =	vld [tilespmem:s1+$0xCE00];
	p3 =	seq.s32 s3, $0x1;
	v11 =	vadd.s32 v60, v11  }
0x3ca: {  	s7 =	sld [smem:$0x7F7];
	v17 =	vld [tilespmem:s1+$0xD200];
	v6 =	vpsel p3, $0x0, v6;
	p3 =	seq.s32 s4, $0x1;
	v11 =	vadd.s32 v12, v11  }
0x3cb: {  	s12 =	sld [smem:$0x7F6];
	v18 =	vld [tilespmem:s1+$0xD600];
	v5 =	vpsel !p3, $0x0, v5;
	v6 =	vadd.s32 s19, v6;
	p3 =	seq.s32 s5, $0x1;
	v11 =	vadd.s32 v13, v11  }
0x3cc: {  	v19 =	vld [tilespmem:s1+$0xDA00];
	v7 =	vpsel !p3, $0x0, v7;
	v5 =	vadd.s32 v5, v6;
	p3 =	seq.s32 s6, $0x1;
	v11 =	vadd.s32 v14, v11  }
0x3cd: {  	v62 =	vld [tilespmem:s1+$0xDE00];
	v6 =	vpsel !p3, $0x0, v58;
	v5 =	vadd.s32 v7, v5;
	p3 =	seq.s32 s7, $0x1;
	v61 =	vadd.s32 v15, v11  }
0x3ce: {  	v63 =	vld [tilespmem:s1+$0xE200];
	v7 =	vpsel !p3, $0x0, v59;
	v5 =	vadd.s32 v6, v5;
	p3 =	seq.s32 s12, $0x1;
	v8 =	vadd.s32 v16, v61  }
0x3cf: {  	v6 =	vpsel !p3, $0x0, v60;
	v5 =	vadd.s32 v7, v5;
	v8 =	vadd.s32 v17, v8  }
0x3d0: {  	v7 =	vpsel !p4, $0x0, v12;
	v5 =	vadd.s32 v6, v5;
	v8 =	vadd.s32 v18, v8  }
0x3d1: {  	v6 =	vpsel !p0, $0x0, v13;
	v5 =	vadd.s32 v7, v5;
	v8 =	vadd.s32 v19, v8  }
0x3d2: {  	s15 =	sld [smem:$0x7F0];
	v7 =	vpsel !p2, $0x0, v14;
	v5 =	vadd.s32 v6, v5;
	v8 =	vadd.s32 v62, v8  }
0x3d3: {  	s18 =	sld [smem:$0x7EF];
	v6 =	vpsel !p1, $0x0, v15;
	v5 =	vadd.s32 v7, v5;
	v8 =	vadd.s32 v63, v8  }
0x3d4: {  	s25 =	sld [smem:$0x7FD];
	v7 =	vpsel !p6, $0x0, v16;
	v5 =	vadd.s32 v6, v5;
	(xrf0) =	vadd.scan.msk.s32 $0xffff, v8  }
0x3d5: {  	v6 =	vpsel !p5, $0x0, v17;
	p5 =	seq.s32 s15, $0x1;
	v5 =	vadd.s32 v7, v5  }
0x3d6: {  	v7 =	vpsel !p5, $0x0, v18;
	p5 =	seq.s32 s18, $0x1;
	v5 =	vadd.s32 v6, v5  }
0x3d7: {  	v6 =	vpsel !p5, $0x0, v19;
	p5 =	seq.s32 s25, $0x1;
	v5 =	vadd.s32 v7, v5  }
0x3d8: {  	v7 =	vpsel !p5, $0x0, v62;
	v5 =	vadd.s32 v6, v5  }
0x3d9: {  	v5 =	vadd.s32 v7, v5  }
0x3da: {  	v5 =	vsub.s32 v5, v8;
	v6, _, _ =	vpop (xrf0)  }
0x3db: {  	s28 =	simm.s32 $0x10;
	v5 =	vadd.s32 v6, v5  }
0x3dc: {  	s5 =	sand.u32 $0x3F0, s28;
	[tilespmem:s8+$0x0] =	vst v5  }
0x3dd: {  	s2 =	simm.s32 $0xA610;
	s0 =	simm.s32 $0x0;
	s4 =	simm.s32 $0x20;
	(v2sf) =	vpush v6, $0xF;
	v5 =	vld [tilespmem:s5+$0xAA00]  }
.LBB2_31:
0x3de: {  	_ =	sdelay $0x4  }
0x3df: {  	v6 =	vld [tilespmem:s2+$0x0];
	s1 =	sld [smem:$0x7FA]  }
0x3e0: {  	v7 =	vld [tilespmem:s5+$0xAE00];
	s28 =	sld [smem:$0x7FB]  }
0x3e1: {  	v8 =	vld [tilespmem:s5+$0xB200]  }
0x3e2: {  	v9 =	vld [tilespmem:s5+$0xB600];
	p3 =	seq.s32 s1, $0x1  }
0x3e3: {  	v11 =	vld [tilespmem:s5+$0xBA00];
	v10 =	vpsel !p3, $0x0, v5;
	p3 =	seq.s32 s28, $0x1  }
0x3e4: {  	v12 =	vpsel p3, $0x0, v6;
	v5 =	vadd.s32 v6, v5;
	v6 =	vld [tilespmem:s5+$0xBE00]  }
0x3e5: {  	s3 =	sld [smem:$0x7F9];
	v13 =	vld [tilespmem:s5+$0xC200];
	v5 =	vadd.s32 v7, v5  }
0x3e6: {  	v14 =	vld [tilespmem:s5+$0xC600];
	v5 =	vadd.s32 v8, v5  }
0x3e7: {  	v15 =	vld [tilespmem:s5+$0xCA00];
	v5 =	vadd.s32 v9, v5  }
0x3e8: {  	s6 =	sld [smem:$0x7F8];
	v16 =	vld [tilespmem:s5+$0xCE00];
	p3 =	seq.s32 s3, $0x1;
	v5 =	vadd.s32 v11, v5;
	s3 =	spop (v2sf)  }
0x3e9: {  	s7 =	sld [smem:$0x7F7];
	v17 =	vld [tilespmem:s5+$0xD200];
	v5 =	vadd.s32 v6, v5;
	s0 =	sadd.s32 s0, s3  }
0x3ea: {  	s12 =	sld [smem:$0x7F6];
	v18 =	vld [tilespmem:s5+$0xD600];
	v5 =	vadd.s32 v13, v5;
	v12 =	vadd.s32 s0, v12  }
0x3eb: {  	v19 =	vld [tilespmem:s5+$0xDA00];
	v7 =	vpsel !p3, $0x0, v7;
	p3 =	seq.s32 s6, $0x1;
	v5 =	vadd.s32 v14, v5;
	v10 =	vadd.s32 v10, v12  }
0x3ec: {  	v20 =	vld [tilespmem:s5+$0xDE00];
	v8 =	vpsel !p3, $0x0, v8;
	p3 =	seq.s32 s7, $0x1;
	v5 =	vadd.s32 v15, v5;
	v7 =	vadd.s32 v7, v10  }
0x3ed: {  	v59 =	vld [tilespmem:s5+$0xE200];
	v9 =	vpsel !p3, $0x0, v9;
	p3 =	seq.s32 s12, $0x1;
	v5 =	vadd.s32 v16, v5;
	v7 =	vadd.s32 v8, v7  }
0x3ee: {  	v11 =	vpsel !p3, $0x0, v11;
	v5 =	vadd.s32 v17, v5;
	v7 =	vadd.s32 v9, v7  }
0x3ef: {  	v6 =	vpsel !p4, $0x0, v6;
	v5 =	vadd.s32 v18, v5;
	v7 =	vadd.s32 v11, v7  }
0x3f0: {  	s15 =	sld [smem:$0x7FC];
	v13 =	vpsel !p0, $0x0, v13;
	v5 =	vadd.s32 v19, v5;
	v6 =	vadd.s32 v6, v7  }
0x3f1: {  	s18 =	sld [smem:$0x7F0];
	v14 =	vpsel !p2, $0x0, v14;
	v5 =	vadd.s32 v20, v5;
	v6 =	vadd.s32 v13, v6  }
0x3f2: {  	s25 =	sld [smem:$0x7EF];
	v15 =	vpsel !p1, $0x0, v15;
	v5 =	vadd.s32 v59, v5;
	v6 =	vadd.s32 v14, v6  }
0x3f3: {  	s28 =	sld [smem:$0x7FD];
	v58 =	vpsel !p6, $0x0, v16;
	p3 =	seq.s32 s15, $0x1;
	(xrf0) =	vadd.scan.msk.s32 $0xffff, v5;
	v6 =	vadd.s32 v15, v6  }
0x3f4: {  	v60 =	vpsel !p3, $0x0, v17;
	p3 =	seq.s32 s18, $0x1;
	v6 =	vadd.s32 v58, v6  }
0x3f5: {  	v61 =	vpsel !p3, $0x0, v18;
	p3 =	seq.s32 s25, $0x1;
	v6 =	vadd.s32 v60, v6  }
0x3f6: {  	v62 =	vpsel !p3, $0x0, v19;
	p3 =	seq.s32 s28, $0x1;
	v6 =	vadd.s32 v61, v6  }
0x3f7: {  	p5 =	sne.s32 s4, $0x3F0;
	v63 =	vpsel !p3, $0x0, v20;
	v6 =	vadd.s32 v62, v6  }
.Ltmp18:
0x3f8: {  	v6 =	vadd.s32 v63, v6;
	(pc) =	sbr.rel @p5 .LBB2_31-.Ltmp18, $4  }
0x3f9: {  	v7, _, _ =	vpop (xrf0);
	v5 =	vsub.s32 v6, v5  }
0x3fa: {  	s8 =	sadd.s32 $0x10, s8;
	v5 =	vadd.s32 v7, v5  }
0x3fb: {  	s5 =	sand.u32 $0x3F0, s4;
	[tilespmem:s8+$0x0] =	vst v5  }
0x3fc: {  	s2 =	sadd.s32 $0x10, s2;
	s4 =	sadd.s32 $0x10, s4;
	(v2sf) =	vpush v7, $0xF;
	v5 =	vld [tilespmem:s5+$0xAA00]  }
0x3fd: {  	v6 =	vld [tilespmem:s2+$0x0]  }
0x3fe: {  	v7 =	vld [tilespmem:s5+$0xAE00]  }
0x3ff: {  	v8 =	vld [tilespmem:s5+$0xB200]  }
0x400: {  	v9 =	vld [tilespmem:s5+$0xB600]  }
0x401: {  	v10 =	vld [tilespmem:s5+$0xBA00]  }
0x402: {  	v12 =	vld [tilespmem:s5+$0xBE00];
	v11 =	vadd.s32 v6, v5  }
0x403: {  	v13 =	vld [tilespmem:s5+$0xC200];
	v11 =	vadd.s32 v7, v11  }
0x404: {  	v14 =	vld [tilespmem:s5+$0xC600];
	v11 =	vadd.s32 v8, v11  }
0x405: {  	v15 =	vld [tilespmem:s5+$0xCA00];
	v11 =	vadd.s32 v9, v11  }
0x406: {  	v16 =	vld [tilespmem:s5+$0xCE00];
	v11 =	vadd.s32 v10, v11  }
0x407: {  	v17 =	vld [tilespmem:s5+$0xD200];
	v11 =	vadd.s32 v12, v11  }
0x408: {  	v18 =	vld [tilespmem:s5+$0xD600];
	v11 =	vadd.s32 v13, v11  }
0x409: {  	v19 =	vld [tilespmem:s5+$0xDA00];
	v11 =	vadd.s32 v14, v11  }
0x40a: {  	v20 =	vld [tilespmem:s5+$0xDE00];
	v11 =	vadd.s32 v15, v11  }
0x40b: {  	v21 =	vld [tilespmem:s5+$0xE200];
	v11 =	vadd.s32 v16, v11  }
0x40c: {  	v11 =	vadd.s32 v17, v11  }
0x40d: {  	v11 =	vadd.s32 v18, v11  }
0x40e: {  	v11 =	vadd.s32 v19, v11  }
0x40f: {  	s1 =	sld [smem:$0x7FB];
	v11 =	vadd.s32 v20, v11  }
0x410: {  	v11 =	vadd.s32 v21, v11  }
0x411: {  	(xrf0) =	vadd.scan.msk.s32 $0xffff, v11  }
0x412: {  	s2 =	sld [smem:$0x7FA];
	p3 =	seq.s32 s1, $0x1;
	s28 =	spop (v2sf)  }
0x413: {  	s3 =	sld [smem:$0x7F9];
	v6 =	vpsel p3, $0x0, v6;
	s0 =	sadd.s32 s0, s28  }
0x414: {  	s4 =	sld [smem:$0x7F8];
	v6 =	vadd.s32 s0, v6  }
0x415: {  	s5 =	sld [smem:$0x7F7];
	p5 =	seq.s32 s2, $0x1  }
0x416: {  	s6 =	sld [smem:$0x7F6];
	v5 =	vpsel !p5, $0x0, v5;
	p5 =	seq.s32 s3, $0x1  }
0x417: {  	v7 =	vpsel !p5, $0x0, v7;
	p5 =	seq.s32 s4, $0x1;
	v5 =	vadd.s32 v5, v6;
	v6, _, _ =	vpop (xrf0)  }
0x418: {  	v8 =	vpsel !p5, $0x0, v8;
	p5 =	seq.s32 s5, $0x1;
	v5 =	vadd.s32 v7, v5;
	(v2sf) =	vpush v6, $0xF  }
0x419: {  	v7 =	vpsel !p5, $0x0, v9;
	p5 =	seq.s32 s6, $0x1;
	v5 =	vadd.s32 v8, v5  }
0x41a: {  	v59 =	vpsel !p5, $0x0, v10;
	v5 =	vadd.s32 v7, v5  }
0x41b: {  	v7 =	vpsel !p4, $0x0, v12;
	v5 =	vadd.s32 v59, v5  }
0x41c: {  	s7 =	sld [smem:$0x7FC];
	v60 =	vpsel !p0, $0x0, v13;
	v5 =	vadd.s32 v7, v5  }
0x41d: {  	s12 =	sld [smem:$0x7F0];
	v7 =	vpsel !p2, $0x0, v14;
	v5 =	vadd.s32 v60, v5  }
0x41e: {  	s15 =	sld [smem:$0x7EF];
	v61 =	vpsel !p1, $0x0, v15;
	v5 =	vadd.s32 v7, v5  }
0x41f: {  	s18 =	sld [smem:$0x7FD];
	p4 =	seq.s32 s7, $0x1;
	v7 =	vpsel !p6, $0x0, v16;
	v5 =	vadd.s32 v61, v5  }
0x420: {  	p5 =	seq.s32 s12, $0x1;
	v62 =	vpsel !p4, $0x0, v17;
	v5 =	vadd.s32 v7, v5  }
0x421: {  	p6 =	seq.s32 s15, $0x1;
	v7 =	vpsel !p5, $0x0, v18;
	v5 =	vadd.s32 v62, v5  }
0x422: {  	p0 =	seq.s32 s18, $0x1;
	v63 =	vpsel !p6, $0x0, v19;
	v5 =	vadd.s32 v7, v5  }
0x423: {  	v7 =	vpsel !p0, $0x0, v20;
	v5 =	vadd.s32 v63, v5  }
0x424: {  	v5 =	vadd.s32 v7, v5  }
0x425: {  	v5 =	vsub.s32 v5, v11  }
0x426: {  	s25 =	sadd.s32 $0x10, s8;
	v5 =	vadd.s32 v6, v5  }
0x427: {  	[tilespmem:s25+$0x0] =	vst v5;
	s28 =	spop (v2sf)  }
.LBB2_33:
0x428: {  	s0 =	sshra.s32 s19, $0x2  }
0x429: {  	v5 =	vld [tilespmem:s0+$0x0];
	_ =	sdelay $0x4  }
0x42a: {  	v5 =	vshrl.u32 v5, $0x14  }
0x42b: {  	v5 =	vand.u32 $0x3FF, v5  }
0x42c: {  	(xrf1) =	vunique.msk.u32 $0xffff, v5;
	_ =	sdelay $0xb  }
0x42d: {  	v6 =	vld.idx.msk [tilespmem:v5+s21+$0x0], $0xffff;
	_ =	sdelay $0x1  }
0x42e: {  	_, v7, vm0 =	vpop (xrf1);
	_ =	sdelay $0x2  }
0x42f: {  	v6 =	vadd.s32 v6, v7  }
0x430: {  	v7 =	vadd.s32 $0xFFFFFFFF, v6  }
0x431: {  	[tilespmem:s0+$0x4980] =	vst v7  }
0x432: {  	[tilespmem:v5+s21+$0x0] =	vst.idx.msk vm0, v6  }
0x433: {  	v5 =	vld [tilespmem:s0+$0x10];
	_ =	sdelay $0x4  }
0x434: {  	v5 =	vshrl.u32 v5, $0x14  }
0x435: {  	v5 =	vand.u32 $0x3FF, v5  }
0x436: {  	(xrf1) =	vunique.msk.u32 $0xffff, v5;
	_ =	sdelay $0xb  }
0x437: {  	v6 =	vld.idx.msk [tilespmem:v5+s21+$0x0], $0xffff;
	_ =	sdelay $0x1  }
0x438: {  	_, v7, vm9 =	vpop (xrf1);
	_ =	sdelay $0x2  }
0x439: {  	v6 =	vadd.s32 v6, v7  }
0x43a: {  	v7 =	vadd.s32 $0xFFFFFFFF, v6  }
0x43b: {  	[tilespmem:s0+$0x4990] =	vst v7  }
0x43c: {  	[tilespmem:v5+s21+$0x0] =	vst.idx.msk vm9, v6  }
0x43d: {  	v5 =	vld [tilespmem:s0+$0x20];
	_ =	sdelay $0x4  }
0x43e: {  	v5 =	vshrl.u32 v5, $0x14  }
0x43f: {  	v5 =	vand.u32 $0x3FF, v5  }
0x440: {  	(xrf1) =	vunique.msk.u32 $0xffff, v5;
	_ =	sdelay $0xb  }
0x441: {  	v6 =	vld.idx.msk [tilespmem:v5+s21+$0x0], $0xffff;
	_ =	sdelay $0x1  }
0x442: {  	_, v7, vm10 =	vpop (xrf1);
	_ =	sdelay $0x2  }
0x443: {  	v6 =	vadd.s32 v6, v7  }
0x444: {  	v7 =	vadd.s32 $0xFFFFFFFF, v6  }
0x445: {  	[tilespmem:s0+$0x49A0] =	vst v7  }
0x446: {  	[tilespmem:v5+s21+$0x0] =	vst.idx.msk vm10, v6  }
0x447: {  	v5 =	vld [tilespmem:s0+$0x30];
	_ =	sdelay $0x4  }
0x448: {  	v5 =	vshrl.u32 v5, $0x14  }
0x449: {  	v5 =	vand.u32 $0x3FF, v5  }
0x44a: {  	(xrf1) =	vunique.msk.u32 $0xffff, v5;
	_ =	sdelay $0xb  }
0x44b: {  	v6 =	vld.idx.msk [tilespmem:v5+s21+$0x0], $0xffff;
	_ =	sdelay $0x1  }
0x44c: {  	_, v7, vm11 =	vpop (xrf1);
	_ =	sdelay $0x2  }
0x44d: {  	v6 =	vadd.s32 v6, v7  }
0x44e: {  	v7 =	vadd.s32 $0xFFFFFFFF, v6  }
0x44f: {  	[tilespmem:s0+$0x49B0] =	vst v7  }
0x450: {  	[tilespmem:v5+s21+$0x0] =	vst.idx.msk vm11, v6  }
0x451: {  	v5 =	vld [tilespmem:s0+$0x40];
	_ =	sdelay $0x4  }
0x452: {  	v5 =	vshrl.u32 v5, $0x14  }
0x453: {  	v5 =	vand.u32 $0x3FF, v5  }
0x454: {  	(xrf1) =	vunique.msk.u32 $0xffff, v5;
	_ =	sdelay $0xb  }
0x455: {  	v6 =	vld.idx.msk [tilespmem:v5+s21+$0x0], $0xffff;
	_ =	sdelay $0x1  }
0x456: {  	_, v7, vm12 =	vpop (xrf1);
	_ =	sdelay $0x2  }
0x457: {  	v6 =	vadd.s32 v6, v7  }
0x458: {  	v7 =	vadd.s32 $0xFFFFFFFF, v6  }
0x459: {  	[tilespmem:s0+$0x49C0] =	vst v7  }
0x45a: {  	[tilespmem:v5+s21+$0x0] =	vst.idx.msk vm12, v6  }
0x45b: {  	v5 =	vld [tilespmem:s0+$0x50];
	_ =	sdelay $0x4  }
0x45c: {  	v5 =	vshrl.u32 v5, $0x14  }
0x45d: {  	v5 =	vand.u32 $0x3FF, v5  }
0x45e: {  	(xrf1) =	vunique.msk.u32 $0xffff, v5;
	_ =	sdelay $0xb  }
0x45f: {  	v6 =	vld.idx.msk [tilespmem:v5+s21+$0x0], $0xffff;
	_ =	sdelay $0x1  }
0x460: {  	_, v7, vm13 =	vpop (xrf1);
	_ =	sdelay $0x2  }
0x461: {  	v6 =	vadd.s32 v6, v7  }
0x462: {  	v7 =	vadd.s32 $0xFFFFFFFF, v6  }
0x463: {  	[tilespmem:s0+$0x49D0] =	vst v7  }
0x464: {  	[tilespmem:v5+s21+$0x0] =	vst.idx.msk vm13, v6  }
0x465: {  	v5 =	vld [tilespmem:s0+$0x60];
	_ =	sdelay $0x4  }
0x466: {  	v5 =	vshrl.u32 v5, $0x14  }
0x467: {  	v5 =	vand.u32 $0x3FF, v5  }
0x468: {  	(xrf1) =	vunique.msk.u32 $0xffff, v5;
	_ =	sdelay $0xb  }
0x469: {  	v6 =	vld.idx.msk [tilespmem:v5+s21+$0x0], $0xffff;
	_ =	sdelay $0x1  }
0x46a: {  	_, v7, vm14 =	vpop (xrf1);
	_ =	sdelay $0x2  }
0x46b: {  	v6 =	vadd.s32 v6, v7  }
0x46c: {  	v7 =	vadd.s32 $0xFFFFFFFF, v6  }
0x46d: {  	[tilespmem:s0+$0x49E0] =	vst v7  }
0x46e: {  	[tilespmem:v5+s21+$0x0] =	vst.idx.msk vm14, v6  }
0x46f: {  	v5 =	vld [tilespmem:s0+$0x70];
	_ =	sdelay $0x4  }
0x470: {  	v5 =	vshrl.u32 v5, $0x14  }
0x471: {  	v5 =	vand.u32 $0x3FF, v5  }
0x472: {  	(xrf1) =	vunique.msk.u32 $0xffff, v5;
	_ =	sdelay $0xb  }
0x473: {  	v6 =	vld.idx.msk [tilespmem:v5+s21+$0x0], $0xffff;
	_ =	sdelay $0x1  }
0x474: {  	_, v7, vm15 =	vpop (xrf1)  }
0x475: {  	p3 =	sne.s32 s19, $0x6000  }
.Ltmp19:
0x476: {  	_ = 	snop;
	(pc) =	sbr.rel @p3 .LBB2_33-.Ltmp19, $4  }
0x477: {  	v6 =	vadd.s32 v6, v7  }
0x478: {  	v7 =	vadd.s32 $0xFFFFFFFF, v6  }
0x479: {  	[tilespmem:s0+$0x49F0] =	vst v7  }
0x47a: {  	s19 =	sadd.s32 $0x200, s19;
	[tilespmem:v5+s21+$0x0] =	vst.idx.msk vm15, v6  }
0x47b: {  	s0 =	simm.s32 $0x0  }
0x47c: {  	[spmem:s16] =	stream.indirect.scatter [tilespmem:s0], [sflag:$0x1], $0x1, s26, s13, $0xb8;
	[tilespmem:$0x134A0] =	vst v63  }
0x47d: {  	_ =	swait.ge [sflag:s31], $0x1880  }
0x47e: {  	[sflag:s31] =	ssyncset.done $0x0  }
0x47f: {  	[sflag:s31] =	ssyncadd.s32 $0xFFFFE780  }
0x480: {  	[bflag:$0x0] =	sbarrier.arrive $0xFFFF  }
0x481: {  	[tilespmem:s0], [sflag:$0x3] =	stream.linear.gather [spmem:s23], $0x1880, $0x38;
	[tilespmem:$0x134A0] =	vst v63  }
0x482: {  	_ =	swait.ge [sflag:s20], $0x1880  }
0x483: {  	[sflag:s20] =	ssyncset.done $0x0  }
0x484: {  	s31 =	simm.s32 $0x0;
	[sflag:s20] =	ssyncadd.s32 $0xFFFFE780  }
0x485: {  	v5 =	vld [tilespmem:s31+$0x0];
	_ =	sdelay $0x1  }
0x486: {  	v6 =	vld [tilespmem:s31+$0x10];
	_ =	sdelay $0x1  }
0x487: {  	v7 =	vld [tilespmem:s31+$0x20]  }
0x488: {  	v5 =	vsub.s32 $0x3F800000, v5  }
0x489: {  	v8 =	vld [tilespmem:s31+$0x30];
	vm0 =	vgt.f32 v5, $0.0e+00  }
0x48a: {  	v9 =	vimm.f32 $0.0e+00;
	v6 =	vsub.s32 $0x3F800000, v6;
	v5 =	vnsel vm0, $0x0, v5  }
0x48b: {  	v10 =	vld [tilespmem:s31+$0x40];
	vm12 =	vgt.f32 v6, $0.0e+00;
	v5 =	vadd.f32 v5, v9  }
0x48c: {  	v7 =	vsub.s32 $0x3F800000, v7;
	v6 =	vnsel vm12, $0x0, v6  }
0x48d: {  	v11 =	vld [tilespmem:s31+$0x50];
	vm13 =	vgt.f32 v7, $0.0e+00;
	v5 =	vadd.f32 v6, v5  }
0x48e: {  	v6 =	vnsel vm13, $0x0, v7;
	v7 =	vsub.s32 $0x3F800000, v8  }
0x48f: {  	vm14 =	vgt.f32 v7, $0.0e+00;
	v5 =	vadd.f32 v6, v5;
	v6 =	vld [tilespmem:s31+$0x60]  }
0x490: {  	v8 =	vsub.s32 $0x3F800000, v10;
	v7 =	vnsel vm14, $0x0, v7  }
0x491: {  	vm15 =	vgt.f32 v8, $0.0e+00;
	v7 =	vadd.f32 v7, v5;
	v5 =	vld [tilespmem:s31+$0x70]  }
0x492: {  	s2 =	simm.s32 $0x400;
	s0 =	simm.s32 $0x80;
	v9 =	vnsel vm15, $0x0, v8;
	v8 =	vsub.s32 $0x3F800000, v11  }
.LBB2_35:
0x493: {  	p3 =	sne.s32 s2, $0x6000;
	v10 =	vld [tilespmem:s0+$0x0];
	v7 =	vadd.f32 v9, v7;
	vm0 =	vgt.f32 v8, $0.0e+00  }
0x494: {  	v8 =	vnsel vm0, $0x0, v8;
	v6 =	vsub.s32 $0x3F800000, v6  }
0x495: {  	v9 =	vld [tilespmem:s0+$0x10];
	v7 =	vadd.f32 v8, v7;
	vm0 =	vgt.f32 v6, $0.0e+00  }
0x496: {  	v6 =	vnsel vm0, $0x0, v6;
	v5 =	vsub.s32 $0x3F800000, v5  }
0x497: {  	v8 =	vld [tilespmem:s0+$0x20];
	v6 =	vadd.f32 v6, v7;
	vm0 =	vgt.f32 v5, $0.0e+00  }
0x498: {  	v7 =	vsub.s32 $0x3F800000, v10;
	v5 =	vnsel vm0, $0x0, v5  }
0x499: {  	vm0 =	vgt.f32 v7, $0.0e+00;
	v10 =	vld [tilespmem:s0+$0x30];
	v5 =	vadd.f32 v5, v6  }
0x49a: {  	v6 =	vnsel vm0, $0x0, v7;
	v7 =	vsub.s32 $0x3F800000, v9  }
0x49b: {  	v5 =	vadd.f32 v6, v5;
	vm0 =	vgt.f32 v7, $0.0e+00;
	v9 =	vld [tilespmem:s0+$0x40]  }
0x49c: {  	v6 =	vnsel vm0, $0x0, v7;
	v7 =	vsub.s32 $0x3F800000, v8  }
0x49d: {  	v5 =	vadd.f32 v6, v5;
	vm0 =	vgt.f32 v7, $0.0e+00;
	v8 =	vld [tilespmem:s0+$0x50]  }
.Ltmp20:
0x49e: {  	v6 =	vnsel vm0, $0x0, v7;
	v7 =	vsub.s32 $0x3F800000, v10;
	(pc) =	sbr.rel @p3 .LBB2_35-.Ltmp20, $4  }
0x49f: {  	v5 =	vadd.f32 v6, v5;
	vm0 =	vgt.f32 v7, $0.0e+00;
	v6 =	vld [tilespmem:s0+$0x60]  }
0x4a0: {  	v7 =	vnsel vm0, $0x0, v7;
	v9 =	vsub.s32 $0x3F800000, v9  }
0x4a1: {  	v7 =	vadd.f32 v7, v5;
	vm0 =	vgt.f32 v9, $0.0e+00;
	v5 =	vld [tilespmem:s0+$0x70]  }
0x4a2: {  	s0 =	sshra.s32 s2, $0x2;
	s2 =	sadd.s32 $0x200, s2;
	v9 =	vnsel vm0, $0x0, v9;
	v8 =	vsub.s32 $0x3F800000, v8  }
0x4a3: {  	v10 =	vld [tilespmem:s0+$0x0];
	v7 =	vadd.f32 v9, v7;
	vm0 =	vgt.f32 v8, $0.0e+00  }
0x4a4: {  	v8 =	vnsel vm0, $0x0, v8;
	v6 =	vsub.s32 $0x3F800000, v6  }
0x4a5: {  	v60 =	vld [tilespmem:s0+$0x10];
	v7 =	vadd.f32 v8, v7;
	vm12 =	vgt.f32 v6, $0.0e+00  }
0x4a6: {  	v6 =	vnsel vm12, $0x0, v6;
	v5 =	vsub.s32 $0x3F800000, v5  }
0x4a7: {  	v8 =	vld [tilespmem:s0+$0x20];
	v6 =	vadd.f32 v6, v7;
	vm13 =	vgt.f32 v5, $0.0e+00  }
0x4a8: {  	v7 =	vsub.s32 $0x3F800000, v10;
	v5 =	vnsel vm13, $0x0, v5  }
0x4a9: {  	v61 =	vld [tilespmem:s0+$0x30];
	vm14 =	vgt.f32 v7, $0.0e+00;
	v5 =	vadd.f32 v5, v6  }
0x4aa: {  	v6 =	vnsel vm14, $0x0, v7;
	v7 =	vsub.s32 $0x3F800000, v60  }
0x4ab: {  	v5 =	vadd.f32 v6, v5;
	vm15 =	vgt.f32 v7, $0.0e+00;
	v6 =	vld [tilespmem:s0+$0x40]  }
0x4ac: {  	v8 =	vsub.s32 $0x3F800000, v8;
	v7 =	vnsel vm15, $0x0, v7  }
0x4ad: {  	vm9 =	vgt.f32 v8, $0.0e+00;
	v5 =	vadd.f32 v7, v5;
	v7 =	vld [tilespmem:s0+$0x50]  }
0x4ae: {  	v62 =	vsub.s32 $0x3F800000, v61;
	v8 =	vnsel vm9, $0x0, v8  }
0x4af: {  	vm10 =	vgt.f32 v62, $0.0e+00;
	v5 =	vadd.f32 v8, v5;
	v8 =	vld [tilespmem:s0+$0x60]  }
0x4b0: {  	v9 =	vnsel vm10, $0x0, v62;
	v6 =	vsub.s32 $0x3F800000, v6  }
0x4b1: {  	v63 =	vld [tilespmem:s0+$0x70];
	v5 =	vadd.f32 v9, v5;
	vm11 =	vgt.f32 v6, $0.0e+00  }
0x4b2: {  	v6 =	vnsel vm11, $0x0, v6;
	v7 =	vsub.s32 $0x3F800000, v7  }
0x4b3: {  	v5 =	vadd.f32 v6, v5;
	vm12 =	vgt.f32 v7, $0.0e+00  }
0x4b4: {  	v6 =	vnsel vm12, $0x0, v7;
	v7 =	vsub.s32 $0x3F800000, v8  }
0x4b5: {  	v5 =	vadd.f32 v6, v5;
	vm13 =	vgt.f32 v7, $0.0e+00  }
0x4b6: {  	v6 =	vnsel vm13, $0x0, v7;
	v7 =	vsub.s32 $0x3F800000, v63  }
0x4b7: {  	v5 =	vadd.f32 v6, v5;
	vm14 =	vgt.f32 v7, $0.0e+00  }
0x4b8: {  	v6 =	vnsel vm14, $0x0, v7  }
0x4b9: {  	v5 =	vadd.f32 v6, v5;
	_ =	sdelay $0x1  }
0x4ba: {  	(xrf2) =	vadd.scan.msk.f32 $0xffff, v5;
	_ =	sdelay $0x9  }
0x4bb: {  	v5, _, _ =	vpop (xrf2)  }
0x4bc: {  	v5 =	vbroadcast v5, $0xF;
	_ =	sdelay $0x1  }
0x4bd: {  	s28 =	simm.s32 $0xFE80;
	[tilespmem:$0xFE80] =	vst v5  }
0x4be: {  	[spmem:s29] =	stream.linear.scatter [tilespmem:s28], [sflag:$0x3], $0x10, $0x38;
	[tilespmem:$0x134A0] =	vst v63  }
0x4bf: {  	_ =	swait.ge [sflag:s20], $0x10  }
0x4c0: {  	[sflag:s20] =	ssyncset.done $0x0  }
0x4c1: {  	v7 =	vmul.u32 $0x10, v2;
	[sflag:s20] =	ssyncadd.s32 $0xFFFFFFF0  }
0x4c2: {  	s31 =	simm.s32 $0x3100;
	[bflag:$0x0] =	sbarrier.arrive $0xFFFF  }
0x4c3: {  	[tilespmem:s31], [sflag:$0x3] =	stream.linear.gather [spmem:s10], $0x100, $0x38;
	[tilespmem:$0x134A0] =	vst v63  }
0x4c4: {  	_ =	swait.ge [sflag:s20], $0x100  }
0x4c5: {  	[sflag:s20] =	ssyncset.done $0x0  }
0x4c6: {  	[sflag:s20] =	ssyncadd.s32 $0xFFFFFF00  }
0x4c7: {  	v5 =	vld.idx.msk [tilespmem:v7+s31+$0x0], $0xffff;
	_ =	sdelay $0x3  }
0x4c8: {  	vm15 =	vgt.u32 v0, v2  }
0x4c9: {  	v5 =	vnsel vm15, $0x0, v5  }
0x4ca: {  	(xrf2) =	vadd.scan.msk.f32 $0xffff, v5;
	_ =	sdelay $0x9  }
0x4cb: {  	v5, _, _ =	vpop (xrf2)  }
0x4cc: {  	(v2sf) =	vpush v5, $0xF;
	_ =	sdelay $0xe  }
0x4cd: {  	s6 =	spop (v2sf)  }
0x4ce: {  	p3 =	slt.f32 s6, $8.999999760e-01  }
.Ltmp21:
0x4cf: {  	_ = 	snop;
	(pc) =	sbr.rel @!p3 .LBB2_37-.Ltmp21, $4  }
0x4d0: {  	_ = 	snop  }
0x4d1: {  	v6 =	vimm.s32 $0x0  }
0x4d2: {  	v6 =	vsel vm15, $0xFFFFFFFF, v6  }
0x4d3: {  	[tilespmem:$0x1FFF0] =	vst v6  }
0x4d4: {  	s0 =	rddreg [dreg:$0x1]  }
0x4d5: {  	s2 =	simm.s32 @p0 $0x0;
	s3 =	simm.s32 @p0 $0x3100;
	s0 =	sadd.s32 s0, s24  }
0x4d6: {  	[tilespmem:s3], [sflag:$0x3] =	stream.linear.gather @p0 [hbm4b:s0+s2], $0x1720, $0x38;
	[tilespmem:$0x134A0] =	vst v63  }
0x4d7: {  	s2 =	simm.s32 @p0 $0x3  }
0x4d8: {  	_ =	swait.ge @p0 [sflag:s2], $0x1720  }
0x4d9: {  	[sflag:s2] =	ssyncset.done @p0 $0x0  }
0x4da: {  	s3 =	simm.s32 @!p0 $0x3100;
	[sflag:s2] =	ssyncadd.s32 @p0 $0xFFFFE8E0;
	s2 =	simm.s32 @!p0 $0x0  }
0x4db: {  	[tilespmem:s3], [sflag:$0x3] =	stream.linear.gather @!p0 [hbm4b:s0+s2], $0x1880, $0x38;
	[tilespmem:$0x134A0] =	vst v63  }
0x4dc: {  	s0 =	simm.s32 @!p0 $0x3  }
0x4dd: {  	_ =	swait.ge @!p0 [sflag:s0], $0x1880  }
0x4de: {  	s5 =	simm.s32 $0x0;
	s4 =	smov.u32 s11;
	[sflag:s0] =	ssyncset.done @!p0 $0x0  }
0x4df: {  	v8 =	vimm.f32 $-2.000000000e+00;
	v6 =	vimm.s32 $0x40000000;
	v5 =	vimm.f32 $0.0e+00;
	s2 =	simm.s32 $0x20;
	[sflag:s0] =	ssyncadd.s32 @!p0 $0xFFFFE780;
	s0 =	simm.s32 $0x3120  }
.LBB2_39:
0x4e0: {  	v9 =	vld [tilespmem:s2+$0xFFFFFFE0];
	_ =	sdelay $0x4  }
0x4e1: {  	v9 =	vsub.s32 $0x3F800000, v9  }
0x4e2: {  	v10 =	vld [tilespmem:s2+$0xFFFFFFF0];
	vm3 =	vgt.f32 v9, $0.0e+00  }
0x4e3: {  	(xrf2) =	vadd.scan.msk.f32 $0xffff, v9;
	v11 =	vnsel vm3, $0x0, v9  }
0x4e4: {  	v12 =	vld [tilespmem:s2+$0x0];
	(xrf2) =	vadd.scan.msk.f32 $0xffff, v11;
	_ =	sdelay $0x1  }
0x4e5: {  	v11 =	vld [tilespmem:s2+$0x10]  }
0x4e6: {  	v10 =	vsub.s32 $0x3F800000, v10  }
0x4e7: {  	vm2 =	vgt.f32 v10, $0.0e+00  }
0x4e8: {  	v12 =	vsub.s32 $0x3F800000, v12;
	v13 =	vnsel vm2, $0x0, v10;
	(xrf2) =	vadd.scan.msk.f32 $0xffff, v10  }
0x4e9: {  	vm1 =	vgt.f32 v12, $0.0e+00;
	(xrf2) =	vadd.scan.msk.f32 $0xffff, v13  }
0x4ea: {  	v49 =	vnsel vm1, $0x0, v12;
	(xrf2) =	vadd.scan.msk.f32 $0xffff, v12;
	v11 =	vsub.s32 $0x3F800000, v11  }
0x4eb: {  	(xrf2) =	vadd.scan.msk.f32 $0xffff, v49;
	vm0 =	vgt.f32 v11, $0.0e+00  }
0x4ec: {  	v14 =	vnsel vm0, $0x0, v11;
	v50, _, _ =	vpop (xrf2);
	(xrf2) =	vadd.scan.msk.f32 $0xffff, v11  }
0x4ed: {  	v15, _, _ =	vpop (xrf2);
	(xrf2) =	vadd.scan.msk.f32 $0xffff, v14;
	_ =	sdelay $0x4  }
0x4ee: {  	(v2sf) =	vpush v15, $0xF;
	v51, _, _ =	vpop (xrf2)  }
0x4ef: {  	v52, _, _ =	vpop (xrf2)  }
0x4f0: {  	(v2sf) =	vpush v52, $0xF;
	v53, _, _ =	vpop (xrf2)  }
0x4f1: {  	v16, _, _ =	vpop (xrf2)  }
0x4f2: {  	(v2sf) =	vpush v16, $0xF;
	v54, _, _ =	vpop (xrf2)  }
0x4f3: {  	v17, _, _ =	vpop (xrf2)  }
0x4f4: {  	(v2sf) =	vpush v17, $0xF;
	_ =	sdelay $0x5  }
0x4f5: {  	v55 =	vld [tilespmem:s0+$0xFFFFFFE0];
	_ =	sdelay $0x1  }
0x4f6: {  	v13 =	vsub.f32 v50, v9  }
0x4f7: {  	v18 =	vld [tilespmem:s0+$0xFFFFFFF0];
	s3 =	spop (v2sf)  }
0x4f8: {  	v58 =	vld [tilespmem:s0+$0x0];
	v13 =	vadd.f32 s6, v13;
	v14 =	vsub.f32 v51, v10;
	s3 =	sadd.f32 s3, s6  }
0x4f9: {  	v56 =	vmul.f32 v9, v55;
	s19 =	spop (v2sf)  }
0x4fa: {  	vm4 =	vlt.f32 v13, $8.999999760e-01;
	v15 =	vsub.f32 v53, v12;
	v14 =	vadd.f32 s3, v14;
	s3 =	sadd.f32 s19, s3  }
0x4fb: {  	vm3 =	vmand vm3, vm4;
	s23 =	spop (v2sf)  }
0x4fc: {  	v59 =	vor.u32 s4, v2;
	v13 =	vnsel vm3, $0xBF800000, v56;
	v15 =	vadd.f32 s3, v15;
	s3 =	sadd.f32 s23, s3  }
0x4fd: {  	v57 =	vmul.f32 v10, v18;
	v62 =	vmul.f32 v12, v58;
	vm3 =	vgt.f32 v13, v8;
	s26 =	spop (v2sf)  }
0x4fe: {  	v60 =	vld [tilespmem:s0+$0x10];
	v8 =	vsel vm3, v13, v8;
	v6 =	vsel vm3, v59, v6;
	vm4 =	vlt.f32 v14, $8.999999760e-01;
	s6 =	sadd.f32 s26, s3  }
0x4ff: {  	s25 =	sadd.s32 $0x10, s4;
	p3 =	sgt.u32 s5, $0x60;
	v5 =	vsel vm3, v9, v5;
	v61 =	vsub.f32 v54, v11;
	vm2 =	vmand vm2, vm4  }
0x500: {  	v9 =	vor.u32 s25, v2;
	v14 =	vnsel vm2, $0xBF800000, v57;
	vm13 =	vlt.f32 v15, $8.999999760e-01;
	p4 =	slt.f32 @!p3 s6, $8.999999760e-01  }
0x501: {  	v13 =	vadd.f32 s3, v61;
	vm2 =	vgt.f32 v14, v8;
	vm1 =	vmand vm1, vm13  }
0x502: {  	v8 =	vsel vm2, v14, v8;
	v6 =	vsel vm2, v9, v6;
	v5 =	vsel vm2, v10, v5;
	p4 =	por p3, !p4  }
.Ltmp22:
0x503: {  	s28 =	sadd.s32 $0x20, s4;
	v9 =	vnsel vm1, $0xBF800000, v62;
	vm14 =	vlt.f32 v13, $8.999999760e-01;
	v10 =	vmul.f32 v11, v60;
	(pc) =	sbr.rel @!p4 .LBB2_39-.Ltmp22, $4  }
0x504: {  	v63 =	vor.u32 s28, v2;
	vm0 =	vmand vm0, vm14;
	vm15 =	vgt.f32 v9, v8  }
0x505: {  	s31 =	sadd.s32 $0x30, s4;
	v8 =	vsel vm15, v9, v8;
	v6 =	vsel vm15, v63, v6;
	v9 =	vnsel vm0, $0xBF800000, v10  }
0x506: {  	s5 =	sadd.s32 $0x1, s5;
	v5 =	vsel vm15, v12, v5;
	v10 =	vor.u32 s31, v2;
	vm0 =	vgt.f32 v9, v8  }
0x507: {  	s4 =	sadd.s32 $0x40, s4;
	s0 =	sadd.s32 $0x40, s0;
	s2 =	sadd.s32 $0x40, s2;
	v8 =	vsel vm0, v9, v8;
	v6 =	vsel vm0, v10, v6;
	v5 =	vsel vm0, v11, v5  }
.Ltmp23:
0x508: {  	(pc) =	sbr.rel .LBB2_41-.Ltmp23, $2  }
0x509: {  	_ =	sdelay $0x2  }
0x50a: {  	v8 =	vpsel p3, v8, v8;
	v6 =	vpsel p3, v6, v6;
	v5 =	vpsel p3, v5, v5  }
.LBB2_37:
0x50b: {  	v5 =	vimm.f32 $0.0e+00;
	v6 =	vimm.s32 $0x40000000;
	v8 =	vimm.f32 $-2.000000000e+00  }
.LBB2_41:
0x50c: {  	(xrf0) =	vmax.scan.msk.f32 $0xffff, v8;
	_ =	sdelay $0x5  }
0x50d: {  	v9, _, _ =	vpop (xrf0)  }
0x50e: {  	v9 =	vbroadcast v9, $0xF;
	_ =	sdelay $0x1  }
0x50f: {  	vm0 =	veq.f32 v8, v9;
	v8 =	vxor.u32 $0x80000000, v6  }
0x510: {  	v8 =	vnsel vm0, $0xC0000000, v8  }
0x511: {  	(xrf0) =	vmin.scan.msk.u32 $0xffff, v8;
	_ =	sdelay $0x5  }
0x512: {  	v8, _, _ =	vpop (xrf0)  }
0x513: {  	(v2sf) =	vpush v8, $0xF;
	_ =	sdelay $0xe  }
0x514: {  	s0 =	spop (v2sf)  }
0x515: {  	s0 =	sxor.u32 $0x80000000, s0  }
0x516: {  	vm12 =	veq.s32 v6, s0  }
0x517: {  	v5 =	vnsel vm12, $0xBF800000, v5  }
0x518: {  	(xrf0) =	vmax.scan.msk.f32 $0xffff, v5;
	_ =	sdelay $0x5  }
0x519: {  	v5, _, _ =	vpop (xrf0)  }
0x51a: {  	v5 =	vbroadcast v5, $0xF;
	_ =	sdelay $0x1  }
0x51b: {  	vm13 =	vcmask $0x3F04;
	v5 =	vnsel vm6, $0x0, v5  }
0x51c: {  	v5 =	vsel vm13, v5, v9  }
0x51d: {  	s2 =	simm.s32 $0xFE80;
	[tilespmem:$0xFE80] =	vst v5  }
0x51e: {  	[spmem:s29] =	stream.linear.scatter [tilespmem:s2], [sflag:$0x3], $0x10, $0x38;
	[tilespmem:$0x134A0] =	vst v63  }
0x51f: {  	_ =	swait.ge [sflag:s20], $0x10  }
0x520: {  	[sflag:s20] =	ssyncset.done $0x0  }
0x521: {  	v5 =	vmov s0;
	[sflag:s20] =	ssyncadd.s32 $0xFFFFFFF0  }
0x522: {  	s26 =	smov.u32 s14;
	s15 =	simm.s32 $0xFF00;
	s14 =	rddreg [dreg:$0xd];
	[tilespmem:$0xFF00] =	vst v5  }
0x523: {  	[spmem:s14] =	stream.linear.scatter [tilespmem:s15], [sflag:$0x3], $0x10, $0x38;
	[tilespmem:$0x134A0] =	vst v63  }
0x524: {  	_ =	swait.ge [sflag:s20], $0x10  }
0x525: {  	[sflag:s20] =	ssyncset.done $0x0  }
0x526: {  	[sflag:s20] =	ssyncadd.s32 $0xFFFFFFF0  }
0x527: {  	s16 =	simm.s32 $0x3100;
	[bflag:$0x0] =	sbarrier.arrive $0xFFFF  }
0x528: {  	[tilespmem:s16], [sflag:$0x3] =	stream.linear.gather [spmem:s10], $0x100, $0x38;
	[tilespmem:$0x134A0] =	vst v63  }
0x529: {  	_ =	swait.ge [sflag:s20], $0x100  }
0x52a: {  	[sflag:s20] =	ssyncset.done $0x0  }
0x52b: {  	s18 =	simm.s32 $0xA600;
	[sflag:s20] =	ssyncadd.s32 $0xFFFFFF00  }
0x52c: {  	[tilespmem:s18], [sflag:$0x3] =	stream.linear.gather [spmem:s17], $0x100, $0x38;
	[tilespmem:$0x134A0] =	vst v63  }
0x52d: {  	_ =	swait.ge [sflag:s20], $0x100  }
0x52e: {  	[sflag:s20] =	ssyncset.done $0x0  }
0x52f: {  	[sflag:s20] =	ssyncadd.s32 $0xFFFFFF00  }
0x530: {  	v5 =	vld.idx.msk [tilespmem:v7+s16+$0x0], $0xffff;
	_ =	sdelay $0x4  }
0x531: {  	(xrf0) =	vmax.scan.msk.f32 $0xffff, v5;
	_ =	sdelay $0x3  }
0x532: {  	v6 =	vld.idx.msk [tilespmem:v7+s18+$0x0], $0xffff;
	_ =	sdelay $0x1  }
0x533: {  	v8, _, _ =	vpop (xrf0)  }
0x534: {  	v8 =	vbroadcast v8, $0xF;
	_ =	sdelay $0x1  }
0x535: {  	vm14 =	veq.f32 v5, v8;
	v5 =	vxor.u32 $0x80000000, v6  }
0x536: {  	v5 =	vnsel vm14, $0xC0000000, v5  }
0x537: {  	(xrf0) =	vmin.scan.msk.u32 $0xffff, v5;
	_ =	sdelay $0x5  }
0x538: {  	v5, _, _ =	vpop (xrf0)  }
0x539: {  	(v2sf) =	vpush v5, $0xF;
	_ =	sdelay $0x7  }
0x53a: {  	v8 =	vor.u32 $0x1, v7;
	_ =	sdelay $0x4  }
0x53b: {  	v5 =	vld.idx.msk [tilespmem:v8+s16+$0x0], $0xffff;
	_ =	sdelay $0x1  }
0x53c: {  	s19 =	spop (v2sf)  }
0x53d: {  	s19 =	sxor.u32 $0x80000000, s19  }
0x53e: {  	vm15 =	veq.s32 v6, s19  }
0x53f: {  	v5 =	vnsel vm15, $0xBF800000, v5  }
0x540: {  	(xrf0) =	vmax.scan.msk.f32 $0xffff, v5;
	_ =	sdelay $0x3  }
0x541: {  	s0 =	simm.s32 @p0 $0x0;
	s2 =	simm.s32 @p0 $0x1880  }
0x542: {  	[tilespmem:s2], [sflag:$0x3] =	stream.linear.gather @p0 [hbm4b:s9+s0], $0x1720, $0x38;
	[tilespmem:$0x134A0] =	vst v63  }
0x543: {  	s0 =	simm.s32 @p0 $0x3;
	v5, _, _ =	vpop (xrf0)  }
0x544: {  	_ =	swait.ge @p0 [sflag:s0], $0x1720  }
0x545: {  	[sflag:s0] =	ssyncset.done @p0 $0x0  }
0x546: {  	s2 =	simm.s32 @!p0 $0x1880;
	[sflag:s0] =	ssyncadd.s32 @p0 $0xFFFFE8E0;
	s0 =	simm.s32 @!p0 $0x0  }
0x547: {  	[tilespmem:s2], [sflag:$0x3] =	stream.linear.gather @!p0 [hbm4b:s9+s0], $0x1880, $0x38;
	[tilespmem:$0x134A0] =	vst v63  }
0x548: {  	s0 =	simm.s32 @!p0 $0x3  }
0x549: {  	_ =	swait.ge @!p0 [sflag:s0], $0x1880  }
0x54a: {  	[sflag:s0] =	ssyncset.done @!p0 $0x0  }
0x54b: {  	s31 =	smov.u32 s22;
	s22 =	simm.s32 $0x18C0;
	[sflag:s0] =	ssyncadd.s32 @!p0 $0xFFFFE780  }
0x54c: {  	s23 =	sadd.s32 $0x0, s11;
	v9 =	vld [tilespmem:s22+$0xFFFFFFD0]  }
0x54d: {  	s4 =	sadd.s32 $0x20, s23;
	v10 =	vld [tilespmem:s22+$0x30]  }
0x54e: {  	v13 =	vmov s4;
	v11 =	vld [tilespmem:s22+$0xFFFFFFC0]  }
0x54f: {  	s3 =	sadd.s32 $0x10, s23;
	s5 =	sadd.s32 $0x40, s23;
	vm1 =	vlt.u32 v13, $0x186A0;
	v13 =	vld [tilespmem:s22+$0x0]  }
0x550: {  	v12 =	vmov s3;
	v14 =	vmov s5;
	v17 =	vld [tilespmem:s22+$0xFFFFFFE0]  }
0x551: {  	s28 =	sadd.s32 $0x30, s23;
	vm4 =	vlt.u32 v12, $0x186A0;
	v6 =	vbroadcast v5, $0xF;
	v5 =	vmov s23;
	v12 =	vld [tilespmem:s22+$0xFFFFFFF0]  }
0x552: {  	v18 =	vmov s28;
	vm2 =	vlt.u32 v5, $0x186A0;
	v5 =	vor.u32 $0x80000000, v2  }
0x553: {  	v15 =	vor.u32 s23, v5;
	v16 =	vor.u32 s3, v5;
	vm3 =	veq.f32 v9, v6  }
0x554: {  	vm0 =	veq.f32 v10, v6;
	vm5 =	veq.f32 v11, v6;
	vm7 =	vgt.f32 v11, v6  }
0x555: {  	vm8 =	veq.f32 v13, v6;
	vm12 =	vgt.f32 v9, v6;
	vm13 =	vgt.f32 v17, v6  }
0x556: {  	vm14 =	vgt.f32 v12, v6;
	vm6 =	vmand vm4, vm3;
	vm3 =	vgt.f32 v10, v6  }
0x557: {  	s25 =	sadd.s32 $0x70, s23;
	vm5 =	vmand vm2, vm5;
	v10 =	vor.u32 s4, v5;
	vm2 =	vmand vm2, vm7  }
0x558: {  	vm7 =	veq.f32 v12, v6;
	v12 =	vor.u32 s25, v5;
	v11 =	vnsel vm5, $0xC0000000, v15  }
0x559: {  	v15 =	vmov s25;
	v19 =	vsel vm2, $0x1, v3;
	v20 =	vsel vm5, $0x1, v3  }
0x55a: {  	s6 =	sadd.s32 $0x50, s23;
	vm2 =	vmand vm4, vm12;
	vm4 =	veq.f32 v17, v6;
	v9 =	vnsel vm6, $0xC0000000, v16  }
0x55b: {  	v17 =	vsel vm6, $0x1, v3;
	vm5 =	vlt.u32 v14, $0x186A0;
	v14 =	vmov s6  }
0x55c: {  	v16 =	vld [tilespmem:s22+$0x20];
	vm9 =	vmand vm1, vm4;
	vm1 =	vmand vm1, vm13;
	(xrf0) =	vmin.scan.msk.u32 $0xffff, v11;
	vm4 =	vlt.u32 v18, $0x186A0  }
0x55d: {  	v21 =	vsel vm2, $0x1, v3;
	v11 =	vsel vm1, $0x1, v3;
	vm15 =	vmand vm4, vm7;
	(xrf0) =	vadd.scan.msk.s32 $0xffff, v19  }
0x55e: {  	vm1 =	vmand vm4, vm14;
	vm4 =	vgt.f32 v13, v6;
	v13 =	vld [tilespmem:s22+$0x10];
	vm7 =	vmand vm5, vm8;
	(xrf0) =	vadd.scan.msk.s32 $0xffff, v20  }
0x55f: {  	v10 =	vnsel vm9, $0xC0000000, v10;
	v48 =	vsel vm9, $0x1, v3;
	vm4 =	vmand vm5, vm4;
	(xrf0) =	vadd.scan.msk.s32 $0xffff, v21  }
0x560: {  	vm5 =	vlt.u32 v14, $0x186A0;
	v14 =	vor.u32 s5, v5;
	v53 =	vsel vm1, $0x1, v3;
	(xrf0) =	vadd.scan.msk.s32 $0xffff, v17  }
0x561: {  	s5 =	simm.s32 $0x1940;
	vm6 =	vgt.f32 v16, v6;
	v17 =	vor.u32 s28, v5;
	(xrf0) =	vadd.scan.msk.s32 $0xffff, v11;
	v11 =	vnsel vm7, $0xC0000000, v14  }
0x562: {  	v52 =	vld [tilespmem:s5+$0x30];
	v14 =	vsel vm7, $0x1, v3;
	vm7 =	vlt.u32 v15, $0x186A0;
	v17 =	vnsel vm15, $0xC0000000, v17  }
0x563: {  	vm3 =	vmand vm7, vm3;
	vm0 =	vmand vm7, vm0;
	vm7 =	veq.f32 v13, v6  }
0x564: {  	s0 =	sadd.s32 $0x60, s23;
	v15, _, _ =	vpop (xrf0);
	(xrf0) =	vmin.scan.msk.u32 $0xffff, v9;
	v49 =	vsel vm3, $0x1, v3;
	vm3 =	veq.f32 v16, v6;
	v16 =	vor.u32 s6, v5  }
0x565: {  	v9, _, _ =	vpop (xrf0);
	(xrf0) =	vmin.scan.msk.u32 $0xffff, v17;
	vm7 =	vmand vm5, vm7;
	v17 =	vmov s0;
	v51 =	vsel vm0, $0x1, v3  }
0x566: {  	v20, _, _ =	vpop (xrf0);
	(v2sf) =	vpush v9, $0xF;
	(xrf0) =	vmin.scan.msk.u32 $0xffff, v10;
	v10 =	vnsel vm7, $0xC0000000, v16;
	v16 =	vsel vm7, $0x1, v3  }
0x567: {  	vm7 =	vlt.u32 v17, $0x186A0;
	vm8 =	vgt.f32 v52, v6;
	v9, _, _ =	vpop (xrf0);
	(v2sf) =	vpush v15, $0xF  }
0x568: {  	vm3 =	vmand vm7, vm3;
	vm6 =	vmand vm7, vm6;
	vm7 =	vgt.f32 v13, v6;
	v15, _, _ =	vpop (xrf0);
	(xrf0) =	vmin.scan.msk.u32 $0xffff, v11  }
0x569: {  	v11 =	vor.u32 s0, v5;
	(v2sf) =	vpush v9, $0xF;
	v17 =	vsel vm3, $0x1, v3;
	v9, _, _ =	vpop (xrf0);
	(xrf0) =	vadd.scan.msk.s32 $0xffff, v48  }
0x56a: {  	s0 =	sadd.s32 $0x80, s11;
	v11 =	vnsel vm3, $0xC0000000, v11;
	v13, _, _ =	vpop (xrf0);
	(v2sf) =	vpush v9, $0xF;
	(xrf0) =	vadd.scan.msk.s32 $0xffff, v49;
	v9 =	vnsel vm0, $0xC0000000, v12  }
0x56b: {  	s8 =	sadd.s32 $0x10, s0;
	s9 =	sadd.s32 $0x20, s0;
	v12 =	vsel vm4, $0x1, v3;
	vm4 =	vmand vm5, vm7;
	(v2sf) =	vpush v13, $0xF;
	(xrf0) =	vmin.scan.msk.u32 $0xffff, v10  }
0x56c: {  	v22 =	vmov s8;
	v23 =	vmov s9;
	v10, _, _ =	vpop (xrf0);
	(v2sf) =	vpush v15, $0xF;
	(xrf0) =	vmin.scan.msk.u32 $0xffff, v9  }
0x56d: {  	v56 =	vld [tilespmem:s5+$0x0];
	v55 =	vor.u32 s8, v5;
	v13, _, _ =	vpop (xrf0);
	(v2sf) =	vpush v10, $0xF;
	v10 =	vsel vm4, $0x1, v3;
	(xrf0) =	vadd.scan.msk.s32 $0xffff, v12  }
0x56e: {  	s14 =	sadd.s32 $0x30, s0;
	vm7 =	veq.f32 v52, v6;
	v12 =	vld [tilespmem:s5+$0xFFFFFFD0];
	(v2sf) =	vpush v20, $0xF;
	v50, _, _ =	vpop (xrf0);
	(xrf0) =	vadd.scan.msk.s32 $0xffff, v10;
	v10 =	vmov s0  }
0x56f: {  	v58 =	vor.u32 s9, v5;
	v24 =	vmov s14;
	(v2sf) =	vpush v13, $0xF;
	v13, _, _ =	vpop (xrf0);
	(xrf0) =	vadd.scan.msk.s32 $0xffff, v14;
	v14 =	vld [tilespmem:s5+$0xFFFFFFC0]  }
0x570: {  	vm13 =	vlt.u32 v22, $0x186A0;
	vm14 =	vlt.u32 v23, $0x186A0;
	(v2sf) =	vpush v13, $0xF;
	v13, _, _ =	vpop (xrf0);
	(xrf0) =	vmin.scan.msk.u32 $0xffff, v11  }
0x571: {  	v9 =	vsel vm6, $0x1, v3;
	vm12 =	vlt.u32 v10, $0x186A0;
	(v2sf) =	vpush v50, $0xF;
	v10, _, _ =	vpop (xrf0);
	(xrf0) =	vadd.scan.msk.s32 $0xffff, v51  }
0x572: {  	s13 =	smov.u32 s10;
	v54 =	vld [tilespmem:s5+$0xFFFFFFF0];
	s10 =	sadd.s32 $0x40, s0;
	v15 =	vsel vm15, $0x1, v3;
	vm15 =	veq.f32 v56, v6;
	(v2sf) =	vpush v10, $0xF;
	v10, _, _ =	vpop (xrf0);
	(xrf0) =	vadd.scan.msk.s32 $0xffff, v53  }
0x573: {  	v11 =	vmov s10;
	vm3 =	veq.f32 v12, v6;
	(v2sf) =	vpush v10, $0xF;
	v10, _, _ =	vpop (xrf0);
	(xrf0) =	vadd.scan.msk.s32 $0xffff, v16  }
0x574: {  	v16 =	vor.u32 s0, v5;
	vm4 =	vmand vm13, vm3;
	v57, _, _ =	vpop (xrf0);
	(xrf0) =	vadd.scan.msk.s32 $0xffff, v17;
	vm5 =	veq.f32 v14, v6  }
0x575: {  	v17 =	vld [tilespmem:s5+$0xFFFFFFE0];
	vm3 =	vgt.f32 v14, v6;
	(v2sf) =	vpush v13, $0xF;
	v19 =	vnsel vm4, $0xC0000000, v55;
	(xrf0) =	vadd.scan.msk.s32 $0xffff, v15;
	v15, _, _ =	vpop (xrf0)  }
0x576: {  	v29 =	vsel vm4, $0x1, v3;
	vm5 =	vmand vm12, vm5;
	vm2 =	vmand vm12, vm3;
	v14, _, _ =	vpop (xrf0)  }
0x577: {  	s6 =	sadd.s32 $0x70, s0;
	vm3 =	veq.f32 v54, v6;
	vm12 =	vlt.u32 v11, $0x186A0;
	v13 =	vnsel vm5, $0xC0000000, v16;
	v59, _, _ =	vpop (xrf0)  }
0x578: {  	s7 =	spop (v2sf);
	v16 =	vmov s6;
	v27 =	vsel vm5, $0x1, v3;
	vm5 =	vgt.f32 v12, v6;
	v25, _, _ =	vpop (xrf0)  }
0x579: {  	v26 =	vsel vm2, $0x1, v3;
	s16 =	spop (v2sf);
	vm5 =	vmand vm13, vm5;
	(v2sf) =	vpush v14, $0xF;
	v11, _, _ =	vpop (xrf0)  }
0x57a: {  	s25 =	sadd.s32 $0x50, s0;
	s12 =	spop (v2sf);
	vm13 =	vgt.f32 v54, v6;
	v12 =	vsel vm5, $0x1, v3;
	vm5 =	veq.f32 v17, v6;
	v28, _, _ =	vpop (xrf0)  }
0x57b: {  	s1 =	smov.u32 s29;
	s29 =	smov.u32 s17;
	s17 =	spop (v2sf);
	vm6 =	vgt.f32 v17, v6;
	(xrf0) =	vmin.scan.msk.u32 $0xffff, v13;
	v13 =	vor.u32 s25, v5;
	vm4 =	vmand vm14, vm5;
	v14, _, _ =	vpop (xrf0)  }
0x57c: {  	v60 =	vld [tilespmem:s5+$0x10];
	s15 =	spop (v2sf);
	vm0 =	vmand vm14, vm6;
	vm6 =	vlt.u32 v24, $0x186A0;
	(v2sf) =	vpush v14, $0xF  }
0x57d: {  	s3 =	sxor.u32 $0x80000000, s16;
	vm14 =	vgt.f32 v56, v6;
	(xrf0) =	vadd.scan.msk.s32 $0xffff, v26;
	s8 =	spop (v2sf);
	vm5 =	vmand vm6, vm3;
	(v2sf) =	vpush v10, $0xF  }
0x57e: {  	s18 =	simm.s32 $0x40000000;
	p3 =	sgt.s32 s3, $0x40000000;
	vm6 =	vmand vm6, vm13;
	vm3 =	vmand vm12, vm15;
	s28 =	spop (v2sf);
	(v2sf) =	vpush v25, $0xF  }
0x57f: {  	s3 =	smov.u32 @p3 s18;
	s18 =	sxor.u32 $0x80000000, s15;
	(xrf0) =	vadd.scan.msk.s32 $0xffff, v27;
	vm15 =	vmand vm12, vm14;
	v61 =	vsel vm4, $0x1, v3;
	s22 =	spop (v2sf);
	(v2sf) =	vpush v57, $0xF  }
0x580: {  	v14 =	vsel vm0, $0x1, v3;
	p3 =	slt.s32 s3, s18;
	(xrf0) =	vadd.scan.msk.s32 $0xffff, v12;
	v12 =	vnsel vm4, $0xC0000000, v58;
	v63 =	vsel vm15, $0x1, v3;
	s23 =	spop (v2sf)  }
0x581: {  	vm15 =	vgt.f32 v60, v6;
	v10 =	vmov s25;
	s18 =	smov.u32 @p3 s3;
	(xrf0) =	vadd.scan.msk.s32 $0xffff, v9;
	s3 =	sxor.u32 $0x80000000, s23;
	(v2sf) =	vpush v11, $0xF  }
0x582: {  	v17 =	vld [tilespmem:s5+$0x20];
	vm13 =	vlt.u32 v10, $0x186A0;
	(xrf0) =	vadd.scan.msk.s32 $0xffff, v29;
	v10 =	vor.u32 s10, v5;
	s4 =	spop (v2sf);
	p3 =	slt.s32 s18, s3;
	v11, _, _ =	vpop (xrf0);
	(v2sf) =	vpush v15, $0xF  }
0x583: {  	v9 =	vor.u32 s14, v5;
	s9 =	sxor.u32 $0x80000000, s28;
	s25 =	spop (v2sf);
	(xrf0) =	vadd.scan.msk.s32 $0xffff, v14;
	v14 =	vnsel vm3, $0xC0000000, v10;
	s3 =	smov.u32 @p3 s18;
	v15, _, _ =	vpop (xrf0);
	(v2sf) =	vpush v28, $0xF  }
0x584: {  	s7 =	sadd.s32 $0x0, s7;
	s5 =	sadd.s32 $0x60, s0;
	v10 =	vsel vm3, $0x1, v3;
	vm3 =	vlt.u32 v16, $0x186A0;
	(xrf0) =	vmin.scan.msk.u32 $0xffff, v19;
	p3 =	slt.s32 s3, s9;
	(v2sf) =	vpush v15, $0xF  }
0x585: {  	v9 =	vnsel vm5, $0xC0000000, v9;
	vm4 =	vmand vm3, vm8;
	s28 =	spop (v2sf);
	v16, _, _ =	vpop (xrf0);
	s9 =	smov.u32 @p3 s3;
	s3 =	sxor.u32 $0x80000000, s25;
	v15 =	vmov s5  }
0x586: {  	s7 =	sadd.s32 s12, s7;
	vm7 =	vmand vm3, vm7;
	vm3 =	veq.f32 v60, v6;
	s10 =	spop (v2sf);
	v62, _, _ =	vpop (xrf0);
	(xrf0) =	vmin.scan.msk.u32 $0xffff, v9;
	p3 =	slt.s32 s9, s3;
	(v2sf) =	vpush v59, $0xF  }
0x587: {  	vm12 =	veq.f32 v17, v6;
	s0 =	sxor.u32 $0x80000000, s28;
	vm3 =	vmand vm13, vm3;
	s3 =	smov.u32 @p3 s9;
	s9 =	spop (v2sf);
	(v2sf) =	vpush v11, $0xF;
	v11, _, _ =	vpop (xrf0)  }
0x588: {  	s17 =	sadd.s32 s17, s7;
	v9 =	vsel vm4, $0x1, v3;
	vm4 =	vlt.u32 v15, $0x186A0;
	p3 =	slt.s32 s3, s0;
	v15, _, _ =	vpop (xrf0);
	(xrf0) =	vmin.scan.msk.u32 $0xffff, v12;
	s14 =	spop (v2sf);
	(v2sf) =	vpush v11, $0xF  }
0x589: {  	s16 =	sadd.s32 $0x0, s22;
	vm1 =	vmand vm13, vm15;
	v12 =	vnsel vm3, $0xC0000000, v13;
	s0 =	smov.u32 @p3 s3;
	(v2sf) =	vpush v62, $0xF;
	v13, _, _ =	vpop (xrf0);
	(xrf0) =	vmin.scan.msk.u32 $0xffff, v14;
	s3 =	sxor.u32 $0x80000000, s14  }
0x58a: {  	s22 =	sadd.s32 s8, s16;
	s8 =	simm.s32 $0x19C0;
	v11 =	vsel vm3, $0x1, v3;
	vm3 =	vgt.f32 v17, v6;
	v17, _, _ =	vpop (xrf0);
	(v2sf) =	vpush v13, $0xF;
	(xrf0) =	vadd.scan.msk.s32 $0xffff, v61;
	p3 =	slt.s32 s0, s3  }
0x58b: {  	vm10 =	vmand vm4, vm12;
	v14 =	vor.u32 s6, v5;
	(v2sf) =	vpush v17, $0xF;
	(xrf0) =	vadd.scan.msk.s32 $0xffff, v9;
	s3 =	smov.u32 @p3 s0;
	s0 =	sxor.u32 $0x80000000, s10;
	s23 =	spop (v2sf)  }
0x58c: {  	s4 =	sadd.s32 s4, s22;
	vm14 =	vmand vm4, vm3;
	v9 =	vnsel vm7, $0xC0000000, v14;
	v13, _, _ =	vpop (xrf0);
	(xrf0) =	vmin.scan.msk.u32 $0xffff, v12;
	p3 =	slt.s32 s3, s0;
	(v2sf) =	vpush v15, $0xF;
	s6 =	spop (v2sf)  }
0x58d: {  	s25 =	simm.s32 $0x100;
	v12 =	vor.u32 s5, v5;
	v15 =	vsel vm1, $0x1, v3;
	(xrf0) =	vmin.scan.msk.u32 $0xffff, v9;
	s0 =	smov.u32 @p3 s3;
	(v2sf) =	vpush v13, $0xF;
	s28 =	spop (v2sf)  }
0x58e: {  	v9 =	vsel vm14, $0x1, v3;
	s4 =	sadd.s32 s23, s4;
	v13 =	vnsel vm10, $0xC0000000, v12;
	v14, _, _ =	vpop (xrf0);
	(xrf0) =	vadd.scan.msk.s32 $0xffff, v63;
	(v2sf) =	vpush v16, $0xF;
	s15 =	sadd.s32 s28, s17;
	s12 =	spop (v2sf)  }
.LBB2_42:
0x58f: {  	s2 =	smov.u32 s25  }
0x590: {  	s3 =	sadd.s32 s25, s11;
	v12 =	vld [tilespmem:s8+$0xFFFFFFD0];
	v16 =	vsel vm5, $0x1, v3;
	v17 =	vsel vm10, $0x1, v3;
	v18 =	vsel vm7, $0x1, v3;
	v19, _, _ =	vpop (xrf0);
	(xrf0) =	vadd.scan.msk.s32 $0xffff, v15;
	s28 =	spop (v2sf);
	s2 =	sadd.s32 $0x80, s25  }
0x591: {  	v21 =	vsel vm6, $0x1, v3;
	v15 =	vmov s3;
	s22 =	sadd.s32 $0x10, s3;
	s23 =	sadd.s32 $0x20, s3;
	v20 =	vld [tilespmem:s8+$0x30];
	(v2sf) =	vpush v14, $0xF;
	v14, _, _ =	vpop (xrf0);
	(xrf0) =	vadd.scan.msk.s32 $0xffff, v10;
	s10 =	spop (v2sf)  }
0x592: {  	s5 =	sadd.s32 $0x40, s3;
	s18 =	sadd.s32 $0x50, s3;
	v10 =	vmov s22;
	v23 =	vmov s23;
	v22 =	vld [tilespmem:s8+$0xFFFFFFC0];
	(v2sf) =	vpush v14, $0xF;
	(xrf0) =	vmin.scan.msk.u32 $0xffff, v13;
	v14, _, _ =	vpop (xrf0);
	s14 =	spop (v2sf)  }
0x593: {  	p3 =	sne.s32 s25, $0x1800;
	s7 =	sadd.s32 $0x60, s3;
	vm1 =	vlt.u32 v15, $0x186A0;
	v15 =	vmov s5;
	v24 =	vld [tilespmem:s8+$0x20];
	s25 =	spop (v2sf);
	(v2sf) =	vpush v19, $0xF;
	v13, _, _ =	vpop (xrf0);
	(xrf0) =	vadd.scan.msk.s32 $0xffff, v18  }
0x594: {  	vm10 =	vlt.u32 v10, $0x186A0;
	vm6 =	vlt.u32 v23, $0x186A0;
	v10 =	vld [tilespmem:s8+$0xFFFFFFF0];
	(xrf0) =	vadd.scan.msk.s32 $0xffff, v21;
	(v2sf) =	vpush v13, $0xF;
	v13, _, _ =	vpop (xrf0)  }
0x595: {  	s16 =	sadd.s32 $0x70, s3;
	vm0 =	veq.f32 v12, v6;
	v18 =	vld [tilespmem:s8+$0x0];
	v19, _, _ =	vpop (xrf0);
	(xrf0) =	vadd.scan.msk.s32 $0xffff, v11;
	(v2sf) =	vpush v13, $0xF;
	s17 =	spop (v2sf)  }
0x596: {  	s15 =	sadd.s32 s6, s15;
	v21 =	vor.u32 s22, v5;
	v11 =	vor.u32 s3, v5;
	vm7 =	veq.f32 v20, v6;
	s22 =	spop (v2sf);
	v23, _, _ =	vpop (xrf0);
	(xrf0) =	vadd.scan.msk.s32 $0xffff, v17  }
0x597: {  	s6 =	sadd.s32 $0x30, s3;
	s4 =	sadd.s32 s10, s4;
	vm12 =	vmand vm10, vm0;
	vm8 =	vgt.f32 v20, v6;
	vm2 =	veq.f32 v22, v6;
	v17 =	vld [tilespmem:s8+$0xFFFFFFE0];
	s3 =	sxor.u32 $0x80000000, s22;
	(xrf0) =	vadd.scan.msk.s32 $0xffff, v16;
	v16, _, _ =	vpop (xrf0)  }
0x598: {  	s10 =	sadd.s32 s12, s15;
	s4 =	sadd.s32 s28, s4;
	v13 =	vor.u32 s23, v5;
	vm0 =	vmand vm1, vm2;
	v20, _, _ =	vpop (xrf0);
	(v2sf) =	vpush v14, $0xF;
	s12 =	spop (v2sf)  }
0x599: {  	s4 =	sadd.s32 s14, s4;
	v14 =	vmov s16;
	v28 =	vnsel vm0, $0xC0000000, v11;
	vm4 =	veq.f32 v10, v6;
	s15 =	spop (v2sf);
	v26, _, _ =	vpop (xrf0);
	s10 =	sadd.s32 s12, s10  }
0x59a: {  	v27 =	vmov s6;
	s4 =	sadd.s32 s17, s4;
	v11 =	vor.u32 s16, v5;
	vm13 =	veq.f32 v18, v6;
	(xrf0) =	vmin.scan.msk.u32 $0xffff, v28;
	s12 =	spop (v2sf);
	v25, _, _ =	vpop (xrf0);
	s9 =	sadd.s32 s9, s10  }
0x59b: {  	vm15 =	vlt.u32 v15, $0x186A0;
	vm2 =	vgt.f32 v22, v6;
	vm9 =	vgt.f32 v24, v6;
	p4 =	slt.s32 s0, s3;
	s10 =	spop (v2sf);
	v15, _, _ =	vpop (xrf0)  }
0x59c: {  	vm14 =	veq.f32 v24, v6;
	vm1 =	vmand vm1, vm2;
	s3 =	smov.u32 @p4 s0;
	vm2 =	veq.f32 v17, v6;
	v22 =	vld [tilespmem:s8+$0x10];
	s0 =	spop (v2sf);
	v24, _, _ =	vpop (xrf0)  }
0x59d: {  	v29 =	vsel vm0, $0x1, v3;
	v28 =	vsel vm1, $0x1, v3;
	s9 =	sadd.s32 s9, s25;
	s10 =	sxor.u32 $0x80000000, s10;
	s14 =	spop (v2sf);
	v30, _, _ =	vpop (xrf0);
	(v2sf) =	vpush v20, $0xF  }
0x59e: {  	vm3 =	vgt.f32 v18, v6;
	v18 =	vor.u32 s7, v5;
	s9 =	sadd.s32 s15, s9;
	p4 =	slt.s32 s3, s10;
	s15 =	spop (v2sf);
	(v2sf) =	vpush v30, $0xF  }
0x59f: {  	vm0 =	vlt.u32 v27, $0x186A0;
	vm2 =	vmand vm6, vm2;
	v20 =	vor.u32 s18, v5;
	s12 =	sadd.s32 s12, s9;
	s10 =	smov.u32 @p4 s3;
	(xrf0) =	vadd.scan.msk.s32 $0xffff, v28  }
0x5a0: {  	v21 =	vnsel vm12, $0xC0000000, v21;
	v27 =	vmov s18;
	vm5 =	vmand vm0, vm4;
	v28, _, _ =	vpop (xrf0);
	(xrf0) =	vadd.scan.msk.s32 $0xffff, v29;
	s3 =	spop (v2sf)  }
0x5a1: {  	vm1 =	vgt.f32 v12, v6;
	vm11 =	vlt.u32 v27, $0x186A0;
	s9 =	sxor.u32 $0x80000000, s3;
	s3 =	spop (v2sf);
	(v2sf) =	vpush v19, $0xF  }
0x5a2: {  	vm1 =	vmand vm10, vm1;
	s4 =	sadd.s32 s4, s15;
	vm4 =	veq.f32 v22, v6;
	p4 =	slt.s32 s10, s9;
	(v2sf) =	vpush v25, $0xF;
	s15 =	spop (v2sf)  }
0x5a3: {  	v12 =	vsel vm1, $0x1, v3;
	v19 =	vor.u32 s6, v5;
	s6 =	sxor.u32 $0x80000000, s14;
	s9 =	smov.u32 @p4 s10;
	s10 =	spop (v2sf);
	(v2sf) =	vpush v23, $0xF  }
0x5a4: {  	vm10 =	vgt.f32 v17, v6;
	s4 =	sadd.s32 s0, s4;
	vm1 =	vgt.f32 v22, v6;
	(xrf0) =	vadd.scan.msk.s32 $0xffff, v12;
	p4 =	slt.s32 s9, s6;
	(v2sf) =	vpush v15, $0xF;
	s0 =	spop (v2sf)  }
0x5a5: {  	vm6 =	vmand vm6, vm10;
	s3 =	sadd.s32 s3, s4;
	s4 =	sxor.u32 $0x80000000, s15;
	v12 =	vsel vm12, $0x1, v3;
	v15, _, _ =	vpop (xrf0);
	s6 =	smov.u32 @p4 s9;
	(v2sf) =	vpush v16, $0xF;
	(xrf0) =	vadd.scan.msk.s32 $0xffff, v9  }
0x5a6: {  	v9 =	vsel vm6, $0x1, v3;
	v16 =	vmov s7;
	s7 =	sxor.u32 $0x80000000, s10;
	v17, _, _ =	vpop (xrf0);
	(xrf0) =	vadd.scan.msk.s32 $0xffff, v12;
	p4 =	slt.s32 s6, s4;
	(v2sf) =	vpush v24, $0xF  }
0x5a7: {  	vm12 =	vmand vm15, vm13;
	vm6 =	vgt.f32 v10, v6;
	(v2sf) =	vpush v15, $0xF;
	(xrf0) =	vadd.scan.msk.s32 $0xffff, v9;
	s4 =	smov.u32 @p4 s6;
	s9 =	spop (v2sf)  }
0x5a8: {  	vm6 =	vmand vm0, vm6;
	vm0 =	vmand vm15, vm3;
	vm3 =	vlt.u32 v16, $0x186A0;
	(xrf0) =	vmin.scan.msk.u32 $0xffff, v21;
	p4 =	slt.s32 s4, s7  }
0x5a9: {  	v10 =	vor.u32 s5, v5;
	v9 =	vnsel vm5, $0xC0000000, v19;
	s7 =	smov.u32 @p4 s4;
	(v2sf) =	vpush v26, $0xF  }
0x5aa: {  	v12 =	vnsel vm2, $0xC0000000, v13;
	vm10 =	vmand vm3, vm14;
	(v2sf) =	vpush v28, $0xF;
	v13, _, _ =	vpop (xrf0);
	(xrf0) =	vmin.scan.msk.u32 $0xffff, v9  }
0x5ab: {  	vm4 =	vmand vm11, vm4;
	vm13 =	vlt.u32 v14, $0x186A0;
	v9 =	vnsel vm12, $0xC0000000, v10;
	v14, _, _ =	vpop (xrf0)  }
0x5ac: {  	v15 =	vsel vm2, $0x1, v3;
	v10 =	vsel vm12, $0x1, v3;
	v16, _, _ =	vpop (xrf0);
	(xrf0) =	vmin.scan.msk.u32 $0xffff, v12;
	s4 =	spop (v2sf);
	(v2sf) =	vpush v14, $0xF  }
0x5ad: {  	vm7 =	vmand vm13, vm7;
	vm2 =	vmand vm13, vm8;
	(v2sf) =	vpush v13, $0xF;
	v12, _, _ =	vpop (xrf0);
	(xrf0) =	vmin.scan.msk.u32 $0xffff, v9;
	s5 =	sxor.u32 $0x80000000, s4;
	s4 =	spop (v2sf)  }
.Ltmp24:
0x5ae: {  	v13 =	vnsel vm10, $0xC0000000, v18;
	v18 =	vsel vm2, $0x1, v3;
	v14, _, _ =	vpop (xrf0);
	(v2sf) =	vpush v12, $0xF;
	(xrf0) =	vadd.scan.msk.s32 $0xffff, v15;
	s4 =	sadd.s32 s4, s3;
	p4 =	slt.s32 s7, s5;
	(pc) =	sbr.rel @p3 .LBB2_42-.Ltmp24, $4  }
0x5af: {  	s0 =	sxor.u32 $0x80000000, s0;
	v12 =	vnsel vm4, $0xC0000000, v20;
	v15 =	vnsel vm7, $0xC0000000, v11;
	(v2sf) =	vpush v14, $0xF;
	(xrf0) =	vadd.scan.msk.s32 $0xffff, v18;
	s5 =	smov.u32 @p4 s7  }
0x5b0: {  	vm2 =	vmand vm3, vm9;
	v11 =	vsel vm4, $0x1, v3;
	(v2sf) =	vpush v16, $0xF;
	v9, _, _ =	vpop (xrf0);
	(xrf0) =	vmin.scan.msk.u32 $0xffff, v12;
	p4 =	slt.s32 s5, s0;
	s6 =	spop (v2sf)  }
0x5b1: {  	s25 =	smov.u32 s2;
	v12 =	vsel vm0, $0x1, v3;
	vm0 =	vmand vm11, vm1;
	(v2sf) =	vpush v9, $0xF;
	(xrf0) =	vmin.scan.msk.u32 $0xffff, v15;
	s0 =	smov.u32 @p4 s5;
	s3 =	spop (v2sf)  }
0x5b2: {  	s8 =	sadd.s32 $0x80, s8;
	v15 =	vsel vm0, $0x1, v3;
	v9 =	vsel vm2, $0x1, v3;
	(v2sf) =	vpush v17, $0xF;
	v14, _, _ =	vpop (xrf0);
	(xrf0) =	vadd.scan.msk.s32 $0xffff, v12;
	s15 =	sadd.s32 s3, s12;
	s12 =	spop (v2sf)  }
0x5b3: {  	v12, _, _ =	vpop (xrf0);
	(xrf0) =	vadd.scan.msk.s32 $0xffff, v15  }
0x5b4: {  	v47, _, _ =	vpop (xrf0);
	(xrf0) =	vadd.scan.msk.s32 $0xffff, v10  }
0x5b5: {  	v48 =	vsel vm7, $0x1, v3;
	(xrf0) =	vmin.scan.msk.u32 $0xffff, v13;
	v49, _, _ =	vpop (xrf0)  }
0x5b6: {  	v16 =	vsel vm6, $0x1, v3;
	v17, _, _ =	vpop (xrf0);
	(xrf0) =	vadd.scan.msk.s32 $0xffff, v48  }
0x5b7: {  	(xrf0) =	vadd.scan.msk.s32 $0xffff, v16;
	v50, _, _ =	vpop (xrf0)  }
0x5b8: {  	v51 =	vsel vm10, $0x1, v3;
	v18, _, _ =	vpop (xrf0);
	(xrf0) =	vadd.scan.msk.s32 $0xffff, v11  }
0x5b9: {  	v52 =	vsel vm5, $0x1, v3;
	(xrf0) =	vadd.scan.msk.s32 $0xffff, v51;
	v53, _, _ =	vpop (xrf0)  }
0x5ba: {  	(v2sf) =	vpush v14, $0xF;
	(xrf0) =	vadd.scan.msk.s32 $0xffff, v52;
	v54, _, _ =	vpop (xrf0)  }
0x5bb: {  	(v2sf) =	vpush v47, $0xF;
	v55, _, _ =	vpop (xrf0)  }
0x5bc: {  	s2 =	spop (v2sf);
	(v2sf) =	vpush v12, $0xF;
	v56, _, _ =	vpop (xrf0)  }
0x5bd: {  	s3 =	spop (v2sf);
	(v2sf) =	vpush v17, $0xF;
	v57, _, _ =	vpop (xrf0)  }
0x5be: {  	s5 =	spop (v2sf);
	(v2sf) =	vpush v50, $0xF;
	v58, _, _ =	vpop (xrf0)  }
0x5bf: {  	s7 =	spop (v2sf);
	(v2sf) =	vpush v49, $0xF;
	v59, _, _ =	vpop (xrf0)  }
0x5c0: {  	s8 =	spop (v2sf);
	(v2sf) =	vpush v55, $0xF;
	v60, _, _ =	vpop (xrf0)  }
0x5c1: {  	s10 =	spop (v2sf);
	(v2sf) =	vpush v60, $0xF  }
0x5c2: {  	s14 =	spop (v2sf);
	(xrf0) =	vadd.scan.msk.s32 $0xffff, v9;
	(v2sf) =	vpush v18, $0xF  }
0x5c3: {  	s16 =	spop (v2sf);
	(v2sf) =	vpush v57, $0xF  }
0x5c4: {  	s17 =	spop (v2sf);
	(v2sf) =	vpush v53, $0xF  }
0x5c5: {  	s18 =	spop (v2sf);
	(v2sf) =	vpush v58, $0xF  }
0x5c6: {  	s22 =	spop (v2sf);
	(v2sf) =	vpush v54, $0xF  }
0x5c7: {  	s6 =	sadd.s32 s6, s15;
	s3 =	sadd.s32 s3, s4;
	s4 =	spop (v2sf);
	(v2sf) =	vpush v59, $0xF  }
0x5c8: {  	s6 =	sadd.s32 s12, s6;
	s2 =	sadd.s32 s2, s3;
	s23 =	spop (v2sf);
	v9, _, _ =	vpop (xrf0);
	(v2sf) =	vpush v56, $0xF  }
0x5c9: {  	s2 =	sadd.s32 s5, s2;
	s10 =	sxor.u32 $0x80000000, s10;
	s25 =	spop (v2sf);
	(v2sf) =	vpush v9, $0xF  }
0x5ca: {  	s2 =	sadd.s32 s8, s2;
	p3 =	slt.s32 s0, s10;
	s28 =	spop (v2sf)  }
0x5cb: {  	s6 =	sadd.s32 s14, s6;
	s10 =	smov.u32 @p3 s0;
	s12 =	spop (v2sf)  }
0x5cc: {  	s6 =	sadd.s32 s9, s6;
	s0 =	sxor.u32 $0x80000000, s18;
	s15 =	spop (v2sf)  }
0x5cd: {  	s6 =	sadd.s32 s6, s7;
	p3 =	slt.s32 s10, s0;
	s7 =	spop (v2sf)  }
0x5ce: {  	s6 =	sadd.s32 s16, s6;
	s0 =	smov.u32 @p3 s10;
	s10 =	spop (v2sf)  }
0x5cf: {  	s6 =	sadd.s32 s17, s6;
	s5 =	sxor.u32 $0x80000000, s25;
	s14 =	spop (v2sf)  }
0x5d0: {  	s2 =	sadd.s32 s2, s23;
	p3 =	slt.s32 s0, s5;
	s3 =	spop (v2sf)  }
0x5d1: {  	s5 =	smov.u32 @p3 s0;
	s0 =	sxor.u32 $0x80000000, s4;
	s16 =	spop (v2sf)  }
0x5d2: {  	s2 =	sadd.s32 s22, s2;
	p3 =	slt.s32 s5, s0;
	s17 =	spop (v2sf)  }
0x5d3: {  	s0 =	smov.u32 @p3 s5;
	s5 =	sxor.u32 $0x80000000, s12;
	s18 =	spop (v2sf)  }
0x5d4: {  	s2 =	sadd.s32 s28, s2;
	p3 =	slt.s32 s0, s5;
	s22 =	spop (v2sf)  }
0x5d5: {  	s12 =	sxor.u32 $0x80000000, s15;
	s5 =	smov.u32 @p3 s0;
	s23 =	spop (v2sf)  }
0x5d6: {  	p3 =	slt.s32 s5, s12;
	s6 =	sadd.s32 s17, s6;
	s25 =	spop (v2sf)  }
0x5d7: {  	s12 =	smov.u32 @p3 s5;
	s4 =	sadd.s32 s16, s6;
	s28 =	spop (v2sf)  }
0x5d8: {  	s2 =	sadd.s32 s3, s2;
	s16 =	sadd.s32 s18, s4;
	s17 =	spop (v2sf)  }
0x5d9: {  	s6 =	sxor.u32 $0x80000000, s14;
	s0 =	sadd.s32 s23, s2;
	s18 =	sadd.s32 s17, s16  }
0x5da: {  	p3 =	slt.s32 s12, s6;
	s0 =	sadd.s32 s22, s0;
	s2 =	sadd.s32 s10, s18  }
0x5db: {  	vm0 =	vcmask $0x300;
	s3 =	sxor.u32 $0x80000000, s7;
	s6 =	smov.u32 @p3 s12;
	s0 =	sadd.s32 s25, s0;
	v61 =	vmov s2  }
0x5dc: {  	vm6 =	vcmask $0x704;
	p3 =	slt.s32 s6, s3;
	s22 =	sadd.s32 s28, s0;
	v9 =	vnsel vm0, $0x0, v61  }
0x5dd: {  	vm14 =	vcmask $0xB08;
	s3 =	smov.u32 @p3 s6;
	v9 =	vsel vm6, s22, v9  }
0x5de: {  	v9 =	vsel vm14, s3, v9  }
0x5df: {  	s23 =	rddreg [dreg:$0xd];
	s25 =	simm.s32 $0xFF00;
	[tilespmem:$0xFF00] =	vst v9  }
0x5e0: {  	[spmem:s23] =	stream.linear.scatter [tilespmem:s25], [sflag:$0x3], $0x10, $0x38;
	[tilespmem:$0x134A0] =	vst v63  }
0x5e1: {  	_ =	swait.ge [sflag:s20], $0x10  }
0x5e2: {  	[sflag:s20] =	ssyncset.done $0x0  }
0x5e3: {  	[sflag:s20] =	ssyncadd.s32 $0xFFFFFFF0  }
0x5e4: {  	s28 =	simm.s32 $0xA600;
	[bflag:$0x0] =	sbarrier.arrive $0xFFFF  }
0x5e5: {  	[tilespmem:s28], [sflag:$0x3] =	stream.linear.gather [spmem:s29], $0x100, $0x38;
	[tilespmem:$0x134A0] =	vst v63  }
0x5e6: {  	_ =	swait.ge [sflag:s20], $0x100  }
0x5e7: {  	[sflag:s20] =	ssyncset.done $0x0  }
0x5e8: {  	v63 =	vld [tilespmem:$0x1FFF0];
	[sflag:s20] =	ssyncadd.s32 $0xFFFFFF00  }
0x5e9: {  	v62 =	vld.idx.msk [tilespmem:v7+s28+$0x0], $0xffff  }
0x5ea: {  	v8 =	vld.idx.msk [tilespmem:v8+s28+$0x0], $0xffff;
	_ =	sdelay $0x3  }
0x5eb: {  	vm15 =	vnez.u8 v63;
	(xrf0) =	vadd.scan.msk.s32 $0xffff, v62  }
0x5ec: {  	(xrf0) =	vadd.scan.msk.s32 $0xffff, v8;
	v8 =	vnsel vm15, $0x0, v8  }
0x5ed: {  	(xrf0) =	vadd.scan.msk.s32 $0xffff, v8;
	_ =	sdelay $0x3  }
0x5ee: {  	v8, _, _ =	vpop (xrf0)  }
0x5ef: {  	(v2sf) =	vpush v8, $0xF;
	v8, _, _ =	vpop (xrf0)  }
0x5f0: {  	(v2sf) =	vpush v8, $0xF;
	v8, _, _ =	vpop (xrf0)  }
0x5f1: {  	(v2sf) =	vpush v8, $0xF;
	_ =	sdelay $0xc  }
0x5f2: {  	s17 =	smov.u32 s29;
	s29 =	spop (v2sf)  }
0x5f3: {  	s9 =	spop (v2sf)  }
0x5f4: {  	v7 =	vor.u32 $0x2, v7;
	s2 =	ssub.s32 s19, s29;
	s0 =	spop (v2sf);
	p3 =	slt.s32 s9, $0x2  }
0x5f5: {  	p4 =	sgt.s32 @!p3 s0, s2  }
0x5f6: {  	s3 =	sadd.s32 s22, s0;
	p4 =	por p3, p4  }
0x5f7: {  	p5 =	por p3, p3;
	p3 =	sge.s32 @!p4 s2, s3  }
0x5f8: {  	p3 =	por p4, p3  }
.Ltmp25:
0x5f9: {  	v7 =	vld.idx.msk [tilespmem:v7+s28+$0x0], $0xffff;
	(pc) =	sbr.rel @p3 .LBB2_44-.Ltmp25, $1  }
0x5fa: {  	_ =	sdelay $0x3  }
0x5fb: {  	s3 =	simm.s32 $0x0  }
0x5fc: {  	v8 =	vld [tilespmem:s3+$0x1880];
	_ =	sdelay $0x3  }
0x5fd: {  	s4 =	simm.s32 $0x10  }
0x5fe: {  	v9 =	vmov s11;
	vm0 =	veq.f32 v8, v6;
	v8 =	vld [tilespmem:s4+$0x1880]  }
0x5ff: {  	vm1 =	vlt.u32 v9, $0x186A0  }
0x600: {  	vm2 =	vmand vm1, vm0  }
0x601: {  	s7 =	sadd.s32 $0x10, s11;
	v9 =	vsel vm2, $0x1, v3  }
0x602: {  	(xrf0) =	vadd.scan.msk.s32 $0xffff, v9;
	v9 =	vmov s7  }
0x603: {  	s5 =	simm.s32 $0x20;
	vm1 =	vlt.u32 v9, $0x186A0;
	vm0 =	veq.f32 v8, v6  }
0x604: {  	v8 =	vld [tilespmem:s5+$0x1880];
	vm0 =	vmand vm1, vm0  }
0x605: {  	v9 =	vsel vm0, $0x1, v3;
	_ =	sdelay $0x1  }
0x606: {  	s5 =	sadd.s32 $0x10, s7  }
0x607: {  	s6 =	simm.s32 $0x30;
	v10 =	vmov s5;
	(xrf0) =	vadd.scan.msk.s32 $0xffff, v9;
	v9, _, _ =	vpop (xrf0)  }
0x608: {  	vm3 =	vlt.u32 v10, $0x186A0;
	vm1 =	veq.f32 v8, v6;
	v8 =	vld [tilespmem:s6+$0x1880];
	(v2sf) =	vpush v9, $0xF  }
0x609: {  	vm1 =	vmand vm3, vm1  }
0x60a: {  	v10 =	vsel vm1, $0x1, v3  }
0x60b: {  	s6 =	sadd.s32 $0x10, s5  }
0x60c: {  	v11 =	vmov s6;
	(xrf0) =	vadd.scan.msk.s32 $0xffff, v10  }
0x60d: {  	vm4 =	vlt.u32 v11, $0x186A0;
	v10, _, _ =	vpop (xrf0);
	vm3 =	veq.f32 v8, v6  }
0x60e: {  	vm5 =	vmmov vm2;
	(v2sf) =	vpush v10, $0xF;
	vm2 =	vmand vm4, vm3  }
0x60f: {  	v12 =	vsel vm2, $0x1, v3  }
0x610: {  	s8 =	simm.s32 $0x40  }
0x611: {  	v11 =	vld [tilespmem:s8+$0x1880]  }
0x612: {  	s2 =	sadd.s32 $0x1, s2;
	v9 =	vadd.s32 s0, v9;
	vm3 =	vmmov vm5;
	(xrf0) =	vadd.scan.msk.s32 $0xffff, v12;
	v12, _, _ =	vpop (xrf0)  }
0x613: {  	v8 =	vmov s2;
	vm3 =	vmmov vm3;
	(v2sf) =	vpush v12, $0xF  }
0x614: {  	s4 =	sadd.s32 $0x10, s6;
	vm4 =	veq.s32 v9, v8;
	vm3 =	vmmov vm3  }
0x615: {  	v13 =	vor.u32 s11, v5;
	v9 =	vmov s4;
	vm3 =	vmand vm3, vm4  }
0x616: {  	s10 =	simm.s32 $0x50;
	vm5 =	vlt.u32 v9, $0x186A0;
	vm4 =	veq.f32 v11, v6;
	v9 =	vnsel vm3, $0xC0000000, v13  }
0x617: {  	vm0 =	vmmov vm0;
	vm3 =	vmand vm5, vm4;
	(xrf0) =	vmin.scan.msk.u32 $0xffff, v9;
	v9 =	vld [tilespmem:s10+$0x1880];
	s12 =	spop (v2sf)  }
0x618: {  	vm0 =	vmmov vm0;
	v11 =	vsel vm3, $0x1, v3;
	s14 =	sadd.s32 s0, s12  }
0x619: {  	vm0 =	vmmov vm0;
	v10 =	vadd.s32 s14, v10  }
0x61a: {  	vm0 =	vmmov vm0;
	vm1 =	vmmov vm1;
	vm4 =	veq.s32 v10, v8  }
0x61b: {  	s15 =	simm.s32 $0x60;
	vm1 =	vmmov vm1;
	(xrf0) =	vadd.scan.msk.s32 $0xffff, v11;
	v11, _, _ =	vpop (xrf0);
	v10 =	vor.u32 s7, v5;
	vm0 =	vmand vm0, vm4  }
0x61c: {  	s2 =	sadd.s32 $0x10, s4;
	(v2sf) =	vpush v11, $0xF;
	vm4 =	veq.f32 v9, v6;
	v9 =	vnsel vm0, $0xC0000000, v10;
	v10 =	vld [tilespmem:s15+$0x1880]  }
0x61d: {  	vm1 =	vmmov vm1;
	vm2 =	vmmov vm2;
	v13 =	vmov s2;
	s16 =	spop (v2sf)  }
0x61e: {  	vm1 =	vmmov vm1;
	v14, _, _ =	vpop (xrf0);
	s0 =	sadd.s32 $0x10, s2;
	vm0 =	vmmov vm2;
	vm2 =	vlt.u32 v13, $0x186A0;
	s3 =	sadd.s32 s14, s16;
	(xrf0) =	vmin.scan.msk.u32 $0xffff, v9  }
0x61f: {  	vm2 =	vmand vm2, vm4;
	v9 =	vadd.s32 s3, v12;
	v12 =	vmov s0  }
0x620: {  	vm4 =	veq.s32 v9, v8;
	v9 =	vsel vm2, $0x1, v3;
	vm5 =	vlt.u32 v12, $0x186A0  }
0x621: {  	vm1 =	vmand vm1, vm4;
	(xrf0) =	vadd.scan.msk.s32 $0xffff, v9;
	v9 =	vor.u32 s5, v5;
	vm4 =	veq.f32 v10, v6  }
0x622: {  	(v2sf) =	vpush v14, $0xF;
	v9 =	vnsel vm1, $0xC0000000, v9;
	s19 =	spop (v2sf);
	vm1 =	vmand vm5, vm4  }
0x623: {  	v13, _, _ =	vpop (xrf0);
	(xrf0) =	vmin.scan.msk.u32 $0xffff, v9;
	s3 =	sadd.s32 s3, s19;
	v9 =	vsel vm1, $0x1, v3  }
0x624: {  	(v2sf) =	vpush v13, $0xF;
	vm0 =	vmmov vm0;
	v10, _, _ =	vpop (xrf0);
	(xrf0) =	vadd.scan.msk.s32 $0xffff, v9;
	v9 =	vadd.s32 s3, v11  }
0x625: {  	vm0 =	vmmov vm0;
	s5 =	sadd.s32 $0x10, s0;
	vm4 =	veq.s32 v9, v8  }
0x626: {  	v11 =	vor.u32 s6, v5;
	v9 =	vmov s5;
	vm0 =	vmand vm0, vm4  }
0x627: {  	s18 =	simm.s32 $0x70;
	vm5 =	vlt.u32 v9, $0x186A0;
	v9 =	vnsel vm0, $0xC0000000, v11  }
0x628: {  	v12 =	vld [tilespmem:s18+$0x1880]  }
0x629: {  	vm3 =	vmmov vm3;
	(v2sf) =	vpush v10, $0xF;
	v10, _, _ =	vpop (xrf0)  }
0x62a: {  	vm3 =	vmmov vm3;
	(v2sf) =	vpush v10, $0xF;
	(xrf0) =	vmin.scan.msk.u32 $0xffff, v9;
	v9, _, _ =	vpop (xrf0)  }
0x62b: {  	vm3 =	vmmov vm3;
	s23 =	spop (v2sf);
	(v2sf) =	vpush v9, $0xF;
	v9, _, _ =	vpop (xrf0)  }
0x62c: {  	s22 =	simm.s32 $0x80;
	vm3 =	vmmov vm3;
	v14 =	vor.u32 s4, v5;
	s8 =	sadd.s32 s3, s23;
	(v2sf) =	vpush v9, $0xF  }
0x62d: {  	vm4 =	veq.f32 v12, v6;
	vm0 =	vmmov vm1;
	v11 =	vld [tilespmem:s22+$0x1880];
	v13 =	vadd.s32 s8, v13  }
0x62e: {  	vm1 =	vmand vm5, vm4;
	vm5 =	vmmov vm0;
	vm0 =	veq.s32 v13, v8  }
0x62f: {  	s28 =	simm.s32 $0x90;
	s29 =	smov.u32 s1;
	s4 =	simm.s32 $0x40000000;
	vm2 =	vmmov vm2;
	v12 =	vsel vm1, $0x1, v3;
	vm0 =	vmand vm3, vm0  }
0x630: {  	s15 =	simm.s32 $0x280;
	s16 =	rddreg [dreg:$0x3];
	vm2 =	vmmov vm2;
	s12 =	sadd.s32 $0x10, s5;
	(xrf0) =	vadd.scan.msk.s32 $0xffff, v12;
	v12 =	vnsel vm0, $0xC0000000, v14  }
0x631: {  	s14 =	smov.u32 s26;
	s18 =	rddreg [dreg:$0x10];
	vm2 =	vmmov vm2;
	v13 =	vmov s12;
	s25 =	spop (v2sf)  }
0x632: {  	s7 =	smov.u32 s12;
	s23 =	rddreg [dreg:$0xb];
	vm4 =	vmmov vm1;
	vm3 =	vlt.u32 v13, $0x186A0;
	s6 =	sxor.u32 $0x80000000, s25;
	vm1 =	veq.f32 v11, v6  }
0x633: {  	vm2 =	vmmov vm2;
	s22 =	smov.u32 s31;
	p3 =	sgt.s32 s6, $0x40000000;
	v11 =	vld [tilespmem:s28+$0x1880];
	(xrf0) =	vmin.scan.msk.u32 $0xffff, v12;
	s3 =	spop (v2sf);
	vm0 =	vmand vm3, vm1;
	vm1 =	vmmov vm5;
	v12, _, _ =	vpop (xrf0)  }
.LBB2_46:
0x634: {  	s10 =	smov.u32 s4  }
0x635: {  	v13 =	vsel vm0, $0x1, v3;
	s8 =	sadd.s32 s8, s3;
	s4 =	smov.u32 s6;
	s3 =	smov.u32 s15  }
0x636: {  	vm3 =	vmmov vm4;
	vm4 =	vmmov vm0;
	p4 =	sne.s32 s15, $0x61C0;
	(v2sf) =	vpush v12, $0xF;
	s4 =	smov.u32 @p3 s10;
	s10 =	sadd.s32 $0x40, s15  }
.Ltmp26:
0x637: {  	v12 =	vadd.s32 s8, v10;
	v10 =	vmov v9;
	(xrf0) =	vadd.scan.msk.s32 $0xffff, v13;
	v9, _, _ =	vpop (xrf0);
	(pc) =	sbr.rel @p4 .LBB2_46-.Ltmp26, $4  }
0x638: {  	s12 =	sadd.s32 $0x10, s12;
	s3 =	sshra.s32 s3, $0x2;
	vm0 =	veq.s32 v12, v8;
	(v2sf) =	vpush v9, $0xF  }
0x639: {  	v14 =	vmov s12;
	v13 =	vor.u32 s2, v5;
	s2 =	smov.u32 s0;
	s0 =	smov.u32 s5;
	vm0 =	vmand vm2, vm0;
	s6 =	spop (v2sf)  }
0x63a: {  	vm5 =	vlt.u32 v14, $0x186A0;
	s5 =	smov.u32 s7;
	s7 =	smov.u32 s12;
	vm2 =	veq.f32 v11, v6;
	v13 =	vnsel vm0, $0xC0000000, v13;
	s6 =	sxor.u32 $0x80000000, s6  }
0x63b: {  	s15 =	smov.u32 s10;
	vm0 =	vmand vm5, vm2;
	vm2 =	vmmov vm1;
	vm1 =	vmmov vm3;
	v11 =	vld [tilespmem:s3+$0x1880];
	(xrf0) =	vmin.scan.msk.u32 $0xffff, v13;
	s3 =	spop (v2sf);
	v12, _, _ =	vpop (xrf0);
	p3 =	slt.s32 s4, s6  }
0x63c: {  	v13 =	vsel vm0, $0x1, v3  }
0x63d: {  	(xrf0) =	vadd.scan.msk.s32 $0xffff, v13;
	_ =	sdelay $0x3  }
0x63e: {  	(v2sf) =	vpush v12, $0xF;
	v54, _, _ =	vpop (xrf0)  }
0x63f: {  	(v2sf) =	vpush v54, $0xF;
	v55, _, _ =	vpop (xrf0)  }
0x640: {  	(v2sf) =	vpush v55, $0xF;
	v56, _, _ =	vpop (xrf0)  }
0x641: {  	(v2sf) =	vpush v56, $0xF;
	_ =	sdelay $0x2  }
0x642: {  	s3 =	sadd.s32 s8, s3;
	s10 =	sadd.s32 $0x10, s12  }
0x643: {  	v10 =	vadd.s32 s3, v10;
	v57 =	vmov s10  }
0x644: {  	vm3 =	veq.s32 v10, v8;
	vm5 =	vlt.u32 v57, $0x186A0  }
0x645: {  	s8 =	spop (v2sf);
	vm2 =	vmand vm2, vm3;
	vm13 =	veq.f32 v11, v6;
	v6 =	vor.u32 s2, v5  }
0x646: {  	s12 =	spop (v2sf);
	v6 =	vnsel vm2, $0xC0000000, v6;
	vm14 =	vmand vm5, vm13  }
0x647: {  	s2 =	sadd.s32 s3, s12;
	(xrf0) =	vmin.scan.msk.u32 $0xffff, v6;
	v6 =	vsel vm14, $0x1, v3  }
0x648: {  	vm15 =	vmmov vm4;
	(xrf0) =	vadd.scan.msk.s32 $0xffff, v6;
	v6 =	vadd.s32 s2, v9  }
0x649: {  	vm9 =	vmmov vm0;
	vm1 =	vmmov vm1;
	vm4 =	veq.s32 v6, v8;
	s15 =	spop (v2sf)  }
0x64a: {  	v59 =	vor.u32 s5, v5;
	v6 =	vor.u32 s0, v5;
	vm1 =	vmand vm1, vm4;
	s19 =	spop (v2sf)  }
0x64b: {  	v62 =	vor.u32 s7, v5;
	vm0 =	vmmov vm9;
	v6 =	vnsel vm1, $0xC0000000, v6;
	s2 =	sadd.s32 s2, s19;
	s25 =	spop (v2sf)  }
0x64c: {  	vm0 =	vmmov vm0;
	vm3 =	vmmov vm15;
	v58 =	vadd.s32 s2, v54;
	s26 =	spop (v2sf)  }
0x64d: {  	vm0 =	vmmov vm0;
	vm10 =	vmmov vm3;
	vm11 =	veq.s32 v58, v8;
	s2 =	sadd.s32 s2, s26;
	s28 =	spop (v2sf)  }
0x64e: {  	vm2 =	vmmov vm14;
	(xrf0) =	vmin.scan.msk.u32 $0xffff, v6;
	v6, _, _ =	vpop (xrf0);
	vm1 =	vmand vm10, vm11;
	v60 =	vadd.s32 s2, v56;
	s1 =	spop (v2sf)  }
0x64f: {  	vm2 =	vmmov vm2;
	v61, _, _ =	vpop (xrf0);
	v9 =	vnsel vm1, $0xC0000000, v59;
	vm13 =	veq.s32 v60, v8;
	s2 =	sadd.s32 s2, s1  }
0x650: {  	vm12 =	vmmov vm2;
	(xrf0) =	vmin.scan.msk.u32 $0xffff, v9;
	vm0 =	vmand vm0, vm13;
	v63 =	vadd.s32 s2, v61  }
0x651: {  	vm14 =	vmmov vm12;
	v9 =	vnsel vm0, $0xC0000000, v62;
	vm15 =	veq.s32 v63, v8  }
0x652: {  	v5 =	vor.u32 s10, v5;
	(xrf0) =	vmin.scan.msk.u32 $0xffff, v9;
	vm0 =	vmand vm14, vm15  }
0x653: {  	(v2sf) =	vpush v6, $0xF;
	v5 =	vnsel vm0, $0xC0000000, v5  }
0x654: {  	(v2sf) =	vpush v61, $0xF;
	v6, _, _ =	vpop (xrf0);
	(xrf0) =	vmin.scan.msk.u32 $0xffff, v5  }
0x655: {  	(v2sf) =	vpush v6, $0xF  }
0x656: {  	v5, _, _ =	vpop (xrf0)  }
0x657: {  	(v2sf) =	vpush v5, $0xF  }
0x658: {  	v5, _, _ =	vpop (xrf0)  }
0x659: {  	(v2sf) =	vpush v5, $0xF  }
0x65a: {  	v5, _, _ =	vpop (xrf0)  }
0x65b: {  	s6 =	smov.u32 @p3 s4;
	s2 =	sxor.u32 $0x80000000, s8;
	(v2sf) =	vpush v5, $0xF  }
0x65c: {  	p3 =	slt.s32 s6, s2  }
0x65d: {  	s3 =	sxor.u32 $0x80000000, s15;
	s2 =	smov.u32 @p3 s6  }
0x65e: {  	p3 =	slt.s32 s2, s3  }
0x65f: {  	s0 =	sxor.u32 $0x80000000, s25;
	s3 =	smov.u32 @p3 s2  }
0x660: {  	p3 =	slt.s32 s3, s0  }
0x661: {  	s2 =	sxor.u32 $0x80000000, s28;
	s0 =	smov.u32 @p3 s3  }
0x662: {  	s15 =	spop (v2sf);
	p3 =	slt.s32 s0, s2  }
0x663: {  	s19 =	spop (v2sf);
	s2 =	smov.u32 @p3 s0;
	s0 =	sxor.u32 $0x80000000, s15  }
0x664: {  	s3 =	spop (v2sf);
	p3 =	slt.s32 s2, s0  }
0x665: {  	s0 =	smov.u32 @p3 s2;
	s2 =	sxor.u32 $0x80000000, s3  }
0x666: {  	p3 =	slt.s32 s0, s2;
	s25 =	spop (v2sf)  }
0x667: {  	s2 =	smov.u32 @p3 s0;
	s0 =	sxor.u32 $0x80000000, s25  }
0x668: {  	s26 =	spop (v2sf);
	p3 =	slt.s32 s2, s0  }
.Ltmp27:
0x669: {  	s0 =	smov.u32 @p3 s2;
	s2 =	sxor.u32 $0x80000000, s26;
	(pc) =	sbr.rel .LBB2_48-.Ltmp27, $4  }
0x66a: {  	s1 =	sld [smem:$0x7FC];
	p3 =	slt.s32 s0, s2;
	s28 =	spop (v2sf)  }
0x66b: {  	s31 =	simm.s32 $0x1;
	s2 =	smov.u32 @p3 s0;
	s0 =	sxor.u32 $0x80000000, s28  }
0x66c: {  	s10 =	smov.u32 s13;
	s13 =	simm.s32 $0x1880;
	p3 =	slt.s32 s2, s0  }
0x66d: {  	p5 =	seq.s32 s1, $0x1;
	s26 =	simm.s32 $0x4980;
	s0 =	smov.u32 @p3 s2  }
.LBB2_50:
0x66e: {  	_ =	sfence.sel $0x180000  }
0x66f: {  	[bflag:$0x0] =	sbarrier.arrive $0xFFFF  }
0x670: {  	_ =	strace $0x90000047  }
0x671: {  	s0 =	stileid.u32;
	[bflag:$0x2] =	sbarrier.arrive $0xFFFF  }
0x672: {  	p0 =	sne.s32 s0, $0x0;
	s0 =	rddreg [dreg:$0x7]  }
0x673: {  	s0 =	sadd.s32 @!p0 $0x100000, s0  }
0x674: {  	[sflag:s0] =	ssyncadd.tile.s32 @!p0 $0x1;
	_ =	shalt  }
.Lfunc_end2:
_tile_overlayer_lowered:
.L_overlay_start_2:
0x675: {  	(tag) =	ssettag $0x2  }
0x676: {  	s0 =	rddreg [dreg:$0x0];
	s2 =	stileid.u32  }
0x677: {  	s1 =	rddreg [dreg:$0x1];
	p0 =	sne.s32 s2, $0x0  }
0x678: {  	s3 =	rddreg [dreg:$0x2];
	[bflag:$0x3] =	sbarrier.arrive $0xFFFF;
	s2 =	simm.s32 @!p0 $0x1C02  }
0x679: {  	[timem:s3], [sflag:s2] =	dma.local @!p0 [hbm:s0], s1  }
0x67a: {  	s0 =	simm.s32 @!p0 $0x2  }
0x67b: {  	_ =	swait.ge @!p0 [sflag:s0], s1  }
0x67c: {  	s1 =	ssub.s32 @!p0 $0x0, s1;
	[sflag:s0] =	ssyncset.done @!p0 $0x0  }
0x67d: {  	[sflag:s0] =	ssyncadd.s32 @!p0 s1  }
0x67e: {  	[bflag:$0x3] =	sbarrier.arrive $0xFFFF  }
0x67f: {  	_ =	shalt  }

</sc_bundles>
